<compile_context>
chip_gen: v7x
topology: tpu7x:2x2x1
jax: 0.10.2.dev20260603
libtpu: 0.0.44.dev20260713+nightly
codegen_flags: <defaults>
</compile_context>

<pallas_src>
import functools

import jax
import jax.numpy as jnp
from jax import lax
from jax.experimental import pallas as pl
from jax.experimental.pallas import tpu as pltpu
from jax.experimental.pallas import tpu_sc as plsc

N = 10000
E = 160000
D = 256
H = 128

NC = 2
NS = 16
CH = 128

CHB = 128
AGG_CHUNKS = 80
E_AGG = NS * AGG_CHUNKS * CHB
DEG_CHUNKS = 40
E_DEG = NC * NS * DEG_CHUNKS * CH

NPAD = N + 16
TILE_BASE = 624
_ZCH = [(0, 128), (128, 128), (256, 128), (384, 128), (512, 128)]


@functools.lru_cache(maxsize=None)
def _sc_mesh():
  return plsc.VectorSubcoreMesh(core_axis_name="c", subcore_axis_name="s",
                                num_cores=NC, num_subcores=NS)


@functools.lru_cache(maxsize=None)
def _deg_call():
  return pl.kernel(
      _deg_kernel,
      out_type=jax.ShapeDtypeStruct((NC, N, H), jnp.float32),
      mesh=_sc_mesh(),
      scratch_types=[
          pltpu.VMEM((DEG_CHUNKS, CH), jnp.int32),
          pltpu.VMEM((CH, H), jnp.float32),
          pltpu.VMEM_SHARED((NPAD, H), jnp.float32),
          pltpu.SemaphoreType.DMA,
      ],
  )


def _deg_kernel(dst_hbm, ones_hbm, zeros_hbm, out_hbm, idx_v, ones_v,
                deg_sh, sem):
  c = lax.axis_index("c")
  s = lax.axis_index("s")
  pltpu.sync_copy(dst_hbm.at[c, s], idx_v)
  pltpu.sync_copy(zeros_hbm, ones_v)
  base = s * TILE_BASE
  for off, n in _ZCH:
    pltpu.sync_copy(ones_v.at[pl.ds(0, n)], deg_sh.at[pl.ds(base + off, n)])
  pltpu.sync_copy(ones_hbm, ones_v)
  plsc.subcore_barrier()

  def body(j, carry):
    pltpu.async_copy(ones_v, deg_sh.at[idx_v.at[j]], sem, add=True)
    return carry

  lax.fori_loop(0, DEG_CHUNKS, body, 0)

  def drain(j, carry):
    pltpu.make_async_copy(ones_v, deg_sh.at[idx_v.at[0]], sem).wait()
    return carry

  lax.fori_loop(0, DEG_CHUNKS, drain, 0)
  plsc.subcore_barrier()
  for off, n in _ZCH:
    pltpu.sync_copy(deg_sh.at[pl.ds(base + off, n)],
                    out_hbm.at[c, pl.ds(base + off, n)])


@functools.lru_cache(maxsize=None)
def _agg_call():
  return pl.kernel(
      _agg_kernel,
      out_type=jax.ShapeDtypeStruct((NC, N, H), jnp.float32),
      mesh=_sc_mesh(),
      scratch_types=[
          pltpu.VMEM((AGG_CHUNKS, CHB), jnp.int32),
          pltpu.VMEM((16, CHB), jnp.int32),
          pltpu.VMEM((CHB, H), jnp.float32),
          pltpu.VMEM((CHB, H), jnp.float32),
          pltpu.VMEM_SHARED((NPAD, H), jnp.float32),
          pltpu.SemaphoreType.DMA,
          pltpu.SemaphoreType.DMA,
          pltpu.SemaphoreType.DMA,
          pltpu.SemaphoreType.DMA,
          pltpu.SemaphoreType.DMA,
      ],
  )


def _agg_kernel(table_hbm, src_hbm, dst_hbm, zeros_hbm, out_hbm, src_v,
                dwin_v, buf0, buf1, agg_sh, semg0, semg1, sems0, sems1,
                semd):
  c = lax.axis_index("c")
  s = lax.axis_index("s")
  bufs = (buf0, buf1)
  semg = (semg0, semg1)
  sems = (sems0, sems1)
  pltpu.sync_copy(src_hbm.at[c, s], src_v)
  pltpu.sync_copy(zeros_hbm, buf0)
  base = s * TILE_BASE
  for k in range(640 // CHB):
    pltpu.sync_copy(buf0, agg_sh.at[pl.ds(base + k * CHB, CHB)])
  pltpu.sync_copy(dst_hbm.at[s, pl.ds(0, 8)], dwin_v.at[pl.ds(0, 8)])
  pltpu.async_copy(table_hbm.at[src_v.at[0, pl.ds(0, 64)]],
                   buf0.at[pl.ds(0, 64)], semg0)
  pltpu.async_copy(table_hbm.at[src_v.at[0, pl.ds(64, 64)]],
                   buf0.at[pl.ds(64, 64)], semg0)
  pltpu.async_copy(table_hbm.at[src_v.at[1, pl.ds(0, 64)]],
                   buf1.at[pl.ds(0, 64)], semg1)
  pltpu.async_copy(table_hbm.at[src_v.at[1, pl.ds(64, 64)]],
                   buf1.at[pl.ds(64, 64)], semg1)
  plsc.subcore_barrier()

  NW = AGG_CHUNKS // 8

  def chunk(j, w, k, first, last):
    b = k % 2
    if not first:
      pltpu.make_async_copy(bufs[1 - b], agg_sh.at[dwin_v.at[0]],
                            sems[1 - b]).wait()
    if k == 1 and not last:
      pltpu.async_copy(dst_hbm.at[s, pl.ds((w + 1) * 8, 8)],
                       dwin_v.at[pl.ds(((w + 1) % 2) * 8, 8)], semd)
    if not (last and k == 7) and not first:
      pltpu.async_copy(table_hbm.at[src_v.at[j + 1, pl.ds(0, 64)]],
                       bufs[1 - b].at[pl.ds(0, 64)], semg[1 - b])
      pltpu.async_copy(table_hbm.at[src_v.at[j + 1, pl.ds(64, 64)]],
                       bufs[1 - b].at[pl.ds(64, 64)], semg[1 - b])
    pltpu.make_async_copy(table_hbm.at[src_v.at[j]], bufs[b],
                          semg[b]).wait()
    pltpu.async_copy(bufs[b], agg_sh.at[dwin_v.at[(w % 2) * 8 + k]],
                     sems[b], add=True)

  for k in range(8):
    chunk(k, 0, k, first=(k == 0), last=False)
  pltpu.make_async_copy(dst_hbm.at[s, pl.ds(0, 8)],
                        dwin_v.at[pl.ds(0, 8)], semd).wait()

  def window(w, carry):
    for k in range(8):
      chunk(w * 8 + k, w, k, first=False, last=False)
    pltpu.make_async_copy(dst_hbm.at[s, pl.ds(0, 8)],
                          dwin_v.at[pl.ds(0, 8)], semd).wait()
    return carry

  lax.fori_loop(1, NW - 1, window, 0)
  for k in range(8):
    chunk((NW - 1) * 8 + k, NW - 1, k, first=False, last=True)
  pltpu.make_async_copy(buf1, agg_sh.at[dwin_v.at[0]], sems1).wait()
  plsc.subcore_barrier()
  for off, n in _ZCH:
    pltpu.sync_copy(agg_sh.at[pl.ds(base + off, n)],
                    out_hbm.at[c, pl.ds(base + off, n)])


_BM = 1000
_NB = N // _BM


def _bmm_body(x_ref, w_ref, y_ref):
  acc = jnp.dot(x_ref[...], w_ref[...], preferred_element_type=jnp.float32)
  y_ref[0] = acc[:, :H]
  y_ref[1] = acc[:, H:]


def _scale_body(y_ref, deg_ref, hp_ref, dinv_ref):
  degb = deg_ref[0, :, 0:1] + deg_ref[1, :, 0:1] + 1.0
  dinv = 1.0 / jnp.sqrt(degb)
  hp_ref[0] = y_ref[0] * dinv
  hp_ref[1] = y_ref[1] * dinv
  dinv_ref[...] = jnp.broadcast_to(dinv, dinv_ref.shape)


def _b2_body(agg_ref, hp_ref, dinv_ref, w_ref, b_ref, out_ref):
  dinv = dinv_ref[:, 0:1]
  pre = jnp.concatenate([agg_ref[0] + hp_ref[0], agg_ref[1] + hp_ref[1]],
                        axis=1)
  h = jnp.maximum(pre * dinv + b_ref[...], 0.0)
  hp = jnp.dot(h, w_ref[...], preferred_element_type=jnp.float32) * dinv
  out_ref[0] = hp[:, :H]
  out_ref[1] = hp[:, H:]


def _b3_body(agg_ref, hp_ref, dinv_ref, b_ref, out_ref):
  dinv = dinv_ref[:, 0:1]
  pre = jnp.concatenate([agg_ref[0] + hp_ref[0], agg_ref[1] + hp_ref[1]],
                        axis=1)
  out_ref[...] = jnp.maximum(pre * dinv + b_ref[...], 0.0)


_bmm_call = pl.pallas_call(
    _bmm_body,
    grid=(_NB,),
    in_specs=[
        pl.BlockSpec((_BM, D), lambda i: (i, 0)),
        pl.BlockSpec((D, D), lambda i: (0, 0)),
    ],
    out_specs=pl.BlockSpec((NC, _BM, H), lambda i: (0, i, 0)),
    out_shape=jax.ShapeDtypeStruct((NC, N, H), jnp.float32),
)

_scale_call = pl.pallas_call(
    _scale_body,
    grid=(_NB,),
    in_specs=[
        pl.BlockSpec((NC, _BM, H), lambda i: (0, i, 0)),
        pl.BlockSpec((NC, _BM, H), lambda i: (0, i, 0)),
    ],
    out_specs=[
        pl.BlockSpec((NC, _BM, H), lambda i: (0, i, 0)),
        pl.BlockSpec((_BM, 16), lambda i: (i, 0)),
    ],
    out_shape=[
        jax.ShapeDtypeStruct((NC, N, H), jnp.float32),
        jax.ShapeDtypeStruct((N, 16), jnp.float32),
    ],
)

_b2_call = pl.pallas_call(
    _b2_body,
    grid=(_NB,),
    in_specs=[
        pl.BlockSpec((NC, _BM, H), lambda i: (0, i, 0)),
        pl.BlockSpec((NC, _BM, H), lambda i: (0, i, 0)),
        pl.BlockSpec((_BM, 16), lambda i: (i, 0)),
        pl.BlockSpec((D, D), lambda i: (0, 0)),
        pl.BlockSpec((1, D), lambda i: (0, 0)),
    ],
    out_specs=pl.BlockSpec((NC, _BM, H), lambda i: (0, i, 0)),
    out_shape=jax.ShapeDtypeStruct((NC, N, H), jnp.float32),
)

_b3_call = pl.pallas_call(
    _b3_body,
    grid=(_NB,),
    in_specs=[
        pl.BlockSpec((NC, _BM, H), lambda i: (0, i, 0)),
        pl.BlockSpec((NC, _BM, H), lambda i: (0, i, 0)),
        pl.BlockSpec((_BM, 16), lambda i: (i, 0)),
        pl.BlockSpec((1, D), lambda i: (0, 0)),
    ],
    out_specs=pl.BlockSpec((_BM, D), lambda i: (i, 0)),
    out_shape=jax.ShapeDtypeStruct((N, D), jnp.float32),
)


def kernel(x, edge_index, W1, b1, W2, b2):
  src = edge_index[0]
  dst = edge_index[1]

  pad = E_AGG - E
  src_p = jnp.concatenate([src, jnp.zeros((pad,), jnp.int32)])
  dst_p = jnp.concatenate([dst, jnp.full((pad,), N, jnp.int32)])
  src_agg = jnp.stack([src_p, src_p + N]).reshape(NC, NS, AGG_CHUNKS, CHB)
  dst_agg = dst_p.reshape(NS, AGG_CHUNKS, CHB)
  dst_deg = dst_p.reshape(NC, NS, DEG_CHUNKS, CH)

  onesH = jnp.ones((CH, H), jnp.float32)
  zerosH = jnp.zeros((CHB, H), jnp.float32)
  b1_2d = b1.reshape(1, D)
  b2_2d = b2.reshape(1, D)

  deg2 = _deg_call()(dst_deg, onesH, zerosH)
  y1 = _bmm_call(x, W1)
  hp1, dinv = _scale_call(y1, deg2)
  agg1 = _agg_call()(hp1.reshape(NC * N, H), src_agg, dst_agg, zerosH)
  hp2 = _b2_call(agg1, hp1, dinv, W2, b1_2d)
  agg2 = _agg_call()(hp2.reshape(NC * N, H), src_agg, dst_agg, zerosH)
  return _b3_call(agg2, hp2, dinv, b2_2d)

# --- scband reference (transcript-rebuilt; emitter-appended) ---
"""Pipeline reference for scband-grace-75265006895625 (READ-ONLY COPY).

The authoritative reference and input builder live on the scoring server;
editing this copy changes nothing except your own understanding.
"""

import jax, jax.numpy as jnp
import numpy as np

N = 10000
E = 160000
D = 256


def setup_inputs(seed: int = 0) -> dict:
    key = jax.random.key(seed)
    k1, k2, k3, k4 = jax.random.split(key, 4)
    x = jax.random.normal(k1, (N, D), dtype=jnp.float32)
    edge_index = jax.random.randint(k2, (2, E), 0, N, dtype=jnp.int32)
    # GCNConv weights for k=2 layers (in_channels -> in_channels each, per Encoder.__init__)
    scale = jnp.sqrt(2.0 / (D + D)).astype(jnp.float32)
    W1 = jax.random.normal(k3, (D, D), dtype=jnp.float32) * scale
    W2 = jax.random.normal(k4, (D, D), dtype=jnp.float32) * scale
    b1 = jnp.zeros((D,), dtype=jnp.float32)
    b2 = jnp.zeros((D,), dtype=jnp.float32)
    return {"x": x, "edge_index": edge_index, "W1": W1, "b1": b1, "W2": W2, "b2": b2}


def reference(x, edge_index, W1, b1, W2, b2):
    # GRACE.forward(x, edge_index) = Encoder.forward: k=2 GCNConv layers, each followed by activation (relu).
    n = x.shape[0]
    src = edge_index[0]
    dst = edge_index[1]
    # GCN: add self-loops, symmetric normalization D^-1/2 (A+I) D^-1/2
    loops = jnp.arange(n, dtype=src.dtype)
    src = jnp.concatenate([src, loops])
    dst = jnp.concatenate([dst, loops])
    deg = jax.ops.segment_sum(jnp.ones_like(dst, dtype=x.dtype), dst, num_segments=n)
    dinv = jnp.where(deg > 0, 1.0 / jnp.sqrt(deg), 0.0)
    norm = dinv[src] * dinv[dst]

    def gcn_layer(h, W, b):
        h = h @ W
        msg = jnp.take(h, src, axis=0) * norm[:, None]
        agg = jax.ops.segment_sum(msg, dst, num_segments=n)
        return agg + b

    h = jax.nn.relu(gcn_layer(x, W1, b1))
    h = jax.nn.relu(gcn_layer(h, W2, b2))
    return h

if __name__ == "__main__":
    import jax
    _d = setup_inputs()
    print(jax.jit(kernel)(*tuple(_d.values())))

</pallas_src>

<mosaic_0001>
#map = affine_map<(d0, d1) -> (0, 0)>
#map1 = affine_map<(d0, d1) -> (0, 0, 0, 0)>
#map2 = affine_map<(d0, d1) -> (0, 0, 0)>
module attributes {stable_mosaic.version = 14 : i64} {
  func.func @_agg_kernel(%arg0: i32, %arg1: i32, %arg2: memref<20000x128xf32, #tpu.memory_space<hbm>>, %arg3: memref<2x16x80x128xi32, #tpu.memory_space<hbm>>, %arg4: memref<16x80x128xi32, #tpu.memory_space<hbm>>, %arg5: memref<128x128xf32, #tpu.memory_space<hbm>>, %arg6: memref<2x10000x128xf32, #tpu.memory_space<hbm>>, %arg7: memref<80x128xi32, #tpu.memory_space<vmem>>, %arg8: memref<16x128xi32, #tpu.memory_space<vmem>>, %arg9: memref<128x128xf32, #tpu.memory_space<vmem>>, %arg10: memref<128x128xf32, #tpu.memory_space<vmem>>, %arg11: memref<10016x128xf32, #tpu.memory_space<vmem_shared>>, %arg12: memref<!tpu.dma_semaphore, #tpu.memory_space<semaphore_mem>>, %arg13: memref<!tpu.dma_semaphore, #tpu.memory_space<semaphore_mem>>, %arg14: memref<!tpu.dma_semaphore, #tpu.memory_space<semaphore_mem>>, %arg15: memref<!tpu.dma_semaphore, #tpu.memory_space<semaphore_mem>>, %arg16: memref<!tpu.dma_semaphore, #tpu.memory_space<semaphore_mem>>) attributes {dimension_semantics = [#tpu.dimension_semantics<core_parallel>, #tpu.dimension_semantics<subcore_parallel>], iteration_bounds = array<i64: 2, 16>, scalar_prefetch = 0 : i64, scratch_operands = 10 : i64, tpu.core_type = #tpu.core_type<sc_vector_subcore>, window_params = [{transform_indices = #map}, {transform_indices = #map1}, {transform_indices = #map2}, {transform_indices = #map}, {transform_indices = #map2}]} {
    "tpu.region"() ({
      %run_scoped3A = tpu.sem_alloc : memref<!tpu.dma_semaphore, #tpu.memory_space<semaphore_mem>>
      %dma_start3A_718 = arith.constant 0 : i32
      %dma_start3A_719 = arith.constant 0 : i32
      %dma_start3A_720 = tpu.memref_slice %arg3[%arg0, %arg1, %dma_start3A_718, %dma_start3A_719] : memref<2x16x80x128xi32, #tpu.memory_space<hbm>> -> memref<1x1x80x128xi32, #tpu.memory_space<hbm>>
      %dma_start3A_721 = tpu.memref_squeeze %dma_start3A_720 : memref<1x1x80x128xi32, #tpu.memory_space<hbm>> -> memref<80x128xi32, #tpu.memory_space<hbm>>
      %dma_start3A_722 = arith.constant 0 : i32
      %dma_start3A_723 = arith.constant 0 : i32
      %dma_start3A_724 = tpu.memref_slice %arg3[%arg0, %arg1, %dma_start3A_722, %dma_start3A_723] : memref<2x16x80x128xi32, #tpu.memory_space<hbm>> -> memref<1x1x80x128xi32, #tpu.memory_space<hbm>>
      %dma_start3A_725 = tpu.memref_squeeze %dma_start3A_724 : memref<1x1x80x128xi32, #tpu.memory_space<hbm>> -> memref<80x128xi32, #tpu.memory_space<hbm>>
      tpu.enqueue_dma source(%dma_start3A_725 : memref<80x128xi32, #tpu.memory_space<hbm>>) target(%arg7 : memref<80x128xi32, #tpu.memory_space<vmem>>) target_semaphore(%run_scoped3A : memref<!tpu.dma_semaphore, #tpu.memory_space<semaphore_mem>>)
      %dma_wait3A_726 = arith.constant 0 : i32
      %dma_wait3A_727 = arith.constant 0 : i32
      %dma_wait3A_728 = tpu.memref_slice %arg3[%arg0, %arg1, %dma_wait3A_726, %dma_wait3A_727] : memref<2x16x80x128xi32, #tpu.memory_space<hbm>> -> memref<1x1x80x128xi32, #tpu.memory_space<hbm>>
      %dma_wait3A_729 = tpu.memref_squeeze %dma_wait3A_728 : memref<1x1x80x128xi32, #tpu.memory_space<hbm>> -> memref<80x128xi32, #tpu.memory_space<hbm>>
      %dma_wait3A_730 = arith.constant 0 : i32
      %dma_wait3A_731 = arith.constant 0 : i32
      %dma_wait3A_732 = tpu.memref_slice %arg3[%arg0, %arg1, %dma_wait3A_730, %dma_wait3A_731] : memref<2x16x80x128xi32, #tpu.memory_space<hbm>> -> memref<1x1x80x128xi32, #tpu.memory_space<hbm>>
      %dma_wait3A_733 = tpu.memref_squeeze %dma_wait3A_732 : memref<1x1x80x128xi32, #tpu.memory_space<hbm>> -> memref<80x128xi32, #tpu.memory_space<hbm>>
      tpu.wait_dma2 semaphore(%run_scoped3A : memref<!tpu.dma_semaphore, #tpu.memory_space<semaphore_mem>>) src(%dma_wait3A_733 : memref<80x128xi32, #tpu.memory_space<hbm>>) dst(%arg7 : memref<80x128xi32, #tpu.memory_space<vmem>>)
      tpu.yield
    }) : () -> ()
    "tpu.region"() ({
      %run_scoped3A = tpu.sem_alloc : memref<!tpu.dma_semaphore, #tpu.memory_space<semaphore_mem>>
      tpu.enqueue_dma source(%arg5 : memref<128x128xf32, #tpu.memory_space<hbm>>) target(%arg9 : memref<128x128xf32, #tpu.memory_space<vmem>>) target_semaphore(%run_scoped3A : memref<!tpu.dma_semaphore, #tpu.memory_space<semaphore_mem>>)
      tpu.wait_dma2 semaphore(%run_scoped3A : memref<!tpu.dma_semaphore, #tpu.memory_space<semaphore_mem>>) src(%arg5 : memref<128x128xf32, #tpu.memory_space<hbm>>) dst(%arg9 : memref<128x128xf32, #tpu.memory_space<vmem>>)
      tpu.yield
    }) : () -> ()
    %mul3A = arith.constant 624 : i32
    %mul3A_0 = arith.muli %arg1, %mul3A : i32
    %add3A = arith.constant 0 : i32
    %add3A_1 = arith.addi %mul3A_0, %add3A : i32
    "tpu.region"() ({
      %run_scoped3A = tpu.sem_alloc : memref<!tpu.dma_semaphore, #tpu.memory_space<semaphore_mem>>
      %dma_start3A_718 = arith.constant 0 : i32
      %dma_start3A_719 = tpu.memref_slice %arg11[%add3A_1, %dma_start3A_718] : memref<10016x128xf32, #tpu.memory_space<vmem_shared>> -> memref<128x128xf32, #tpu.memory_space<vmem_shared>>
      %dma_start3A_720 = arith.constant 0 : i32
      %dma_start3A_721 = tpu.memref_slice %arg11[%add3A_1, %dma_start3A_720] : memref<10016x128xf32, #tpu.memory_space<vmem_shared>> -> memref<128x128xf32, #tpu.memory_space<vmem_shared>>
      tpu.enqueue_dma source(%arg9 : memref<128x128xf32, #tpu.memory_space<vmem>>) target(%dma_start3A_721 : memref<128x128xf32, #tpu.memory_space<vmem_shared>>) target_semaphore(%run_scoped3A : memref<!tpu.dma_semaphore, #tpu.memory_space<semaphore_mem>>)
      %dma_wait3A_722 = arith.constant 0 : i32
      %dma_wait3A_723 = tpu.memref_slice %arg11[%add3A_1, %dma_wait3A_722] : memref<10016x128xf32, #tpu.memory_space<vmem_shared>> -> memref<128x128xf32, #tpu.memory_space<vmem_shared>>
      %dma_wait3A_724 = arith.constant 0 : i32
      %dma_wait3A_725 = tpu.memref_slice %arg11[%add3A_1, %dma_wait3A_724] : memref<10016x128xf32, #tpu.memory_space<vmem_shared>> -> memref<128x128xf32, #tpu.memory_space<vmem_shared>>
      tpu.wait_dma2 semaphore(%run_scoped3A : memref<!tpu.dma_semaphore, #tpu.memory_space<semaphore_mem>>) src(%arg9 : memref<128x128xf32, #tpu.memory_space<vmem>>) dst(%dma_wait3A_725 : memref<128x128xf32, #tpu.memory_space<vmem_shared>>)
      tpu.yield
    }) : () -> ()
    %add3A_2 = arith.constant 128 : i32
    %add3A_3 = arith.addi %mul3A_0, %add3A_2 : i32
    "tpu.region"() ({
      %run_scoped3A = tpu.sem_alloc : memref<!tpu.dma_semaphore, #tpu.memory_space<semaphore_mem>>
      %dma_start3A_718 = arith.constant 0 : i32
      %dma_start3A_719 = tpu.memref_slice %arg11[%add3A_3, %dma_start3A_718] : memref<10016x128xf32, #tpu.memory_space<vmem_shared>> -> memref<128x128xf32, #tpu.memory_space<vmem_shared>>
      %dma_start3A_720 = arith.constant 0 : i32
      %dma_start3A_721 = tpu.memref_slice %arg11[%add3A_3, %dma_start3A_720] : memref<10016x128xf32, #tpu.memory_space<vmem_shared>> -> memref<128x128xf32, #tpu.memory_space<vmem_shared>>
      tpu.enqueue_dma source(%arg9 : memref<128x128xf32, #tpu.memory_space<vmem>>) target(%dma_start3A_721 : memref<128x128xf32, #tpu.memory_space<vmem_shared>>) target_semaphore(%run_scoped3A : memref<!tpu.dma_semaphore, #tpu.memory_space<semaphore_mem>>)
      %dma_wait3A_722 = arith.constant 0 : i32
      %dma_wait3A_723 = tpu.memref_slice %arg11[%add3A_3, %dma_wait3A_722] : memref<10016x128xf32, #tpu.memory_space<vmem_shared>> -> memref<128x128xf32, #tpu.memory_space<vmem_shared>>
      %dma_wait3A_724 = arith.constant 0 : i32
      %dma_wait3A_725 = tpu.memref_slice %arg11[%add3A_3, %dma_wait3A_724] : memref<10016x128xf32, #tpu.memory_space<vmem_shared>> -> memref<128x128xf32, #tpu.memory_space<vmem_shared>>
      tpu.wait_dma2 semaphore(%run_scoped3A : memref<!tpu.dma_semaphore, #tpu.memory_space<semaphore_mem>>) src(%arg9 : memref<128x128xf32, #tpu.memory_space<vmem>>) dst(%dma_wait3A_725 : memref<128x128xf32, #tpu.memory_space<vmem_shared>>)
      tpu.yield
    }) : () -> ()
    %add3A_4 = arith.constant 256 : i32
    %add3A_5 = arith.addi %mul3A_0, %add3A_4 : i32
    "tpu.region"() ({
      %run_scoped3A = tpu.sem_alloc : memref<!tpu.dma_semaphore, #tpu.memory_space<semaphore_mem>>
      %dma_start3A_718 = arith.constant 0 : i32
      %dma_start3A_719 = tpu.memref_slice %arg11[%add3A_5, %dma_start3A_718] : memref<10016x128xf32, #tpu.memory_space<vmem_shared>> -> memref<128x128xf32, #tpu.memory_space<vmem_shared>>
      %dma_start3A_720 = arith.constant 0 : i32
      %dma_start3A_721 = tpu.memref_slice %arg11[%add3A_5, %dma_start3A_720] : memref<10016x128xf32, #tpu.memory_space<vmem_shared>> -> memref<128x128xf32, #tpu.memory_space<vmem_shared>>
      tpu.enqueue_dma source(%arg9 : memref<128x128xf32, #tpu.memory_space<vmem>>) target(%dma_start3A_721 : memref<128x128xf32, #tpu.memory_space<vmem_shared>>) target_semaphore(%run_scoped3A : memref<!tpu.dma_semaphore, #tpu.memory_space<semaphore_mem>>)
      %dma_wait3A_722 = arith.constant 0 : i32
      %dma_wait3A_723 = tpu.memref_slice %arg11[%add3A_5, %dma_wait3A_722] : memref<10016x128xf32, #tpu.memory_space<vmem_shared>> -> memref<128x128xf32, #tpu.memory_space<vmem_shared>>
      %dma_wait3A_724 = arith.constant 0 : i32
      %dma_wait3A_725 = tpu.memref_slice %arg11[%add3A_5, %dma_wait3A_724] : memref<10016x128xf32, #tpu.memory_space<vmem_shared>> -> memref<128x128xf32, #tpu.memory_space<vmem_shared>>
      tpu.wait_dma2 semaphore(%run_scoped3A : memref<!tpu.dma_semaphore, #tpu.memory_space<semaphore_mem>>) src(%arg9 : memref<128x128xf32, #tpu.memory_space<vmem>>) dst(%dma_wait3A_725 : memref<128x128xf32, #tpu.memory_space<vmem_shared>>)
      tpu.yield
    }) : () -> ()
    %add3A_6 = arith.constant 384 : i32
    %add3A_7 = arith.addi %mul3A_0, %add3A_6 : i32
    "tpu.region"() ({
      %run_scoped3A = tpu.sem_alloc : memref<!tpu.dma_semaphore, #tpu.memory_space<semaphore_mem>>
      %dma_start3A_718 = arith.constant 0 : i32
      %dma_start3A_719 = tpu.memref_slice %arg11[%add3A_7, %dma_start3A_718] : memref<10016x128xf32, #tpu.memory_space<vmem_shared>> -> memref<128x128xf32, #tpu.memory_space<vmem_shared>>
      %dma_start3A_720 = arith.constant 0 : i32
      %dma_start3A_721 = tpu.memref_slice %arg11[%add3A_7, %dma_start3A_720] : memref<10016x128xf32, #tpu.memory_space<vmem_shared>> -> memref<128x128xf32, #tpu.memory_space<vmem_shared>>
      tpu.enqueue_dma source(%arg9 : memref<128x128xf32, #tpu.memory_space<vmem>>) target(%dma_start3A_721 : memref<128x128xf32, #tpu.memory_space<vmem_shared>>) target_semaphore(%run_scoped3A : memref<!tpu.dma_semaphore, #tpu.memory_space<semaphore_mem>>)
      %dma_wait3A_722 = arith.constant 0 : i32
      %dma_wait3A_723 = tpu.memref_slice %arg11[%add3A_7, %dma_wait3A_722] : memref<10016x128xf32, #tpu.memory_space<vmem_shared>> -> memref<128x128xf32, #tpu.memory_space<vmem_shared>>
      %dma_wait3A_724 = arith.constant 0 : i32
      %dma_wait3A_725 = tpu.memref_slice %arg11[%add3A_7, %dma_wait3A_724] : memref<10016x128xf32, #tpu.memory_space<vmem_shared>> -> memref<128x128xf32, #tpu.memory_space<vmem_shared>>
      tpu.wait_dma2 semaphore(%run_scoped3A : memref<!tpu.dma_semaphore, #tpu.memory_space<semaphore_mem>>) src(%arg9 : memref<128x128xf32, #tpu.memory_space<vmem>>) dst(%dma_wait3A_725 : memref<128x128xf32, #tpu.memory_space<vmem_shared>>)
      tpu.yield
    }) : () -> ()
    %add3A_8 = arith.constant 512 : i32
    %add3A_9 = arith.addi %mul3A_0, %add3A_8 : i32
    "tpu.region"() ({
      %run_scoped3A = tpu.sem_alloc : memref<!tpu.dma_semaphore, #tpu.memory_space<semaphore_mem>>
      %dma_start3A_718 = arith.constant 0 : i32
      %dma_start3A_719 = tpu.memref_slice %arg11[%add3A_9, %dma_start3A_718] : memref<10016x128xf32, #tpu.memory_space<vmem_shared>> -> memref<128x128xf32, #tpu.memory_space<vmem_shared>>
      %dma_start3A_720 = arith.constant 0 : i32
      %dma_start3A_721 = tpu.memref_slice %arg11[%add3A_9, %dma_start3A_720] : memref<10016x128xf32, #tpu.memory_space<vmem_shared>> -> memref<128x128xf32, #tpu.memory_space<vmem_shared>>
      tpu.enqueue_dma source(%arg9 : memref<128x128xf32, #tpu.memory_space<vmem>>) target(%dma_start3A_721 : memref<128x128xf32, #tpu.memory_space<vmem_shared>>) target_semaphore(%run_scoped3A : memref<!tpu.dma_semaphore, #tpu.memory_space<semaphore_mem>>)
      %dma_wait3A_722 = arith.constant 0 : i32
      %dma_wait3A_723 = tpu.memref_slice %arg11[%add3A_9, %dma_wait3A_722] : memref<10016x128xf32, #tpu.memory_space<vmem_shared>> -> memref<128x128xf32, #tpu.memory_space<vmem_shared>>
      %dma_wait3A_724 = arith.constant 0 : i32
      %dma_wait3A_725 = tpu.memref_slice %arg11[%add3A_9, %dma_wait3A_724] : memref<10016x128xf32, #tpu.memory_space<vmem_shared>> -> memref<128x128xf32, #tpu.memory_space<vmem_shared>>
      tpu.wait_dma2 semaphore(%run_scoped3A : memref<!tpu.dma_semaphore, #tpu.memory_space<semaphore_mem>>) src(%arg9 : memref<128x128xf32, #tpu.memory_space<vmem>>) dst(%dma_wait3A_725 : memref<128x128xf32, #tpu.memory_space<vmem_shared>>)
      tpu.yield
    }) : () -> ()
    "tpu.region"() ({
      %run_scoped3A = tpu.sem_alloc : memref<!tpu.dma_semaphore, #tpu.memory_space<semaphore_mem>>
      %dma_start3A_718 = arith.constant 0 : i32
      %dma_start3A_719 = arith.constant 0 : i32
      %dma_start3A_720 = tpu.memref_slice %arg8[%dma_start3A_718, %dma_start3A_719] : memref<16x128xi32, #tpu.memory_space<vmem>> -> memref<8x128xi32, #tpu.memory_space<vmem>>
      %dma_start3A_721 = arith.constant 0 : i32
      %dma_start3A_722 = arith.constant 0 : i32
      %dma_start3A_723 = tpu.memref_slice %arg4[%arg1, %dma_start3A_721, %dma_start3A_722] : memref<16x80x128xi32, #tpu.memory_space<hbm>> -> memref<1x8x128xi32, #tpu.memory_space<hbm>>
      %dma_start3A_724 = tpu.memref_squeeze %dma_start3A_723 : memref<1x8x128xi32, #tpu.memory_space<hbm>> -> memref<8x128xi32, #tpu.memory_space<hbm>>
      %dma_start3A_725 = arith.constant 0 : i32
      %dma_start3A_726 = arith.constant 0 : i32
      %dma_start3A_727 = tpu.memref_slice %arg8[%dma_start3A_725, %dma_start3A_726] : memref<16x128xi32, #tpu.memory_space<vmem>> -> memref<8x128xi32, #tpu.memory_space<vmem>>
      %dma_start3A_728 = arith.constant 0 : i32
      %dma_start3A_729 = arith.constant 0 : i32
      %dma_start3A_730 = tpu.memref_slice %arg4[%arg1, %dma_start3A_728, %dma_start3A_729] : memref<16x80x128xi32, #tpu.memory_space<hbm>> -> memref<1x8x128xi32, #tpu.memory_space<hbm>>
      %dma_start3A_731 = tpu.memref_squeeze %dma_start3A_730 : memref<1x8x128xi32, #tpu.memory_space<hbm>> -> memref<8x128xi32, #tpu.memory_space<hbm>>
      tpu.enqueue_dma source(%dma_start3A_731 : memref<8x128xi32, #tpu.memory_space<hbm>>) target(%dma_start3A_727 : memref<8x128xi32, #tpu.memory_space<vmem>>) target_semaphore(%run_scoped3A : memref<!tpu.dma_semaphore, #tpu.memory_space<semaphore_mem>>)
      %dma_wait3A_732 = arith.constant 0 : i32
      %dma_wait3A_733 = arith.constant 0 : i32
      %dma_wait3A_734 = tpu.memref_slice %arg8[%dma_wait3A_732, %dma_wait3A_733] : memref<16x128xi32, #tpu.memory_space<vmem>> -> memref<8x128xi32, #tpu.memory_space<vmem>>
      %dma_wait3A_735 = arith.constant 0 : i32
      %dma_wait3A_736 = arith.constant 0 : i32
      %dma_wait3A_737 = tpu.memref_slice %arg4[%arg1, %dma_wait3A_735, %dma_wait3A_736] : memref<16x80x128xi32, #tpu.memory_space<hbm>> -> memref<1x8x128xi32, #tpu.memory_space<hbm>>
      %dma_wait3A_738 = tpu.memref_squeeze %dma_wait3A_737 : memref<1x8x128xi32, #tpu.memory_space<hbm>> -> memref<8x128xi32, #tpu.memory_space<hbm>>
      %dma_wait3A_739 = arith.constant 0 : i32
      %dma_wait3A_740 = arith.constant 0 : i32
      %dma_wait3A_741 = tpu.memref_slice %arg8[%dma_wait3A_739, %dma_wait3A_740] : memref<16x128xi32, #tpu.memory_space<vmem>> -> memref<8x128xi32, #tpu.memory_space<vmem>>
      %dma_wait3A_742 = arith.constant 0 : i32
      %dma_wait3A_743 = arith.constant 0 : i32
      %dma_wait3A_744 = tpu.memref_slice %arg4[%arg1, %dma_wait3A_742, %dma_wait3A_743] : memref<16x80x128xi32, #tpu.memory_space<hbm>> -> memref<1x8x128xi32, #tpu.memory_space<hbm>>
      %dma_wait3A_745 = tpu.memref_squeeze %dma_wait3A_744 : memref<1x8x128xi32, #tpu.memory_space<hbm>> -> memref<8x128xi32, #tpu.memory_space<hbm>>
      tpu.wait_dma2 semaphore(%run_scoped3A : memref<!tpu.dma_semaphore, #tpu.memory_space<semaphore_mem>>) src(%dma_wait3A_745 : memref<8x128xi32, #tpu.memory_space<hbm>>) dst(%dma_wait3A_741 : memref<8x128xi32, #tpu.memory_space<vmem>>)
      tpu.yield
    }) : () -> ()
    %dma_start3A = arith.constant 0 : i32
    %dma_start3A_10 = arith.constant 0 : i32
    %dma_start3A_11 = arith.constant 0 : i32
    %dma_start3A_12 = tpu.memref_slice %arg9[%dma_start3A_10, %dma_start3A_11] : memref<128x128xf32, #tpu.memory_space<vmem>> -> memref<64x128xf32, #tpu.memory_space<vmem>>
    %dma_start3A_13 = arith.constant 0 : i32
    %dma_start3A_14 = tpu.memref_slice %arg7[%dma_start3A, %dma_start3A_13] : memref<80x128xi32, #tpu.memory_space<vmem>> -> memref<1x64xi32, #tpu.memory_space<vmem>>
    %dma_start3A_15 = tpu.memref_squeeze %dma_start3A_14 : memref<1x64xi32, #tpu.memory_space<vmem>> -> memref<64xi32, #tpu.memory_space<vmem>>
    %dma_start3A_16 = arith.constant 0 : i32
    %dma_start3A_17 = arith.constant 0 : i32
    %dma_start3A_18 = tpu.memref_slice %arg2[%dma_start3A_16, %dma_start3A_17] : memref<20000x128xf32, #tpu.memory_space<hbm>> -> memref<20000x128xf32, #tpu.memory_space<hbm>>
    tpu.enqueue_indirect_dma source(%dma_start3A_18 : memref<20000x128xf32, #tpu.memory_space<hbm>>) target(%dma_start3A_12 : memref<64x128xf32, #tpu.memory_space<vmem>>) offsets(%dma_start3A_15 : memref<64xi32, #tpu.memory_space<vmem>>) semaphore(%arg12 : memref<!tpu.dma_semaphore, #tpu.memory_space<semaphore_mem>>)
    %dma_start3A_19 = arith.constant 0 : i32
    %dma_start3A_20 = arith.constant 64 : i32
    %dma_start3A_21 = arith.constant 0 : i32
    %dma_start3A_22 = tpu.memref_slice %arg9[%dma_start3A_20, %dma_start3A_21] : memref<128x128xf32, #tpu.memory_space<vmem>> -> memref<64x128xf32, #tpu.memory_space<vmem>>
    %dma_start3A_23 = arith.constant 64 : i32
    %dma_start3A_24 = tpu.memref_slice %arg7[%dma_start3A_19, %dma_start3A_23] : memref<80x128xi32, #tpu.memory_space<vmem>> -> memref<1x64xi32, #tpu.memory_space<vmem>>
    %dma_start3A_25 = tpu.memref_squeeze %dma_start3A_24 : memref<1x64xi32, #tpu.memory_space<vmem>> -> memref<64xi32, #tpu.memory_space<vmem>>
    %dma_start3A_26 = arith.constant 0 : i32
    %dma_start3A_27 = arith.constant 0 : i32
    %dma_start3A_28 = tpu.memref_slice %arg2[%dma_start3A_26, %dma_start3A_27] : memref<20000x128xf32, #tpu.memory_space<hbm>> -> memref<20000x128xf32, #tpu.memory_space<hbm>>
    tpu.enqueue_indirect_dma source(%dma_start3A_28 : memref<20000x128xf32, #tpu.memory_space<hbm>>) target(%dma_start3A_22 : memref<64x128xf32, #tpu.memory_space<vmem>>) offsets(%dma_start3A_25 : memref<64xi32, #tpu.memory_space<vmem>>) semaphore(%arg12 : memref<!tpu.dma_semaphore, #tpu.memory_space<semaphore_mem>>)
    %dma_start3A_29 = arith.constant 1 : i32
    %dma_start3A_30 = arith.constant 0 : i32
    %dma_start3A_31 = arith.constant 0 : i32
    %dma_start3A_32 = tpu.memref_slice %arg10[%dma_start3A_30, %dma_start3A_31] : memref<128x128xf32, #tpu.memory_space<vmem>> -> memref<64x128xf32, #tpu.memory_space<vmem>>
    %dma_start3A_33 = arith.constant 0 : i32
    %dma_start3A_34 = tpu.memref_slice %arg7[%dma_start3A_29, %dma_start3A_33] : memref<80x128xi32, #tpu.memory_space<vmem>> -> memref<1x64xi32, #tpu.memory_space<vmem>>
    %dma_start3A_35 = tpu.memref_squeeze %dma_start3A_34 : memref<1x64xi32, #tpu.memory_space<vmem>> -> memref<64xi32, #tpu.memory_space<vmem>>
    %dma_start3A_36 = arith.constant 0 : i32
    %dma_start3A_37 = arith.constant 0 : i32
    %dma_start3A_38 = tpu.memref_slice %arg2[%dma_start3A_36, %dma_start3A_37] : memref<20000x128xf32, #tpu.memory_space<hbm>> -> memref<20000x128xf32, #tpu.memory_space<hbm>>
    tpu.enqueue_indirect_dma source(%dma_start3A_38 : memref<20000x128xf32, #tpu.memory_space<hbm>>) target(%dma_start3A_32 : memref<64x128xf32, #tpu.memory_space<vmem>>) offsets(%dma_start3A_35 : memref<64xi32, #tpu.memory_space<vmem>>) semaphore(%arg13 : memref<!tpu.dma_semaphore, #tpu.memory_space<semaphore_mem>>)
    %dma_start3A_39 = arith.constant 1 : i32
    %dma_start3A_40 = arith.constant 64 : i32
    %dma_start3A_41 = arith.constant 0 : i32
    %dma_start3A_42 = tpu.memref_slice %arg10[%dma_start3A_40, %dma_start3A_41] : memref<128x128xf32, #tpu.memory_space<vmem>> -> memref<64x128xf32, #tpu.memory_space<vmem>>
    %dma_start3A_43 = arith.constant 64 : i32
    %dma_start3A_44 = tpu.memref_slice %arg7[%dma_start3A_39, %dma_start3A_43] : memref<80x128xi32, #tpu.memory_space<vmem>> -> memref<1x64xi32, #tpu.memory_space<vmem>>
    %dma_start3A_45 = tpu.memref_squeeze %dma_start3A_44 : memref<1x64xi32, #tpu.memory_space<vmem>> -> memref<64xi32, #tpu.memory_space<vmem>>
    %dma_start3A_46 = arith.constant 0 : i32
    %dma_start3A_47 = arith.constant 0 : i32
    %dma_start3A_48 = tpu.memref_slice %arg2[%dma_start3A_46, %dma_start3A_47] : memref<20000x128xf32, #tpu.memory_space<hbm>> -> memref<20000x128xf32, #tpu.memory_space<hbm>>
    tpu.enqueue_indirect_dma source(%dma_start3A_48 : memref<20000x128xf32, #tpu.memory_space<hbm>>) target(%dma_start3A_42 : memref<64x128xf32, #tpu.memory_space<vmem>>) offsets(%dma_start3A_45 : memref<64xi32, #tpu.memory_space<vmem>>) semaphore(%arg13 : memref<!tpu.dma_semaphore, #tpu.memory_space<semaphore_mem>>)
    %barrier3A = arith.constant 0 : index
    tpu.barrier barrier_id(%barrier3A)
    %dma_wait3A = arith.constant 0 : i32
    %dma_wait3A_49 = arith.constant 0 : i32
    %dma_wait3A_50 = tpu.memref_slice %arg7[%dma_wait3A, %dma_wait3A_49] : memref<80x128xi32, #tpu.memory_space<vmem>> -> memref<1x128xi32, #tpu.memory_space<vmem>>
    %dma_wait3A_51 = tpu.memref_squeeze %dma_wait3A_50 : memref<1x128xi32, #tpu.memory_space<vmem>> -> memref<128xi32, #tpu.memory_space<vmem>>
    %dma_wait3A_52 = arith.constant 0 : i32
    %dma_wait3A_53 = arith.constant 0 : i32
    %dma_wait3A_54 = tpu.memref_slice %arg2[%dma_wait3A_52, %dma_wait3A_53] : memref<20000x128xf32, #tpu.memory_space<hbm>> -> memref<20000x128xf32, #tpu.memory_space<hbm>>
    tpu.wait_indirect_dma semaphore(%arg12 : memref<!tpu.dma_semaphore, #tpu.memory_space<semaphore_mem>>) src(%dma_wait3A_54 : memref<20000x128xf32, #tpu.memory_space<hbm>>) dst(%arg9 : memref<128x128xf32, #tpu.memory_space<vmem>>)
    %dma_start3A_55 = arith.constant 0 : i32
    %dma_start3A_56 = arith.constant 0 : i32
    %dma_start3A_57 = tpu.memref_slice %arg8[%dma_start3A_55, %dma_start3A_56] : memref<16x128xi32, #tpu.memory_space<vmem>> -> memref<1x128xi32, #tpu.memory_space<vmem>>
    %dma_start3A_58 = tpu.memref_squeeze %dma_start3A_57 : memref<1x128xi32, #tpu.memory_space<vmem>> -> memref<128xi32, #tpu.memory_space<vmem>>
    %dma_start3A_59 = arith.constant 0 : i32
    %dma_start3A_60 = arith.constant 0 : i32
    %dma_start3A_61 = tpu.memref_slice %arg11[%dma_start3A_59, %dma_start3A_60] : memref<10016x128xf32, #tpu.memory_space<vmem_shared>> -> memref<10016x128xf32, #tpu.memory_space<vmem_shared>>
    tpu.enqueue_indirect_dma source(%arg9 : memref<128x128xf32, #tpu.memory_space<vmem>>) target(%dma_start3A_61 : memref<10016x128xf32, #tpu.memory_space<vmem_shared>>) offsets(%dma_start3A_58 : memref<128xi32, #tpu.memory_space<vmem>>) semaphore(%arg14 : memref<!tpu.dma_semaphore, #tpu.memory_space<semaphore_mem>>) {add = true}
    %dma_wait3A_62 = arith.constant 0 : i32
    %dma_wait3A_63 = arith.constant 0 : i32
    %dma_wait3A_64 = tpu.memref_slice %arg8[%dma_wait3A_62, %dma_wait3A_63] : memref<16x128xi32, #tpu.memory_space<vmem>> -> memref<1x128xi32, #tpu.memory_space<vmem>>
    %dma_wait3A_65 = tpu.memref_squeeze %dma_wait3A_64 : memref<1x128xi32, #tpu.memory_space<vmem>> -> memref<128xi32, #tpu.memory_space<vmem>>
    %dma_wait3A_66 = arith.constant 0 : i32
    %dma_wait3A_67 = arith.constant 0 : i32
    %dma_wait3A_68 = tpu.memref_slice %arg11[%dma_wait3A_66, %dma_wait3A_67] : memref<10016x128xf32, #tpu.memory_space<vmem_shared>> -> memref<10016x128xf32, #tpu.memory_space<vmem_shared>>
    tpu.wait_indirect_dma semaphore(%arg14 : memref<!tpu.dma_semaphore, #tpu.memory_space<semaphore_mem>>) src(%arg9 : memref<128x128xf32, #tpu.memory_space<vmem>>) dst(%dma_wait3A_68 : memref<10016x128xf32, #tpu.memory_space<vmem_shared>>)
    %dma_start3A_69 = arith.constant 8 : i32
    %dma_start3A_70 = arith.constant 0 : i32
    %dma_start3A_71 = tpu.memref_slice %arg8[%dma_start3A_69, %dma_start3A_70] : memref<16x128xi32, #tpu.memory_space<vmem>> -> memref<8x128xi32, #tpu.memory_space<vmem>>
    %dma_start3A_72 = arith.constant 8 : i32
    %dma_start3A_73 = arith.constant 0 : i32
    %dma_start3A_74 = tpu.memref_slice %arg4[%arg1, %dma_start3A_72, %dma_start3A_73] : memref<16x80x128xi32, #tpu.memory_space<hbm>> -> memref<1x8x128xi32, #tpu.memory_space<hbm>>
    %dma_start3A_75 = tpu.memref_squeeze %dma_start3A_74 : memref<1x8x128xi32, #tpu.memory_space<hbm>> -> memref<8x128xi32, #tpu.memory_space<hbm>>
    %dma_start3A_76 = arith.constant 8 : i32
    %dma_start3A_77 = arith.constant 0 : i32
    %dma_start3A_78 = tpu.memref_slice %arg8[%dma_start3A_76, %dma_start3A_77] : memref<16x128xi32, #tpu.memory_space<vmem>> -> memref<8x128xi32, #tpu.memory_space<vmem>>
    %dma_start3A_79 = arith.constant 8 : i32
    %dma_start3A_80 = arith.constant 0 : i32
    %dma_start3A_81 = tpu.memref_slice %arg4[%arg1, %dma_start3A_79, %dma_start3A_80] : memref<16x80x128xi32, #tpu.memory_space<hbm>> -> memref<1x8x128xi32, #tpu.memory_space<hbm>>
    %dma_start3A_82 = tpu.memref_squeeze %dma_start3A_81 : memref<1x8x128xi32, #tpu.memory_space<hbm>> -> memref<8x128xi32, #tpu.memory_space<hbm>>
    tpu.enqueue_dma source(%dma_start3A_82 : memref<8x128xi32, #tpu.memory_space<hbm>>) target(%dma_start3A_78 : memref<8x128xi32, #tpu.memory_space<vmem>>) target_semaphore(%arg16 : memref<!tpu.dma_semaphore, #tpu.memory_space<semaphore_mem>>)
    %dma_start3A_83 = arith.constant 2 : i32
    %dma_start3A_84 = arith.constant 0 : i32
    %dma_start3A_85 = arith.constant 0 : i32
    %dma_start3A_86 = tpu.memref_slice %arg9[%dma_start3A_84, %dma_start3A_85] : memref<128x128xf32, #tpu.memory_space<vmem>> -> memref<64x128xf32, #tpu.memory_space<vmem>>
    %dma_start3A_87 = arith.constant 0 : i32
    %dma_start3A_88 = tpu.memref_slice %arg7[%dma_start3A_83, %dma_start3A_87] : memref<80x128xi32, #tpu.memory_space<vmem>> -> memref<1x64xi32, #tpu.memory_space<vmem>>
    %dma_start3A_89 = tpu.memref_squeeze %dma_start3A_88 : memref<1x64xi32, #tpu.memory_space<vmem>> -> memref<64xi32, #tpu.memory_space<vmem>>
    %dma_start3A_90 = arith.constant 0 : i32
    %dma_start3A_91 = arith.constant 0 : i32
    %dma_start3A_92 = tpu.memref_slice %arg2[%dma_start3A_90, %dma_start3A_91] : memref<20000x128xf32, #tpu.memory_space<hbm>> -> memref<20000x128xf32, #tpu.memory_space<hbm>>
    tpu.enqueue_indirect_dma source(%dma_start3A_92 : memref<20000x128xf32, #tpu.memory_space<hbm>>) target(%dma_start3A_86 : memref<64x128xf32, #tpu.memory_space<vmem>>) offsets(%dma_start3A_89 : memref<64xi32, #tpu.memory_space<vmem>>) semaphore(%arg12 : memref<!tpu.dma_semaphore, #tpu.memory_space<semaphore_mem>>)
    %dma_start3A_93 = arith.constant 2 : i32
    %dma_start3A_94 = arith.constant 64 : i32
    %dma_start3A_95 = arith.constant 0 : i32
    %dma_start3A_96 = tpu.memref_slice %arg9[%dma_start3A_94, %dma_start3A_95] : memref<128x128xf32, #tpu.memory_space<vmem>> -> memref<64x128xf32, #tpu.memory_space<vmem>>
    %dma_start3A_97 = arith.constant 64 : i32
    %dma_start3A_98 = tpu.memref_slice %arg7[%dma_start3A_93, %dma_start3A_97] : memref<80x128xi32, #tpu.memory_space<vmem>> -> memref<1x64xi32, #tpu.memory_space<vmem>>
    %dma_start3A_99 = tpu.memref_squeeze %dma_start3A_98 : memref<1x64xi32, #tpu.memory_space<vmem>> -> memref<64xi32, #tpu.memory_space<vmem>>
    %dma_start3A_100 = arith.constant 0 : i32
    %dma_start3A_101 = arith.constant 0 : i32
    %dma_start3A_102 = tpu.memref_slice %arg2[%dma_start3A_100, %dma_start3A_101] : memref<20000x128xf32, #tpu.memory_space<hbm>> -> memref<20000x128xf32, #tpu.memory_space<hbm>>
    tpu.enqueue_indirect_dma source(%dma_start3A_102 : memref<20000x128xf32, #tpu.memory_space<hbm>>) target(%dma_start3A_96 : memref<64x128xf32, #tpu.memory_space<vmem>>) offsets(%dma_start3A_99 : memref<64xi32, #tpu.memory_space<vmem>>) semaphore(%arg12 : memref<!tpu.dma_semaphore, #tpu.memory_space<semaphore_mem>>)
    %dma_wait3A_103 = arith.constant 1 : i32
    %dma_wait3A_104 = arith.constant 0 : i32
    %dma_wait3A_105 = tpu.memref_slice %arg7[%dma_wait3A_103, %dma_wait3A_104] : memref<80x128xi32, #tpu.memory_space<vmem>> -> memref<1x128xi32, #tpu.memory_space<vmem>>
    %dma_wait3A_106 = tpu.memref_squeeze %dma_wait3A_105 : memref<1x128xi32, #tpu.memory_space<vmem>> -> memref<128xi32, #tpu.memory_space<vmem>>
    %dma_wait3A_107 = arith.constant 0 : i32
    %dma_wait3A_108 = arith.constant 0 : i32
    %dma_wait3A_109 = tpu.memref_slice %arg2[%dma_wait3A_107, %dma_wait3A_108] : memref<20000x128xf32, #tpu.memory_space<hbm>> -> memref<20000x128xf32, #tpu.memory_space<hbm>>
    tpu.wait_indirect_dma semaphore(%arg13 : memref<!tpu.dma_semaphore, #tpu.memory_space<semaphore_mem>>) src(%dma_wait3A_109 : memref<20000x128xf32, #tpu.memory_space<hbm>>) dst(%arg10 : memref<128x128xf32, #tpu.memory_space<vmem>>)
    %dma_start3A_110 = arith.constant 1 : i32
    %dma_start3A_111 = arith.constant 0 : i32
    %dma_start3A_112 = tpu.memref_slice %arg8[%dma_start3A_110, %dma_start3A_111] : memref<16x128xi32, #tpu.memory_space<vmem>> -> memref<1x128xi32, #tpu.memory_space<vmem>>
    %dma_start3A_113 = tpu.memref_squeeze %dma_start3A_112 : memref<1x128xi32, #tpu.memory_space<vmem>> -> memref<128xi32, #tpu.memory_space<vmem>>
    %dma_start3A_114 = arith.constant 0 : i32
    %dma_start3A_115 = arith.constant 0 : i32
    %dma_start3A_116 = tpu.memref_slice %arg11[%dma_start3A_114, %dma_start3A_115] : memref<10016x128xf32, #tpu.memory_space<vmem_shared>> -> memref<10016x128xf32, #tpu.memory_space<vmem_shared>>
    tpu.enqueue_indirect_dma source(%arg10 : memref<128x128xf32, #tpu.memory_space<vmem>>) target(%dma_start3A_116 : memref<10016x128xf32, #tpu.memory_space<vmem_shared>>) offsets(%dma_start3A_113 : memref<128xi32, #tpu.memory_space<vmem>>) semaphore(%arg15 : memref<!tpu.dma_semaphore, #tpu.memory_space<semaphore_mem>>) {add = true}
    %dma_wait3A_117 = arith.constant 0 : i32
    %dma_wait3A_118 = arith.constant 0 : i32
    %dma_wait3A_119 = tpu.memref_slice %arg8[%dma_wait3A_117, %dma_wait3A_118] : memref<16x128xi32, #tpu.memory_space<vmem>> -> memref<1x128xi32, #tpu.memory_space<vmem>>
    %dma_wait3A_120 = tpu.memref_squeeze %dma_wait3A_119 : memref<1x128xi32, #tpu.memory_space<vmem>> -> memref<128xi32, #tpu.memory_space<vmem>>
    %dma_wait3A_121 = arith.constant 0 : i32
    %dma_wait3A_122 = arith.constant 0 : i32
    %dma_wait3A_123 = tpu.memref_slice %arg11[%dma_wait3A_121, %dma_wait3A_122] : memref<10016x128xf32, #tpu.memory_space<vmem_shared>> -> memref<10016x128xf32, #tpu.memory_space<vmem_shared>>
    tpu.wait_indirect_dma semaphore(%arg15 : memref<!tpu.dma_semaphore, #tpu.memory_space<semaphore_mem>>) src(%arg10 : memref<128x128xf32, #tpu.memory_space<vmem>>) dst(%dma_wait3A_123 : memref<10016x128xf32, #tpu.memory_space<vmem_shared>>)
    %dma_start3A_124 = arith.constant 3 : i32
    %dma_start3A_125 = arith.constant 0 : i32
    %dma_start3A_126 = arith.constant 0 : i32
    %dma_start3A_127 = tpu.memref_slice %arg10[%dma_start3A_125, %dma_start3A_126] : memref<128x128xf32, #tpu.memory_space<vmem>> -> memref<64x128xf32, #tpu.memory_space<vmem>>
    %dma_start3A_128 = arith.constant 0 : i32
    %dma_start3A_129 = tpu.memref_slice %arg7[%dma_start3A_124, %dma_start3A_128] : memref<80x128xi32, #tpu.memory_space<vmem>> -> memref<1x64xi32, #tpu.memory_space<vmem>>
    %dma_start3A_130 = tpu.memref_squeeze %dma_start3A_129 : memref<1x64xi32, #tpu.memory_space<vmem>> -> memref<64xi32, #tpu.memory_space<vmem>>
    %dma_start3A_131 = arith.constant 0 : i32
    %dma_start3A_132 = arith.constant 0 : i32
    %dma_start3A_133 = tpu.memref_slice %arg2[%dma_start3A_131, %dma_start3A_132] : memref<20000x128xf32, #tpu.memory_space<hbm>> -> memref<20000x128xf32, #tpu.memory_space<hbm>>
    tpu.enqueue_indirect_dma source(%dma_start3A_133 : memref<20000x128xf32, #tpu.memory_space<hbm>>) target(%dma_start3A_127 : memref<64x128xf32, #tpu.memory_space<vmem>>) offsets(%dma_start3A_130 : memref<64xi32, #tpu.memory_space<vmem>>) semaphore(%arg13 : memref<!tpu.dma_semaphore, #tpu.memory_space<semaphore_mem>>)
    %dma_start3A_134 = arith.constant 3 : i32
    %dma_start3A_135 = arith.constant 64 : i32
    %dma_start3A_136 = arith.constant 0 : i32
    %dma_start3A_137 = tpu.memref_slice %arg10[%dma_start3A_135, %dma_start3A_136] : memref<128x128xf32, #tpu.memory_space<vmem>> -> memref<64x128xf32, #tpu.memory_space<vmem>>
    %dma_start3A_138 = arith.constant 64 : i32
    %dma_start3A_139 = tpu.memref_slice %arg7[%dma_start3A_134, %dma_start3A_138] : memref<80x128xi32, #tpu.memory_space<vmem>> -> memref<1x64xi32, #tpu.memory_space<vmem>>
    %dma_start3A_140 = tpu.memref_squeeze %dma_start3A_139 : memref<1x64xi32, #tpu.memory_space<vmem>> -> memref<64xi32, #tpu.memory_space<vmem>>
    %dma_start3A_141 = arith.constant 0 : i32
    %dma_start3A_142 = arith.constant 0 : i32
    %dma_start3A_143 = tpu.memref_slice %arg2[%dma_start3A_141, %dma_start3A_142] : memref<20000x128xf32, #tpu.memory_space<hbm>> -> memref<20000x128xf32, #tpu.memory_space<hbm>>
    tpu.enqueue_indirect_dma source(%dma_start3A_143 : memref<20000x128xf32, #tpu.memory_space<hbm>>) target(%dma_start3A_137 : memref<64x128xf32, #tpu.memory_space<vmem>>) offsets(%dma_start3A_140 : memref<64xi32, #tpu.memory_space<vmem>>) semaphore(%arg13 : memref<!tpu.dma_semaphore, #tpu.memory_space<semaphore_mem>>)
    %dma_wait3A_144 = arith.constant 2 : i32
    %dma_wait3A_145 = arith.constant 0 : i32
    %dma_wait3A_146 = tpu.memref_slice %arg7[%dma_wait3A_144, %dma_wait3A_145] : memref<80x128xi32, #tpu.memory_space<vmem>> -> memref<1x128xi32, #tpu.memory_space<vmem>>
    %dma_wait3A_147 = tpu.memref_squeeze %dma_wait3A_146 : memref<1x128xi32, #tpu.memory_space<vmem>> -> memref<128xi32, #tpu.memory_space<vmem>>
    %dma_wait3A_148 = arith.constant 0 : i32
    %dma_wait3A_149 = arith.constant 0 : i32
    %dma_wait3A_150 = tpu.memref_slice %arg2[%dma_wait3A_148, %dma_wait3A_149] : memref<20000x128xf32, #tpu.memory_space<hbm>> -> memref<20000x128xf32, #tpu.memory_space<hbm>>
    tpu.wait_indirect_dma semaphore(%arg12 : memref<!tpu.dma_semaphore, #tpu.memory_space<semaphore_mem>>) src(%dma_wait3A_150 : memref<20000x128xf32, #tpu.memory_space<hbm>>) dst(%arg9 : memref<128x128xf32, #tpu.memory_space<vmem>>)
    %dma_start3A_151 = arith.constant 2 : i32
    %dma_start3A_152 = arith.constant 0 : i32
    %dma_start3A_153 = tpu.memref_slice %arg8[%dma_start3A_151, %dma_start3A_152] : memref<16x128xi32, #tpu.memory_space<vmem>> -> memref<1x128xi32, #tpu.memory_space<vmem>>
    %dma_start3A_154 = tpu.memref_squeeze %dma_start3A_153 : memref<1x128xi32, #tpu.memory_space<vmem>> -> memref<128xi32, #tpu.memory_space<vmem>>
    %dma_start3A_155 = arith.constant 0 : i32
    %dma_start3A_156 = arith.constant 0 : i32
    %dma_start3A_157 = tpu.memref_slice %arg11[%dma_start3A_155, %dma_start3A_156] : memref<10016x128xf32, #tpu.memory_space<vmem_shared>> -> memref<10016x128xf32, #tpu.memory_space<vmem_shared>>
    tpu.enqueue_indirect_dma source(%arg9 : memref<128x128xf32, #tpu.memory_space<vmem>>) target(%dma_start3A_157 : memref<10016x128xf32, #tpu.memory_space<vmem_shared>>) offsets(%dma_start3A_154 : memref<128xi32, #tpu.memory_space<vmem>>) semaphore(%arg14 : memref<!tpu.dma_semaphore, #tpu.memory_space<semaphore_mem>>) {add = true}
    %dma_wait3A_158 = arith.constant 0 : i32
    %dma_wait3A_159 = arith.constant 0 : i32
    %dma_wait3A_160 = tpu.memref_slice %arg8[%dma_wait3A_158, %dma_wait3A_159] : memref<16x128xi32, #tpu.memory_space<vmem>> -> memref<1x128xi32, #tpu.memory_space<vmem>>
    %dma_wait3A_161 = tpu.memref_squeeze %dma_wait3A_160 : memref<1x128xi32, #tpu.memory_space<vmem>> -> memref<128xi32, #tpu.memory_space<vmem>>
    %dma_wait3A_162 = arith.constant 0 : i32
    %dma_wait3A_163 = arith.constant 0 : i32
    %dma_wait3A_164 = tpu.memref_slice %arg11[%dma_wait3A_162, %dma_wait3A_163] : memref<10016x128xf32, #tpu.memory_space<vmem_shared>> -> memref<10016x128xf32, #tpu.memory_space<vmem_shared>>
    tpu.wait_indirect_dma semaphore(%arg14 : memref<!tpu.dma_semaphore, #tpu.memory_space<semaphore_mem>>) src(%arg9 : memref<128x128xf32, #tpu.memory_space<vmem>>) dst(%dma_wait3A_164 : memref<10016x128xf32, #tpu.memory_space<vmem_shared>>)
    %dma_start3A_165 = arith.constant 4 : i32
    %dma_start3A_166 = arith.constant 0 : i32
    %dma_start3A_167 = arith.constant 0 : i32
    %dma_start3A_168 = tpu.memref_slice %arg9[%dma_start3A_166, %dma_start3A_167] : memref<128x128xf32, #tpu.memory_space<vmem>> -> memref<64x128xf32, #tpu.memory_space<vmem>>
    %dma_start3A_169 = arith.constant 0 : i32
    %dma_start3A_170 = tpu.memref_slice %arg7[%dma_start3A_165, %dma_start3A_169] : memref<80x128xi32, #tpu.memory_space<vmem>> -> memref<1x64xi32, #tpu.memory_space<vmem>>
    %dma_start3A_171 = tpu.memref_squeeze %dma_start3A_170 : memref<1x64xi32, #tpu.memory_space<vmem>> -> memref<64xi32, #tpu.memory_space<vmem>>
    %dma_start3A_172 = arith.constant 0 : i32
    %dma_start3A_173 = arith.constant 0 : i32
    %dma_start3A_174 = tpu.memref_slice %arg2[%dma_start3A_172, %dma_start3A_173] : memref<20000x128xf32, #tpu.memory_space<hbm>> -> memref<20000x128xf32, #tpu.memory_space<hbm>>
    tpu.enqueue_indirect_dma source(%dma_start3A_174 : memref<20000x128xf32, #tpu.memory_space<hbm>>) target(%dma_start3A_168 : memref<64x128xf32, #tpu.memory_space<vmem>>) offsets(%dma_start3A_171 : memref<64xi32, #tpu.memory_space<vmem>>) semaphore(%arg12 : memref<!tpu.dma_semaphore, #tpu.memory_space<semaphore_mem>>)
    %dma_start3A_175 = arith.constant 4 : i32
    %dma_start3A_176 = arith.constant 64 : i32
    %dma_start3A_177 = arith.constant 0 : i32
    %dma_start3A_178 = tpu.memref_slice %arg9[%dma_start3A_176, %dma_start3A_177] : memref<128x128xf32, #tpu.memory_space<vmem>> -> memref<64x128xf32, #tpu.memory_space<vmem>>
    %dma_start3A_179 = arith.constant 64 : i32
    %dma_start3A_180 = tpu.memref_slice %arg7[%dma_start3A_175, %dma_start3A_179] : memref<80x128xi32, #tpu.memory_space<vmem>> -> memref<1x64xi32, #tpu.memory_space<vmem>>
    %dma_start3A_181 = tpu.memref_squeeze %dma_start3A_180 : memref<1x64xi32, #tpu.memory_space<vmem>> -> memref<64xi32, #tpu.memory_space<vmem>>
    %dma_start3A_182 = arith.constant 0 : i32
    %dma_start3A_183 = arith.constant 0 : i32
    %dma_start3A_184 = tpu.memref_slice %arg2[%dma_start3A_182, %dma_start3A_183] : memref<20000x128xf32, #tpu.memory_space<hbm>> -> memref<20000x128xf32, #tpu.memory_space<hbm>>
    tpu.enqueue_indirect_dma source(%dma_start3A_184 : memref<20000x128xf32, #tpu.memory_space<hbm>>) target(%dma_start3A_178 : memref<64x128xf32, #tpu.memory_space<vmem>>) offsets(%dma_start3A_181 : memref<64xi32, #tpu.memory_space<vmem>>) semaphore(%arg12 : memref<!tpu.dma_semaphore, #tpu.memory_space<semaphore_mem>>)
    %dma_wait3A_185 = arith.constant 3 : i32
    %dma_wait3A_186 = arith.constant 0 : i32
    %dma_wait3A_187 = tpu.memref_slice %arg7[%dma_wait3A_185, %dma_wait3A_186] : memref<80x128xi32, #tpu.memory_space<vmem>> -> memref<1x128xi32, #tpu.memory_space<vmem>>
    %dma_wait3A_188 = tpu.memref_squeeze %dma_wait3A_187 : memref<1x128xi32, #tpu.memory_space<vmem>> -> memref<128xi32, #tpu.memory_space<vmem>>
    %dma_wait3A_189 = arith.constant 0 : i32
    %dma_wait3A_190 = arith.constant 0 : i32
    %dma_wait3A_191 = tpu.memref_slice %arg2[%dma_wait3A_189, %dma_wait3A_190] : memref<20000x128xf32, #tpu.memory_space<hbm>> -> memref<20000x128xf32, #tpu.memory_space<hbm>>
    tpu.wait_indirect_dma semaphore(%arg13 : memref<!tpu.dma_semaphore, #tpu.memory_space<semaphore_mem>>) src(%dma_wait3A_191 : memref<20000x128xf32, #tpu.memory_space<hbm>>) dst(%arg10 : memref<128x128xf32, #tpu.memory_space<vmem>>)
    %dma_start3A_192 = arith.constant 3 : i32
    %dma_start3A_193 = arith.constant 0 : i32
    %dma_start3A_194 = tpu.memref_slice %arg8[%dma_start3A_192, %dma_start3A_193] : memref<16x128xi32, #tpu.memory_space<vmem>> -> memref<1x128xi32, #tpu.memory_space<vmem>>
    %dma_start3A_195 = tpu.memref_squeeze %dma_start3A_194 : memref<1x128xi32, #tpu.memory_space<vmem>> -> memref<128xi32, #tpu.memory_space<vmem>>
    %dma_start3A_196 = arith.constant 0 : i32
    %dma_start3A_197 = arith.constant 0 : i32
    %dma_start3A_198 = tpu.memref_slice %arg11[%dma_start3A_196, %dma_start3A_197] : memref<10016x128xf32, #tpu.memory_space<vmem_shared>> -> memref<10016x128xf32, #tpu.memory_space<vmem_shared>>
    tpu.enqueue_indirect_dma source(%arg10 : memref<128x128xf32, #tpu.memory_space<vmem>>) target(%dma_start3A_198 : memref<10016x128xf32, #tpu.memory_space<vmem_shared>>) offsets(%dma_start3A_195 : memref<128xi32, #tpu.memory_space<vmem>>) semaphore(%arg15 : memref<!tpu.dma_semaphore, #tpu.memory_space<semaphore_mem>>) {add = true}
    %dma_wait3A_199 = arith.constant 0 : i32
    %dma_wait3A_200 = arith.constant 0 : i32
    %dma_wait3A_201 = tpu.memref_slice %arg8[%dma_wait3A_199, %dma_wait3A_200] : memref<16x128xi32, #tpu.memory_space<vmem>> -> memref<1x128xi32, #tpu.memory_space<vmem>>
    %dma_wait3A_202 = tpu.memref_squeeze %dma_wait3A_201 : memref<1x128xi32, #tpu.memory_space<vmem>> -> memref<128xi32, #tpu.memory_space<vmem>>
    %dma_wait3A_203 = arith.constant 0 : i32
    %dma_wait3A_204 = arith.constant 0 : i32
    %dma_wait3A_205 = tpu.memref_slice %arg11[%dma_wait3A_203, %dma_wait3A_204] : memref<10016x128xf32, #tpu.memory_space<vmem_shared>> -> memref<10016x128xf32, #tpu.memory_space<vmem_shared>>
    tpu.wait_indirect_dma semaphore(%arg15 : memref<!tpu.dma_semaphore, #tpu.memory_space<semaphore_mem>>) src(%arg10 : memref<128x128xf32, #tpu.memory_space<vmem>>) dst(%dma_wait3A_205 : memref<10016x128xf32, #tpu.memory_space<vmem_shared>>)
    %dma_start3A_206 = arith.constant 5 : i32
    %dma_start3A_207 = arith.constant 0 : i32
    %dma_start3A_208 = arith.constant 0 : i32
    %dma_start3A_209 = tpu.memref_slice %arg10[%dma_start3A_207, %dma_start3A_208] : memref<128x128xf32, #tpu.memory_space<vmem>> -> memref<64x128xf32, #tpu.memory_space<vmem>>
    %dma_start3A_210 = arith.constant 0 : i32
    %dma_start3A_211 = tpu.memref_slice %arg7[%dma_start3A_206, %dma_start3A_210] : memref<80x128xi32, #tpu.memory_space<vmem>> -> memref<1x64xi32, #tpu.memory_space<vmem>>
    %dma_start3A_212 = tpu.memref_squeeze %dma_start3A_211 : memref<1x64xi32, #tpu.memory_space<vmem>> -> memref<64xi32, #tpu.memory_space<vmem>>
    %dma_start3A_213 = arith.constant 0 : i32
    %dma_start3A_214 = arith.constant 0 : i32
    %dma_start3A_215 = tpu.memref_slice %arg2[%dma_start3A_213, %dma_start3A_214] : memref<20000x128xf32, #tpu.memory_space<hbm>> -> memref<20000x128xf32, #tpu.memory_space<hbm>>
    tpu.enqueue_indirect_dma source(%dma_start3A_215 : memref<20000x128xf32, #tpu.memory_space<hbm>>) target(%dma_start3A_209 : memref<64x128xf32, #tpu.memory_space<vmem>>) offsets(%dma_start3A_212 : memref<64xi32, #tpu.memory_space<vmem>>) semaphore(%arg13 : memref<!tpu.dma_semaphore, #tpu.memory_space<semaphore_mem>>)
    %dma_start3A_216 = arith.constant 5 : i32
    %dma_start3A_217 = arith.constant 64 : i32
    %dma_start3A_218 = arith.constant 0 : i32
    %dma_start3A_219 = tpu.memref_slice %arg10[%dma_start3A_217, %dma_start3A_218] : memref<128x128xf32, #tpu.memory_space<vmem>> -> memref<64x128xf32, #tpu.memory_space<vmem>>
    %dma_start3A_220 = arith.constant 64 : i32
    %dma_start3A_221 = tpu.memref_slice %arg7[%dma_start3A_216, %dma_start3A_220] : memref<80x128xi32, #tpu.memory_space<vmem>> -> memref<1x64xi32, #tpu.memory_space<vmem>>
    %dma_start3A_222 = tpu.memref_squeeze %dma_start3A_221 : memref<1x64xi32, #tpu.memory_space<vmem>> -> memref<64xi32, #tpu.memory_space<vmem>>
    %dma_start3A_223 = arith.constant 0 : i32
    %dma_start3A_224 = arith.constant 0 : i32
    %dma_start3A_225 = tpu.memref_slice %arg2[%dma_start3A_223, %dma_start3A_224] : memref<20000x128xf32, #tpu.memory_space<hbm>> -> memref<20000x128xf32, #tpu.memory_space<hbm>>
    tpu.enqueue_indirect_dma source(%dma_start3A_225 : memref<20000x128xf32, #tpu.memory_space<hbm>>) target(%dma_start3A_219 : memref<64x128xf32, #tpu.memory_space<vmem>>) offsets(%dma_start3A_222 : memref<64xi32, #tpu.memory_space<vmem>>) semaphore(%arg13 : memref<!tpu.dma_semaphore, #tpu.memory_space<semaphore_mem>>)
    %dma_wait3A_226 = arith.constant 4 : i32
    %dma_wait3A_227 = arith.constant 0 : i32
    %dma_wait3A_228 = tpu.memref_slice %arg7[%dma_wait3A_226, %dma_wait3A_227] : memref<80x128xi32, #tpu.memory_space<vmem>> -> memref<1x128xi32, #tpu.memory_space<vmem>>
    %dma_wait3A_229 = tpu.memref_squeeze %dma_wait3A_228 : memref<1x128xi32, #tpu.memory_space<vmem>> -> memref<128xi32, #tpu.memory_space<vmem>>
    %dma_wait3A_230 = arith.constant 0 : i32
    %dma_wait3A_231 = arith.constant 0 : i32
    %dma_wait3A_232 = tpu.memref_slice %arg2[%dma_wait3A_230, %dma_wait3A_231] : memref<20000x128xf32, #tpu.memory_space<hbm>> -> memref<20000x128xf32, #tpu.memory_space<hbm>>
    tpu.wait_indirect_dma semaphore(%arg12 : memref<!tpu.dma_semaphore, #tpu.memory_space<semaphore_mem>>) src(%dma_wait3A_232 : memref<20000x128xf32, #tpu.memory_space<hbm>>) dst(%arg9 : memref<128x128xf32, #tpu.memory_space<vmem>>)
    %dma_start3A_233 = arith.constant 4 : i32
    %dma_start3A_234 = arith.constant 0 : i32
    %dma_start3A_235 = tpu.memref_slice %arg8[%dma_start3A_233, %dma_start3A_234] : memref<16x128xi32, #tpu.memory_space<vmem>> -> memref<1x128xi32, #tpu.memory_space<vmem>>
    %dma_start3A_236 = tpu.memref_squeeze %dma_start3A_235 : memref<1x128xi32, #tpu.memory_space<vmem>> -> memref<128xi32, #tpu.memory_space<vmem>>
    %dma_start3A_237 = arith.constant 0 : i32
    %dma_start3A_238 = arith.constant 0 : i32
    %dma_start3A_239 = tpu.memref_slice %arg11[%dma_start3A_237, %dma_start3A_238] : memref<10016x128xf32, #tpu.memory_space<vmem_shared>> -> memref<10016x128xf32, #tpu.memory_space<vmem_shared>>
    tpu.enqueue_indirect_dma source(%arg9 : memref<128x128xf32, #tpu.memory_space<vmem>>) target(%dma_start3A_239 : memref<10016x128xf32, #tpu.memory_space<vmem_shared>>) offsets(%dma_start3A_236 : memref<128xi32, #tpu.memory_space<vmem>>) semaphore(%arg14 : memref<!tpu.dma_semaphore, #tpu.memory_space<semaphore_mem>>) {add = true}
    %dma_wait3A_240 = arith.constant 0 : i32
    %dma_wait3A_241 = arith.constant 0 : i32
    %dma_wait3A_242 = tpu.memref_slice %arg8[%dma_wait3A_240, %dma_wait3A_241] : memref<16x128xi32, #tpu.memory_space<vmem>> -> memref<1x128xi32, #tpu.memory_space<vmem>>
    %dma_wait3A_243 = tpu.memref_squeeze %dma_wait3A_242 : memref<1x128xi32, #tpu.memory_space<vmem>> -> memref<128xi32, #tpu.memory_space<vmem>>
    %dma_wait3A_244 = arith.constant 0 : i32
    %dma_wait3A_245 = arith.constant 0 : i32
    %dma_wait3A_246 = tpu.memref_slice %arg11[%dma_wait3A_244, %dma_wait3A_245] : memref<10016x128xf32, #tpu.memory_space<vmem_shared>> -> memref<10016x128xf32, #tpu.memory_space<vmem_shared>>
    tpu.wait_indirect_dma semaphore(%arg14 : memref<!tpu.dma_semaphore, #tpu.memory_space<semaphore_mem>>) src(%arg9 : memref<128x128xf32, #tpu.memory_space<vmem>>) dst(%dma_wait3A_246 : memref<10016x128xf32, #tpu.memory_space<vmem_shared>>)
    %dma_start3A_247 = arith.constant 6 : i32
    %dma_start3A_248 = arith.constant 0 : i32
    %dma_start3A_249 = arith.constant 0 : i32
    %dma_start3A_250 = tpu.memref_slice %arg9[%dma_start3A_248, %dma_start3A_249] : memref<128x128xf32, #tpu.memory_space<vmem>> -> memref<64x128xf32, #tpu.memory_space<vmem>>
    %dma_start3A_251 = arith.constant 0 : i32
    %dma_start3A_252 = tpu.memref_slice %arg7[%dma_start3A_247, %dma_start3A_251] : memref<80x128xi32, #tpu.memory_space<vmem>> -> memref<1x64xi32, #tpu.memory_space<vmem>>
    %dma_start3A_253 = tpu.memref_squeeze %dma_start3A_252 : memref<1x64xi32, #tpu.memory_space<vmem>> -> memref<64xi32, #tpu.memory_space<vmem>>
    %dma_start3A_254 = arith.constant 0 : i32
    %dma_start3A_255 = arith.constant 0 : i32
    %dma_start3A_256 = tpu.memref_slice %arg2[%dma_start3A_254, %dma_start3A_255] : memref<20000x128xf32, #tpu.memory_space<hbm>> -> memref<20000x128xf32, #tpu.memory_space<hbm>>
    tpu.enqueue_indirect_dma source(%dma_start3A_256 : memref<20000x128xf32, #tpu.memory_space<hbm>>) target(%dma_start3A_250 : memref<64x128xf32, #tpu.memory_space<vmem>>) offsets(%dma_start3A_253 : memref<64xi32, #tpu.memory_space<vmem>>) semaphore(%arg12 : memref<!tpu.dma_semaphore, #tpu.memory_space<semaphore_mem>>)
    %dma_start3A_257 = arith.constant 6 : i32
    %dma_start3A_258 = arith.constant 64 : i32
    %dma_start3A_259 = arith.constant 0 : i32
    %dma_start3A_260 = tpu.memref_slice %arg9[%dma_start3A_258, %dma_start3A_259] : memref<128x128xf32, #tpu.memory_space<vmem>> -> memref<64x128xf32, #tpu.memory_space<vmem>>
    %dma_start3A_261 = arith.constant 64 : i32
    %dma_start3A_262 = tpu.memref_slice %arg7[%dma_start3A_257, %dma_start3A_261] : memref<80x128xi32, #tpu.memory_space<vmem>> -> memref<1x64xi32, #tpu.memory_space<vmem>>
    %dma_start3A_263 = tpu.memref_squeeze %dma_start3A_262 : memref<1x64xi32, #tpu.memory_space<vmem>> -> memref<64xi32, #tpu.memory_space<vmem>>
    %dma_start3A_264 = arith.constant 0 : i32
    %dma_start3A_265 = arith.constant 0 : i32
    %dma_start3A_266 = tpu.memref_slice %arg2[%dma_start3A_264, %dma_start3A_265] : memref<20000x128xf32, #tpu.memory_space<hbm>> -> memref<20000x128xf32, #tpu.memory_space<hbm>>
    tpu.enqueue_indirect_dma source(%dma_start3A_266 : memref<20000x128xf32, #tpu.memory_space<hbm>>) target(%dma_start3A_260 : memref<64x128xf32, #tpu.memory_space<vmem>>) offsets(%dma_start3A_263 : memref<64xi32, #tpu.memory_space<vmem>>) semaphore(%arg12 : memref<!tpu.dma_semaphore, #tpu.memory_space<semaphore_mem>>)
    %dma_wait3A_267 = arith.constant 5 : i32
    %dma_wait3A_268 = arith.constant 0 : i32
    %dma_wait3A_269 = tpu.memref_slice %arg7[%dma_wait3A_267, %dma_wait3A_268] : memref<80x128xi32, #tpu.memory_space<vmem>> -> memref<1x128xi32, #tpu.memory_space<vmem>>
    %dma_wait3A_270 = tpu.memref_squeeze %dma_wait3A_269 : memref<1x128xi32, #tpu.memory_space<vmem>> -> memref<128xi32, #tpu.memory_space<vmem>>
    %dma_wait3A_271 = arith.constant 0 : i32
    %dma_wait3A_272 = arith.constant 0 : i32
    %dma_wait3A_273 = tpu.memref_slice %arg2[%dma_wait3A_271, %dma_wait3A_272] : memref<20000x128xf32, #tpu.memory_space<hbm>> -> memref<20000x128xf32, #tpu.memory_space<hbm>>
    tpu.wait_indirect_dma semaphore(%arg13 : memref<!tpu.dma_semaphore, #tpu.memory_space<semaphore_mem>>) src(%dma_wait3A_273 : memref<20000x128xf32, #tpu.memory_space<hbm>>) dst(%arg10 : memref<128x128xf32, #tpu.memory_space<vmem>>)
    %dma_start3A_274 = arith.constant 5 : i32
    %dma_start3A_275 = arith.constant 0 : i32
    %dma_start3A_276 = tpu.memref_slice %arg8[%dma_start3A_274, %dma_start3A_275] : memref<16x128xi32, #tpu.memory_space<vmem>> -> memref<1x128xi32, #tpu.memory_space<vmem>>
    %dma_start3A_277 = tpu.memref_squeeze %dma_start3A_276 : memref<1x128xi32, #tpu.memory_space<vmem>> -> memref<128xi32, #tpu.memory_space<vmem>>
    %dma_start3A_278 = arith.constant 0 : i32
    %dma_start3A_279 = arith.constant 0 : i32
    %dma_start3A_280 = tpu.memref_slice %arg11[%dma_start3A_278, %dma_start3A_279] : memref<10016x128xf32, #tpu.memory_space<vmem_shared>> -> memref<10016x128xf32, #tpu.memory_space<vmem_shared>>
    tpu.enqueue_indirect_dma source(%arg10 : memref<128x128xf32, #tpu.memory_space<vmem>>) target(%dma_start3A_280 : memref<10016x128xf32, #tpu.memory_space<vmem_shared>>) offsets(%dma_start3A_277 : memref<128xi32, #tpu.memory_space<vmem>>) semaphore(%arg15 : memref<!tpu.dma_semaphore, #tpu.memory_space<semaphore_mem>>) {add = true}
    %dma_wait3A_281 = arith.constant 0 : i32
    %dma_wait3A_282 = arith.constant 0 : i32
    %dma_wait3A_283 = tpu.memref_slice %arg8[%dma_wait3A_281, %dma_wait3A_282] : memref<16x128xi32, #tpu.memory_space<vmem>> -> memref<1x128xi32, #tpu.memory_space<vmem>>
    %dma_wait3A_284 = tpu.memref_squeeze %dma_wait3A_283 : memref<1x128xi32, #tpu.memory_space<vmem>> -> memref<128xi32, #tpu.memory_space<vmem>>
    %dma_wait3A_285 = arith.constant 0 : i32
    %dma_wait3A_286 = arith.constant 0 : i32
    %dma_wait3A_287 = tpu.memref_slice %arg11[%dma_wait3A_285, %dma_wait3A_286] : memref<10016x128xf32, #tpu.memory_space<vmem_shared>> -> memref<10016x128xf32, #tpu.memory_space<vmem_shared>>
    tpu.wait_indirect_dma semaphore(%arg15 : memref<!tpu.dma_semaphore, #tpu.memory_space<semaphore_mem>>) src(%arg10 : memref<128x128xf32, #tpu.memory_space<vmem>>) dst(%dma_wait3A_287 : memref<10016x128xf32, #tpu.memory_space<vmem_shared>>)
    %dma_start3A_288 = arith.constant 7 : i32
    %dma_start3A_289 = arith.constant 0 : i32
    %dma_start3A_290 = arith.constant 0 : i32
    %dma_start3A_291 = tpu.memref_slice %arg10[%dma_start3A_289, %dma_start3A_290] : memref<128x128xf32, #tpu.memory_space<vmem>> -> memref<64x128xf32, #tpu.memory_space<vmem>>
    %dma_start3A_292 = arith.constant 0 : i32
    %dma_start3A_293 = tpu.memref_slice %arg7[%dma_start3A_288, %dma_start3A_292] : memref<80x128xi32, #tpu.memory_space<vmem>> -> memref<1x64xi32, #tpu.memory_space<vmem>>
    %dma_start3A_294 = tpu.memref_squeeze %dma_start3A_293 : memref<1x64xi32, #tpu.memory_space<vmem>> -> memref<64xi32, #tpu.memory_space<vmem>>
    %dma_start3A_295 = arith.constant 0 : i32
    %dma_start3A_296 = arith.constant 0 : i32
    %dma_start3A_297 = tpu.memref_slice %arg2[%dma_start3A_295, %dma_start3A_296] : memref<20000x128xf32, #tpu.memory_space<hbm>> -> memref<20000x128xf32, #tpu.memory_space<hbm>>
    tpu.enqueue_indirect_dma source(%dma_start3A_297 : memref<20000x128xf32, #tpu.memory_space<hbm>>) target(%dma_start3A_291 : memref<64x128xf32, #tpu.memory_space<vmem>>) offsets(%dma_start3A_294 : memref<64xi32, #tpu.memory_space<vmem>>) semaphore(%arg13 : memref<!tpu.dma_semaphore, #tpu.memory_space<semaphore_mem>>)
    %dma_start3A_298 = arith.constant 7 : i32
    %dma_start3A_299 = arith.constant 64 : i32
    %dma_start3A_300 = arith.constant 0 : i32
    %dma_start3A_301 = tpu.memref_slice %arg10[%dma_start3A_299, %dma_start3A_300] : memref<128x128xf32, #tpu.memory_space<vmem>> -> memref<64x128xf32, #tpu.memory_space<vmem>>
    %dma_start3A_302 = arith.constant 64 : i32
    %dma_start3A_303 = tpu.memref_slice %arg7[%dma_start3A_298, %dma_start3A_302] : memref<80x128xi32, #tpu.memory_space<vmem>> -> memref<1x64xi32, #tpu.memory_space<vmem>>
    %dma_start3A_304 = tpu.memref_squeeze %dma_start3A_303 : memref<1x64xi32, #tpu.memory_space<vmem>> -> memref<64xi32, #tpu.memory_space<vmem>>
    %dma_start3A_305 = arith.constant 0 : i32
    %dma_start3A_306 = arith.constant 0 : i32
    %dma_start3A_307 = tpu.memref_slice %arg2[%dma_start3A_305, %dma_start3A_306] : memref<20000x128xf32, #tpu.memory_space<hbm>> -> memref<20000x128xf32, #tpu.memory_space<hbm>>
    tpu.enqueue_indirect_dma source(%dma_start3A_307 : memref<20000x128xf32, #tpu.memory_space<hbm>>) target(%dma_start3A_301 : memref<64x128xf32, #tpu.memory_space<vmem>>) offsets(%dma_start3A_304 : memref<64xi32, #tpu.memory_space<vmem>>) semaphore(%arg13 : memref<!tpu.dma_semaphore, #tpu.memory_space<semaphore_mem>>)
    %dma_wait3A_308 = arith.constant 6 : i32
    %dma_wait3A_309 = arith.constant 0 : i32
    %dma_wait3A_310 = tpu.memref_slice %arg7[%dma_wait3A_308, %dma_wait3A_309] : memref<80x128xi32, #tpu.memory_space<vmem>> -> memref<1x128xi32, #tpu.memory_space<vmem>>
    %dma_wait3A_311 = tpu.memref_squeeze %dma_wait3A_310 : memref<1x128xi32, #tpu.memory_space<vmem>> -> memref<128xi32, #tpu.memory_space<vmem>>
    %dma_wait3A_312 = arith.constant 0 : i32
    %dma_wait3A_313 = arith.constant 0 : i32
    %dma_wait3A_314 = tpu.memref_slice %arg2[%dma_wait3A_312, %dma_wait3A_313] : memref<20000x128xf32, #tpu.memory_space<hbm>> -> memref<20000x128xf32, #tpu.memory_space<hbm>>
    tpu.wait_indirect_dma semaphore(%arg12 : memref<!tpu.dma_semaphore, #tpu.memory_space<semaphore_mem>>) src(%dma_wait3A_314 : memref<20000x128xf32, #tpu.memory_space<hbm>>) dst(%arg9 : memref<128x128xf32, #tpu.memory_space<vmem>>)
    %dma_start3A_315 = arith.constant 6 : i32
    %dma_start3A_316 = arith.constant 0 : i32
    %dma_start3A_317 = tpu.memref_slice %arg8[%dma_start3A_315, %dma_start3A_316] : memref<16x128xi32, #tpu.memory_space<vmem>> -> memref<1x128xi32, #tpu.memory_space<vmem>>
    %dma_start3A_318 = tpu.memref_squeeze %dma_start3A_317 : memref<1x128xi32, #tpu.memory_space<vmem>> -> memref<128xi32, #tpu.memory_space<vmem>>
    %dma_start3A_319 = arith.constant 0 : i32
    %dma_start3A_320 = arith.constant 0 : i32
    %dma_start3A_321 = tpu.memref_slice %arg11[%dma_start3A_319, %dma_start3A_320] : memref<10016x128xf32, #tpu.memory_space<vmem_shared>> -> memref<10016x128xf32, #tpu.memory_space<vmem_shared>>
    tpu.enqueue_indirect_dma source(%arg9 : memref<128x128xf32, #tpu.memory_space<vmem>>) target(%dma_start3A_321 : memref<10016x128xf32, #tpu.memory_space<vmem_shared>>) offsets(%dma_start3A_318 : memref<128xi32, #tpu.memory_space<vmem>>) semaphore(%arg14 : memref<!tpu.dma_semaphore, #tpu.memory_space<semaphore_mem>>) {add = true}
    %dma_wait3A_322 = arith.constant 0 : i32
    %dma_wait3A_323 = arith.constant 0 : i32
    %dma_wait3A_324 = tpu.memref_slice %arg8[%dma_wait3A_322, %dma_wait3A_323] : memref<16x128xi32, #tpu.memory_space<vmem>> -> memref<1x128xi32, #tpu.memory_space<vmem>>
    %dma_wait3A_325 = tpu.memref_squeeze %dma_wait3A_324 : memref<1x128xi32, #tpu.memory_space<vmem>> -> memref<128xi32, #tpu.memory_space<vmem>>
    %dma_wait3A_326 = arith.constant 0 : i32
    %dma_wait3A_327 = arith.constant 0 : i32
    %dma_wait3A_328 = tpu.memref_slice %arg11[%dma_wait3A_326, %dma_wait3A_327] : memref<10016x128xf32, #tpu.memory_space<vmem_shared>> -> memref<10016x128xf32, #tpu.memory_space<vmem_shared>>
    tpu.wait_indirect_dma semaphore(%arg14 : memref<!tpu.dma_semaphore, #tpu.memory_space<semaphore_mem>>) src(%arg9 : memref<128x128xf32, #tpu.memory_space<vmem>>) dst(%dma_wait3A_328 : memref<10016x128xf32, #tpu.memory_space<vmem_shared>>)
    %dma_start3A_329 = arith.constant 8 : i32
    %dma_start3A_330 = arith.constant 0 : i32
    %dma_start3A_331 = arith.constant 0 : i32
    %dma_start3A_332 = tpu.memref_slice %arg9[%dma_start3A_330, %dma_start3A_331] : memref<128x128xf32, #tpu.memory_space<vmem>> -> memref<64x128xf32, #tpu.memory_space<vmem>>
    %dma_start3A_333 = arith.constant 0 : i32
    %dma_start3A_334 = tpu.memref_slice %arg7[%dma_start3A_329, %dma_start3A_333] : memref<80x128xi32, #tpu.memory_space<vmem>> -> memref<1x64xi32, #tpu.memory_space<vmem>>
    %dma_start3A_335 = tpu.memref_squeeze %dma_start3A_334 : memref<1x64xi32, #tpu.memory_space<vmem>> -> memref<64xi32, #tpu.memory_space<vmem>>
    %dma_start3A_336 = arith.constant 0 : i32
    %dma_start3A_337 = arith.constant 0 : i32
    %dma_start3A_338 = tpu.memref_slice %arg2[%dma_start3A_336, %dma_start3A_337] : memref<20000x128xf32, #tpu.memory_space<hbm>> -> memref<20000x128xf32, #tpu.memory_space<hbm>>
    tpu.enqueue_indirect_dma source(%dma_start3A_338 : memref<20000x128xf32, #tpu.memory_space<hbm>>) target(%dma_start3A_332 : memref<64x128xf32, #tpu.memory_space<vmem>>) offsets(%dma_start3A_335 : memref<64xi32, #tpu.memory_space<vmem>>) semaphore(%arg12 : memref<!tpu.dma_semaphore, #tpu.memory_space<semaphore_mem>>)
    %dma_start3A_339 = arith.constant 8 : i32
    %dma_start3A_340 = arith.constant 64 : i32
    %dma_start3A_341 = arith.constant 0 : i32
    %dma_start3A_342 = tpu.memref_slice %arg9[%dma_start3A_340, %dma_start3A_341] : memref<128x128xf32, #tpu.memory_space<vmem>> -> memref<64x128xf32, #tpu.memory_space<vmem>>
    %dma_start3A_343 = arith.constant 64 : i32
    %dma_start3A_344 = tpu.memref_slice %arg7[%dma_start3A_339, %dma_start3A_343] : memref<80x128xi32, #tpu.memory_space<vmem>> -> memref<1x64xi32, #tpu.memory_space<vmem>>
    %dma_start3A_345 = tpu.memref_squeeze %dma_start3A_344 : memref<1x64xi32, #tpu.memory_space<vmem>> -> memref<64xi32, #tpu.memory_space<vmem>>
    %dma_start3A_346 = arith.constant 0 : i32
    %dma_start3A_347 = arith.constant 0 : i32
    %dma_start3A_348 = tpu.memref_slice %arg2[%dma_start3A_346, %dma_start3A_347] : memref<20000x128xf32, #tpu.memory_space<hbm>> -> memref<20000x128xf32, #tpu.memory_space<hbm>>
    tpu.enqueue_indirect_dma source(%dma_start3A_348 : memref<20000x128xf32, #tpu.memory_space<hbm>>) target(%dma_start3A_342 : memref<64x128xf32, #tpu.memory_space<vmem>>) offsets(%dma_start3A_345 : memref<64xi32, #tpu.memory_space<vmem>>) semaphore(%arg12 : memref<!tpu.dma_semaphore, #tpu.memory_space<semaphore_mem>>)
    %dma_wait3A_349 = arith.constant 7 : i32
    %dma_wait3A_350 = arith.constant 0 : i32
    %dma_wait3A_351 = tpu.memref_slice %arg7[%dma_wait3A_349, %dma_wait3A_350] : memref<80x128xi32, #tpu.memory_space<vmem>> -> memref<1x128xi32, #tpu.memory_space<vmem>>
    %dma_wait3A_352 = tpu.memref_squeeze %dma_wait3A_351 : memref<1x128xi32, #tpu.memory_space<vmem>> -> memref<128xi32, #tpu.memory_space<vmem>>
    %dma_wait3A_353 = arith.constant 0 : i32
    %dma_wait3A_354 = arith.constant 0 : i32
    %dma_wait3A_355 = tpu.memref_slice %arg2[%dma_wait3A_353, %dma_wait3A_354] : memref<20000x128xf32, #tpu.memory_space<hbm>> -> memref<20000x128xf32, #tpu.memory_space<hbm>>
    tpu.wait_indirect_dma semaphore(%arg13 : memref<!tpu.dma_semaphore, #tpu.memory_space<semaphore_mem>>) src(%dma_wait3A_355 : memref<20000x128xf32, #tpu.memory_space<hbm>>) dst(%arg10 : memref<128x128xf32, #tpu.memory_space<vmem>>)
    %dma_start3A_356 = arith.constant 7 : i32
    %dma_start3A_357 = arith.constant 0 : i32
    %dma_start3A_358 = tpu.memref_slice %arg8[%dma_start3A_356, %dma_start3A_357] : memref<16x128xi32, #tpu.memory_space<vmem>> -> memref<1x128xi32, #tpu.memory_space<vmem>>
    %dma_start3A_359 = tpu.memref_squeeze %dma_start3A_358 : memref<1x128xi32, #tpu.memory_space<vmem>> -> memref<128xi32, #tpu.memory_space<vmem>>
    %dma_start3A_360 = arith.constant 0 : i32
    %dma_start3A_361 = arith.constant 0 : i32
    %dma_start3A_362 = tpu.memref_slice %arg11[%dma_start3A_360, %dma_start3A_361] : memref<10016x128xf32, #tpu.memory_space<vmem_shared>> -> memref<10016x128xf32, #tpu.memory_space<vmem_shared>>
    tpu.enqueue_indirect_dma source(%arg10 : memref<128x128xf32, #tpu.memory_space<vmem>>) target(%dma_start3A_362 : memref<10016x128xf32, #tpu.memory_space<vmem_shared>>) offsets(%dma_start3A_359 : memref<128xi32, #tpu.memory_space<vmem>>) semaphore(%arg15 : memref<!tpu.dma_semaphore, #tpu.memory_space<semaphore_mem>>) {add = true}
    %dma_wait3A_363 = arith.constant 0 : i32
    %dma_wait3A_364 = arith.constant 0 : i32
    %dma_wait3A_365 = tpu.memref_slice %arg8[%dma_wait3A_363, %dma_wait3A_364] : memref<16x128xi32, #tpu.memory_space<vmem>> -> memref<8x128xi32, #tpu.memory_space<vmem>>
    %dma_wait3A_366 = arith.constant 0 : i32
    %dma_wait3A_367 = arith.constant 0 : i32
    %dma_wait3A_368 = tpu.memref_slice %arg4[%arg1, %dma_wait3A_366, %dma_wait3A_367] : memref<16x80x128xi32, #tpu.memory_space<hbm>> -> memref<1x8x128xi32, #tpu.memory_space<hbm>>
    %dma_wait3A_369 = tpu.memref_squeeze %dma_wait3A_368 : memref<1x8x128xi32, #tpu.memory_space<hbm>> -> memref<8x128xi32, #tpu.memory_space<hbm>>
    %dma_wait3A_370 = arith.constant 0 : i32
    %dma_wait3A_371 = arith.constant 0 : i32
    %dma_wait3A_372 = tpu.memref_slice %arg8[%dma_wait3A_370, %dma_wait3A_371] : memref<16x128xi32, #tpu.memory_space<vmem>> -> memref<8x128xi32, #tpu.memory_space<vmem>>
    %dma_wait3A_373 = arith.constant 0 : i32
    %dma_wait3A_374 = arith.constant 0 : i32
    %dma_wait3A_375 = tpu.memref_slice %arg4[%arg1, %dma_wait3A_373, %dma_wait3A_374] : memref<16x80x128xi32, #tpu.memory_space<hbm>> -> memref<1x8x128xi32, #tpu.memory_space<hbm>>
    %dma_wait3A_376 = tpu.memref_squeeze %dma_wait3A_375 : memref<1x8x128xi32, #tpu.memory_space<hbm>> -> memref<8x128xi32, #tpu.memory_space<hbm>>
    tpu.wait_dma2 semaphore(%arg16 : memref<!tpu.dma_semaphore, #tpu.memory_space<semaphore_mem>>) src(%dma_wait3A_376 : memref<8x128xi32, #tpu.memory_space<hbm>>) dst(%dma_wait3A_372 : memref<8x128xi32, #tpu.memory_space<vmem>>)
    %scan3A = arith.constant 0 : i32
    %scan3A_377 = arith.constant 1 : i32
    %scan3A_378 = arith.constant 8 : i32
    %scan3A_379 = arith.addi %scan3A_377, %scan3A_378 : i32
    %scan3A_380 = arith.constant 1 : i32
    scf.for %scan3A_718 = %scan3A_377 to %scan3A_379 step %scan3A_380  : i32 {
      %mul3A_719 = arith.constant 8 : i32
      %mul3A_720 = arith.muli %scan3A_718, %mul3A_719 : i32
      %add3A_721 = arith.constant 0 : i32
      %add3A_722 = arith.addi %mul3A_720, %add3A_721 : i32
      %dma_wait3A_723 = arith.constant 0 : i32
      %dma_wait3A_724 = arith.constant 0 : i32
      %dma_wait3A_725 = tpu.memref_slice %arg8[%dma_wait3A_723, %dma_wait3A_724] : memref<16x128xi32, #tpu.memory_space<vmem>> -> memref<1x128xi32, #tpu.memory_space<vmem>>
      %dma_wait3A_726 = tpu.memref_squeeze %dma_wait3A_725 : memref<1x128xi32, #tpu.memory_space<vmem>> -> memref<128xi32, #tpu.memory_space<vmem>>
      %dma_wait3A_727 = arith.constant 0 : i32
      %dma_wait3A_728 = arith.constant 0 : i32
      %dma_wait3A_729 = tpu.memref_slice %arg11[%dma_wait3A_727, %dma_wait3A_728] : memref<10016x128xf32, #tpu.memory_space<vmem_shared>> -> memref<10016x128xf32, #tpu.memory_space<vmem_shared>>
      tpu.wait_indirect_dma semaphore(%arg15 : memref<!tpu.dma_semaphore, #tpu.memory_space<semaphore_mem>>) src(%arg10 : memref<128x128xf32, #tpu.memory_space<vmem>>) dst(%dma_wait3A_729 : memref<10016x128xf32, #tpu.memory_space<vmem_shared>>)
      %add3A_730 = arith.constant 1 : i32
      %add3A_731 = arith.addi %add3A_722, %add3A_730 : i32
      %dma_start3A_732 = arith.constant 0 : i32
      %dma_start3A_733 = arith.constant 0 : i32
      %dma_start3A_734 = tpu.memref_slice %arg10[%dma_start3A_732, %dma_start3A_733] : memref<128x128xf32, #tpu.memory_space<vmem>> -> memref<64x128xf32, #tpu.memory_space<vmem>>
      %dma_start3A_735 = arith.constant 0 : i32
      %dma_start3A_736 = tpu.memref_slice %arg7[%add3A_731, %dma_start3A_735] : memref<80x128xi32, #tpu.memory_space<vmem>> -> memref<1x64xi32, #tpu.memory_space<vmem>>
      %dma_start3A_737 = tpu.memref_squeeze %dma_start3A_736 : memref<1x64xi32, #tpu.memory_space<vmem>> -> memref<64xi32, #tpu.memory_space<vmem>>
      %dma_start3A_738 = arith.constant 0 : i32
      %dma_start3A_739 = arith.constant 0 : i32
      %dma_start3A_740 = tpu.memref_slice %arg2[%dma_start3A_738, %dma_start3A_739] : memref<20000x128xf32, #tpu.memory_space<hbm>> -> memref<20000x128xf32, #tpu.memory_space<hbm>>
      tpu.enqueue_indirect_dma source(%dma_start3A_740 : memref<20000x128xf32, #tpu.memory_space<hbm>>) target(%dma_start3A_734 : memref<64x128xf32, #tpu.memory_space<vmem>>) offsets(%dma_start3A_737 : memref<64xi32, #tpu.memory_space<vmem>>) semaphore(%arg13 : memref<!tpu.dma_semaphore, #tpu.memory_space<semaphore_mem>>)
      %add3A_741 = arith.constant 1 : i32
      %add3A_742 = arith.addi %add3A_722, %add3A_741 : i32
      %dma_start3A_743 = arith.constant 64 : i32
      %dma_start3A_744 = arith.constant 0 : i32
      %dma_start3A_745 = tpu.memref_slice %arg10[%dma_start3A_743, %dma_start3A_744] : memref<128x128xf32, #tpu.memory_space<vmem>> -> memref<64x128xf32, #tpu.memory_space<vmem>>
      %dma_start3A_746 = arith.constant 64 : i32
      %dma_start3A_747 = tpu.memref_slice %arg7[%add3A_742, %dma_start3A_746] : memref<80x128xi32, #tpu.memory_space<vmem>> -> memref<1x64xi32, #tpu.memory_space<vmem>>
      %dma_start3A_748 = tpu.memref_squeeze %dma_start3A_747 : memref<1x64xi32, #tpu.memory_space<vmem>> -> memref<64xi32, #tpu.memory_space<vmem>>
      %dma_start3A_749 = arith.constant 0 : i32
      %dma_start3A_750 = arith.constant 0 : i32
      %dma_start3A_751 = tpu.memref_slice %arg2[%dma_start3A_749, %dma_start3A_750] : memref<20000x128xf32, #tpu.memory_space<hbm>> -> memref<20000x128xf32, #tpu.memory_space<hbm>>
      tpu.enqueue_indirect_dma source(%dma_start3A_751 : memref<20000x128xf32, #tpu.memory_space<hbm>>) target(%dma_start3A_745 : memref<64x128xf32, #tpu.memory_space<vmem>>) offsets(%dma_start3A_748 : memref<64xi32, #tpu.memory_space<vmem>>) semaphore(%arg13 : memref<!tpu.dma_semaphore, #tpu.memory_space<semaphore_mem>>)
      %dma_wait3A_752 = arith.constant 0 : i32
      %dma_wait3A_753 = tpu.memref_slice %arg7[%add3A_722, %dma_wait3A_752] : memref<80x128xi32, #tpu.memory_space<vmem>> -> memref<1x128xi32, #tpu.memory_space<vmem>>
      %dma_wait3A_754 = tpu.memref_squeeze %dma_wait3A_753 : memref<1x128xi32, #tpu.memory_space<vmem>> -> memref<128xi32, #tpu.memory_space<vmem>>
      %dma_wait3A_755 = arith.constant 0 : i32
      %dma_wait3A_756 = arith.constant 0 : i32
      %dma_wait3A_757 = tpu.memref_slice %arg2[%dma_wait3A_755, %dma_wait3A_756] : memref<20000x128xf32, #tpu.memory_space<hbm>> -> memref<20000x128xf32, #tpu.memory_space<hbm>>
      tpu.wait_indirect_dma semaphore(%arg12 : memref<!tpu.dma_semaphore, #tpu.memory_space<semaphore_mem>>) src(%dma_wait3A_757 : memref<20000x128xf32, #tpu.memory_space<hbm>>) dst(%arg9 : memref<128x128xf32, #tpu.memory_space<vmem>>)
      %jit3A = arith.constant 2 : i32
      %eq3A = arith.constant 0 : i32
      %eq3A_758 = arith.cmpi eq, %jit3A, %eq3A : i32
      %jit3A_759 = arith.constant 1 : i32
      %select_n3A = arith.select %eq3A_758, %jit3A_759, %jit3A : i32
      %rem3A = arith.remsi %scan3A_718, %select_n3A : i32
      %ne3A = arith.constant 0 : i32
      %ne3A_760 = arith.cmpi ne, %rem3A, %ne3A : i32
      %lt3A = arith.constant 0 : i32
      %lt3A_761 = arith.cmpi slt, %rem3A, %lt3A : i32
      %lt3A_762 = arith.constant 0 : i32
      %lt3A_763 = arith.cmpi slt, %select_n3A, %lt3A_762 : i32
      %ne3A_764 = arith.xori %lt3A_761, %lt3A_763 : i1
      %and3A = arith.andi %ne3A_764, %ne3A_760 : i1
      %add3A_765 = arith.addi %rem3A, %select_n3A : i32
      %select_n3A_766 = arith.select %and3A, %add3A_765, %rem3A : i32
      %mul3A_767 = arith.constant 8 : i32
      %mul3A_768 = arith.muli %select_n3A_766, %mul3A_767 : i32
      %add3A_769 = arith.constant 0 : i32
      %add3A_770 = arith.addi %mul3A_768, %add3A_769 : i32
      %dma_start3A_771 = arith.constant 0 : i32
      %dma_start3A_772 = tpu.memref_slice %arg8[%add3A_770, %dma_start3A_771] : memref<16x128xi32, #tpu.memory_space<vmem>> -> memref<1x128xi32, #tpu.memory_space<vmem>>
      %dma_start3A_773 = tpu.memref_squeeze %dma_start3A_772 : memref<1x128xi32, #tpu.memory_space<vmem>> -> memref<128xi32, #tpu.memory_space<vmem>>
      %dma_start3A_774 = arith.constant 0 : i32
      %dma_start3A_775 = arith.constant 0 : i32
      %dma_start3A_776 = tpu.memref_slice %arg11[%dma_start3A_774, %dma_start3A_775] : memref<10016x128xf32, #tpu.memory_space<vmem_shared>> -> memref<10016x128xf32, #tpu.memory_space<vmem_shared>>
      tpu.enqueue_indirect_dma source(%arg9 : memref<128x128xf32, #tpu.memory_space<vmem>>) target(%dma_start3A_776 : memref<10016x128xf32, #tpu.memory_space<vmem_shared>>) offsets(%dma_start3A_773 : memref<128xi32, #tpu.memory_space<vmem>>) semaphore(%arg14 : memref<!tpu.dma_semaphore, #tpu.memory_space<semaphore_mem>>) {add = true}
      %mul3A_777 = arith.constant 8 : i32
      %mul3A_778 = arith.muli %scan3A_718, %mul3A_777 : i32
      %add3A_779 = arith.constant 1 : i32
      %add3A_780 = arith.addi %mul3A_778, %add3A_779 : i32
      %dma_wait3A_781 = arith.constant 0 : i32
      %dma_wait3A_782 = arith.constant 0 : i32
      %dma_wait3A_783 = tpu.memref_slice %arg8[%dma_wait3A_781, %dma_wait3A_782] : memref<16x128xi32, #tpu.memory_space<vmem>> -> memref<1x128xi32, #tpu.memory_space<vmem>>
      %dma_wait3A_784 = tpu.memref_squeeze %dma_wait3A_783 : memref<1x128xi32, #tpu.memory_space<vmem>> -> memref<128xi32, #tpu.memory_space<vmem>>
      %dma_wait3A_785 = arith.constant 0 : i32
      %dma_wait3A_786 = arith.constant 0 : i32
      %dma_wait3A_787 = tpu.memref_slice %arg11[%dma_wait3A_785, %dma_wait3A_786] : memref<10016x128xf32, #tpu.memory_space<vmem_shared>> -> memref<10016x128xf32, #tpu.memory_space<vmem_shared>>
      tpu.wait_indirect_dma semaphore(%arg14 : memref<!tpu.dma_semaphore, #tpu.memory_space<semaphore_mem>>) src(%arg9 : memref<128x128xf32, #tpu.memory_space<vmem>>) dst(%dma_wait3A_787 : memref<10016x128xf32, #tpu.memory_space<vmem_shared>>)
      %add3A_788 = arith.constant 1 : i32
      %add3A_789 = arith.addi %scan3A_718, %add3A_788 : i32
      %mul3A_790 = arith.constant 8 : i32
      %mul3A_791 = arith.muli %add3A_789, %mul3A_790 : i32
      %add3A_792 = arith.constant 1 : i32
      %add3A_793 = arith.addi %scan3A_718, %add3A_792 : i32
      %jit3A_794 = arith.constant 2 : i32
      %eq3A_795 = arith.constant 0 : i32
      %eq3A_796 = arith.cmpi eq, %jit3A_794, %eq3A_795 : i32
      %jit3A_797 = arith.constant 1 : i32
      %select_n3A_798 = arith.select %eq3A_796, %jit3A_797, %jit3A_794 : i32
      %rem3A_799 = arith.remsi %add3A_793, %select_n3A_798 : i32
      %ne3A_800 = arith.constant 0 : i32
      %ne3A_801 = arith.cmpi ne, %rem3A_799, %ne3A_800 : i32
      %lt3A_802 = arith.constant 0 : i32
      %lt3A_803 = arith.cmpi slt, %rem3A_799, %lt3A_802 : i32
      %lt3A_804 = arith.constant 0 : i32
      %lt3A_805 = arith.cmpi slt, %select_n3A_798, %lt3A_804 : i32
      %ne3A_806 = arith.xori %lt3A_803, %lt3A_805 : i1
      %and3A_807 = arith.andi %ne3A_806, %ne3A_801 : i1
      %add3A_808 = arith.addi %rem3A_799, %select_n3A_798 : i32
      %select_n3A_809 = arith.select %and3A_807, %add3A_808, %rem3A_799 : i32
      %mul3A_810 = arith.constant 8 : i32
      %mul3A_811 = arith.muli %select_n3A_809, %mul3A_810 : i32
      %dma_start3A_812 = arith.constant 0 : i32
      %dma_start3A_813 = tpu.memref_slice %arg8[%mul3A_811, %dma_start3A_812] : memref<16x128xi32, #tpu.memory_space<vmem>> -> memref<8x128xi32, #tpu.memory_space<vmem>>
      %dma_start3A_814 = arith.constant 0 : i32
      %dma_start3A_815 = tpu.memref_slice %arg4[%arg1, %mul3A_791, %dma_start3A_814] : memref<16x80x128xi32, #tpu.memory_space<hbm>> -> memref<1x8x128xi32, #tpu.memory_space<hbm>>
      %dma_start3A_816 = tpu.memref_squeeze %dma_start3A_815 : memref<1x8x128xi32, #tpu.memory_space<hbm>> -> memref<8x128xi32, #tpu.memory_space<hbm>>
      %dma_start3A_817 = arith.constant 0 : i32
      %dma_start3A_818 = tpu.memref_slice %arg8[%mul3A_811, %dma_start3A_817] : memref<16x128xi32, #tpu.memory_space<vmem>> -> memref<8x128xi32, #tpu.memory_space<vmem>>
      %dma_start3A_819 = arith.constant 0 : i32
      %dma_start3A_820 = tpu.memref_slice %arg4[%arg1, %mul3A_791, %dma_start3A_819] : memref<16x80x128xi32, #tpu.memory_space<hbm>> -> memref<1x8x128xi32, #tpu.memory_space<hbm>>
      %dma_start3A_821 = tpu.memref_squeeze %dma_start3A_820 : memref<1x8x128xi32, #tpu.memory_space<hbm>> -> memref<8x128xi32, #tpu.memory_space<hbm>>
      tpu.enqueue_dma source(%dma_start3A_821 : memref<8x128xi32, #tpu.memory_space<hbm>>) target(%dma_start3A_818 : memref<8x128xi32, #tpu.memory_space<vmem>>) target_semaphore(%arg16 : memref<!tpu.dma_semaphore, #tpu.memory_space<semaphore_mem>>)
      %add3A_822 = arith.constant 1 : i32
      %add3A_823 = arith.addi %add3A_780, %add3A_822 : i32
      %dma_start3A_824 = arith.constant 0 : i32
      %dma_start3A_825 = arith.constant 0 : i32
      %dma_start3A_826 = tpu.memref_slice %arg9[%dma_start3A_824, %dma_start3A_825] : memref<128x128xf32, #tpu.memory_space<vmem>> -> memref<64x128xf32, #tpu.memory_space<vmem>>
      %dma_start3A_827 = arith.constant 0 : i32
      %dma_start3A_828 = tpu.memref_slice %arg7[%add3A_823, %dma_start3A_827] : memref<80x128xi32, #tpu.memory_space<vmem>> -> memref<1x64xi32, #tpu.memory_space<vmem>>
      %dma_start3A_829 = tpu.memref_squeeze %dma_start3A_828 : memref<1x64xi32, #tpu.memory_space<vmem>> -> memref<64xi32, #tpu.memory_space<vmem>>
      %dma_start3A_830 = arith.constant 0 : i32
      %dma_start3A_831 = arith.constant 0 : i32
      %dma_start3A_832 = tpu.memref_slice %arg2[%dma_start3A_830, %dma_start3A_831] : memref<20000x128xf32, #tpu.memory_space<hbm>> -> memref<20000x128xf32, #tpu.memory_space<hbm>>
      tpu.enqueue_indirect_dma source(%dma_start3A_832 : memref<20000x128xf32, #tpu.memory_space<hbm>>) target(%dma_start3A_826 : memref<64x128xf32, #tpu.memory_space<vmem>>) offsets(%dma_start3A_829 : memref<64xi32, #tpu.memory_space<vmem>>) semaphore(%arg12 : memref<!tpu.dma_semaphore, #tpu.memory_space<semaphore_mem>>)
      %add3A_833 = arith.constant 1 : i32
      %add3A_834 = arith.addi %add3A_780, %add3A_833 : i32
      %dma_start3A_835 = arith.constant 64 : i32
      %dma_start3A_836 = arith.constant 0 : i32
      %dma_start3A_837 = tpu.memref_slice %arg9[%dma_start3A_835, %dma_start3A_836] : memref<128x128xf32, #tpu.memory_space<vmem>> -> memref<64x128xf32, #tpu.memory_space<vmem>>
      %dma_start3A_838 = arith.constant 64 : i32
      %dma_start3A_839 = tpu.memref_slice %arg7[%add3A_834, %dma_start3A_838] : memref<80x128xi32, #tpu.memory_space<vmem>> -> memref<1x64xi32, #tpu.memory_space<vmem>>
      %dma_start3A_840 = tpu.memref_squeeze %dma_start3A_839 : memref<1x64xi32, #tpu.memory_space<vmem>> -> memref<64xi32, #tpu.memory_space<vmem>>
      %dma_start3A_841 = arith.constant 0 : i32
      %dma_start3A_842 = arith.constant 0 : i32
      %dma_start3A_843 = tpu.memref_slice %arg2[%dma_start3A_841, %dma_start3A_842] : memref<20000x128xf32, #tpu.memory_space<hbm>> -> memref<20000x128xf32, #tpu.memory_space<hbm>>
      tpu.enqueue_indirect_dma source(%dma_start3A_843 : memref<20000x128xf32, #tpu.memory_space<hbm>>) target(%dma_start3A_837 : memref<64x128xf32, #tpu.memory_space<vmem>>) offsets(%dma_start3A_840 : memref<64xi32, #tpu.memory_space<vmem>>) semaphore(%arg12 : memref<!tpu.dma_semaphore, #tpu.memory_space<semaphore_mem>>)
      %dma_wait3A_844 = arith.constant 0 : i32
      %dma_wait3A_845 = tpu.memref_slice %arg7[%add3A_780, %dma_wait3A_844] : memref<80x128xi32, #tpu.memory_space<vmem>> -> memref<1x128xi32, #tpu.memory_space<vmem>>
      %dma_wait3A_846 = tpu.memref_squeeze %dma_wait3A_845 : memref<1x128xi32, #tpu.memory_space<vmem>> -> memref<128xi32, #tpu.memory_space<vmem>>
      %dma_wait3A_847 = arith.constant 0 : i32
      %dma_wait3A_848 = arith.constant 0 : i32
      %dma_wait3A_849 = tpu.memref_slice %arg2[%dma_wait3A_847, %dma_wait3A_848] : memref<20000x128xf32, #tpu.memory_space<hbm>> -> memref<20000x128xf32, #tpu.memory_space<hbm>>
      tpu.wait_indirect_dma semaphore(%arg13 : memref<!tpu.dma_semaphore, #tpu.memory_space<semaphore_mem>>) src(%dma_wait3A_849 : memref<20000x128xf32, #tpu.memory_space<hbm>>) dst(%arg10 : memref<128x128xf32, #tpu.memory_space<vmem>>)
      %jit3A_850 = arith.constant 2 : i32
      %eq3A_851 = arith.constant 0 : i32
      %eq3A_852 = arith.cmpi eq, %jit3A_850, %eq3A_851 : i32
      %jit3A_853 = arith.constant 1 : i32
      %select_n3A_854 = arith.select %eq3A_852, %jit3A_853, %jit3A_850 : i32
      %rem3A_855 = arith.remsi %scan3A_718, %select_n3A_854 : i32
      %ne3A_856 = arith.constant 0 : i32
      %ne3A_857 = arith.cmpi ne, %rem3A_855, %ne3A_856 : i32
      %lt3A_858 = arith.constant 0 : i32
      %lt3A_859 = arith.cmpi slt, %rem3A_855, %lt3A_858 : i32
      %lt3A_860 = arith.constant 0 : i32
      %lt3A_861 = arith.cmpi slt, %select_n3A_854, %lt3A_860 : i32
      %ne3A_862 = arith.xori %lt3A_859, %lt3A_861 : i1
      %and3A_863 = arith.andi %ne3A_862, %ne3A_857 : i1
      %add3A_864 = arith.addi %rem3A_855, %select_n3A_854 : i32
      %select_n3A_865 = arith.select %and3A_863, %add3A_864, %rem3A_855 : i32
      %mul3A_866 = arith.constant 8 : i32
      %mul3A_867 = arith.muli %select_n3A_865, %mul3A_866 : i32
      %add3A_868 = arith.constant 1 : i32
      %add3A_869 = arith.addi %mul3A_867, %add3A_868 : i32
      %dma_start3A_870 = arith.constant 0 : i32
      %dma_start3A_871 = tpu.memref_slice %arg8[%add3A_869, %dma_start3A_870] : memref<16x128xi32, #tpu.memory_space<vmem>> -> memref<1x128xi32, #tpu.memory_space<vmem>>
      %dma_start3A_872 = tpu.memref_squeeze %dma_start3A_871 : memref<1x128xi32, #tpu.memory_space<vmem>> -> memref<128xi32, #tpu.memory_space<vmem>>
      %dma_start3A_873 = arith.constant 0 : i32
      %dma_start3A_874 = arith.constant 0 : i32
      %dma_start3A_875 = tpu.memref_slice %arg11[%dma_start3A_873, %dma_start3A_874] : memref<10016x128xf32, #tpu.memory_space<vmem_shared>> -> memref<10016x128xf32, #tpu.memory_space<vmem_shared>>
      tpu.enqueue_indirect_dma source(%arg10 : memref<128x128xf32, #tpu.memory_space<vmem>>) target(%dma_start3A_875 : memref<10016x128xf32, #tpu.memory_space<vmem_shared>>) offsets(%dma_start3A_872 : memref<128xi32, #tpu.memory_space<vmem>>) semaphore(%arg15 : memref<!tpu.dma_semaphore, #tpu.memory_space<semaphore_mem>>) {add = true}
      %mul3A_876 = arith.constant 8 : i32
      %mul3A_877 = arith.muli %scan3A_718, %mul3A_876 : i32
      %add3A_878 = arith.constant 2 : i32
      %add3A_879 = arith.addi %mul3A_877, %add3A_878 : i32
      %dma_wait3A_880 = arith.constant 0 : i32
      %dma_wait3A_881 = arith.constant 0 : i32
      %dma_wait3A_882 = tpu.memref_slice %arg8[%dma_wait3A_880, %dma_wait3A_881] : memref<16x128xi32, #tpu.memory_space<vmem>> -> memref<1x128xi32, #tpu.memory_space<vmem>>
      %dma_wait3A_883 = tpu.memref_squeeze %dma_wait3A_882 : memref<1x128xi32, #tpu.memory_space<vmem>> -> memref<128xi32, #tpu.memory_space<vmem>>
      %dma_wait3A_884 = arith.constant 0 : i32
      %dma_wait3A_885 = arith.constant 0 : i32
      %dma_wait3A_886 = tpu.memref_slice %arg11[%dma_wait3A_884, %dma_wait3A_885] : memref<10016x128xf32, #tpu.memory_space<vmem_shared>> -> memref<10016x128xf32, #tpu.memory_space<vmem_shared>>
      tpu.wait_indirect_dma semaphore(%arg15 : memref<!tpu.dma_semaphore, #tpu.memory_space<semaphore_mem>>) src(%arg10 : memref<128x128xf32, #tpu.memory_space<vmem>>) dst(%dma_wait3A_886 : memref<10016x128xf32, #tpu.memory_space<vmem_shared>>)
      %add3A_887 = arith.constant 1 : i32
      %add3A_888 = arith.addi %add3A_879, %add3A_887 : i32
      %dma_start3A_889 = arith.constant 0 : i32
      %dma_start3A_890 = arith.constant 0 : i32
      %dma_start3A_891 = tpu.memref_slice %arg10[%dma_start3A_889, %dma_start3A_890] : memref<128x128xf32, #tpu.memory_space<vmem>> -> memref<64x128xf32, #tpu.memory_space<vmem>>
      %dma_start3A_892 = arith.constant 0 : i32
      %dma_start3A_893 = tpu.memref_slice %arg7[%add3A_888, %dma_start3A_892] : memref<80x128xi32, #tpu.memory_space<vmem>> -> memref<1x64xi32, #tpu.memory_space<vmem>>
      %dma_start3A_894 = tpu.memref_squeeze %dma_start3A_893 : memref<1x64xi32, #tpu.memory_space<vmem>> -> memref<64xi32, #tpu.memory_space<vmem>>
      %dma_start3A_895 = arith.constant 0 : i32
      %dma_start3A_896 = arith.constant 0 : i32
      %dma_start3A_897 = tpu.memref_slice %arg2[%dma_start3A_895, %dma_start3A_896] : memref<20000x128xf32, #tpu.memory_space<hbm>> -> memref<20000x128xf32, #tpu.memory_space<hbm>>
      tpu.enqueue_indirect_dma source(%dma_start3A_897 : memref<20000x128xf32, #tpu.memory_space<hbm>>) target(%dma_start3A_891 : memref<64x128xf32, #tpu.memory_space<vmem>>) offsets(%dma_start3A_894 : memref<64xi32, #tpu.memory_space<vmem>>) semaphore(%arg13 : memref<!tpu.dma_semaphore, #tpu.memory_space<semaphore_mem>>)
      %add3A_898 = arith.constant 1 : i32
      %add3A_899 = arith.addi %add3A_879, %add3A_898 : i32
      %dma_start3A_900 = arith.constant 64 : i32
      %dma_start3A_901 = arith.constant 0 : i32
      %dma_start3A_902 = tpu.memref_slice %arg10[%dma_start3A_900, %dma_start3A_901] : memref<128x128xf32, #tpu.memory_space<vmem>> -> memref<64x128xf32, #tpu.memory_space<vmem>>
      %dma_start3A_903 = arith.constant 64 : i32
      %dma_start3A_904 = tpu.memref_slice %arg7[%add3A_899, %dma_start3A_903] : memref<80x128xi32, #tpu.memory_space<vmem>> -> memref<1x64xi32, #tpu.memory_space<vmem>>
      %dma_start3A_905 = tpu.memref_squeeze %dma_start3A_904 : memref<1x64xi32, #tpu.memory_space<vmem>> -> memref<64xi32, #tpu.memory_space<vmem>>
      %dma_start3A_906 = arith.constant 0 : i32
      %dma_start3A_907 = arith.constant 0 : i32
      %dma_start3A_908 = tpu.memref_slice %arg2[%dma_start3A_906, %dma_start3A_907] : memref<20000x128xf32, #tpu.memory_space<hbm>> -> memref<20000x128xf32, #tpu.memory_space<hbm>>
      tpu.enqueue_indirect_dma source(%dma_start3A_908 : memref<20000x128xf32, #tpu.memory_space<hbm>>) target(%dma_start3A_902 : memref<64x128xf32, #tpu.memory_space<vmem>>) offsets(%dma_start3A_905 : memref<64xi32, #tpu.memory_space<vmem>>) semaphore(%arg13 : memref<!tpu.dma_semaphore, #tpu.memory_space<semaphore_mem>>)
      %dma_wait3A_909 = arith.constant 0 : i32
      %dma_wait3A_910 = tpu.memref_slice %arg7[%add3A_879, %dma_wait3A_909] : memref<80x128xi32, #tpu.memory_space<vmem>> -> memref<1x128xi32, #tpu.memory_space<vmem>>
      %dma_wait3A_911 = tpu.memref_squeeze %dma_wait3A_910 : memref<1x128xi32, #tpu.memory_space<vmem>> -> memref<128xi32, #tpu.memory_space<vmem>>
      %dma_wait3A_912 = arith.constant 0 : i32
      %dma_wait3A_913 = arith.constant 0 : i32
      %dma_wait3A_914 = tpu.memref_slice %arg2[%dma_wait3A_912, %dma_wait3A_913] : memref<20000x128xf32, #tpu.memory_space<hbm>> -> memref<20000x128xf32, #tpu.memory_space<hbm>>
      tpu.wait_indirect_dma semaphore(%arg12 : memref<!tpu.dma_semaphore, #tpu.memory_space<semaphore_mem>>) src(%dma_wait3A_914 : memref<20000x128xf32, #tpu.memory_space<hbm>>) dst(%arg9 : memref<128x128xf32, #tpu.memory_space<vmem>>)
      %jit3A_915 = arith.constant 2 : i32
      %eq3A_916 = arith.constant 0 : i32
      %eq3A_917 = arith.cmpi eq, %jit3A_915, %eq3A_916 : i32
      %jit3A_918 = arith.constant 1 : i32
      %select_n3A_919 = arith.select %eq3A_917, %jit3A_918, %jit3A_915 : i32
      %rem3A_920 = arith.remsi %scan3A_718, %select_n3A_919 : i32
      %ne3A_921 = arith.constant 0 : i32
      %ne3A_922 = arith.cmpi ne, %rem3A_920, %ne3A_921 : i32
      %lt3A_923 = arith.constant 0 : i32
      %lt3A_924 = arith.cmpi slt, %rem3A_920, %lt3A_923 : i32
      %lt3A_925 = arith.constant 0 : i32
      %lt3A_926 = arith.cmpi slt, %select_n3A_919, %lt3A_925 : i32
      %ne3A_927 = arith.xori %lt3A_924, %lt3A_926 : i1
      %and3A_928 = arith.andi %ne3A_927, %ne3A_922 : i1
      %add3A_929 = arith.addi %rem3A_920, %select_n3A_919 : i32
      %select_n3A_930 = arith.select %and3A_928, %add3A_929, %rem3A_920 : i32
      %mul3A_931 = arith.constant 8 : i32
      %mul3A_932 = arith.muli %select_n3A_930, %mul3A_931 : i32
      %add3A_933 = arith.constant 2 : i32
      %add3A_934 = arith.addi %mul3A_932, %add3A_933 : i32
      %dma_start3A_935 = arith.constant 0 : i32
      %dma_start3A_936 = tpu.memref_slice %arg8[%add3A_934, %dma_start3A_935] : memref<16x128xi32, #tpu.memory_space<vmem>> -> memref<1x128xi32, #tpu.memory_space<vmem>>
      %dma_start3A_937 = tpu.memref_squeeze %dma_start3A_936 : memref<1x128xi32, #tpu.memory_space<vmem>> -> memref<128xi32, #tpu.memory_space<vmem>>
      %dma_start3A_938 = arith.constant 0 : i32
      %dma_start3A_939 = arith.constant 0 : i32
      %dma_start3A_940 = tpu.memref_slice %arg11[%dma_start3A_938, %dma_start3A_939] : memref<10016x128xf32, #tpu.memory_space<vmem_shared>> -> memref<10016x128xf32, #tpu.memory_space<vmem_shared>>
      tpu.enqueue_indirect_dma source(%arg9 : memref<128x128xf32, #tpu.memory_space<vmem>>) target(%dma_start3A_940 : memref<10016x128xf32, #tpu.memory_space<vmem_shared>>) offsets(%dma_start3A_937 : memref<128xi32, #tpu.memory_space<vmem>>) semaphore(%arg14 : memref<!tpu.dma_semaphore, #tpu.memory_space<semaphore_mem>>) {add = true}
      %mul3A_941 = arith.constant 8 : i32
      %mul3A_942 = arith.muli %scan3A_718, %mul3A_941 : i32
      %add3A_943 = arith.constant 3 : i32
      %add3A_944 = arith.addi %mul3A_942, %add3A_943 : i32
      %dma_wait3A_945 = arith.constant 0 : i32
      %dma_wait3A_946 = arith.constant 0 : i32
      %dma_wait3A_947 = tpu.memref_slice %arg8[%dma_wait3A_945, %dma_wait3A_946] : memref<16x128xi32, #tpu.memory_space<vmem>> -> memref<1x128xi32, #tpu.memory_space<vmem>>
      %dma_wait3A_948 = tpu.memref_squeeze %dma_wait3A_947 : memref<1x128xi32, #tpu.memory_space<vmem>> -> memref<128xi32, #tpu.memory_space<vmem>>
      %dma_wait3A_949 = arith.constant 0 : i32
      %dma_wait3A_950 = arith.constant 0 : i32
      %dma_wait3A_951 = tpu.memref_slice %arg11[%dma_wait3A_949, %dma_wait3A_950] : memref<10016x128xf32, #tpu.memory_space<vmem_shared>> -> memref<10016x128xf32, #tpu.memory_space<vmem_shared>>
      tpu.wait_indirect_dma semaphore(%arg14 : memref<!tpu.dma_semaphore, #tpu.memory_space<semaphore_mem>>) src(%arg9 : memref<128x128xf32, #tpu.memory_space<vmem>>) dst(%dma_wait3A_951 : memref<10016x128xf32, #tpu.memory_space<vmem_shared>>)
      %add3A_952 = arith.constant 1 : i32
      %add3A_953 = arith.addi %add3A_944, %add3A_952 : i32
      %dma_start3A_954 = arith.constant 0 : i32
      %dma_start3A_955 = arith.constant 0 : i32
      %dma_start3A_956 = tpu.memref_slice %arg9[%dma_start3A_954, %dma_start3A_955] : memref<128x128xf32, #tpu.memory_space<vmem>> -> memref<64x128xf32, #tpu.memory_space<vmem>>
      %dma_start3A_957 = arith.constant 0 : i32
      %dma_start3A_958 = tpu.memref_slice %arg7[%add3A_953, %dma_start3A_957] : memref<80x128xi32, #tpu.memory_space<vmem>> -> memref<1x64xi32, #tpu.memory_space<vmem>>
      %dma_start3A_959 = tpu.memref_squeeze %dma_start3A_958 : memref<1x64xi32, #tpu.memory_space<vmem>> -> memref<64xi32, #tpu.memory_space<vmem>>
      %dma_start3A_960 = arith.constant 0 : i32
      %dma_start3A_961 = arith.constant 0 : i32
      %dma_start3A_962 = tpu.memref_slice %arg2[%dma_start3A_960, %dma_start3A_961] : memref<20000x128xf32, #tpu.memory_space<hbm>> -> memref<20000x128xf32, #tpu.memory_space<hbm>>
      tpu.enqueue_indirect_dma source(%dma_start3A_962 : memref<20000x128xf32, #tpu.memory_space<hbm>>) target(%dma_start3A_956 : memref<64x128xf32, #tpu.memory_space<vmem>>) offsets(%dma_start3A_959 : memref<64xi32, #tpu.memory_space<vmem>>) semaphore(%arg12 : memref<!tpu.dma_semaphore, #tpu.memory_space<semaphore_mem>>)
      %add3A_963 = arith.constant 1 : i32
      %add3A_964 = arith.addi %add3A_944, %add3A_963 : i32
      %dma_start3A_965 = arith.constant 64 : i32
      %dma_start3A_966 = arith.constant 0 : i32
      %dma_start3A_967 = tpu.memref_slice %arg9[%dma_start3A_965, %dma_start3A_966] : memref<128x128xf32, #tpu.memory_space<vmem>> -> memref<64x128xf32, #tpu.memory_space<vmem>>
      %dma_start3A_968 = arith.constant 64 : i32
      %dma_start3A_969 = tpu.memref_slice %arg7[%add3A_964, %dma_start3A_968] : memref<80x128xi32, #tpu.memory_space<vmem>> -> memref<1x64xi32, #tpu.memory_space<vmem>>
      %dma_start3A_970 = tpu.memref_squeeze %dma_start3A_969 : memref<1x64xi32, #tpu.memory_space<vmem>> -> memref<64xi32, #tpu.memory_space<vmem>>
      %dma_start3A_971 = arith.constant 0 : i32
      %dma_start3A_972 = arith.constant 0 : i32
      %dma_start3A_973 = tpu.memref_slice %arg2[%dma_start3A_971, %dma_start3A_972] : memref<20000x128xf32, #tpu.memory_space<hbm>> -> memref<20000x128xf32, #tpu.memory_space<hbm>>
      tpu.enqueue_indirect_dma source(%dma_start3A_973 : memref<20000x128xf32, #tpu.memory_space<hbm>>) target(%dma_start3A_967 : memref<64x128xf32, #tpu.memory_space<vmem>>) offsets(%dma_start3A_970 : memref<64xi32, #tpu.memory_space<vmem>>) semaphore(%arg12 : memref<!tpu.dma_semaphore, #tpu.memory_space<semaphore_mem>>)
      %dma_wait3A_974 = arith.constant 0 : i32
      %dma_wait3A_975 = tpu.memref_slice %arg7[%add3A_944, %dma_wait3A_974] : memref<80x128xi32, #tpu.memory_space<vmem>> -> memref<1x128xi32, #tpu.memory_space<vmem>>
      %dma_wait3A_976 = tpu.memref_squeeze %dma_wait3A_975 : memref<1x128xi32, #tpu.memory_space<vmem>> -> memref<128xi32, #tpu.memory_space<vmem>>
      %dma_wait3A_977 = arith.constant 0 : i32
      %dma_wait3A_978 = arith.constant 0 : i32
      %dma_wait3A_979 = tpu.memref_slice %arg2[%dma_wait3A_977, %dma_wait3A_978] : memref<20000x128xf32, #tpu.memory_space<hbm>> -> memref<20000x128xf32, #tpu.memory_space<hbm>>
      tpu.wait_indirect_dma semaphore(%arg13 : memref<!tpu.dma_semaphore, #tpu.memory_space<semaphore_mem>>) src(%dma_wait3A_979 : memref<20000x128xf32, #tpu.memory_space<hbm>>) dst(%arg10 : memref<128x128xf32, #tpu.memory_space<vmem>>)
      %jit3A_980 = arith.constant 2 : i32
      %eq3A_981 = arith.constant 0 : i32
      %eq3A_982 = arith.cmpi eq, %jit3A_980, %eq3A_981 : i32
      %jit3A_983 = arith.constant 1 : i32
      %select_n3A_984 = arith.select %eq3A_982, %jit3A_983, %jit3A_980 : i32
      %rem3A_985 = arith.remsi %scan3A_718, %select_n3A_984 : i32
      %ne3A_986 = arith.constant 0 : i32
      %ne3A_987 = arith.cmpi ne, %rem3A_985, %ne3A_986 : i32
      %lt3A_988 = arith.constant 0 : i32
      %lt3A_989 = arith.cmpi slt, %rem3A_985, %lt3A_988 : i32
      %lt3A_990 = arith.constant 0 : i32
      %lt3A_991 = arith.cmpi slt, %select_n3A_984, %lt3A_990 : i32
      %ne3A_992 = arith.xori %lt3A_989, %lt3A_991 : i1
      %and3A_993 = arith.andi %ne3A_992, %ne3A_987 : i1
      %add3A_994 = arith.addi %rem3A_985, %select_n3A_984 : i32
      %select_n3A_995 = arith.select %and3A_993, %add3A_994, %rem3A_985 : i32
      %mul3A_996 = arith.constant 8 : i32
      %mul3A_997 = arith.muli %select_n3A_995, %mul3A_996 : i32
      %add3A_998 = arith.constant 3 : i32
      %add3A_999 = arith.addi %mul3A_997, %add3A_998 : i32
      %dma_start3A_1000 = arith.constant 0 : i32
      %dma_start3A_1001 = tpu.memref_slice %arg8[%add3A_999, %dma_start3A_1000] : memref<16x128xi32, #tpu.memory_space<vmem>> -> memref<1x128xi32, #tpu.memory_space<vmem>>
      %dma_start3A_1002 = tpu.memref_squeeze %dma_start3A_1001 : memref<1x128xi32, #tpu.memory_space<vmem>> -> memref<128xi32, #tpu.memory_space<vmem>>
      %dma_start3A_1003 = arith.constant 0 : i32
      %dma_start3A_1004 = arith.constant 0 : i32
      %dma_start3A_1005 = tpu.memref_slice %arg11[%dma_start3A_1003, %dma_start3A_1004] : memref<10016x128xf32, #tpu.memory_space<vmem_shared>> -> memref<10016x128xf32, #tpu.memory_space<vmem_shared>>
      tpu.enqueue_indirect_dma source(%arg10 : memref<128x128xf32, #tpu.memory_space<vmem>>) target(%dma_start3A_1005 : memref<10016x128xf32, #tpu.memory_space<vmem_shared>>) offsets(%dma_start3A_1002 : memref<128xi32, #tpu.memory_space<vmem>>) semaphore(%arg15 : memref<!tpu.dma_semaphore, #tpu.memory_space<semaphore_mem>>) {add = true}
      %mul3A_1006 = arith.constant 8 : i32
      %mul3A_1007 = arith.muli %scan3A_718, %mul3A_1006 : i32
      %add3A_1008 = arith.constant 4 : i32
      %add3A_1009 = arith.addi %mul3A_1007, %add3A_1008 : i32
      %dma_wait3A_1010 = arith.constant 0 : i32
      %dma_wait3A_1011 = arith.constant 0 : i32
      %dma_wait3A_1012 = tpu.memref_slice %arg8[%dma_wait3A_1010, %dma_wait3A_1011] : memref<16x128xi32, #tpu.memory_space<vmem>> -> memref<1x128xi32, #tpu.memory_space<vmem>>
      %dma_wait3A_1013 = tpu.memref_squeeze %dma_wait3A_1012 : memref<1x128xi32, #tpu.memory_space<vmem>> -> memref<128xi32, #tpu.memory_space<vmem>>
      %dma_wait3A_1014 = arith.constant 0 : i32
      %dma_wait3A_1015 = arith.constant 0 : i32
      %dma_wait3A_1016 = tpu.memref_slice %arg11[%dma_wait3A_1014, %dma_wait3A_1015] : memref<10016x128xf32, #tpu.memory_space<vmem_shared>> -> memref<10016x128xf32, #tpu.memory_space<vmem_shared>>
      tpu.wait_indirect_dma semaphore(%arg15 : memref<!tpu.dma_semaphore, #tpu.memory_space<semaphore_mem>>) src(%arg10 : memref<128x128xf32, #tpu.memory_space<vmem>>) dst(%dma_wait3A_1016 : memref<10016x128xf32, #tpu.memory_space<vmem_shared>>)
      %add3A_1017 = arith.constant 1 : i32
      %add3A_1018 = arith.addi %add3A_1009, %add3A_1017 : i32
      %dma_start3A_1019 = arith.constant 0 : i32
      %dma_start3A_1020 = arith.constant 0 : i32
      %dma_start3A_1021 = tpu.memref_slice %arg10[%dma_start3A_1019, %dma_start3A_1020] : memref<128x128xf32, #tpu.memory_space<vmem>> -> memref<64x128xf32, #tpu.memory_space<vmem>>
      %dma_start3A_1022 = arith.constant 0 : i32
      %dma_start3A_1023 = tpu.memref_slice %arg7[%add3A_1018, %dma_start3A_1022] : memref<80x128xi32, #tpu.memory_space<vmem>> -> memref<1x64xi32, #tpu.memory_space<vmem>>
      %dma_start3A_1024 = tpu.memref_squeeze %dma_start3A_1023 : memref<1x64xi32, #tpu.memory_space<vmem>> -> memref<64xi32, #tpu.memory_space<vmem>>
      %dma_start3A_1025 = arith.constant 0 : i32
      %dma_start3A_1026 = arith.constant 0 : i32
      %dma_start3A_1027 = tpu.memref_slice %arg2[%dma_start3A_1025, %dma_start3A_1026] : memref<20000x128xf32, #tpu.memory_space<hbm>> -> memref<20000x128xf32, #tpu.memory_space<hbm>>
      tpu.enqueue_indirect_dma source(%dma_start3A_1027 : memref<20000x128xf32, #tpu.memory_space<hbm>>) target(%dma_start3A_1021 : memref<64x128xf32, #tpu.memory_space<vmem>>) offsets(%dma_start3A_1024 : memref<64xi32, #tpu.memory_space<vmem>>) semaphore(%arg13 : memref<!tpu.dma_semaphore, #tpu.memory_space<semaphore_mem>>)
      %add3A_1028 = arith.constant 1 : i32
      %add3A_1029 = arith.addi %add3A_1009, %add3A_1028 : i32
      %dma_start3A_1030 = arith.constant 64 : i32
      %dma_start3A_1031 = arith.constant 0 : i32
      %dma_start3A_1032 = tpu.memref_slice %arg10[%dma_start3A_1030, %dma_start3A_1031] : memref<128x128xf32, #tpu.memory_space<vmem>> -> memref<64x128xf32, #tpu.memory_space<vmem>>
      %dma_start3A_1033 = arith.constant 64 : i32
      %dma_start3A_1034 = tpu.memref_slice %arg7[%add3A_1029, %dma_start3A_1033] : memref<80x128xi32, #tpu.memory_space<vmem>> -> memref<1x64xi32, #tpu.memory_space<vmem>>
      %dma_start3A_1035 = tpu.memref_squeeze %dma_start3A_1034 : memref<1x64xi32, #tpu.memory_space<vmem>> -> memref<64xi32, #tpu.memory_space<vmem>>
      %dma_start3A_1036 = arith.constant 0 : i32
      %dma_start3A_1037 = arith.constant 0 : i32
      %dma_start3A_1038 = tpu.memref_slice %arg2[%dma_start3A_1036, %dma_start3A_1037] : memref<20000x128xf32, #tpu.memory_space<hbm>> -> memref<20000x128xf32, #tpu.memory_space<hbm>>
      tpu.enqueue_indirect_dma source(%dma_start3A_1038 : memref<20000x128xf32, #tpu.memory_space<hbm>>) target(%dma_start3A_1032 : memref<64x128xf32, #tpu.memory_space<vmem>>) offsets(%dma_start3A_1035 : memref<64xi32, #tpu.memory_space<vmem>>) semaphore(%arg13 : memref<!tpu.dma_semaphore, #tpu.memory_space<semaphore_mem>>)
      %dma_wait3A_1039 = arith.constant 0 : i32
      %dma_wait3A_1040 = tpu.memref_slice %arg7[%add3A_1009, %dma_wait3A_1039] : memref<80x128xi32, #tpu.memory_space<vmem>> -> memref<1x128xi32, #tpu.memory_space<vmem>>
      %dma_wait3A_1041 = tpu.memref_squeeze %dma_wait3A_1040 : memref<1x128xi32, #tpu.memory_space<vmem>> -> memref<128xi32, #tpu.memory_space<vmem>>
      %dma_wait3A_1042 = arith.constant 0 : i32
      %dma_wait3A_1043 = arith.constant 0 : i32
      %dma_wait3A_1044 = tpu.memref_slice %arg2[%dma_wait3A_1042, %dma_wait3A_1043] : memref<20000x128xf32, #tpu.memory_space<hbm>> -> memref<20000x128xf32, #tpu.memory_space<hbm>>
      tpu.wait_indirect_dma semaphore(%arg12 : memref<!tpu.dma_semaphore, #tpu.memory_space<semaphore_mem>>) src(%dma_wait3A_1044 : memref<20000x128xf32, #tpu.memory_space<hbm>>) dst(%arg9 : memref<128x128xf32, #tpu.memory_space<vmem>>)
      %jit3A_1045 = arith.constant 2 : i32
      %eq3A_1046 = arith.constant 0 : i32
      %eq3A_1047 = arith.cmpi eq, %jit3A_1045, %eq3A_1046 : i32
      %jit3A_1048 = arith.constant 1 : i32
      %select_n3A_1049 = arith.select %eq3A_1047, %jit3A_1048, %jit3A_1045 : i32
      %rem3A_1050 = arith.remsi %scan3A_718, %select_n3A_1049 : i32
      %ne3A_1051 = arith.constant 0 : i32
      %ne3A_1052 = arith.cmpi ne, %rem3A_1050, %ne3A_1051 : i32
      %lt3A_1053 = arith.constant 0 : i32
      %lt3A_1054 = arith.cmpi slt, %rem3A_1050, %lt3A_1053 : i32
      %lt3A_1055 = arith.constant 0 : i32
      %lt3A_1056 = arith.cmpi slt, %select_n3A_1049, %lt3A_1055 : i32
      %ne3A_1057 = arith.xori %lt3A_1054, %lt3A_1056 : i1
      %and3A_1058 = arith.andi %ne3A_1057, %ne3A_1052 : i1
      %add3A_1059 = arith.addi %rem3A_1050, %select_n3A_1049 : i32
      %select_n3A_1060 = arith.select %and3A_1058, %add3A_1059, %rem3A_1050 : i32
      %mul3A_1061 = arith.constant 8 : i32
      %mul3A_1062 = arith.muli %select_n3A_1060, %mul3A_1061 : i32
      %add3A_1063 = arith.constant 4 : i32
      %add3A_1064 = arith.addi %mul3A_1062, %add3A_1063 : i32
      %dma_start3A_1065 = arith.constant 0 : i32
      %dma_start3A_1066 = tpu.memref_slice %arg8[%add3A_1064, %dma_start3A_1065] : memref<16x128xi32, #tpu.memory_space<vmem>> -> memref<1x128xi32, #tpu.memory_space<vmem>>
      %dma_start3A_1067 = tpu.memref_squeeze %dma_start3A_1066 : memref<1x128xi32, #tpu.memory_space<vmem>> -> memref<128xi32, #tpu.memory_space<vmem>>
      %dma_start3A_1068 = arith.constant 0 : i32
      %dma_start3A_1069 = arith.constant 0 : i32
      %dma_start3A_1070 = tpu.memref_slice %arg11[%dma_start3A_1068, %dma_start3A_1069] : memref<10016x128xf32, #tpu.memory_space<vmem_shared>> -> memref<10016x128xf32, #tpu.memory_space<vmem_shared>>
      tpu.enqueue_indirect_dma source(%arg9 : memref<128x128xf32, #tpu.memory_space<vmem>>) target(%dma_start3A_1070 : memref<10016x128xf32, #tpu.memory_space<vmem_shared>>) offsets(%dma_start3A_1067 : memref<128xi32, #tpu.memory_space<vmem>>) semaphore(%arg14 : memref<!tpu.dma_semaphore, #tpu.memory_space<semaphore_mem>>) {add = true}
      %mul3A_1071 = arith.constant 8 : i32
      %mul3A_1072 = arith.muli %scan3A_718, %mul3A_1071 : i32
      %add3A_1073 = arith.constant 5 : i32
      %add3A_1074 = arith.addi %mul3A_1072, %add3A_1073 : i32
      %dma_wait3A_1075 = arith.constant 0 : i32
      %dma_wait3A_1076 = arith.constant 0 : i32
      %dma_wait3A_1077 = tpu.memref_slice %arg8[%dma_wait3A_1075, %dma_wait3A_1076] : memref<16x128xi32, #tpu.memory_space<vmem>> -> memref<1x128xi32, #tpu.memory_space<vmem>>
      %dma_wait3A_1078 = tpu.memref_squeeze %dma_wait3A_1077 : memref<1x128xi32, #tpu.memory_space<vmem>> -> memref<128xi32, #tpu.memory_space<vmem>>
      %dma_wait3A_1079 = arith.constant 0 : i32
      %dma_wait3A_1080 = arith.constant 0 : i32
      %dma_wait3A_1081 = tpu.memref_slice %arg11[%dma_wait3A_1079, %dma_wait3A_1080] : memref<10016x128xf32, #tpu.memory_space<vmem_shared>> -> memref<10016x128xf32, #tpu.memory_space<vmem_shared>>
      tpu.wait_indirect_dma semaphore(%arg14 : memref<!tpu.dma_semaphore, #tpu.memory_space<semaphore_mem>>) src(%arg9 : memref<128x128xf32, #tpu.memory_space<vmem>>) dst(%dma_wait3A_1081 : memref<10016x128xf32, #tpu.memory_space<vmem_shared>>)
      %add3A_1082 = arith.constant 1 : i32
      %add3A_1083 = arith.addi %add3A_1074, %add3A_1082 : i32
      %dma_start3A_1084 = arith.constant 0 : i32
      %dma_start3A_1085 = arith.constant 0 : i32
      %dma_start3A_1086 = tpu.memref_slice %arg9[%dma_start3A_1084, %dma_start3A_1085] : memref<128x128xf32, #tpu.memory_space<vmem>> -> memref<64x128xf32, #tpu.memory_space<vmem>>
      %dma_start3A_1087 = arith.constant 0 : i32
      %dma_start3A_1088 = tpu.memref_slice %arg7[%add3A_1083, %dma_start3A_1087] : memref<80x128xi32, #tpu.memory_space<vmem>> -> memref<1x64xi32, #tpu.memory_space<vmem>>
      %dma_start3A_1089 = tpu.memref_squeeze %dma_start3A_1088 : memref<1x64xi32, #tpu.memory_space<vmem>> -> memref<64xi32, #tpu.memory_space<vmem>>
      %dma_start3A_1090 = arith.constant 0 : i32
      %dma_start3A_1091 = arith.constant 0 : i32
      %dma_start3A_1092 = tpu.memref_slice %arg2[%dma_start3A_1090, %dma_start3A_1091] : memref<20000x128xf32, #tpu.memory_space<hbm>> -> memref<20000x128xf32, #tpu.memory_space<hbm>>
      tpu.enqueue_indirect_dma source(%dma_start3A_1092 : memref<20000x128xf32, #tpu.memory_space<hbm>>) target(%dma_start3A_1086 : memref<64x128xf32, #tpu.memory_space<vmem>>) offsets(%dma_start3A_1089 : memref<64xi32, #tpu.memory_space<vmem>>) semaphore(%arg12 : memref<!tpu.dma_semaphore, #tpu.memory_space<semaphore_mem>>)
      %add3A_1093 = arith.constant 1 : i32
      %add3A_1094 = arith.addi %add3A_1074, %add3A_1093 : i32
      %dma_start3A_1095 = arith.constant 64 : i32
      %dma_start3A_1096 = arith.constant 0 : i32
      %dma_start3A_1097 = tpu.memref_slice %arg9[%dma_start3A_1095, %dma_start3A_1096] : memref<128x128xf32, #tpu.memory_space<vmem>> -> memref<64x128xf32, #tpu.memory_space<vmem>>
      %dma_start3A_1098 = arith.constant 64 : i32
      %dma_start3A_1099 = tpu.memref_slice %arg7[%add3A_1094, %dma_start3A_1098] : memref<80x128xi32, #tpu.memory_space<vmem>> -> memref<1x64xi32, #tpu.memory_space<vmem>>
      %dma_start3A_1100 = tpu.memref_squeeze %dma_start3A_1099 : memref<1x64xi32, #tpu.memory_space<vmem>> -> memref<64xi32, #tpu.memory_space<vmem>>
      %dma_start3A_1101 = arith.constant 0 : i32
      %dma_start3A_1102 = arith.constant 0 : i32
      %dma_start3A_1103 = tpu.memref_slice %arg2[%dma_start3A_1101, %dma_start3A_1102] : memref<20000x128xf32, #tpu.memory_space<hbm>> -> memref<20000x128xf32, #tpu.memory_space<hbm>>
      tpu.enqueue_indirect_dma source(%dma_start3A_1103 : memref<20000x128xf32, #tpu.memory_space<hbm>>) target(%dma_start3A_1097 : memref<64x128xf32, #tpu.memory_space<vmem>>) offsets(%dma_start3A_1100 : memref<64xi32, #tpu.memory_space<vmem>>) semaphore(%arg12 : memref<!tpu.dma_semaphore, #tpu.memory_space<semaphore_mem>>)
      %dma_wait3A_1104 = arith.constant 0 : i32
      %dma_wait3A_1105 = tpu.memref_slice %arg7[%add3A_1074, %dma_wait3A_1104] : memref<80x128xi32, #tpu.memory_space<vmem>> -> memref<1x128xi32, #tpu.memory_space<vmem>>
      %dma_wait3A_1106 = tpu.memref_squeeze %dma_wait3A_1105 : memref<1x128xi32, #tpu.memory_space<vmem>> -> memref<128xi32, #tpu.memory_space<vmem>>
      %dma_wait3A_1107 = arith.constant 0 : i32
      %dma_wait3A_1108 = arith.constant 0 : i32
      %dma_wait3A_1109 = tpu.memref_slice %arg2[%dma_wait3A_1107, %dma_wait3A_1108] : memref<20000x128xf32, #tpu.memory_space<hbm>> -> memref<20000x128xf32, #tpu.memory_space<hbm>>
      tpu.wait_indirect_dma semaphore(%arg13 : memref<!tpu.dma_semaphore, #tpu.memory_space<semaphore_mem>>) src(%dma_wait3A_1109 : memref<20000x128xf32, #tpu.memory_space<hbm>>) dst(%arg10 : memref<128x128xf32, #tpu.memory_space<vmem>>)
      %jit3A_1110 = arith.constant 2 : i32
      %eq3A_1111 = arith.constant 0 : i32
      %eq3A_1112 = arith.cmpi eq, %jit3A_1110, %eq3A_1111 : i32
      %jit3A_1113 = arith.constant 1 : i32
      %select_n3A_1114 = arith.select %eq3A_1112, %jit3A_1113, %jit3A_1110 : i32
      %rem3A_1115 = arith.remsi %scan3A_718, %select_n3A_1114 : i32
      %ne3A_1116 = arith.constant 0 : i32
      %ne3A_1117 = arith.cmpi ne, %rem3A_1115, %ne3A_1116 : i32
      %lt3A_1118 = arith.constant 0 : i32
      %lt3A_1119 = arith.cmpi slt, %rem3A_1115, %lt3A_1118 : i32
      %lt3A_1120 = arith.constant 0 : i32
      %lt3A_1121 = arith.cmpi slt, %select_n3A_1114, %lt3A_1120 : i32
      %ne3A_1122 = arith.xori %lt3A_1119, %lt3A_1121 : i1
      %and3A_1123 = arith.andi %ne3A_1122, %ne3A_1117 : i1
      %add3A_1124 = arith.addi %rem3A_1115, %select_n3A_1114 : i32
      %select_n3A_1125 = arith.select %and3A_1123, %add3A_1124, %rem3A_1115 : i32
      %mul3A_1126 = arith.constant 8 : i32
      %mul3A_1127 = arith.muli %select_n3A_1125, %mul3A_1126 : i32
      %add3A_1128 = arith.constant 5 : i32
      %add3A_1129 = arith.addi %mul3A_1127, %add3A_1128 : i32
      %dma_start3A_1130 = arith.constant 0 : i32
      %dma_start3A_1131 = tpu.memref_slice %arg8[%add3A_1129, %dma_start3A_1130] : memref<16x128xi32, #tpu.memory_space<vmem>> -> memref<1x128xi32, #tpu.memory_space<vmem>>
      %dma_start3A_1132 = tpu.memref_squeeze %dma_start3A_1131 : memref<1x128xi32, #tpu.memory_space<vmem>> -> memref<128xi32, #tpu.memory_space<vmem>>
      %dma_start3A_1133 = arith.constant 0 : i32
      %dma_start3A_1134 = arith.constant 0 : i32
      %dma_start3A_1135 = tpu.memref_slice %arg11[%dma_start3A_1133, %dma_start3A_1134] : memref<10016x128xf32, #tpu.memory_space<vmem_shared>> -> memref<10016x128xf32, #tpu.memory_space<vmem_shared>>
      tpu.enqueue_indirect_dma source(%arg10 : memref<128x128xf32, #tpu.memory_space<vmem>>) target(%dma_start3A_1135 : memref<10016x128xf32, #tpu.memory_space<vmem_shared>>) offsets(%dma_start3A_1132 : memref<128xi32, #tpu.memory_space<vmem>>) semaphore(%arg15 : memref<!tpu.dma_semaphore, #tpu.memory_space<semaphore_mem>>) {add = true}
      %mul3A_1136 = arith.constant 8 : i32
      %mul3A_1137 = arith.muli %scan3A_718, %mul3A_1136 : i32
      %add3A_1138 = arith.constant 6 : i32
      %add3A_1139 = arith.addi %mul3A_1137, %add3A_1138 : i32
      %dma_wait3A_1140 = arith.constant 0 : i32
      %dma_wait3A_1141 = arith.constant 0 : i32
      %dma_wait3A_1142 = tpu.memref_slice %arg8[%dma_wait3A_1140, %dma_wait3A_1141] : memref<16x128xi32, #tpu.memory_space<vmem>> -> memref<1x128xi32, #tpu.memory_space<vmem>>
      %dma_wait3A_1143 = tpu.memref_squeeze %dma_wait3A_1142 : memref<1x128xi32, #tpu.memory_space<vmem>> -> memref<128xi32, #tpu.memory_space<vmem>>
      %dma_wait3A_1144 = arith.constant 0 : i32
      %dma_wait3A_1145 = arith.constant 0 : i32
      %dma_wait3A_1146 = tpu.memref_slice %arg11[%dma_wait3A_1144, %dma_wait3A_1145] : memref<10016x128xf32, #tpu.memory_space<vmem_shared>> -> memref<10016x128xf32, #tpu.memory_space<vmem_shared>>
      tpu.wait_indirect_dma semaphore(%arg15 : memref<!tpu.dma_semaphore, #tpu.memory_space<semaphore_mem>>) src(%arg10 : memref<128x128xf32, #tpu.memory_space<vmem>>) dst(%dma_wait3A_1146 : memref<10016x128xf32, #tpu.memory_space<vmem_shared>>)
      %add3A_1147 = arith.constant 1 : i32
      %add3A_1148 = arith.addi %add3A_1139, %add3A_1147 : i32
      %dma_start3A_1149 = arith.constant 0 : i32
      %dma_start3A_1150 = arith.constant 0 : i32
      %dma_start3A_1151 = tpu.memref_slice %arg10[%dma_start3A_1149, %dma_start3A_1150] : memref<128x128xf32, #tpu.memory_space<vmem>> -> memref<64x128xf32, #tpu.memory_space<vmem>>
      %dma_start3A_1152 = arith.constant 0 : i32
      %dma_start3A_1153 = tpu.memref_slice %arg7[%add3A_1148, %dma_start3A_1152] : memref<80x128xi32, #tpu.memory_space<vmem>> -> memref<1x64xi32, #tpu.memory_space<vmem>>
      %dma_start3A_1154 = tpu.memref_squeeze %dma_start3A_1153 : memref<1x64xi32, #tpu.memory_space<vmem>> -> memref<64xi32, #tpu.memory_space<vmem>>
      %dma_start3A_1155 = arith.constant 0 : i32
      %dma_start3A_1156 = arith.constant 0 : i32
      %dma_start3A_1157 = tpu.memref_slice %arg2[%dma_start3A_1155, %dma_start3A_1156] : memref<20000x128xf32, #tpu.memory_space<hbm>> -> memref<20000x128xf32, #tpu.memory_space<hbm>>
      tpu.enqueue_indirect_dma source(%dma_start3A_1157 : memref<20000x128xf32, #tpu.memory_space<hbm>>) target(%dma_start3A_1151 : memref<64x128xf32, #tpu.memory_space<vmem>>) offsets(%dma_start3A_1154 : memref<64xi32, #tpu.memory_space<vmem>>) semaphore(%arg13 : memref<!tpu.dma_semaphore, #tpu.memory_space<semaphore_mem>>)
      %add3A_1158 = arith.constant 1 : i32
      %add3A_1159 = arith.addi %add3A_1139, %add3A_1158 : i32
      %dma_start3A_1160 = arith.constant 64 : i32
      %dma_start3A_1161 = arith.constant 0 : i32
      %dma_start3A_1162 = tpu.memref_slice %arg10[%dma_start3A_1160, %dma_start3A_1161] : memref<128x128xf32, #tpu.memory_space<vmem>> -> memref<64x128xf32, #tpu.memory_space<vmem>>
      %dma_start3A_1163 = arith.constant 64 : i32
      %dma_start3A_1164 = tpu.memref_slice %arg7[%add3A_1159, %dma_start3A_1163] : memref<80x128xi32, #tpu.memory_space<vmem>> -> memref<1x64xi32, #tpu.memory_space<vmem>>
      %dma_start3A_1165 = tpu.memref_squeeze %dma_start3A_1164 : memref<1x64xi32, #tpu.memory_space<vmem>> -> memref<64xi32, #tpu.memory_space<vmem>>
      %dma_start3A_1166 = arith.constant 0 : i32
      %dma_start3A_1167 = arith.constant 0 : i32
      %dma_start3A_1168 = tpu.memref_slice %arg2[%dma_start3A_1166, %dma_start3A_1167] : memref<20000x128xf32, #tpu.memory_space<hbm>> -> memref<20000x128xf32, #tpu.memory_space<hbm>>
      tpu.enqueue_indirect_dma source(%dma_start3A_1168 : memref<20000x128xf32, #tpu.memory_space<hbm>>) target(%dma_start3A_1162 : memref<64x128xf32, #tpu.memory_space<vmem>>) offsets(%dma_start3A_1165 : memref<64xi32, #tpu.memory_space<vmem>>) semaphore(%arg13 : memref<!tpu.dma_semaphore, #tpu.memory_space<semaphore_mem>>)
      %dma_wait3A_1169 = arith.constant 0 : i32
      %dma_wait3A_1170 = tpu.memref_slice %arg7[%add3A_1139, %dma_wait3A_1169] : memref<80x128xi32, #tpu.memory_space<vmem>> -> memref<1x128xi32, #tpu.memory_space<vmem>>
      %dma_wait3A_1171 = tpu.memref_squeeze %dma_wait3A_1170 : memref<1x128xi32, #tpu.memory_space<vmem>> -> memref<128xi32, #tpu.memory_space<vmem>>
      %dma_wait3A_1172 = arith.constant 0 : i32
      %dma_wait3A_1173 = arith.constant 0 : i32
      %dma_wait3A_1174 = tpu.memref_slice %arg2[%dma_wait3A_1172, %dma_wait3A_1173] : memref<20000x128xf32, #tpu.memory_space<hbm>> -> memref<20000x128xf32, #tpu.memory_space<hbm>>
      tpu.wait_indirect_dma semaphore(%arg12 : memref<!tpu.dma_semaphore, #tpu.memory_space<semaphore_mem>>) src(%dma_wait3A_1174 : memref<20000x128xf32, #tpu.memory_space<hbm>>) dst(%arg9 : memref<128x128xf32, #tpu.memory_space<vmem>>)
      %jit3A_1175 = arith.constant 2 : i32
      %eq3A_1176 = arith.constant 0 : i32
      %eq3A_1177 = arith.cmpi eq, %jit3A_1175, %eq3A_1176 : i32
      %jit3A_1178 = arith.constant 1 : i32
      %select_n3A_1179 = arith.select %eq3A_1177, %jit3A_1178, %jit3A_1175 : i32
      %rem3A_1180 = arith.remsi %scan3A_718, %select_n3A_1179 : i32
      %ne3A_1181 = arith.constant 0 : i32
      %ne3A_1182 = arith.cmpi ne, %rem3A_1180, %ne3A_1181 : i32
      %lt3A_1183 = arith.constant 0 : i32
      %lt3A_1184 = arith.cmpi slt, %rem3A_1180, %lt3A_1183 : i32
      %lt3A_1185 = arith.constant 0 : i32
      %lt3A_1186 = arith.cmpi slt, %select_n3A_1179, %lt3A_1185 : i32
      %ne3A_1187 = arith.xori %lt3A_1184, %lt3A_1186 : i1
      %and3A_1188 = arith.andi %ne3A_1187, %ne3A_1182 : i1
      %add3A_1189 = arith.addi %rem3A_1180, %select_n3A_1179 : i32
      %select_n3A_1190 = arith.select %and3A_1188, %add3A_1189, %rem3A_1180 : i32
      %mul3A_1191 = arith.constant 8 : i32
      %mul3A_1192 = arith.muli %select_n3A_1190, %mul3A_1191 : i32
      %add3A_1193 = arith.constant 6 : i32
      %add3A_1194 = arith.addi %mul3A_1192, %add3A_1193 : i32
      %dma_start3A_1195 = arith.constant 0 : i32
      %dma_start3A_1196 = tpu.memref_slice %arg8[%add3A_1194, %dma_start3A_1195] : memref<16x128xi32, #tpu.memory_space<vmem>> -> memref<1x128xi32, #tpu.memory_space<vmem>>
      %dma_start3A_1197 = tpu.memref_squeeze %dma_start3A_1196 : memref<1x128xi32, #tpu.memory_space<vmem>> -> memref<128xi32, #tpu.memory_space<vmem>>
      %dma_start3A_1198 = arith.constant 0 : i32
      %dma_start3A_1199 = arith.constant 0 : i32
      %dma_start3A_1200 = tpu.memref_slice %arg11[%dma_start3A_1198, %dma_start3A_1199] : memref<10016x128xf32, #tpu.memory_space<vmem_shared>> -> memref<10016x128xf32, #tpu.memory_space<vmem_shared>>
      tpu.enqueue_indirect_dma source(%arg9 : memref<128x128xf32, #tpu.memory_space<vmem>>) target(%dma_start3A_1200 : memref<10016x128xf32, #tpu.memory_space<vmem_shared>>) offsets(%dma_start3A_1197 : memref<128xi32, #tpu.memory_space<vmem>>) semaphore(%arg14 : memref<!tpu.dma_semaphore, #tpu.memory_space<semaphore_mem>>) {add = true}
      %mul3A_1201 = arith.constant 8 : i32
      %mul3A_1202 = arith.muli %scan3A_718, %mul3A_1201 : i32
      %add3A_1203 = arith.constant 7 : i32
      %add3A_1204 = arith.addi %mul3A_1202, %add3A_1203 : i32
      %dma_wait3A_1205 = arith.constant 0 : i32
      %dma_wait3A_1206 = arith.constant 0 : i32
      %dma_wait3A_1207 = tpu.memref_slice %arg8[%dma_wait3A_1205, %dma_wait3A_1206] : memref<16x128xi32, #tpu.memory_space<vmem>> -> memref<1x128xi32, #tpu.memory_space<vmem>>
      %dma_wait3A_1208 = tpu.memref_squeeze %dma_wait3A_1207 : memref<1x128xi32, #tpu.memory_space<vmem>> -> memref<128xi32, #tpu.memory_space<vmem>>
      %dma_wait3A_1209 = arith.constant 0 : i32
      %dma_wait3A_1210 = arith.constant 0 : i32
      %dma_wait3A_1211 = tpu.memref_slice %arg11[%dma_wait3A_1209, %dma_wait3A_1210] : memref<10016x128xf32, #tpu.memory_space<vmem_shared>> -> memref<10016x128xf32, #tpu.memory_space<vmem_shared>>
      tpu.wait_indirect_dma semaphore(%arg14 : memref<!tpu.dma_semaphore, #tpu.memory_space<semaphore_mem>>) src(%arg9 : memref<128x128xf32, #tpu.memory_space<vmem>>) dst(%dma_wait3A_1211 : memref<10016x128xf32, #tpu.memory_space<vmem_shared>>)
      %add3A_1212 = arith.constant 1 : i32
      %add3A_1213 = arith.addi %add3A_1204, %add3A_1212 : i32
      %dma_start3A_1214 = arith.constant 0 : i32
      %dma_start3A_1215 = arith.constant 0 : i32
      %dma_start3A_1216 = tpu.memref_slice %arg9[%dma_start3A_1214, %dma_start3A_1215] : memref<128x128xf32, #tpu.memory_space<vmem>> -> memref<64x128xf32, #tpu.memory_space<vmem>>
      %dma_start3A_1217 = arith.constant 0 : i32
      %dma_start3A_1218 = tpu.memref_slice %arg7[%add3A_1213, %dma_start3A_1217] : memref<80x128xi32, #tpu.memory_space<vmem>> -> memref<1x64xi32, #tpu.memory_space<vmem>>
      %dma_start3A_1219 = tpu.memref_squeeze %dma_start3A_1218 : memref<1x64xi32, #tpu.memory_space<vmem>> -> memref<64xi32, #tpu.memory_space<vmem>>
      %dma_start3A_1220 = arith.constant 0 : i32
      %dma_start3A_1221 = arith.constant 0 : i32
      %dma_start3A_1222 = tpu.memref_slice %arg2[%dma_start3A_1220, %dma_start3A_1221] : memref<20000x128xf32, #tpu.memory_space<hbm>> -> memref<20000x128xf32, #tpu.memory_space<hbm>>
      tpu.enqueue_indirect_dma source(%dma_start3A_1222 : memref<20000x128xf32, #tpu.memory_space<hbm>>) target(%dma_start3A_1216 : memref<64x128xf32, #tpu.memory_space<vmem>>) offsets(%dma_start3A_1219 : memref<64xi32, #tpu.memory_space<vmem>>) semaphore(%arg12 : memref<!tpu.dma_semaphore, #tpu.memory_space<semaphore_mem>>)
      %add3A_1223 = arith.constant 1 : i32
      %add3A_1224 = arith.addi %add3A_1204, %add3A_1223 : i32
      %dma_start3A_1225 = arith.constant 64 : i32
      %dma_start3A_1226 = arith.constant 0 : i32
      %dma_start3A_1227 = tpu.memref_slice %arg9[%dma_start3A_1225, %dma_start3A_1226] : memref<128x128xf32, #tpu.memory_space<vmem>> -> memref<64x128xf32, #tpu.memory_space<vmem>>
      %dma_start3A_1228 = arith.constant 64 : i32
      %dma_start3A_1229 = tpu.memref_slice %arg7[%add3A_1224, %dma_start3A_1228] : memref<80x128xi32, #tpu.memory_space<vmem>> -> memref<1x64xi32, #tpu.memory_space<vmem>>
      %dma_start3A_1230 = tpu.memref_squeeze %dma_start3A_1229 : memref<1x64xi32, #tpu.memory_space<vmem>> -> memref<64xi32, #tpu.memory_space<vmem>>
      %dma_start3A_1231 = arith.constant 0 : i32
      %dma_start3A_1232 = arith.constant 0 : i32
      %dma_start3A_1233 = tpu.memref_slice %arg2[%dma_start3A_1231, %dma_start3A_1232] : memref<20000x128xf32, #tpu.memory_space<hbm>> -> memref<20000x128xf32, #tpu.memory_space<hbm>>
      tpu.enqueue_indirect_dma source(%dma_start3A_1233 : memref<20000x128xf32, #tpu.memory_space<hbm>>) target(%dma_start3A_1227 : memref<64x128xf32, #tpu.memory_space<vmem>>) offsets(%dma_start3A_1230 : memref<64xi32, #tpu.memory_space<vmem>>) semaphore(%arg12 : memref<!tpu.dma_semaphore, #tpu.memory_space<semaphore_mem>>)
      %dma_wait3A_1234 = arith.constant 0 : i32
      %dma_wait3A_1235 = tpu.memref_slice %arg7[%add3A_1204, %dma_wait3A_1234] : memref<80x128xi32, #tpu.memory_space<vmem>> -> memref<1x128xi32, #tpu.memory_space<vmem>>
      %dma_wait3A_1236 = tpu.memref_squeeze %dma_wait3A_1235 : memref<1x128xi32, #tpu.memory_space<vmem>> -> memref<128xi32, #tpu.memory_space<vmem>>
      %dma_wait3A_1237 = arith.constant 0 : i32
      %dma_wait3A_1238 = arith.constant 0 : i32
      %dma_wait3A_1239 = tpu.memref_slice %arg2[%dma_wait3A_1237, %dma_wait3A_1238] : memref<20000x128xf32, #tpu.memory_space<hbm>> -> memref<20000x128xf32, #tpu.memory_space<hbm>>
      tpu.wait_indirect_dma semaphore(%arg13 : memref<!tpu.dma_semaphore, #tpu.memory_space<semaphore_mem>>) src(%dma_wait3A_1239 : memref<20000x128xf32, #tpu.memory_space<hbm>>) dst(%arg10 : memref<128x128xf32, #tpu.memory_space<vmem>>)
      %jit3A_1240 = arith.constant 2 : i32
      %eq3A_1241 = arith.constant 0 : i32
      %eq3A_1242 = arith.cmpi eq, %jit3A_1240, %eq3A_1241 : i32
      %jit3A_1243 = arith.constant 1 : i32
      %select_n3A_1244 = arith.select %eq3A_1242, %jit3A_1243, %jit3A_1240 : i32
      %rem3A_1245 = arith.remsi %scan3A_718, %select_n3A_1244 : i32
      %ne3A_1246 = arith.constant 0 : i32
      %ne3A_1247 = arith.cmpi ne, %rem3A_1245, %ne3A_1246 : i32
      %lt3A_1248 = arith.constant 0 : i32
      %lt3A_1249 = arith.cmpi slt, %rem3A_1245, %lt3A_1248 : i32
      %lt3A_1250 = arith.constant 0 : i32
      %lt3A_1251 = arith.cmpi slt, %select_n3A_1244, %lt3A_1250 : i32
      %ne3A_1252 = arith.xori %lt3A_1249, %lt3A_1251 : i1
      %and3A_1253 = arith.andi %ne3A_1252, %ne3A_1247 : i1
      %add3A_1254 = arith.addi %rem3A_1245, %select_n3A_1244 : i32
      %select_n3A_1255 = arith.select %and3A_1253, %add3A_1254, %rem3A_1245 : i32
      %mul3A_1256 = arith.constant 8 : i32
      %mul3A_1257 = arith.muli %select_n3A_1255, %mul3A_1256 : i32
      %add3A_1258 = arith.constant 7 : i32
      %add3A_1259 = arith.addi %mul3A_1257, %add3A_1258 : i32
      %dma_start3A_1260 = arith.constant 0 : i32
      %dma_start3A_1261 = tpu.memref_slice %arg8[%add3A_1259, %dma_start3A_1260] : memref<16x128xi32, #tpu.memory_space<vmem>> -> memref<1x128xi32, #tpu.memory_space<vmem>>
      %dma_start3A_1262 = tpu.memref_squeeze %dma_start3A_1261 : memref<1x128xi32, #tpu.memory_space<vmem>> -> memref<128xi32, #tpu.memory_space<vmem>>
      %dma_start3A_1263 = arith.constant 0 : i32
      %dma_start3A_1264 = arith.constant 0 : i32
      %dma_start3A_1265 = tpu.memref_slice %arg11[%dma_start3A_1263, %dma_start3A_1264] : memref<10016x128xf32, #tpu.memory_space<vmem_shared>> -> memref<10016x128xf32, #tpu.memory_space<vmem_shared>>
      tpu.enqueue_indirect_dma source(%arg10 : memref<128x128xf32, #tpu.memory_space<vmem>>) target(%dma_start3A_1265 : memref<10016x128xf32, #tpu.memory_space<vmem_shared>>) offsets(%dma_start3A_1262 : memref<128xi32, #tpu.memory_space<vmem>>) semaphore(%arg15 : memref<!tpu.dma_semaphore, #tpu.memory_space<semaphore_mem>>) {add = true}
      %dma_wait3A_1266 = arith.constant 0 : i32
      %dma_wait3A_1267 = arith.constant 0 : i32
      %dma_wait3A_1268 = tpu.memref_slice %arg8[%dma_wait3A_1266, %dma_wait3A_1267] : memref<16x128xi32, #tpu.memory_space<vmem>> -> memref<8x128xi32, #tpu.memory_space<vmem>>
      %dma_wait3A_1269 = arith.constant 0 : i32
      %dma_wait3A_1270 = arith.constant 0 : i32
      %dma_wait3A_1271 = tpu.memref_slice %arg4[%arg1, %dma_wait3A_1269, %dma_wait3A_1270] : memref<16x80x128xi32, #tpu.memory_space<hbm>> -> memref<1x8x128xi32, #tpu.memory_space<hbm>>
      %dma_wait3A_1272 = tpu.memref_squeeze %dma_wait3A_1271 : memref<1x8x128xi32, #tpu.memory_space<hbm>> -> memref<8x128xi32, #tpu.memory_space<hbm>>
      %dma_wait3A_1273 = arith.constant 0 : i32
      %dma_wait3A_1274 = arith.constant 0 : i32
      %dma_wait3A_1275 = tpu.memref_slice %arg8[%dma_wait3A_1273, %dma_wait3A_1274] : memref<16x128xi32, #tpu.memory_space<vmem>> -> memref<8x128xi32, #tpu.memory_space<vmem>>
      %dma_wait3A_1276 = arith.constant 0 : i32
      %dma_wait3A_1277 = arith.constant 0 : i32
      %dma_wait3A_1278 = tpu.memref_slice %arg4[%arg1, %dma_wait3A_1276, %dma_wait3A_1277] : memref<16x80x128xi32, #tpu.memory_space<hbm>> -> memref<1x8x128xi32, #tpu.memory_space<hbm>>
      %dma_wait3A_1279 = tpu.memref_squeeze %dma_wait3A_1278 : memref<1x8x128xi32, #tpu.memory_space<hbm>> -> memref<8x128xi32, #tpu.memory_space<hbm>>
      tpu.wait_dma2 semaphore(%arg16 : memref<!tpu.dma_semaphore, #tpu.memory_space<semaphore_mem>>) src(%dma_wait3A_1279 : memref<8x128xi32, #tpu.memory_space<hbm>>) dst(%dma_wait3A_1275 : memref<8x128xi32, #tpu.memory_space<vmem>>)
    }
    %scan3A_381 = arith.constant 8 : i32
    %dma_wait3A_382 = arith.constant 0 : i32
    %dma_wait3A_383 = arith.constant 0 : i32
    %dma_wait3A_384 = tpu.memref_slice %arg8[%dma_wait3A_382, %dma_wait3A_383] : memref<16x128xi32, #tpu.memory_space<vmem>> -> memref<1x128xi32, #tpu.memory_space<vmem>>
    %dma_wait3A_385 = tpu.memref_squeeze %dma_wait3A_384 : memref<1x128xi32, #tpu.memory_space<vmem>> -> memref<128xi32, #tpu.memory_space<vmem>>
    %dma_wait3A_386 = arith.constant 0 : i32
    %dma_wait3A_387 = arith.constant 0 : i32
    %dma_wait3A_388 = tpu.memref_slice %arg11[%dma_wait3A_386, %dma_wait3A_387] : memref<10016x128xf32, #tpu.memory_space<vmem_shared>> -> memref<10016x128xf32, #tpu.memory_space<vmem_shared>>
    tpu.wait_indirect_dma semaphore(%arg15 : memref<!tpu.dma_semaphore, #tpu.memory_space<semaphore_mem>>) src(%arg10 : memref<128x128xf32, #tpu.memory_space<vmem>>) dst(%dma_wait3A_388 : memref<10016x128xf32, #tpu.memory_space<vmem_shared>>)
    %dma_start3A_389 = arith.constant 73 : i32
    %dma_start3A_390 = arith.constant 0 : i32
    %dma_start3A_391 = arith.constant 0 : i32
    %dma_start3A_392 = tpu.memref_slice %arg10[%dma_start3A_390, %dma_start3A_391] : memref<128x128xf32, #tpu.memory_space<vmem>> -> memref<64x128xf32, #tpu.memory_space<vmem>>
    %dma_start3A_393 = arith.constant 0 : i32
    %dma_start3A_394 = tpu.memref_slice %arg7[%dma_start3A_389, %dma_start3A_393] : memref<80x128xi32, #tpu.memory_space<vmem>> -> memref<1x64xi32, #tpu.memory_space<vmem>>
    %dma_start3A_395 = tpu.memref_squeeze %dma_start3A_394 : memref<1x64xi32, #tpu.memory_space<vmem>> -> memref<64xi32, #tpu.memory_space<vmem>>
    %dma_start3A_396 = arith.constant 0 : i32
    %dma_start3A_397 = arith.constant 0 : i32
    %dma_start3A_398 = tpu.memref_slice %arg2[%dma_start3A_396, %dma_start3A_397] : memref<20000x128xf32, #tpu.memory_space<hbm>> -> memref<20000x128xf32, #tpu.memory_space<hbm>>
    tpu.enqueue_indirect_dma source(%dma_start3A_398 : memref<20000x128xf32, #tpu.memory_space<hbm>>) target(%dma_start3A_392 : memref<64x128xf32, #tpu.memory_space<vmem>>) offsets(%dma_start3A_395 : memref<64xi32, #tpu.memory_space<vmem>>) semaphore(%arg13 : memref<!tpu.dma_semaphore, #tpu.memory_space<semaphore_mem>>)
    %dma_start3A_399 = arith.constant 73 : i32
    %dma_start3A_400 = arith.constant 64 : i32
    %dma_start3A_401 = arith.constant 0 : i32
    %dma_start3A_402 = tpu.memref_slice %arg10[%dma_start3A_400, %dma_start3A_401] : memref<128x128xf32, #tpu.memory_space<vmem>> -> memref<64x128xf32, #tpu.memory_space<vmem>>
    %dma_start3A_403 = arith.constant 64 : i32
    %dma_start3A_404 = tpu.memref_slice %arg7[%dma_start3A_399, %dma_start3A_403] : memref<80x128xi32, #tpu.memory_space<vmem>> -> memref<1x64xi32, #tpu.memory_space<vmem>>
    %dma_start3A_405 = tpu.memref_squeeze %dma_start3A_404 : memref<1x64xi32, #tpu.memory_space<vmem>> -> memref<64xi32, #tpu.memory_space<vmem>>
    %dma_start3A_406 = arith.constant 0 : i32
    %dma_start3A_407 = arith.constant 0 : i32
    %dma_start3A_408 = tpu.memref_slice %arg2[%dma_start3A_406, %dma_start3A_407] : memref<20000x128xf32, #tpu.memory_space<hbm>> -> memref<20000x128xf32, #tpu.memory_space<hbm>>
    tpu.enqueue_indirect_dma source(%dma_start3A_408 : memref<20000x128xf32, #tpu.memory_space<hbm>>) target(%dma_start3A_402 : memref<64x128xf32, #tpu.memory_space<vmem>>) offsets(%dma_start3A_405 : memref<64xi32, #tpu.memory_space<vmem>>) semaphore(%arg13 : memref<!tpu.dma_semaphore, #tpu.memory_space<semaphore_mem>>)
    %dma_wait3A_409 = arith.constant 72 : i32
    %dma_wait3A_410 = arith.constant 0 : i32
    %dma_wait3A_411 = tpu.memref_slice %arg7[%dma_wait3A_409, %dma_wait3A_410] : memref<80x128xi32, #tpu.memory_space<vmem>> -> memref<1x128xi32, #tpu.memory_space<vmem>>
    %dma_wait3A_412 = tpu.memref_squeeze %dma_wait3A_411 : memref<1x128xi32, #tpu.memory_space<vmem>> -> memref<128xi32, #tpu.memory_space<vmem>>
    %dma_wait3A_413 = arith.constant 0 : i32
    %dma_wait3A_414 = arith.constant 0 : i32
    %dma_wait3A_415 = tpu.memref_slice %arg2[%dma_wait3A_413, %dma_wait3A_414] : memref<20000x128xf32, #tpu.memory_space<hbm>> -> memref<20000x128xf32, #tpu.memory_space<hbm>>
    tpu.wait_indirect_dma semaphore(%arg12 : memref<!tpu.dma_semaphore, #tpu.memory_space<semaphore_mem>>) src(%dma_wait3A_415 : memref<20000x128xf32, #tpu.memory_space<hbm>>) dst(%arg9 : memref<128x128xf32, #tpu.memory_space<vmem>>)
    %dma_start3A_416 = arith.constant 8 : i32
    %dma_start3A_417 = arith.constant 0 : i32
    %dma_start3A_418 = tpu.memref_slice %arg8[%dma_start3A_416, %dma_start3A_417] : memref<16x128xi32, #tpu.memory_space<vmem>> -> memref<1x128xi32, #tpu.memory_space<vmem>>
    %dma_start3A_419 = tpu.memref_squeeze %dma_start3A_418 : memref<1x128xi32, #tpu.memory_space<vmem>> -> memref<128xi32, #tpu.memory_space<vmem>>
    %dma_start3A_420 = arith.constant 0 : i32
    %dma_start3A_421 = arith.constant 0 : i32
    %dma_start3A_422 = tpu.memref_slice %arg11[%dma_start3A_420, %dma_start3A_421] : memref<10016x128xf32, #tpu.memory_space<vmem_shared>> -> memref<10016x128xf32, #tpu.memory_space<vmem_shared>>
    tpu.enqueue_indirect_dma source(%arg9 : memref<128x128xf32, #tpu.memory_space<vmem>>) target(%dma_start3A_422 : memref<10016x128xf32, #tpu.memory_space<vmem_shared>>) offsets(%dma_start3A_419 : memref<128xi32, #tpu.memory_space<vmem>>) semaphore(%arg14 : memref<!tpu.dma_semaphore, #tpu.memory_space<semaphore_mem>>) {add = true}
    %dma_wait3A_423 = arith.constant 0 : i32
    %dma_wait3A_424 = arith.constant 0 : i32
    %dma_wait3A_425 = tpu.memref_slice %arg8[%dma_wait3A_423, %dma_wait3A_424] : memref<16x128xi32, #tpu.memory_space<vmem>> -> memref<1x128xi32, #tpu.memory_space<vmem>>
    %dma_wait3A_426 = tpu.memref_squeeze %dma_wait3A_425 : memref<1x128xi32, #tpu.memory_space<vmem>> -> memref<128xi32, #tpu.memory_space<vmem>>
    %dma_wait3A_427 = arith.constant 0 : i32
    %dma_wait3A_428 = arith.constant 0 : i32
    %dma_wait3A_429 = tpu.memref_slice %arg11[%dma_wait3A_427, %dma_wait3A_428] : memref<10016x128xf32, #tpu.memory_space<vmem_shared>> -> memref<10016x128xf32, #tpu.memory_space<vmem_shared>>
    tpu.wait_indirect_dma semaphore(%arg14 : memref<!tpu.dma_semaphore, #tpu.memory_space<semaphore_mem>>) src(%arg9 : memref<128x128xf32, #tpu.memory_space<vmem>>) dst(%dma_wait3A_429 : memref<10016x128xf32, #tpu.memory_space<vmem_shared>>)
    %dma_start3A_430 = arith.constant 74 : i32
    %dma_start3A_431 = arith.constant 0 : i32
    %dma_start3A_432 = arith.constant 0 : i32
    %dma_start3A_433 = tpu.memref_slice %arg9[%dma_start3A_431, %dma_start3A_432] : memref<128x128xf32, #tpu.memory_space<vmem>> -> memref<64x128xf32, #tpu.memory_space<vmem>>
    %dma_start3A_434 = arith.constant 0 : i32
    %dma_start3A_435 = tpu.memref_slice %arg7[%dma_start3A_430, %dma_start3A_434] : memref<80x128xi32, #tpu.memory_space<vmem>> -> memref<1x64xi32, #tpu.memory_space<vmem>>
    %dma_start3A_436 = tpu.memref_squeeze %dma_start3A_435 : memref<1x64xi32, #tpu.memory_space<vmem>> -> memref<64xi32, #tpu.memory_space<vmem>>
    %dma_start3A_437 = arith.constant 0 : i32
    %dma_start3A_438 = arith.constant 0 : i32
    %dma_start3A_439 = tpu.memref_slice %arg2[%dma_start3A_437, %dma_start3A_438] : memref<20000x128xf32, #tpu.memory_space<hbm>> -> memref<20000x128xf32, #tpu.memory_space<hbm>>
    tpu.enqueue_indirect_dma source(%dma_start3A_439 : memref<20000x128xf32, #tpu.memory_space<hbm>>) target(%dma_start3A_433 : memref<64x128xf32, #tpu.memory_space<vmem>>) offsets(%dma_start3A_436 : memref<64xi32, #tpu.memory_space<vmem>>) semaphore(%arg12 : memref<!tpu.dma_semaphore, #tpu.memory_space<semaphore_mem>>)
    %dma_start3A_440 = arith.constant 74 : i32
    %dma_start3A_441 = arith.constant 64 : i32
    %dma_start3A_442 = arith.constant 0 : i32
    %dma_start3A_443 = tpu.memref_slice %arg9[%dma_start3A_441, %dma_start3A_442] : memref<128x128xf32, #tpu.memory_space<vmem>> -> memref<64x128xf32, #tpu.memory_space<vmem>>
    %dma_start3A_444 = arith.constant 64 : i32
    %dma_start3A_445 = tpu.memref_slice %arg7[%dma_start3A_440, %dma_start3A_444] : memref<80x128xi32, #tpu.memory_space<vmem>> -> memref<1x64xi32, #tpu.memory_space<vmem>>
    %dma_start3A_446 = tpu.memref_squeeze %dma_start3A_445 : memref<1x64xi32, #tpu.memory_space<vmem>> -> memref<64xi32, #tpu.memory_space<vmem>>
    %dma_start3A_447 = arith.constant 0 : i32
    %dma_start3A_448 = arith.constant 0 : i32
    %dma_start3A_449 = tpu.memref_slice %arg2[%dma_start3A_447, %dma_start3A_448] : memref<20000x128xf32, #tpu.memory_space<hbm>> -> memref<20000x128xf32, #tpu.memory_space<hbm>>
    tpu.enqueue_indirect_dma source(%dma_start3A_449 : memref<20000x128xf32, #tpu.memory_space<hbm>>) target(%dma_start3A_443 : memref<64x128xf32, #tpu.memory_space<vmem>>) offsets(%dma_start3A_446 : memref<64xi32, #tpu.memory_space<vmem>>) semaphore(%arg12 : memref<!tpu.dma_semaphore, #tpu.memory_space<semaphore_mem>>)
    %dma_wait3A_450 = arith.constant 73 : i32
    %dma_wait3A_451 = arith.constant 0 : i32
    %dma_wait3A_452 = tpu.memref_slice %arg7[%dma_wait3A_450, %dma_wait3A_451] : memref<80x128xi32, #tpu.memory_space<vmem>> -> memref<1x128xi32, #tpu.memory_space<vmem>>
    %dma_wait3A_453 = tpu.memref_squeeze %dma_wait3A_452 : memref<1x128xi32, #tpu.memory_space<vmem>> -> memref<128xi32, #tpu.memory_space<vmem>>
    %dma_wait3A_454 = arith.constant 0 : i32
    %dma_wait3A_455 = arith.constant 0 : i32
    %dma_wait3A_456 = tpu.memref_slice %arg2[%dma_wait3A_454, %dma_wait3A_455] : memref<20000x128xf32, #tpu.memory_space<hbm>> -> memref<20000x128xf32, #tpu.memory_space<hbm>>
    tpu.wait_indirect_dma semaphore(%arg13 : memref<!tpu.dma_semaphore, #tpu.memory_space<semaphore_mem>>) src(%dma_wait3A_456 : memref<20000x128xf32, #tpu.memory_space<hbm>>) dst(%arg10 : memref<128x128xf32, #tpu.memory_space<vmem>>)
    %dma_start3A_457 = arith.constant 9 : i32
    %dma_start3A_458 = arith.constant 0 : i32
    %dma_start3A_459 = tpu.memref_slice %arg8[%dma_start3A_457, %dma_start3A_458] : memref<16x128xi32, #tpu.memory_space<vmem>> -> memref<1x128xi32, #tpu.memory_space<vmem>>
    %dma_start3A_460 = tpu.memref_squeeze %dma_start3A_459 : memref<1x128xi32, #tpu.memory_space<vmem>> -> memref<128xi32, #tpu.memory_space<vmem>>
    %dma_start3A_461 = arith.constant 0 : i32
    %dma_start3A_462 = arith.constant 0 : i32
    %dma_start3A_463 = tpu.memref_slice %arg11[%dma_start3A_461, %dma_start3A_462] : memref<10016x128xf32, #tpu.memory_space<vmem_shared>> -> memref<10016x128xf32, #tpu.memory_space<vmem_shared>>
    tpu.enqueue_indirect_dma source(%arg10 : memref<128x128xf32, #tpu.memory_space<vmem>>) target(%dma_start3A_463 : memref<10016x128xf32, #tpu.memory_space<vmem_shared>>) offsets(%dma_start3A_460 : memref<128xi32, #tpu.memory_space<vmem>>) semaphore(%arg15 : memref<!tpu.dma_semaphore, #tpu.memory_space<semaphore_mem>>) {add = true}
    %dma_wait3A_464 = arith.constant 0 : i32
    %dma_wait3A_465 = arith.constant 0 : i32
    %dma_wait3A_466 = tpu.memref_slice %arg8[%dma_wait3A_464, %dma_wait3A_465] : memref<16x128xi32, #tpu.memory_space<vmem>> -> memref<1x128xi32, #tpu.memory_space<vmem>>
    %dma_wait3A_467 = tpu.memref_squeeze %dma_wait3A_466 : memref<1x128xi32, #tpu.memory_space<vmem>> -> memref<128xi32, #tpu.memory_space<vmem>>
    %dma_wait3A_468 = arith.constant 0 : i32
    %dma_wait3A_469 = arith.constant 0 : i32
    %dma_wait3A_470 = tpu.memref_slice %arg11[%dma_wait3A_468, %dma_wait3A_469] : memref<10016x128xf32, #tpu.memory_space<vmem_shared>> -> memref<10016x128xf32, #tpu.memory_space<vmem_shared>>
    tpu.wait_indirect_dma semaphore(%arg15 : memref<!tpu.dma_semaphore, #tpu.memory_space<semaphore_mem>>) src(%arg10 : memref<128x128xf32, #tpu.memory_space<vmem>>) dst(%dma_wait3A_470 : memref<10016x128xf32, #tpu.memory_space<vmem_shared>>)
    %dma_start3A_471 = arith.constant 75 : i32
    %dma_start3A_472 = arith.constant 0 : i32
    %dma_start3A_473 = arith.constant 0 : i32
    %dma_start3A_474 = tpu.memref_slice %arg10[%dma_start3A_472, %dma_start3A_473] : memref<128x128xf32, #tpu.memory_space<vmem>> -> memref<64x128xf32, #tpu.memory_space<vmem>>
    %dma_start3A_475 = arith.constant 0 : i32
    %dma_start3A_476 = tpu.memref_slice %arg7[%dma_start3A_471, %dma_start3A_475] : memref<80x128xi32, #tpu.memory_space<vmem>> -> memref<1x64xi32, #tpu.memory_space<vmem>>
    %dma_start3A_477 = tpu.memref_squeeze %dma_start3A_476 : memref<1x64xi32, #tpu.memory_space<vmem>> -> memref<64xi32, #tpu.memory_space<vmem>>
    %dma_start3A_478 = arith.constant 0 : i32
    %dma_start3A_479 = arith.constant 0 : i32
    %dma_start3A_480 = tpu.memref_slice %arg2[%dma_start3A_478, %dma_start3A_479] : memref<20000x128xf32, #tpu.memory_space<hbm>> -> memref<20000x128xf32, #tpu.memory_space<hbm>>
    tpu.enqueue_indirect_dma source(%dma_start3A_480 : memref<20000x128xf32, #tpu.memory_space<hbm>>) target(%dma_start3A_474 : memref<64x128xf32, #tpu.memory_space<vmem>>) offsets(%dma_start3A_477 : memref<64xi32, #tpu.memory_space<vmem>>) semaphore(%arg13 : memref<!tpu.dma_semaphore, #tpu.memory_space<semaphore_mem>>)
    %dma_start3A_481 = arith.constant 75 : i32
    %dma_start3A_482 = arith.constant 64 : i32
    %dma_start3A_483 = arith.constant 0 : i32
    %dma_start3A_484 = tpu.memref_slice %arg10[%dma_start3A_482, %dma_start3A_483] : memref<128x128xf32, #tpu.memory_space<vmem>> -> memref<64x128xf32, #tpu.memory_space<vmem>>
    %dma_start3A_485 = arith.constant 64 : i32
    %dma_start3A_486 = tpu.memref_slice %arg7[%dma_start3A_481, %dma_start3A_485] : memref<80x128xi32, #tpu.memory_space<vmem>> -> memref<1x64xi32, #tpu.memory_space<vmem>>
    %dma_start3A_487 = tpu.memref_squeeze %dma_start3A_486 : memref<1x64xi32, #tpu.memory_space<vmem>> -> memref<64xi32, #tpu.memory_space<vmem>>
    %dma_start3A_488 = arith.constant 0 : i32
    %dma_start3A_489 = arith.constant 0 : i32
    %dma_start3A_490 = tpu.memref_slice %arg2[%dma_start3A_488, %dma_start3A_489] : memref<20000x128xf32, #tpu.memory_space<hbm>> -> memref<20000x128xf32, #tpu.memory_space<hbm>>
    tpu.enqueue_indirect_dma source(%dma_start3A_490 : memref<20000x128xf32, #tpu.memory_space<hbm>>) target(%dma_start3A_484 : memref<64x128xf32, #tpu.memory_space<vmem>>) offsets(%dma_start3A_487 : memref<64xi32, #tpu.memory_space<vmem>>) semaphore(%arg13 : memref<!tpu.dma_semaphore, #tpu.memory_space<semaphore_mem>>)
    %dma_wait3A_491 = arith.constant 74 : i32
    %dma_wait3A_492 = arith.constant 0 : i32
    %dma_wait3A_493 = tpu.memref_slice %arg7[%dma_wait3A_491, %dma_wait3A_492] : memref<80x128xi32, #tpu.memory_space<vmem>> -> memref<1x128xi32, #tpu.memory_space<vmem>>
    %dma_wait3A_494 = tpu.memref_squeeze %dma_wait3A_493 : memref<1x128xi32, #tpu.memory_space<vmem>> -> memref<128xi32, #tpu.memory_space<vmem>>
    %dma_wait3A_495 = arith.constant 0 : i32
    %dma_wait3A_496 = arith.constant 0 : i32
    %dma_wait3A_497 = tpu.memref_slice %arg2[%dma_wait3A_495, %dma_wait3A_496] : memref<20000x128xf32, #tpu.memory_space<hbm>> -> memref<20000x128xf32, #tpu.memory_space<hbm>>
    tpu.wait_indirect_dma semaphore(%arg12 : memref<!tpu.dma_semaphore, #tpu.memory_space<semaphore_mem>>) src(%dma_wait3A_497 : memref<20000x128xf32, #tpu.memory_space<hbm>>) dst(%arg9 : memref<128x128xf32, #tpu.memory_space<vmem>>)
    %dma_start3A_498 = arith.constant 10 : i32
    %dma_start3A_499 = arith.constant 0 : i32
    %dma_start3A_500 = tpu.memref_slice %arg8[%dma_start3A_498, %dma_start3A_499] : memref<16x128xi32, #tpu.memory_space<vmem>> -> memref<1x128xi32, #tpu.memory_space<vmem>>
    %dma_start3A_501 = tpu.memref_squeeze %dma_start3A_500 : memref<1x128xi32, #tpu.memory_space<vmem>> -> memref<128xi32, #tpu.memory_space<vmem>>
    %dma_start3A_502 = arith.constant 0 : i32
    %dma_start3A_503 = arith.constant 0 : i32
    %dma_start3A_504 = tpu.memref_slice %arg11[%dma_start3A_502, %dma_start3A_503] : memref<10016x128xf32, #tpu.memory_space<vmem_shared>> -> memref<10016x128xf32, #tpu.memory_space<vmem_shared>>
    tpu.enqueue_indirect_dma source(%arg9 : memref<128x128xf32, #tpu.memory_space<vmem>>) target(%dma_start3A_504 : memref<10016x128xf32, #tpu.memory_space<vmem_shared>>) offsets(%dma_start3A_501 : memref<128xi32, #tpu.memory_space<vmem>>) semaphore(%arg14 : memref<!tpu.dma_semaphore, #tpu.memory_space<semaphore_mem>>) {add = true}
    %dma_wait3A_505 = arith.constant 0 : i32
    %dma_wait3A_506 = arith.constant 0 : i32
    %dma_wait3A_507 = tpu.memref_slice %arg8[%dma_wait3A_505, %dma_wait3A_506] : memref<16x128xi32, #tpu.memory_space<vmem>> -> memref<1x128xi32, #tpu.memory_space<vmem>>
    %dma_wait3A_508 = tpu.memref_squeeze %dma_wait3A_507 : memref<1x128xi32, #tpu.memory_space<vmem>> -> memref<128xi32, #tpu.memory_space<vmem>>
    %dma_wait3A_509 = arith.constant 0 : i32
    %dma_wait3A_510 = arith.constant 0 : i32
    %dma_wait3A_511 = tpu.memref_slice %arg11[%dma_wait3A_509, %dma_wait3A_510] : memref<10016x128xf32, #tpu.memory_space<vmem_shared>> -> memref<10016x128xf32, #tpu.memory_space<vmem_shared>>
    tpu.wait_indirect_dma semaphore(%arg14 : memref<!tpu.dma_semaphore, #tpu.memory_space<semaphore_mem>>) src(%arg9 : memref<128x128xf32, #tpu.memory_space<vmem>>) dst(%dma_wait3A_511 : memref<10016x128xf32, #tpu.memory_space<vmem_shared>>)
    %dma_start3A_512 = arith.constant 76 : i32
    %dma_start3A_513 = arith.constant 0 : i32
    %dma_start3A_514 = arith.constant 0 : i32
    %dma_start3A_515 = tpu.memref_slice %arg9[%dma_start3A_513, %dma_start3A_514] : memref<128x128xf32, #tpu.memory_space<vmem>> -> memref<64x128xf32, #tpu.memory_space<vmem>>
    %dma_start3A_516 = arith.constant 0 : i32
    %dma_start3A_517 = tpu.memref_slice %arg7[%dma_start3A_512, %dma_start3A_516] : memref<80x128xi32, #tpu.memory_space<vmem>> -> memref<1x64xi32, #tpu.memory_space<vmem>>
    %dma_start3A_518 = tpu.memref_squeeze %dma_start3A_517 : memref<1x64xi32, #tpu.memory_space<vmem>> -> memref<64xi32, #tpu.memory_space<vmem>>
    %dma_start3A_519 = arith.constant 0 : i32
    %dma_start3A_520 = arith.constant 0 : i32
    %dma_start3A_521 = tpu.memref_slice %arg2[%dma_start3A_519, %dma_start3A_520] : memref<20000x128xf32, #tpu.memory_space<hbm>> -> memref<20000x128xf32, #tpu.memory_space<hbm>>
    tpu.enqueue_indirect_dma source(%dma_start3A_521 : memref<20000x128xf32, #tpu.memory_space<hbm>>) target(%dma_start3A_515 : memref<64x128xf32, #tpu.memory_space<vmem>>) offsets(%dma_start3A_518 : memref<64xi32, #tpu.memory_space<vmem>>) semaphore(%arg12 : memref<!tpu.dma_semaphore, #tpu.memory_space<semaphore_mem>>)
    %dma_start3A_522 = arith.constant 76 : i32
    %dma_start3A_523 = arith.constant 64 : i32
    %dma_start3A_524 = arith.constant 0 : i32
    %dma_start3A_525 = tpu.memref_slice %arg9[%dma_start3A_523, %dma_start3A_524] : memref<128x128xf32, #tpu.memory_space<vmem>> -> memref<64x128xf32, #tpu.memory_space<vmem>>
    %dma_start3A_526 = arith.constant 64 : i32
    %dma_start3A_527 = tpu.memref_slice %arg7[%dma_start3A_522, %dma_start3A_526] : memref<80x128xi32, #tpu.memory_space<vmem>> -> memref<1x64xi32, #tpu.memory_space<vmem>>
    %dma_start3A_528 = tpu.memref_squeeze %dma_start3A_527 : memref<1x64xi32, #tpu.memory_space<vmem>> -> memref<64xi32, #tpu.memory_space<vmem>>
    %dma_start3A_529 = arith.constant 0 : i32
    %dma_start3A_530 = arith.constant 0 : i32
    %dma_start3A_531 = tpu.memref_slice %arg2[%dma_start3A_529, %dma_start3A_530] : memref<20000x128xf32, #tpu.memory_space<hbm>> -> memref<20000x128xf32, #tpu.memory_space<hbm>>
    tpu.enqueue_indirect_dma source(%dma_start3A_531 : memref<20000x128xf32, #tpu.memory_space<hbm>>) target(%dma_start3A_525 : memref<64x128xf32, #tpu.memory_space<vmem>>) offsets(%dma_start3A_528 : memref<64xi32, #tpu.memory_space<vmem>>) semaphore(%arg12 : memref<!tpu.dma_semaphore, #tpu.memory_space<semaphore_mem>>)
    %dma_wait3A_532 = arith.constant 75 : i32
    %dma_wait3A_533 = arith.constant 0 : i32
    %dma_wait3A_534 = tpu.memref_slice %arg7[%dma_wait3A_532, %dma_wait3A_533] : memref<80x128xi32, #tpu.memory_space<vmem>> -> memref<1x128xi32, #tpu.memory_space<vmem>>
    %dma_wait3A_535 = tpu.memref_squeeze %dma_wait3A_534 : memref<1x128xi32, #tpu.memory_space<vmem>> -> memref<128xi32, #tpu.memory_space<vmem>>
    %dma_wait3A_536 = arith.constant 0 : i32
    %dma_wait3A_537 = arith.constant 0 : i32
    %dma_wait3A_538 = tpu.memref_slice %arg2[%dma_wait3A_536, %dma_wait3A_537] : memref<20000x128xf32, #tpu.memory_space<hbm>> -> memref<20000x128xf32, #tpu.memory_space<hbm>>
    tpu.wait_indirect_dma semaphore(%arg13 : memref<!tpu.dma_semaphore, #tpu.memory_space<semaphore_mem>>) src(%dma_wait3A_538 : memref<20000x128xf32, #tpu.memory_space<hbm>>) dst(%arg10 : memref<128x128xf32, #tpu.memory_space<vmem>>)
    %dma_start3A_539 = arith.constant 11 : i32
    %dma_start3A_540 = arith.constant 0 : i32
    %dma_start3A_541 = tpu.memref_slice %arg8[%dma_start3A_539, %dma_start3A_540] : memref<16x128xi32, #tpu.memory_space<vmem>> -> memref<1x128xi32, #tpu.memory_space<vmem>>
    %dma_start3A_542 = tpu.memref_squeeze %dma_start3A_541 : memref<1x128xi32, #tpu.memory_space<vmem>> -> memref<128xi32, #tpu.memory_space<vmem>>
    %dma_start3A_543 = arith.constant 0 : i32
    %dma_start3A_544 = arith.constant 0 : i32
    %dma_start3A_545 = tpu.memref_slice %arg11[%dma_start3A_543, %dma_start3A_544] : memref<10016x128xf32, #tpu.memory_space<vmem_shared>> -> memref<10016x128xf32, #tpu.memory_space<vmem_shared>>
    tpu.enqueue_indirect_dma source(%arg10 : memref<128x128xf32, #tpu.memory_space<vmem>>) target(%dma_start3A_545 : memref<10016x128xf32, #tpu.memory_space<vmem_shared>>) offsets(%dma_start3A_542 : memref<128xi32, #tpu.memory_space<vmem>>) semaphore(%arg15 : memref<!tpu.dma_semaphore, #tpu.memory_space<semaphore_mem>>) {add = true}
    %dma_wait3A_546 = arith.constant 0 : i32
    %dma_wait3A_547 = arith.constant 0 : i32
    %dma_wait3A_548 = tpu.memref_slice %arg8[%dma_wait3A_546, %dma_wait3A_547] : memref<16x128xi32, #tpu.memory_space<vmem>> -> memref<1x128xi32, #tpu.memory_space<vmem>>
    %dma_wait3A_549 = tpu.memref_squeeze %dma_wait3A_548 : memref<1x128xi32, #tpu.memory_space<vmem>> -> memref<128xi32, #tpu.memory_space<vmem>>
    %dma_wait3A_550 = arith.constant 0 : i32
    %dma_wait3A_551 = arith.constant 0 : i32
    %dma_wait3A_552 = tpu.memref_slice %arg11[%dma_wait3A_550, %dma_wait3A_551] : memref<10016x128xf32, #tpu.memory_space<vmem_shared>> -> memref<10016x128xf32, #tpu.memory_space<vmem_shared>>
    tpu.wait_indirect_dma semaphore(%arg15 : memref<!tpu.dma_semaphore, #tpu.memory_space<semaphore_mem>>) src(%arg10 : memref<128x128xf32, #tpu.memory_space<vmem>>) dst(%dma_wait3A_552 : memref<10016x128xf32, #tpu.memory_space<vmem_shared>>)
    %dma_start3A_553 = arith.constant 77 : i32
    %dma_start3A_554 = arith.constant 0 : i32
    %dma_start3A_555 = arith.constant 0 : i32
    %dma_start3A_556 = tpu.memref_slice %arg10[%dma_start3A_554, %dma_start3A_555] : memref<128x128xf32, #tpu.memory_space<vmem>> -> memref<64x128xf32, #tpu.memory_space<vmem>>
    %dma_start3A_557 = arith.constant 0 : i32
    %dma_start3A_558 = tpu.memref_slice %arg7[%dma_start3A_553, %dma_start3A_557] : memref<80x128xi32, #tpu.memory_space<vmem>> -> memref<1x64xi32, #tpu.memory_space<vmem>>
    %dma_start3A_559 = tpu.memref_squeeze %dma_start3A_558 : memref<1x64xi32, #tpu.memory_space<vmem>> -> memref<64xi32, #tpu.memory_space<vmem>>
    %dma_start3A_560 = arith.constant 0 : i32
    %dma_start3A_561 = arith.constant 0 : i32
    %dma_start3A_562 = tpu.memref_slice %arg2[%dma_start3A_560, %dma_start3A_561] : memref<20000x128xf32, #tpu.memory_space<hbm>> -> memref<20000x128xf32, #tpu.memory_space<hbm>>
    tpu.enqueue_indirect_dma source(%dma_start3A_562 : memref<20000x128xf32, #tpu.memory_space<hbm>>) target(%dma_start3A_556 : memref<64x128xf32, #tpu.memory_space<vmem>>) offsets(%dma_start3A_559 : memref<64xi32, #tpu.memory_space<vmem>>) semaphore(%arg13 : memref<!tpu.dma_semaphore, #tpu.memory_space<semaphore_mem>>)
    %dma_start3A_563 = arith.constant 77 : i32
    %dma_start3A_564 = arith.constant 64 : i32
    %dma_start3A_565 = arith.constant 0 : i32
    %dma_start3A_566 = tpu.memref_slice %arg10[%dma_start3A_564, %dma_start3A_565] : memref<128x128xf32, #tpu.memory_space<vmem>> -> memref<64x128xf32, #tpu.memory_space<vmem>>
    %dma_start3A_567 = arith.constant 64 : i32
    %dma_start3A_568 = tpu.memref_slice %arg7[%dma_start3A_563, %dma_start3A_567] : memref<80x128xi32, #tpu.memory_space<vmem>> -> memref<1x64xi32, #tpu.memory_space<vmem>>
    %dma_start3A_569 = tpu.memref_squeeze %dma_start3A_568 : memref<1x64xi32, #tpu.memory_space<vmem>> -> memref<64xi32, #tpu.memory_space<vmem>>
    %dma_start3A_570 = arith.constant 0 : i32
    %dma_start3A_571 = arith.constant 0 : i32
    %dma_start3A_572 = tpu.memref_slice %arg2[%dma_start3A_570, %dma_start3A_571] : memref<20000x128xf32, #tpu.memory_space<hbm>> -> memref<20000x128xf32, #tpu.memory_space<hbm>>
    tpu.enqueue_indirect_dma source(%dma_start3A_572 : memref<20000x128xf32, #tpu.memory_space<hbm>>) target(%dma_start3A_566 : memref<64x128xf32, #tpu.memory_space<vmem>>) offsets(%dma_start3A_569 : memref<64xi32, #tpu.memory_space<vmem>>) semaphore(%arg13 : memref<!tpu.dma_semaphore, #tpu.memory_space<semaphore_mem>>)
    %dma_wait3A_573 = arith.constant 76 : i32
    %dma_wait3A_574 = arith.constant 0 : i32
    %dma_wait3A_575 = tpu.memref_slice %arg7[%dma_wait3A_573, %dma_wait3A_574] : memref<80x128xi32, #tpu.memory_space<vmem>> -> memref<1x128xi32, #tpu.memory_space<vmem>>
    %dma_wait3A_576 = tpu.memref_squeeze %dma_wait3A_575 : memref<1x128xi32, #tpu.memory_space<vmem>> -> memref<128xi32, #tpu.memory_space<vmem>>
    %dma_wait3A_577 = arith.constant 0 : i32
    %dma_wait3A_578 = arith.constant 0 : i32
    %dma_wait3A_579 = tpu.memref_slice %arg2[%dma_wait3A_577, %dma_wait3A_578] : memref<20000x128xf32, #tpu.memory_space<hbm>> -> memref<20000x128xf32, #tpu.memory_space<hbm>>
    tpu.wait_indirect_dma semaphore(%arg12 : memref<!tpu.dma_semaphore, #tpu.memory_space<semaphore_mem>>) src(%dma_wait3A_579 : memref<20000x128xf32, #tpu.memory_space<hbm>>) dst(%arg9 : memref<128x128xf32, #tpu.memory_space<vmem>>)
    %dma_start3A_580 = arith.constant 12 : i32
    %dma_start3A_581 = arith.constant 0 : i32
    %dma_start3A_582 = tpu.memref_slice %arg8[%dma_start3A_580, %dma_start3A_581] : memref<16x128xi32, #tpu.memory_space<vmem>> -> memref<1x128xi32, #tpu.memory_space<vmem>>
    %dma_start3A_583 = tpu.memref_squeeze %dma_start3A_582 : memref<1x128xi32, #tpu.memory_space<vmem>> -> memref<128xi32, #tpu.memory_space<vmem>>
    %dma_start3A_584 = arith.constant 0 : i32
    %dma_start3A_585 = arith.constant 0 : i32
    %dma_start3A_586 = tpu.memref_slice %arg11[%dma_start3A_584, %dma_start3A_585] : memref<10016x128xf32, #tpu.memory_space<vmem_shared>> -> memref<10016x128xf32, #tpu.memory_space<vmem_shared>>
    tpu.enqueue_indirect_dma source(%arg9 : memref<128x128xf32, #tpu.memory_space<vmem>>) target(%dma_start3A_586 : memref<10016x128xf32, #tpu.memory_space<vmem_shared>>) offsets(%dma_start3A_583 : memref<128xi32, #tpu.memory_space<vmem>>) semaphore(%arg14 : memref<!tpu.dma_semaphore, #tpu.memory_space<semaphore_mem>>) {add = true}
    %dma_wait3A_587 = arith.constant 0 : i32
    %dma_wait3A_588 = arith.constant 0 : i32
    %dma_wait3A_589 = tpu.memref_slice %arg8[%dma_wait3A_587, %dma_wait3A_588] : memref<16x128xi32, #tpu.memory_space<vmem>> -> memref<1x128xi32, #tpu.memory_space<vmem>>
    %dma_wait3A_590 = tpu.memref_squeeze %dma_wait3A_589 : memref<1x128xi32, #tpu.memory_space<vmem>> -> memref<128xi32, #tpu.memory_space<vmem>>
    %dma_wait3A_591 = arith.constant 0 : i32
    %dma_wait3A_592 = arith.constant 0 : i32
    %dma_wait3A_593 = tpu.memref_slice %arg11[%dma_wait3A_591, %dma_wait3A_592] : memref<10016x128xf32, #tpu.memory_space<vmem_shared>> -> memref<10016x128xf32, #tpu.memory_space<vmem_shared>>
    tpu.wait_indirect_dma semaphore(%arg14 : memref<!tpu.dma_semaphore, #tpu.memory_space<semaphore_mem>>) src(%arg9 : memref<128x128xf32, #tpu.memory_space<vmem>>) dst(%dma_wait3A_593 : memref<10016x128xf32, #tpu.memory_space<vmem_shared>>)
    %dma_start3A_594 = arith.constant 78 : i32
    %dma_start3A_595 = arith.constant 0 : i32
    %dma_start3A_596 = arith.constant 0 : i32
    %dma_start3A_597 = tpu.memref_slice %arg9[%dma_start3A_595, %dma_start3A_596] : memref<128x128xf32, #tpu.memory_space<vmem>> -> memref<64x128xf32, #tpu.memory_space<vmem>>
    %dma_start3A_598 = arith.constant 0 : i32
    %dma_start3A_599 = tpu.memref_slice %arg7[%dma_start3A_594, %dma_start3A_598] : memref<80x128xi32, #tpu.memory_space<vmem>> -> memref<1x64xi32, #tpu.memory_space<vmem>>
    %dma_start3A_600 = tpu.memref_squeeze %dma_start3A_599 : memref<1x64xi32, #tpu.memory_space<vmem>> -> memref<64xi32, #tpu.memory_space<vmem>>
    %dma_start3A_601 = arith.constant 0 : i32
    %dma_start3A_602 = arith.constant 0 : i32
    %dma_start3A_603 = tpu.memref_slice %arg2[%dma_start3A_601, %dma_start3A_602] : memref<20000x128xf32, #tpu.memory_space<hbm>> -> memref<20000x128xf32, #tpu.memory_space<hbm>>
    tpu.enqueue_indirect_dma source(%dma_start3A_603 : memref<20000x128xf32, #tpu.memory_space<hbm>>) target(%dma_start3A_597 : memref<64x128xf32, #tpu.memory_space<vmem>>) offsets(%dma_start3A_600 : memref<64xi32, #tpu.memory_space<vmem>>) semaphore(%arg12 : memref<!tpu.dma_semaphore, #tpu.memory_space<semaphore_mem>>)
    %dma_start3A_604 = arith.constant 78 : i32
    %dma_start3A_605 = arith.constant 64 : i32
    %dma_start3A_606 = arith.constant 0 : i32
    %dma_start3A_607 = tpu.memref_slice %arg9[%dma_start3A_605, %dma_start3A_606] : memref<128x128xf32, #tpu.memory_space<vmem>> -> memref<64x128xf32, #tpu.memory_space<vmem>>
    %dma_start3A_608 = arith.constant 64 : i32
    %dma_start3A_609 = tpu.memref_slice %arg7[%dma_start3A_604, %dma_start3A_608] : memref<80x128xi32, #tpu.memory_space<vmem>> -> memref<1x64xi32, #tpu.memory_space<vmem>>
    %dma_start3A_610 = tpu.memref_squeeze %dma_start3A_609 : memref<1x64xi32, #tpu.memory_space<vmem>> -> memref<64xi32, #tpu.memory_space<vmem>>
    %dma_start3A_611 = arith.constant 0 : i32
    %dma_start3A_612 = arith.constant 0 : i32
    %dma_start3A_613 = tpu.memref_slice %arg2[%dma_start3A_611, %dma_start3A_612] : memref<20000x128xf32, #tpu.memory_space<hbm>> -> memref<20000x128xf32, #tpu.memory_space<hbm>>
    tpu.enqueue_indirect_dma source(%dma_start3A_613 : memref<20000x128xf32, #tpu.memory_space<hbm>>) target(%dma_start3A_607 : memref<64x128xf32, #tpu.memory_space<vmem>>) offsets(%dma_start3A_610 : memref<64xi32, #tpu.memory_space<vmem>>) semaphore(%arg12 : memref<!tpu.dma_semaphore, #tpu.memory_space<semaphore_mem>>)
    %dma_wait3A_614 = arith.constant 77 : i32
    %dma_wait3A_615 = arith.constant 0 : i32
    %dma_wait3A_616 = tpu.memref_slice %arg7[%dma_wait3A_614, %dma_wait3A_615] : memref<80x128xi32, #tpu.memory_space<vmem>> -> memref<1x128xi32, #tpu.memory_space<vmem>>
    %dma_wait3A_617 = tpu.memref_squeeze %dma_wait3A_616 : memref<1x128xi32, #tpu.memory_space<vmem>> -> memref<128xi32, #tpu.memory_space<vmem>>
    %dma_wait3A_618 = arith.constant 0 : i32
    %dma_wait3A_619 = arith.constant 0 : i32
    %dma_wait3A_620 = tpu.memref_slice %arg2[%dma_wait3A_618, %dma_wait3A_619] : memref<20000x128xf32, #tpu.memory_space<hbm>> -> memref<20000x128xf32, #tpu.memory_space<hbm>>
    tpu.wait_indirect_dma semaphore(%arg13 : memref<!tpu.dma_semaphore, #tpu.memory_space<semaphore_mem>>) src(%dma_wait3A_620 : memref<20000x128xf32, #tpu.memory_space<hbm>>) dst(%arg10 : memref<128x128xf32, #tpu.memory_space<vmem>>)
    %dma_start3A_621 = arith.constant 13 : i32
    %dma_start3A_622 = arith.constant 0 : i32
    %dma_start3A_623 = tpu.memref_slice %arg8[%dma_start3A_621, %dma_start3A_622] : memref<16x128xi32, #tpu.memory_space<vmem>> -> memref<1x128xi32, #tpu.memory_space<vmem>>
    %dma_start3A_624 = tpu.memref_squeeze %dma_start3A_623 : memref<1x128xi32, #tpu.memory_space<vmem>> -> memref<128xi32, #tpu.memory_space<vmem>>
    %dma_start3A_625 = arith.constant 0 : i32
    %dma_start3A_626 = arith.constant 0 : i32
    %dma_start3A_627 = tpu.memref_slice %arg11[%dma_start3A_625, %dma_start3A_626] : memref<10016x128xf32, #tpu.memory_space<vmem_shared>> -> memref<10016x128xf32, #tpu.memory_space<vmem_shared>>
    tpu.enqueue_indirect_dma source(%arg10 : memref<128x128xf32, #tpu.memory_space<vmem>>) target(%dma_start3A_627 : memref<10016x128xf32, #tpu.memory_space<vmem_shared>>) offsets(%dma_start3A_624 : memref<128xi32, #tpu.memory_space<vmem>>) semaphore(%arg15 : memref<!tpu.dma_semaphore, #tpu.memory_space<semaphore_mem>>) {add = true}
    %dma_wait3A_628 = arith.constant 0 : i32
    %dma_wait3A_629 = arith.constant 0 : i32
    %dma_wait3A_630 = tpu.memref_slice %arg8[%dma_wait3A_628, %dma_wait3A_629] : memref<16x128xi32, #tpu.memory_space<vmem>> -> memref<1x128xi32, #tpu.memory_space<vmem>>
    %dma_wait3A_631 = tpu.memref_squeeze %dma_wait3A_630 : memref<1x128xi32, #tpu.memory_space<vmem>> -> memref<128xi32, #tpu.memory_space<vmem>>
    %dma_wait3A_632 = arith.constant 0 : i32
    %dma_wait3A_633 = arith.constant 0 : i32
    %dma_wait3A_634 = tpu.memref_slice %arg11[%dma_wait3A_632, %dma_wait3A_633] : memref<10016x128xf32, #tpu.memory_space<vmem_shared>> -> memref<10016x128xf32, #tpu.memory_space<vmem_shared>>
    tpu.wait_indirect_dma semaphore(%arg15 : memref<!tpu.dma_semaphore, #tpu.memory_space<semaphore_mem>>) src(%arg10 : memref<128x128xf32, #tpu.memory_space<vmem>>) dst(%dma_wait3A_634 : memref<10016x128xf32, #tpu.memory_space<vmem_shared>>)
    %dma_start3A_635 = arith.constant 79 : i32
    %dma_start3A_636 = arith.constant 0 : i32
    %dma_start3A_637 = arith.constant 0 : i32
    %dma_start3A_638 = tpu.memref_slice %arg10[%dma_start3A_636, %dma_start3A_637] : memref<128x128xf32, #tpu.memory_space<vmem>> -> memref<64x128xf32, #tpu.memory_space<vmem>>
    %dma_start3A_639 = arith.constant 0 : i32
    %dma_start3A_640 = tpu.memref_slice %arg7[%dma_start3A_635, %dma_start3A_639] : memref<80x128xi32, #tpu.memory_space<vmem>> -> memref<1x64xi32, #tpu.memory_space<vmem>>
    %dma_start3A_641 = tpu.memref_squeeze %dma_start3A_640 : memref<1x64xi32, #tpu.memory_space<vmem>> -> memref<64xi32, #tpu.memory_space<vmem>>
    %dma_start3A_642 = arith.constant 0 : i32
    %dma_start3A_643 = arith.constant 0 : i32
    %dma_start3A_644 = tpu.memref_slice %arg2[%dma_start3A_642, %dma_start3A_643] : memref<20000x128xf32, #tpu.memory_space<hbm>> -> memref<20000x128xf32, #tpu.memory_space<hbm>>
    tpu.enqueue_indirect_dma source(%dma_start3A_644 : memref<20000x128xf32, #tpu.memory_space<hbm>>) target(%dma_start3A_638 : memref<64x128xf32, #tpu.memory_space<vmem>>) offsets(%dma_start3A_641 : memref<64xi32, #tpu.memory_space<vmem>>) semaphore(%arg13 : memref<!tpu.dma_semaphore, #tpu.memory_space<semaphore_mem>>)
    %dma_start3A_645 = arith.constant 79 : i32
    %dma_start3A_646 = arith.constant 64 : i32
    %dma_start3A_647 = arith.constant 0 : i32
    %dma_start3A_648 = tpu.memref_slice %arg10[%dma_start3A_646, %dma_start3A_647] : memref<128x128xf32, #tpu.memory_space<vmem>> -> memref<64x128xf32, #tpu.memory_space<vmem>>
    %dma_start3A_649 = arith.constant 64 : i32
    %dma_start3A_650 = tpu.memref_slice %arg7[%dma_start3A_645, %dma_start3A_649] : memref<80x128xi32, #tpu.memory_space<vmem>> -> memref<1x64xi32, #tpu.memory_space<vmem>>
    %dma_start3A_651 = tpu.memref_squeeze %dma_start3A_650 : memref<1x64xi32, #tpu.memory_space<vmem>> -> memref<64xi32, #tpu.memory_space<vmem>>
    %dma_start3A_652 = arith.constant 0 : i32
    %dma_start3A_653 = arith.constant 0 : i32
    %dma_start3A_654 = tpu.memref_slice %arg2[%dma_start3A_652, %dma_start3A_653] : memref<20000x128xf32, #tpu.memory_space<hbm>> -> memref<20000x128xf32, #tpu.memory_space<hbm>>
    tpu.enqueue_indirect_dma source(%dma_start3A_654 : memref<20000x128xf32, #tpu.memory_space<hbm>>) target(%dma_start3A_648 : memref<64x128xf32, #tpu.memory_space<vmem>>) offsets(%dma_start3A_651 : memref<64xi32, #tpu.memory_space<vmem>>) semaphore(%arg13 : memref<!tpu.dma_semaphore, #tpu.memory_space<semaphore_mem>>)
    %dma_wait3A_655 = arith.constant 78 : i32
    %dma_wait3A_656 = arith.constant 0 : i32
    %dma_wait3A_657 = tpu.memref_slice %arg7[%dma_wait3A_655, %dma_wait3A_656] : memref<80x128xi32, #tpu.memory_space<vmem>> -> memref<1x128xi32, #tpu.memory_space<vmem>>
    %dma_wait3A_658 = tpu.memref_squeeze %dma_wait3A_657 : memref<1x128xi32, #tpu.memory_space<vmem>> -> memref<128xi32, #tpu.memory_space<vmem>>
    %dma_wait3A_659 = arith.constant 0 : i32
    %dma_wait3A_660 = arith.constant 0 : i32
    %dma_wait3A_661 = tpu.memref_slice %arg2[%dma_wait3A_659, %dma_wait3A_660] : memref<20000x128xf32, #tpu.memory_space<hbm>> -> memref<20000x128xf32, #tpu.memory_space<hbm>>
    tpu.wait_indirect_dma semaphore(%arg12 : memref<!tpu.dma_semaphore, #tpu.memory_space<semaphore_mem>>) src(%dma_wait3A_661 : memref<20000x128xf32, #tpu.memory_space<hbm>>) dst(%arg9 : memref<128x128xf32, #tpu.memory_space<vmem>>)
    %dma_start3A_662 = arith.constant 14 : i32
    %dma_start3A_663 = arith.constant 0 : i32
    %dma_start3A_664 = tpu.memref_slice %arg8[%dma_start3A_662, %dma_start3A_663] : memref<16x128xi32, #tpu.memory_space<vmem>> -> memref<1x128xi32, #tpu.memory_space<vmem>>
    %dma_start3A_665 = tpu.memref_squeeze %dma_start3A_664 : memref<1x128xi32, #tpu.memory_space<vmem>> -> memref<128xi32, #tpu.memory_space<vmem>>
    %dma_start3A_666 = arith.constant 0 : i32
    %dma_start3A_667 = arith.constant 0 : i32
    %dma_start3A_668 = tpu.memref_slice %arg11[%dma_start3A_666, %dma_start3A_667] : memref<10016x128xf32, #tpu.memory_space<vmem_shared>> -> memref<10016x128xf32, #tpu.memory_space<vmem_shared>>
    tpu.enqueue_indirect_dma source(%arg9 : memref<128x128xf32, #tpu.memory_space<vmem>>) target(%dma_start3A_668 : memref<10016x128xf32, #tpu.memory_space<vmem_shared>>) offsets(%dma_start3A_665 : memref<128xi32, #tpu.memory_space<vmem>>) semaphore(%arg14 : memref<!tpu.dma_semaphore, #tpu.memory_space<semaphore_mem>>) {add = true}
    %dma_wait3A_669 = arith.constant 0 : i32
    %dma_wait3A_670 = arith.constant 0 : i32
    %dma_wait3A_671 = tpu.memref_slice %arg8[%dma_wait3A_669, %dma_wait3A_670] : memref<16x128xi32, #tpu.memory_space<vmem>> -> memref<1x128xi32, #tpu.memory_space<vmem>>
    %dma_wait3A_672 = tpu.memref_squeeze %dma_wait3A_671 : memref<1x128xi32, #tpu.memory_space<vmem>> -> memref<128xi32, #tpu.memory_space<vmem>>
    %dma_wait3A_673 = arith.constant 0 : i32
    %dma_wait3A_674 = arith.constant 0 : i32
    %dma_wait3A_675 = tpu.memref_slice %arg11[%dma_wait3A_673, %dma_wait3A_674] : memref<10016x128xf32, #tpu.memory_space<vmem_shared>> -> memref<10016x128xf32, #tpu.memory_space<vmem_shared>>
    tpu.wait_indirect_dma semaphore(%arg14 : memref<!tpu.dma_semaphore, #tpu.memory_space<semaphore_mem>>) src(%arg9 : memref<128x128xf32, #tpu.memory_space<vmem>>) dst(%dma_wait3A_675 : memref<10016x128xf32, #tpu.memory_space<vmem_shared>>)
    %dma_wait3A_676 = arith.constant 79 : i32
    %dma_wait3A_677 = arith.constant 0 : i32
    %dma_wait3A_678 = tpu.memref_slice %arg7[%dma_wait3A_676, %dma_wait3A_677] : memref<80x128xi32, #tpu.memory_space<vmem>> -> memref<1x128xi32, #tpu.memory_space<vmem>>
    %dma_wait3A_679 = tpu.memref_squeeze %dma_wait3A_678 : memref<1x128xi32, #tpu.memory_space<vmem>> -> memref<128xi32, #tpu.memory_space<vmem>>
    %dma_wait3A_680 = arith.constant 0 : i32
    %dma_wait3A_681 = arith.constant 0 : i32
    %dma_wait3A_682 = tpu.memref_slice %arg2[%dma_wait3A_680, %dma_wait3A_681] : memref<20000x128xf32, #tpu.memory_space<hbm>> -> memref<20000x128xf32, #tpu.memory_space<hbm>>
    tpu.wait_indirect_dma semaphore(%arg13 : memref<!tpu.dma_semaphore, #tpu.memory_space<semaphore_mem>>) src(%dma_wait3A_682 : memref<20000x128xf32, #tpu.memory_space<hbm>>) dst(%arg10 : memref<128x128xf32, #tpu.memory_space<vmem>>)
    %dma_start3A_683 = arith.constant 15 : i32
    %dma_start3A_684 = arith.constant 0 : i32
    %dma_start3A_685 = tpu.memref_slice %arg8[%dma_start3A_683, %dma_start3A_684] : memref<16x128xi32, #tpu.memory_space<vmem>> -> memref<1x128xi32, #tpu.memory_space<vmem>>
    %dma_start3A_686 = tpu.memref_squeeze %dma_start3A_685 : memref<1x128xi32, #tpu.memory_space<vmem>> -> memref<128xi32, #tpu.memory_space<vmem>>
    %dma_start3A_687 = arith.constant 0 : i32
    %dma_start3A_688 = arith.constant 0 : i32
    %dma_start3A_689 = tpu.memref_slice %arg11[%dma_start3A_687, %dma_start3A_688] : memref<10016x128xf32, #tpu.memory_space<vmem_shared>> -> memref<10016x128xf32, #tpu.memory_space<vmem_shared>>
    tpu.enqueue_indirect_dma source(%arg10 : memref<128x128xf32, #tpu.memory_space<vmem>>) target(%dma_start3A_689 : memref<10016x128xf32, #tpu.memory_space<vmem_shared>>) offsets(%dma_start3A_686 : memref<128xi32, #tpu.memory_space<vmem>>) semaphore(%arg15 : memref<!tpu.dma_semaphore, #tpu.memory_space<semaphore_mem>>) {add = true}
    %dma_wait3A_690 = arith.constant 0 : i32
    %dma_wait3A_691 = arith.constant 0 : i32
    %dma_wait3A_692 = tpu.memref_slice %arg8[%dma_wait3A_690, %dma_wait3A_691] : memref<16x128xi32, #tpu.memory_space<vmem>> -> memref<1x128xi32, #tpu.memory_space<vmem>>
    %dma_wait3A_693 = tpu.memref_squeeze %dma_wait3A_692 : memref<1x128xi32, #tpu.memory_space<vmem>> -> memref<128xi32, #tpu.memory_space<vmem>>
    %dma_wait3A_694 = arith.constant 0 : i32
    %dma_wait3A_695 = arith.constant 0 : i32
    %dma_wait3A_696 = tpu.memref_slice %arg11[%dma_wait3A_694, %dma_wait3A_695] : memref<10016x128xf32, #tpu.memory_space<vmem_shared>> -> memref<10016x128xf32, #tpu.memory_space<vmem_shared>>
    tpu.wait_indirect_dma semaphore(%arg15 : memref<!tpu.dma_semaphore, #tpu.memory_space<semaphore_mem>>) src(%arg10 : memref<128x128xf32, #tpu.memory_space<vmem>>) dst(%dma_wait3A_696 : memref<10016x128xf32, #tpu.memory_space<vmem_shared>>)
    %barrier3A_697 = arith.constant 0 : index
    tpu.barrier barrier_id(%barrier3A_697)
    %add3A_698 = arith.constant 0 : i32
    %add3A_699 = arith.addi %mul3A_0, %add3A_698 : i32
    %add3A_700 = arith.constant 0 : i32
    %add3A_701 = arith.addi %mul3A_0, %add3A_700 : i32
    "tpu.region"() ({
      %run_scoped3A = tpu.sem_alloc : memref<!tpu.dma_semaphore, #tpu.memory_space<semaphore_mem>>
      %dma_start3A_718 = arith.constant 0 : i32
      %dma_start3A_719 = tpu.memref_slice %arg6[%arg0, %add3A_701, %dma_start3A_718] : memref<2x10000x128xf32, #tpu.memory_space<hbm>> -> memref<1x128x128xf32, #tpu.memory_space<hbm>>
      %dma_start3A_720 = tpu.memref_squeeze %dma_start3A_719 : memref<1x128x128xf32, #tpu.memory_space<hbm>> -> memref<128x128xf32, #tpu.memory_space<hbm>>
      %dma_start3A_721 = arith.constant 0 : i32
      %dma_start3A_722 = tpu.memref_slice %arg11[%add3A_699, %dma_start3A_721] : memref<10016x128xf32, #tpu.memory_space<vmem_shared>> -> memref<128x128xf32, #tpu.memory_space<vmem_shared>>
      tpu.enqueue_dma source(%dma_start3A_722 : memref<128x128xf32, #tpu.memory_space<vmem_shared>>) target(%dma_start3A_720 : memref<128x128xf32, #tpu.memory_space<hbm>>) target_semaphore(%run_scoped3A : memref<!tpu.dma_semaphore, #tpu.memory_space<semaphore_mem>>)
      %dma_wait3A_723 = arith.constant 0 : i32
      %dma_wait3A_724 = tpu.memref_slice %arg6[%arg0, %add3A_701, %dma_wait3A_723] : memref<2x10000x128xf32, #tpu.memory_space<hbm>> -> memref<1x128x128xf32, #tpu.memory_space<hbm>>
      %dma_wait3A_725 = tpu.memref_squeeze %dma_wait3A_724 : memref<1x128x128xf32, #tpu.memory_space<hbm>> -> memref<128x128xf32, #tpu.memory_space<hbm>>
      %dma_wait3A_726 = arith.constant 0 : i32
      %dma_wait3A_727 = tpu.memref_slice %arg11[%add3A_699, %dma_wait3A_726] : memref<10016x128xf32, #tpu.memory_space<vmem_shared>> -> memref<128x128xf32, #tpu.memory_space<vmem_shared>>
      tpu.wait_dma2 semaphore(%run_scoped3A : memref<!tpu.dma_semaphore, #tpu.memory_space<semaphore_mem>>) src(%dma_wait3A_727 : memref<128x128xf32, #tpu.memory_space<vmem_shared>>) dst(%dma_wait3A_725 : memref<128x128xf32, #tpu.memory_space<hbm>>)
      tpu.yield
    }) : () -> ()
    %add3A_702 = arith.constant 128 : i32
    %add3A_703 = arith.addi %mul3A_0, %add3A_702 : i32
    %add3A_704 = arith.constant 128 : i32
    %add3A_705 = arith.addi %mul3A_0, %add3A_704 : i32
    "tpu.region"() ({
      %run_scoped3A = tpu.sem_alloc : memref<!tpu.dma_semaphore, #tpu.memory_space<semaphore_mem>>
      %dma_start3A_718 = arith.constant 0 : i32
      %dma_start3A_719 = tpu.memref_slice %arg6[%arg0, %add3A_705, %dma_start3A_718] : memref<2x10000x128xf32, #tpu.memory_space<hbm>> -> memref<1x128x128xf32, #tpu.memory_space<hbm>>
      %dma_start3A_720 = tpu.memref_squeeze %dma_start3A_719 : memref<1x128x128xf32, #tpu.memory_space<hbm>> -> memref<128x128xf32, #tpu.memory_space<hbm>>
      %dma_start3A_721 = arith.constant 0 : i32
      %dma_start3A_722 = tpu.memref_slice %arg11[%add3A_703, %dma_start3A_721] : memref<10016x128xf32, #tpu.memory_space<vmem_shared>> -> memref<128x128xf32, #tpu.memory_space<vmem_shared>>
      tpu.enqueue_dma source(%dma_start3A_722 : memref<128x128xf32, #tpu.memory_space<vmem_shared>>) target(%dma_start3A_720 : memref<128x128xf32, #tpu.memory_space<hbm>>) target_semaphore(%run_scoped3A : memref<!tpu.dma_semaphore, #tpu.memory_space<semaphore_mem>>)
      %dma_wait3A_723 = arith.constant 0 : i32
      %dma_wait3A_724 = tpu.memref_slice %arg6[%arg0, %add3A_705, %dma_wait3A_723] : memref<2x10000x128xf32, #tpu.memory_space<hbm>> -> memref<1x128x128xf32, #tpu.memory_space<hbm>>
      %dma_wait3A_725 = tpu.memref_squeeze %dma_wait3A_724 : memref<1x128x128xf32, #tpu.memory_space<hbm>> -> memref<128x128xf32, #tpu.memory_space<hbm>>
      %dma_wait3A_726 = arith.constant 0 : i32
      %dma_wait3A_727 = tpu.memref_slice %arg11[%add3A_703, %dma_wait3A_726] : memref<10016x128xf32, #tpu.memory_space<vmem_shared>> -> memref<128x128xf32, #tpu.memory_space<vmem_shared>>
      tpu.wait_dma2 semaphore(%run_scoped3A : memref<!tpu.dma_semaphore, #tpu.memory_space<semaphore_mem>>) src(%dma_wait3A_727 : memref<128x128xf32, #tpu.memory_space<vmem_shared>>) dst(%dma_wait3A_725 : memref<128x128xf32, #tpu.memory_space<hbm>>)
      tpu.yield
    }) : () -> ()
    %add3A_706 = arith.constant 256 : i32
    %add3A_707 = arith.addi %mul3A_0, %add3A_706 : i32
    %add3A_708 = arith.constant 256 : i32
    %add3A_709 = arith.addi %mul3A_0, %add3A_708 : i32
    "tpu.region"() ({
      %run_scoped3A = tpu.sem_alloc : memref<!tpu.dma_semaphore, #tpu.memory_space<semaphore_mem>>
      %dma_start3A_718 = arith.constant 0 : i32
      %dma_start3A_719 = tpu.memref_slice %arg6[%arg0, %add3A_709, %dma_start3A_718] : memref<2x10000x128xf32, #tpu.memory_space<hbm>> -> memref<1x128x128xf32, #tpu.memory_space<hbm>>
      %dma_start3A_720 = tpu.memref_squeeze %dma_start3A_719 : memref<1x128x128xf32, #tpu.memory_space<hbm>> -> memref<128x128xf32, #tpu.memory_space<hbm>>
      %dma_start3A_721 = arith.constant 0 : i32
      %dma_start3A_722 = tpu.memref_slice %arg11[%add3A_707, %dma_start3A_721] : memref<10016x128xf32, #tpu.memory_space<vmem_shared>> -> memref<128x128xf32, #tpu.memory_space<vmem_shared>>
      tpu.enqueue_dma source(%dma_start3A_722 : memref<128x128xf32, #tpu.memory_space<vmem_shared>>) target(%dma_start3A_720 : memref<128x128xf32, #tpu.memory_space<hbm>>) target_semaphore(%run_scoped3A : memref<!tpu.dma_semaphore, #tpu.memory_space<semaphore_mem>>)
      %dma_wait3A_723 = arith.constant 0 : i32
      %dma_wait3A_724 = tpu.memref_slice %arg6[%arg0, %add3A_709, %dma_wait3A_723] : memref<2x10000x128xf32, #tpu.memory_space<hbm>> -> memref<1x128x128xf32, #tpu.memory_space<hbm>>
      %dma_wait3A_725 = tpu.memref_squeeze %dma_wait3A_724 : memref<1x128x128xf32, #tpu.memory_space<hbm>> -> memref<128x128xf32, #tpu.memory_space<hbm>>
      %dma_wait3A_726 = arith.constant 0 : i32
      %dma_wait3A_727 = tpu.memref_slice %arg11[%add3A_707, %dma_wait3A_726] : memref<10016x128xf32, #tpu.memory_space<vmem_shared>> -> memref<128x128xf32, #tpu.memory_space<vmem_shared>>
      tpu.wait_dma2 semaphore(%run_scoped3A : memref<!tpu.dma_semaphore, #tpu.memory_space<semaphore_mem>>) src(%dma_wait3A_727 : memref<128x128xf32, #tpu.memory_space<vmem_shared>>) dst(%dma_wait3A_725 : memref<128x128xf32, #tpu.memory_space<hbm>>)
      tpu.yield
    }) : () -> ()
    %add3A_710 = arith.constant 384 : i32
    %add3A_711 = arith.addi %mul3A_0, %add3A_710 : i32
    %add3A_712 = arith.constant 384 : i32
    %add3A_713 = arith.addi %mul3A_0, %add3A_712 : i32
    "tpu.region"() ({
      %run_scoped3A = tpu.sem_alloc : memref<!tpu.dma_semaphore, #tpu.memory_space<semaphore_mem>>
      %dma_start3A_718 = arith.constant 0 : i32
      %dma_start3A_719 = tpu.memref_slice %arg6[%arg0, %add3A_713, %dma_start3A_718] : memref<2x10000x128xf32, #tpu.memory_space<hbm>> -> memref<1x128x128xf32, #tpu.memory_space<hbm>>
      %dma_start3A_720 = tpu.memref_squeeze %dma_start3A_719 : memref<1x128x128xf32, #tpu.memory_space<hbm>> -> memref<128x128xf32, #tpu.memory_space<hbm>>
      %dma_start3A_721 = arith.constant 0 : i32
      %dma_start3A_722 = tpu.memref_slice %arg11[%add3A_711, %dma_start3A_721] : memref<10016x128xf32, #tpu.memory_space<vmem_shared>> -> memref<128x128xf32, #tpu.memory_space<vmem_shared>>
      tpu.enqueue_dma source(%dma_start3A_722 : memref<128x128xf32, #tpu.memory_space<vmem_shared>>) target(%dma_start3A_720 : memref<128x128xf32, #tpu.memory_space<hbm>>) target_semaphore(%run_scoped3A : memref<!tpu.dma_semaphore, #tpu.memory_space<semaphore_mem>>)
      %dma_wait3A_723 = arith.constant 0 : i32
      %dma_wait3A_724 = tpu.memref_slice %arg6[%arg0, %add3A_713, %dma_wait3A_723] : memref<2x10000x128xf32, #tpu.memory_space<hbm>> -> memref<1x128x128xf32, #tpu.memory_space<hbm>>
      %dma_wait3A_725 = tpu.memref_squeeze %dma_wait3A_724 : memref<1x128x128xf32, #tpu.memory_space<hbm>> -> memref<128x128xf32, #tpu.memory_space<hbm>>
      %dma_wait3A_726 = arith.constant 0 : i32
      %dma_wait3A_727 = tpu.memref_slice %arg11[%add3A_711, %dma_wait3A_726] : memref<10016x128xf32, #tpu.memory_space<vmem_shared>> -> memref<128x128xf32, #tpu.memory_space<vmem_shared>>
      tpu.wait_dma2 semaphore(%run_scoped3A : memref<!tpu.dma_semaphore, #tpu.memory_space<semaphore_mem>>) src(%dma_wait3A_727 : memref<128x128xf32, #tpu.memory_space<vmem_shared>>) dst(%dma_wait3A_725 : memref<128x128xf32, #tpu.memory_space<hbm>>)
      tpu.yield
    }) : () -> ()
    %add3A_714 = arith.constant 512 : i32
    %add3A_715 = arith.addi %mul3A_0, %add3A_714 : i32
    %add3A_716 = arith.constant 512 : i32
    %add3A_717 = arith.addi %mul3A_0, %add3A_716 : i32
    "tpu.region"() ({
      %run_scoped3A = tpu.sem_alloc : memref<!tpu.dma_semaphore, #tpu.memory_space<semaphore_mem>>
      %dma_start3A_718 = arith.constant 0 : i32
      %dma_start3A_719 = tpu.memref_slice %arg6[%arg0, %add3A_717, %dma_start3A_718] : memref<2x10000x128xf32, #tpu.memory_space<hbm>> -> memref<1x128x128xf32, #tpu.memory_space<hbm>>
      %dma_start3A_720 = tpu.memref_squeeze %dma_start3A_719 : memref<1x128x128xf32, #tpu.memory_space<hbm>> -> memref<128x128xf32, #tpu.memory_space<hbm>>
      %dma_start3A_721 = arith.constant 0 : i32
      %dma_start3A_722 = tpu.memref_slice %arg11[%add3A_715, %dma_start3A_721] : memref<10016x128xf32, #tpu.memory_space<vmem_shared>> -> memref<128x128xf32, #tpu.memory_space<vmem_shared>>
      tpu.enqueue_dma source(%dma_start3A_722 : memref<128x128xf32, #tpu.memory_space<vmem_shared>>) target(%dma_start3A_720 : memref<128x128xf32, #tpu.memory_space<hbm>>) target_semaphore(%run_scoped3A : memref<!tpu.dma_semaphore, #tpu.memory_space<semaphore_mem>>)
      %dma_wait3A_723 = arith.constant 0 : i32
      %dma_wait3A_724 = tpu.memref_slice %arg6[%arg0, %add3A_717, %dma_wait3A_723] : memref<2x10000x128xf32, #tpu.memory_space<hbm>> -> memref<1x128x128xf32, #tpu.memory_space<hbm>>
      %dma_wait3A_725 = tpu.memref_squeeze %dma_wait3A_724 : memref<1x128x128xf32, #tpu.memory_space<hbm>> -> memref<128x128xf32, #tpu.memory_space<hbm>>
      %dma_wait3A_726 = arith.constant 0 : i32
      %dma_wait3A_727 = tpu.memref_slice %arg11[%add3A_715, %dma_wait3A_726] : memref<10016x128xf32, #tpu.memory_space<vmem_shared>> -> memref<128x128xf32, #tpu.memory_space<vmem_shared>>
      tpu.wait_dma2 semaphore(%run_scoped3A : memref<!tpu.dma_semaphore, #tpu.memory_space<semaphore_mem>>) src(%dma_wait3A_727 : memref<128x128xf32, #tpu.memory_space<vmem_shared>>) dst(%dma_wait3A_725 : memref<128x128xf32, #tpu.memory_space<hbm>>)
      tpu.yield
    }) : () -> ()
    return
  }
}

#map = affine_map<(d0, d1) -> (0, 0, 0, 0)>
#map1 = affine_map<(d0, d1) -> (0, 0)>
#map2 = affine_map<(d0, d1) -> (0, 0, 0)>
module attributes {stable_mosaic.version = 14 : i64} {
  func.func @_deg_kernel(%arg0: i32, %arg1: i32, %arg2: memref<2x16x40x128xi32, #tpu.memory_space<hbm>>, %arg3: memref<128x128xf32, #tpu.memory_space<hbm>>, %arg4: memref<128x128xf32, #tpu.memory_space<hbm>>, %arg5: memref<2x10000x128xf32, #tpu.memory_space<hbm>>, %arg6: memref<40x128xi32, #tpu.memory_space<vmem>>, %arg7: memref<128x128xf32, #tpu.memory_space<vmem>>, %arg8: memref<10016x128xf32, #tpu.memory_space<vmem_shared>>, %arg9: memref<!tpu.dma_semaphore, #tpu.memory_space<semaphore_mem>>) attributes {dimension_semantics = [#tpu.dimension_semantics<core_parallel>, #tpu.dimension_semantics<subcore_parallel>], iteration_bounds = array<i64: 2, 16>, scalar_prefetch = 0 : i64, scratch_operands = 4 : i64, tpu.core_type = #tpu.core_type<sc_vector_subcore>, window_params = [{transform_indices = #map}, {transform_indices = #map1}, {transform_indices = #map1}, {transform_indices = #map2}]} {
    "tpu.region"() ({
      %run_scoped3A = tpu.sem_alloc : memref<!tpu.dma_semaphore, #tpu.memory_space<semaphore_mem>>
      %dma_start3A = arith.constant 0 : i32
      %dma_start3A_42 = arith.constant 0 : i32
      %dma_start3A_43 = tpu.memref_slice %arg2[%arg0, %arg1, %dma_start3A, %dma_start3A_42] : memref<2x16x40x128xi32, #tpu.memory_space<hbm>> -> memref<1x1x40x128xi32, #tpu.memory_space<hbm>>
      %dma_start3A_44 = tpu.memref_squeeze %dma_start3A_43 : memref<1x1x40x128xi32, #tpu.memory_space<hbm>> -> memref<40x128xi32, #tpu.memory_space<hbm>>
      %dma_start3A_45 = arith.constant 0 : i32
      %dma_start3A_46 = arith.constant 0 : i32
      %dma_start3A_47 = tpu.memref_slice %arg2[%arg0, %arg1, %dma_start3A_45, %dma_start3A_46] : memref<2x16x40x128xi32, #tpu.memory_space<hbm>> -> memref<1x1x40x128xi32, #tpu.memory_space<hbm>>
      %dma_start3A_48 = tpu.memref_squeeze %dma_start3A_47 : memref<1x1x40x128xi32, #tpu.memory_space<hbm>> -> memref<40x128xi32, #tpu.memory_space<hbm>>
      tpu.enqueue_dma source(%dma_start3A_48 : memref<40x128xi32, #tpu.memory_space<hbm>>) target(%arg6 : memref<40x128xi32, #tpu.memory_space<vmem>>) target_semaphore(%run_scoped3A : memref<!tpu.dma_semaphore, #tpu.memory_space<semaphore_mem>>)
      %dma_wait3A = arith.constant 0 : i32
      %dma_wait3A_49 = arith.constant 0 : i32
      %dma_wait3A_50 = tpu.memref_slice %arg2[%arg0, %arg1, %dma_wait3A, %dma_wait3A_49] : memref<2x16x40x128xi32, #tpu.memory_space<hbm>> -> memref<1x1x40x128xi32, #tpu.memory_space<hbm>>
      %dma_wait3A_51 = tpu.memref_squeeze %dma_wait3A_50 : memref<1x1x40x128xi32, #tpu.memory_space<hbm>> -> memref<40x128xi32, #tpu.memory_space<hbm>>
      %dma_wait3A_52 = arith.constant 0 : i32
      %dma_wait3A_53 = arith.constant 0 : i32
      %dma_wait3A_54 = tpu.memref_slice %arg2[%arg0, %arg1, %dma_wait3A_52, %dma_wait3A_53] : memref<2x16x40x128xi32, #tpu.memory_space<hbm>> -> memref<1x1x40x128xi32, #tpu.memory_space<hbm>>
      %dma_wait3A_55 = tpu.memref_squeeze %dma_wait3A_54 : memref<1x1x40x128xi32, #tpu.memory_space<hbm>> -> memref<40x128xi32, #tpu.memory_space<hbm>>
      tpu.wait_dma2 semaphore(%run_scoped3A : memref<!tpu.dma_semaphore, #tpu.memory_space<semaphore_mem>>) src(%dma_wait3A_55 : memref<40x128xi32, #tpu.memory_space<hbm>>) dst(%arg6 : memref<40x128xi32, #tpu.memory_space<vmem>>)
      tpu.yield
    }) : () -> ()
    "tpu.region"() ({
      %run_scoped3A = tpu.sem_alloc : memref<!tpu.dma_semaphore, #tpu.memory_space<semaphore_mem>>
      tpu.enqueue_dma source(%arg4 : memref<128x128xf32, #tpu.memory_space<hbm>>) target(%arg7 : memref<128x128xf32, #tpu.memory_space<vmem>>) target_semaphore(%run_scoped3A : memref<!tpu.dma_semaphore, #tpu.memory_space<semaphore_mem>>)
      tpu.wait_dma2 semaphore(%run_scoped3A : memref<!tpu.dma_semaphore, #tpu.memory_space<semaphore_mem>>) src(%arg4 : memref<128x128xf32, #tpu.memory_space<hbm>>) dst(%arg7 : memref<128x128xf32, #tpu.memory_space<vmem>>)
      tpu.yield
    }) : () -> ()
    %mul3A = arith.constant 624 : i32
    %mul3A_0 = arith.muli %arg1, %mul3A : i32
    %add3A = arith.constant 0 : i32
    %add3A_1 = arith.addi %mul3A_0, %add3A : i32
    "tpu.region"() ({
      %run_scoped3A = tpu.sem_alloc : memref<!tpu.dma_semaphore, #tpu.memory_space<semaphore_mem>>
      %dma_start3A = arith.constant 0 : i32
      %dma_start3A_42 = arith.constant 0 : i32
      %dma_start3A_43 = tpu.memref_slice %arg7[%dma_start3A, %dma_start3A_42] : memref<128x128xf32, #tpu.memory_space<vmem>> -> memref<128x128xf32, #tpu.memory_space<vmem>>
      %dma_start3A_44 = arith.constant 0 : i32
      %dma_start3A_45 = tpu.memref_slice %arg8[%add3A_1, %dma_start3A_44] : memref<10016x128xf32, #tpu.memory_space<vmem_shared>> -> memref<128x128xf32, #tpu.memory_space<vmem_shared>>
      %dma_start3A_46 = arith.constant 0 : i32
      %dma_start3A_47 = tpu.memref_slice %arg8[%add3A_1, %dma_start3A_46] : memref<10016x128xf32, #tpu.memory_space<vmem_shared>> -> memref<128x128xf32, #tpu.memory_space<vmem_shared>>
      %dma_start3A_48 = arith.constant 0 : i32
      %dma_start3A_49 = arith.constant 0 : i32
      %dma_start3A_50 = tpu.memref_slice %arg7[%dma_start3A_48, %dma_start3A_49] : memref<128x128xf32, #tpu.memory_space<vmem>> -> memref<128x128xf32, #tpu.memory_space<vmem>>
      tpu.enqueue_dma source(%dma_start3A_50 : memref<128x128xf32, #tpu.memory_space<vmem>>) target(%dma_start3A_47 : memref<128x128xf32, #tpu.memory_space<vmem_shared>>) target_semaphore(%run_scoped3A : memref<!tpu.dma_semaphore, #tpu.memory_space<semaphore_mem>>)
      %dma_wait3A = arith.constant 0 : i32
      %dma_wait3A_51 = arith.constant 0 : i32
      %dma_wait3A_52 = tpu.memref_slice %arg7[%dma_wait3A, %dma_wait3A_51] : memref<128x128xf32, #tpu.memory_space<vmem>> -> memref<128x128xf32, #tpu.memory_space<vmem>>
      %dma_wait3A_53 = arith.constant 0 : i32
      %dma_wait3A_54 = tpu.memref_slice %arg8[%add3A_1, %dma_wait3A_53] : memref<10016x128xf32, #tpu.memory_space<vmem_shared>> -> memref<128x128xf32, #tpu.memory_space<vmem_shared>>
      %dma_wait3A_55 = arith.constant 0 : i32
      %dma_wait3A_56 = tpu.memref_slice %arg8[%add3A_1, %dma_wait3A_55] : memref<10016x128xf32, #tpu.memory_space<vmem_shared>> -> memref<128x128xf32, #tpu.memory_space<vmem_shared>>
      %dma_wait3A_57 = arith.constant 0 : i32
      %dma_wait3A_58 = arith.constant 0 : i32
      %dma_wait3A_59 = tpu.memref_slice %arg7[%dma_wait3A_57, %dma_wait3A_58] : memref<128x128xf32, #tpu.memory_space<vmem>> -> memref<128x128xf32, #tpu.memory_space<vmem>>
      tpu.wait_dma2 semaphore(%run_scoped3A : memref<!tpu.dma_semaphore, #tpu.memory_space<semaphore_mem>>) src(%dma_wait3A_59 : memref<128x128xf32, #tpu.memory_space<vmem>>) dst(%dma_wait3A_56 : memref<128x128xf32, #tpu.memory_space<vmem_shared>>)
      tpu.yield
    }) : () -> ()
    %add3A_2 = arith.constant 128 : i32
    %add3A_3 = arith.addi %mul3A_0, %add3A_2 : i32
    "tpu.region"() ({
      %run_scoped3A = tpu.sem_alloc : memref<!tpu.dma_semaphore, #tpu.memory_space<semaphore_mem>>
      %dma_start3A = arith.constant 0 : i32
      %dma_start3A_42 = arith.constant 0 : i32
      %dma_start3A_43 = tpu.memref_slice %arg7[%dma_start3A, %dma_start3A_42] : memref<128x128xf32, #tpu.memory_space<vmem>> -> memref<128x128xf32, #tpu.memory_space<vmem>>
      %dma_start3A_44 = arith.constant 0 : i32
      %dma_start3A_45 = tpu.memref_slice %arg8[%add3A_3, %dma_start3A_44] : memref<10016x128xf32, #tpu.memory_space<vmem_shared>> -> memref<128x128xf32, #tpu.memory_space<vmem_shared>>
      %dma_start3A_46 = arith.constant 0 : i32
      %dma_start3A_47 = tpu.memref_slice %arg8[%add3A_3, %dma_start3A_46] : memref<10016x128xf32, #tpu.memory_space<vmem_shared>> -> memref<128x128xf32, #tpu.memory_space<vmem_shared>>
      %dma_start3A_48 = arith.constant 0 : i32
      %dma_start3A_49 = arith.constant 0 : i32
      %dma_start3A_50 = tpu.memref_slice %arg7[%dma_start3A_48, %dma_start3A_49] : memref<128x128xf32, #tpu.memory_space<vmem>> -> memref<128x128xf32, #tpu.memory_space<vmem>>
      tpu.enqueue_dma source(%dma_start3A_50 : memref<128x128xf32, #tpu.memory_space<vmem>>) target(%dma_start3A_47 : memref<128x128xf32, #tpu.memory_space<vmem_shared>>) target_semaphore(%run_scoped3A : memref<!tpu.dma_semaphore, #tpu.memory_space<semaphore_mem>>)
      %dma_wait3A = arith.constant 0 : i32
      %dma_wait3A_51 = arith.constant 0 : i32
      %dma_wait3A_52 = tpu.memref_slice %arg7[%dma_wait3A, %dma_wait3A_51] : memref<128x128xf32, #tpu.memory_space<vmem>> -> memref<128x128xf32, #tpu.memory_space<vmem>>
      %dma_wait3A_53 = arith.constant 0 : i32
      %dma_wait3A_54 = tpu.memref_slice %arg8[%add3A_3, %dma_wait3A_53] : memref<10016x128xf32, #tpu.memory_space<vmem_shared>> -> memref<128x128xf32, #tpu.memory_space<vmem_shared>>
      %dma_wait3A_55 = arith.constant 0 : i32
      %dma_wait3A_56 = tpu.memref_slice %arg8[%add3A_3, %dma_wait3A_55] : memref<10016x128xf32, #tpu.memory_space<vmem_shared>> -> memref<128x128xf32, #tpu.memory_space<vmem_shared>>
      %dma_wait3A_57 = arith.constant 0 : i32
      %dma_wait3A_58 = arith.constant 0 : i32
      %dma_wait3A_59 = tpu.memref_slice %arg7[%dma_wait3A_57, %dma_wait3A_58] : memref<128x128xf32, #tpu.memory_space<vmem>> -> memref<128x128xf32, #tpu.memory_space<vmem>>
      tpu.wait_dma2 semaphore(%run_scoped3A : memref<!tpu.dma_semaphore, #tpu.memory_space<semaphore_mem>>) src(%dma_wait3A_59 : memref<128x128xf32, #tpu.memory_space<vmem>>) dst(%dma_wait3A_56 : memref<128x128xf32, #tpu.memory_space<vmem_shared>>)
      tpu.yield
    }) : () -> ()
    %add3A_4 = arith.constant 256 : i32
    %add3A_5 = arith.addi %mul3A_0, %add3A_4 : i32
    "tpu.region"() ({
      %run_scoped3A = tpu.sem_alloc : memref<!tpu.dma_semaphore, #tpu.memory_space<semaphore_mem>>
      %dma_start3A = arith.constant 0 : i32
      %dma_start3A_42 = arith.constant 0 : i32
      %dma_start3A_43 = tpu.memref_slice %arg7[%dma_start3A, %dma_start3A_42] : memref<128x128xf32, #tpu.memory_space<vmem>> -> memref<128x128xf32, #tpu.memory_space<vmem>>
      %dma_start3A_44 = arith.constant 0 : i32
      %dma_start3A_45 = tpu.memref_slice %arg8[%add3A_5, %dma_start3A_44] : memref<10016x128xf32, #tpu.memory_space<vmem_shared>> -> memref<128x128xf32, #tpu.memory_space<vmem_shared>>
      %dma_start3A_46 = arith.constant 0 : i32
      %dma_start3A_47 = tpu.memref_slice %arg8[%add3A_5, %dma_start3A_46] : memref<10016x128xf32, #tpu.memory_space<vmem_shared>> -> memref<128x128xf32, #tpu.memory_space<vmem_shared>>
      %dma_start3A_48 = arith.constant 0 : i32
      %dma_start3A_49 = arith.constant 0 : i32
      %dma_start3A_50 = tpu.memref_slice %arg7[%dma_start3A_48, %dma_start3A_49] : memref<128x128xf32, #tpu.memory_space<vmem>> -> memref<128x128xf32, #tpu.memory_space<vmem>>
      tpu.enqueue_dma source(%dma_start3A_50 : memref<128x128xf32, #tpu.memory_space<vmem>>) target(%dma_start3A_47 : memref<128x128xf32, #tpu.memory_space<vmem_shared>>) target_semaphore(%run_scoped3A : memref<!tpu.dma_semaphore, #tpu.memory_space<semaphore_mem>>)
      %dma_wait3A = arith.constant 0 : i32
      %dma_wait3A_51 = arith.constant 0 : i32
      %dma_wait3A_52 = tpu.memref_slice %arg7[%dma_wait3A, %dma_wait3A_51] : memref<128x128xf32, #tpu.memory_space<vmem>> -> memref<128x128xf32, #tpu.memory_space<vmem>>
      %dma_wait3A_53 = arith.constant 0 : i32
      %dma_wait3A_54 = tpu.memref_slice %arg8[%add3A_5, %dma_wait3A_53] : memref<10016x128xf32, #tpu.memory_space<vmem_shared>> -> memref<128x128xf32, #tpu.memory_space<vmem_shared>>
      %dma_wait3A_55 = arith.constant 0 : i32
      %dma_wait3A_56 = tpu.memref_slice %arg8[%add3A_5, %dma_wait3A_55] : memref<10016x128xf32, #tpu.memory_space<vmem_shared>> -> memref<128x128xf32, #tpu.memory_space<vmem_shared>>
      %dma_wait3A_57 = arith.constant 0 : i32
      %dma_wait3A_58 = arith.constant 0 : i32
      %dma_wait3A_59 = tpu.memref_slice %arg7[%dma_wait3A_57, %dma_wait3A_58] : memref<128x128xf32, #tpu.memory_space<vmem>> -> memref<128x128xf32, #tpu.memory_space<vmem>>
      tpu.wait_dma2 semaphore(%run_scoped3A : memref<!tpu.dma_semaphore, #tpu.memory_space<semaphore_mem>>) src(%dma_wait3A_59 : memref<128x128xf32, #tpu.memory_space<vmem>>) dst(%dma_wait3A_56 : memref<128x128xf32, #tpu.memory_space<vmem_shared>>)
      tpu.yield
    }) : () -> ()
    %add3A_6 = arith.constant 384 : i32
    %add3A_7 = arith.addi %mul3A_0, %add3A_6 : i32
    "tpu.region"() ({
      %run_scoped3A = tpu.sem_alloc : memref<!tpu.dma_semaphore, #tpu.memory_space<semaphore_mem>>
      %dma_start3A = arith.constant 0 : i32
      %dma_start3A_42 = arith.constant 0 : i32
      %dma_start3A_43 = tpu.memref_slice %arg7[%dma_start3A, %dma_start3A_42] : memref<128x128xf32, #tpu.memory_space<vmem>> -> memref<128x128xf32, #tpu.memory_space<vmem>>
      %dma_start3A_44 = arith.constant 0 : i32
      %dma_start3A_45 = tpu.memref_slice %arg8[%add3A_7, %dma_start3A_44] : memref<10016x128xf32, #tpu.memory_space<vmem_shared>> -> memref<128x128xf32, #tpu.memory_space<vmem_shared>>
      %dma_start3A_46 = arith.constant 0 : i32
      %dma_start3A_47 = tpu.memref_slice %arg8[%add3A_7, %dma_start3A_46] : memref<10016x128xf32, #tpu.memory_space<vmem_shared>> -> memref<128x128xf32, #tpu.memory_space<vmem_shared>>
      %dma_start3A_48 = arith.constant 0 : i32
      %dma_start3A_49 = arith.constant 0 : i32
      %dma_start3A_50 = tpu.memref_slice %arg7[%dma_start3A_48, %dma_start3A_49] : memref<128x128xf32, #tpu.memory_space<vmem>> -> memref<128x128xf32, #tpu.memory_space<vmem>>
      tpu.enqueue_dma source(%dma_start3A_50 : memref<128x128xf32, #tpu.memory_space<vmem>>) target(%dma_start3A_47 : memref<128x128xf32, #tpu.memory_space<vmem_shared>>) target_semaphore(%run_scoped3A : memref<!tpu.dma_semaphore, #tpu.memory_space<semaphore_mem>>)
      %dma_wait3A = arith.constant 0 : i32
      %dma_wait3A_51 = arith.constant 0 : i32
      %dma_wait3A_52 = tpu.memref_slice %arg7[%dma_wait3A, %dma_wait3A_51] : memref<128x128xf32, #tpu.memory_space<vmem>> -> memref<128x128xf32, #tpu.memory_space<vmem>>
      %dma_wait3A_53 = arith.constant 0 : i32
      %dma_wait3A_54 = tpu.memref_slice %arg8[%add3A_7, %dma_wait3A_53] : memref<10016x128xf32, #tpu.memory_space<vmem_shared>> -> memref<128x128xf32, #tpu.memory_space<vmem_shared>>
      %dma_wait3A_55 = arith.constant 0 : i32
      %dma_wait3A_56 = tpu.memref_slice %arg8[%add3A_7, %dma_wait3A_55] : memref<10016x128xf32, #tpu.memory_space<vmem_shared>> -> memref<128x128xf32, #tpu.memory_space<vmem_shared>>
      %dma_wait3A_57 = arith.constant 0 : i32
      %dma_wait3A_58 = arith.constant 0 : i32
      %dma_wait3A_59 = tpu.memref_slice %arg7[%dma_wait3A_57, %dma_wait3A_58] : memref<128x128xf32, #tpu.memory_space<vmem>> -> memref<128x128xf32, #tpu.memory_space<vmem>>
      tpu.wait_dma2 semaphore(%run_scoped3A : memref<!tpu.dma_semaphore, #tpu.memory_space<semaphore_mem>>) src(%dma_wait3A_59 : memref<128x128xf32, #tpu.memory_space<vmem>>) dst(%dma_wait3A_56 : memref<128x128xf32, #tpu.memory_space<vmem_shared>>)
      tpu.yield
    }) : () -> ()
    %add3A_8 = arith.constant 512 : i32
    %add3A_9 = arith.addi %mul3A_0, %add3A_8 : i32
    "tpu.region"() ({
      %run_scoped3A = tpu.sem_alloc : memref<!tpu.dma_semaphore, #tpu.memory_space<semaphore_mem>>
      %dma_start3A = arith.constant 0 : i32
      %dma_start3A_42 = arith.constant 0 : i32
      %dma_start3A_43 = tpu.memref_slice %arg7[%dma_start3A, %dma_start3A_42] : memref<128x128xf32, #tpu.memory_space<vmem>> -> memref<128x128xf32, #tpu.memory_space<vmem>>
      %dma_start3A_44 = arith.constant 0 : i32
      %dma_start3A_45 = tpu.memref_slice %arg8[%add3A_9, %dma_start3A_44] : memref<10016x128xf32, #tpu.memory_space<vmem_shared>> -> memref<128x128xf32, #tpu.memory_space<vmem_shared>>
      %dma_start3A_46 = arith.constant 0 : i32
      %dma_start3A_47 = tpu.memref_slice %arg8[%add3A_9, %dma_start3A_46] : memref<10016x128xf32, #tpu.memory_space<vmem_shared>> -> memref<128x128xf32, #tpu.memory_space<vmem_shared>>
      %dma_start3A_48 = arith.constant 0 : i32
      %dma_start3A_49 = arith.constant 0 : i32
      %dma_start3A_50 = tpu.memref_slice %arg7[%dma_start3A_48, %dma_start3A_49] : memref<128x128xf32, #tpu.memory_space<vmem>> -> memref<128x128xf32, #tpu.memory_space<vmem>>
      tpu.enqueue_dma source(%dma_start3A_50 : memref<128x128xf32, #tpu.memory_space<vmem>>) target(%dma_start3A_47 : memref<128x128xf32, #tpu.memory_space<vmem_shared>>) target_semaphore(%run_scoped3A : memref<!tpu.dma_semaphore, #tpu.memory_space<semaphore_mem>>)
      %dma_wait3A = arith.constant 0 : i32
      %dma_wait3A_51 = arith.constant 0 : i32
      %dma_wait3A_52 = tpu.memref_slice %arg7[%dma_wait3A, %dma_wait3A_51] : memref<128x128xf32, #tpu.memory_space<vmem>> -> memref<128x128xf32, #tpu.memory_space<vmem>>
      %dma_wait3A_53 = arith.constant 0 : i32
      %dma_wait3A_54 = tpu.memref_slice %arg8[%add3A_9, %dma_wait3A_53] : memref<10016x128xf32, #tpu.memory_space<vmem_shared>> -> memref<128x128xf32, #tpu.memory_space<vmem_shared>>
      %dma_wait3A_55 = arith.constant 0 : i32
      %dma_wait3A_56 = tpu.memref_slice %arg8[%add3A_9, %dma_wait3A_55] : memref<10016x128xf32, #tpu.memory_space<vmem_shared>> -> memref<128x128xf32, #tpu.memory_space<vmem_shared>>
      %dma_wait3A_57 = arith.constant 0 : i32
      %dma_wait3A_58 = arith.constant 0 : i32
      %dma_wait3A_59 = tpu.memref_slice %arg7[%dma_wait3A_57, %dma_wait3A_58] : memref<128x128xf32, #tpu.memory_space<vmem>> -> memref<128x128xf32, #tpu.memory_space<vmem>>
      tpu.wait_dma2 semaphore(%run_scoped3A : memref<!tpu.dma_semaphore, #tpu.memory_space<semaphore_mem>>) src(%dma_wait3A_59 : memref<128x128xf32, #tpu.memory_space<vmem>>) dst(%dma_wait3A_56 : memref<128x128xf32, #tpu.memory_space<vmem_shared>>)
      tpu.yield
    }) : () -> ()
    "tpu.region"() ({
      %run_scoped3A = tpu.sem_alloc : memref<!tpu.dma_semaphore, #tpu.memory_space<semaphore_mem>>
      tpu.enqueue_dma source(%arg3 : memref<128x128xf32, #tpu.memory_space<hbm>>) target(%arg7 : memref<128x128xf32, #tpu.memory_space<vmem>>) target_semaphore(%run_scoped3A : memref<!tpu.dma_semaphore, #tpu.memory_space<semaphore_mem>>)
      tpu.wait_dma2 semaphore(%run_scoped3A : memref<!tpu.dma_semaphore, #tpu.memory_space<semaphore_mem>>) src(%arg3 : memref<128x128xf32, #tpu.memory_space<hbm>>) dst(%arg7 : memref<128x128xf32, #tpu.memory_space<vmem>>)
      tpu.yield
    }) : () -> ()
    %barrier3A = arith.constant 0 : index
    tpu.barrier barrier_id(%barrier3A)
    %scan3A = arith.constant 0 : i32
    %scan3A_10 = arith.constant 0 : i32
    %scan3A_11 = arith.constant 40 : i32
    %scan3A_12 = arith.addi %scan3A_10, %scan3A_11 : i32
    %scan3A_13 = arith.constant 1 : i32
    scf.for %scan3A_42 = %scan3A_10 to %scan3A_12 step %scan3A_13  : i32 {
      %dma_start3A = arith.constant 0 : i32
      %dma_start3A_43 = tpu.memref_slice %arg6[%scan3A_42, %dma_start3A] : memref<40x128xi32, #tpu.memory_space<vmem>> -> memref<1x128xi32, #tpu.memory_space<vmem>>
      %dma_start3A_44 = tpu.memref_squeeze %dma_start3A_43 : memref<1x128xi32, #tpu.memory_space<vmem>> -> memref<128xi32, #tpu.memory_space<vmem>>
      %dma_start3A_45 = arith.constant 0 : i32
      %dma_start3A_46 = arith.constant 0 : i32
      %dma_start3A_47 = tpu.memref_slice %arg8[%dma_start3A_45, %dma_start3A_46] : memref<10016x128xf32, #tpu.memory_space<vmem_shared>> -> memref<10016x128xf32, #tpu.memory_space<vmem_shared>>
      tpu.enqueue_indirect_dma source(%arg7 : memref<128x128xf32, #tpu.memory_space<vmem>>) target(%dma_start3A_47 : memref<10016x128xf32, #tpu.memory_space<vmem_shared>>) offsets(%dma_start3A_44 : memref<128xi32, #tpu.memory_space<vmem>>) semaphore(%arg9 : memref<!tpu.dma_semaphore, #tpu.memory_space<semaphore_mem>>) {add = true}
    }
    %scan3A_14 = arith.constant 40 : i32
    %scan3A_15 = arith.constant 0 : i32
    %scan3A_16 = arith.constant 0 : i32
    %scan3A_17 = arith.constant 40 : i32
    %scan3A_18 = arith.addi %scan3A_16, %scan3A_17 : i32
    %scan3A_19 = arith.constant 1 : i32
    scf.for %scan3A_42 = %scan3A_16 to %scan3A_18 step %scan3A_19  : i32 {
      %dma_wait3A = arith.constant 0 : i32
      %dma_wait3A_43 = arith.constant 0 : i32
      %dma_wait3A_44 = tpu.memref_slice %arg6[%dma_wait3A, %dma_wait3A_43] : memref<40x128xi32, #tpu.memory_space<vmem>> -> memref<1x128xi32, #tpu.memory_space<vmem>>
      %dma_wait3A_45 = tpu.memref_squeeze %dma_wait3A_44 : memref<1x128xi32, #tpu.memory_space<vmem>> -> memref<128xi32, #tpu.memory_space<vmem>>
      %dma_wait3A_46 = arith.constant 0 : i32
      %dma_wait3A_47 = arith.constant 0 : i32
      %dma_wait3A_48 = tpu.memref_slice %arg8[%dma_wait3A_46, %dma_wait3A_47] : memref<10016x128xf32, #tpu.memory_space<vmem_shared>> -> memref<10016x128xf32, #tpu.memory_space<vmem_shared>>
      tpu.wait_indirect_dma semaphore(%arg9 : memref<!tpu.dma_semaphore, #tpu.memory_space<semaphore_mem>>) src(%arg7 : memref<128x128xf32, #tpu.memory_space<vmem>>) dst(%dma_wait3A_48 : memref<10016x128xf32, #tpu.memory_space<vmem_shared>>)
    }
    %scan3A_20 = arith.constant 40 : i32
    %barrier3A_21 = arith.constant 0 : index
    tpu.barrier barrier_id(%barrier3A_21)
    %add3A_22 = arith.constant 0 : i32
    %add3A_23 = arith.addi %mul3A_0, %add3A_22 : i32
    %add3A_24 = arith.constant 0 : i32
    %add3A_25 = arith.addi %mul3A_0, %add3A_24 : i32
    "tpu.region"() ({
      %run_scoped3A = tpu.sem_alloc : memref<!tpu.dma_semaphore, #tpu.memory_space<semaphore_mem>>
      %dma_start3A = arith.constant 0 : i32
      %dma_start3A_42 = tpu.memref_slice %arg5[%arg0, %add3A_25, %dma_start3A] : memref<2x10000x128xf32, #tpu.memory_space<hbm>> -> memref<1x128x128xf32, #tpu.memory_space<hbm>>
      %dma_start3A_43 = tpu.memref_squeeze %dma_start3A_42 : memref<1x128x128xf32, #tpu.memory_space<hbm>> -> memref<128x128xf32, #tpu.memory_space<hbm>>
      %dma_start3A_44 = arith.constant 0 : i32
      %dma_start3A_45 = tpu.memref_slice %arg8[%add3A_23, %dma_start3A_44] : memref<10016x128xf32, #tpu.memory_space<vmem_shared>> -> memref<128x128xf32, #tpu.memory_space<vmem_shared>>
      tpu.enqueue_dma source(%dma_start3A_45 : memref<128x128xf32, #tpu.memory_space<vmem_shared>>) target(%dma_start3A_43 : memref<128x128xf32, #tpu.memory_space<hbm>>) target_semaphore(%run_scoped3A : memref<!tpu.dma_semaphore, #tpu.memory_space<semaphore_mem>>)
      %dma_wait3A = arith.constant 0 : i32
      %dma_wait3A_46 = tpu.memref_slice %arg5[%arg0, %add3A_25, %dma_wait3A] : memref<2x10000x128xf32, #tpu.memory_space<hbm>> -> memref<1x128x128xf32, #tpu.memory_space<hbm>>
      %dma_wait3A_47 = tpu.memref_squeeze %dma_wait3A_46 : memref<1x128x128xf32, #tpu.memory_space<hbm>> -> memref<128x128xf32, #tpu.memory_space<hbm>>
      %dma_wait3A_48 = arith.constant 0 : i32
      %dma_wait3A_49 = tpu.memref_slice %arg8[%add3A_23, %dma_wait3A_48] : memref<10016x128xf32, #tpu.memory_space<vmem_shared>> -> memref<128x128xf32, #tpu.memory_space<vmem_shared>>
      tpu.wait_dma2 semaphore(%run_scoped3A : memref<!tpu.dma_semaphore, #tpu.memory_space<semaphore_mem>>) src(%dma_wait3A_49 : memref<128x128xf32, #tpu.memory_space<vmem_shared>>) dst(%dma_wait3A_47 : memref<128x128xf32, #tpu.memory_space<hbm>>)
      tpu.yield
    }) : () -> ()
    %add3A_26 = arith.constant 128 : i32
    %add3A_27 = arith.addi %mul3A_0, %add3A_26 : i32
    %add3A_28 = arith.constant 128 : i32
    %add3A_29 = arith.addi %mul3A_0, %add3A_28 : i32
    "tpu.region"() ({
      %run_scoped3A = tpu.sem_alloc : memref<!tpu.dma_semaphore, #tpu.memory_space<semaphore_mem>>
      %dma_start3A = arith.constant 0 : i32
      %dma_start3A_42 = tpu.memref_slice %arg5[%arg0, %add3A_29, %dma_start3A] : memref<2x10000x128xf32, #tpu.memory_space<hbm>> -> memref<1x128x128xf32, #tpu.memory_space<hbm>>
      %dma_start3A_43 = tpu.memref_squeeze %dma_start3A_42 : memref<1x128x128xf32, #tpu.memory_space<hbm>> -> memref<128x128xf32, #tpu.memory_space<hbm>>
      %dma_start3A_44 = arith.constant 0 : i32
      %dma_start3A_45 = tpu.memref_slice %arg8[%add3A_27, %dma_start3A_44] : memref<10016x128xf32, #tpu.memory_space<vmem_shared>> -> memref<128x128xf32, #tpu.memory_space<vmem_shared>>
      tpu.enqueue_dma source(%dma_start3A_45 : memref<128x128xf32, #tpu.memory_space<vmem_shared>>) target(%dma_start3A_43 : memref<128x128xf32, #tpu.memory_space<hbm>>) target_semaphore(%run_scoped3A : memref<!tpu.dma_semaphore, #tpu.memory_space<semaphore_mem>>)
      %dma_wait3A = arith.constant 0 : i32
      %dma_wait3A_46 = tpu.memref_slice %arg5[%arg0, %add3A_29, %dma_wait3A] : memref<2x10000x128xf32, #tpu.memory_space<hbm>> -> memref<1x128x128xf32, #tpu.memory_space<hbm>>
      %dma_wait3A_47 = tpu.memref_squeeze %dma_wait3A_46 : memref<1x128x128xf32, #tpu.memory_space<hbm>> -> memref<128x128xf32, #tpu.memory_space<hbm>>
      %dma_wait3A_48 = arith.constant 0 : i32
      %dma_wait3A_49 = tpu.memref_slice %arg8[%add3A_27, %dma_wait3A_48] : memref<10016x128xf32, #tpu.memory_space<vmem_shared>> -> memref<128x128xf32, #tpu.memory_space<vmem_shared>>
      tpu.wait_dma2 semaphore(%run_scoped3A : memref<!tpu.dma_semaphore, #tpu.memory_space<semaphore_mem>>) src(%dma_wait3A_49 : memref<128x128xf32, #tpu.memory_space<vmem_shared>>) dst(%dma_wait3A_47 : memref<128x128xf32, #tpu.memory_space<hbm>>)
      tpu.yield
    }) : () -> ()
    %add3A_30 = arith.constant 256 : i32
    %add3A_31 = arith.addi %mul3A_0, %add3A_30 : i32
    %add3A_32 = arith.constant 256 : i32
    %add3A_33 = arith.addi %mul3A_0, %add3A_32 : i32
    "tpu.region"() ({
      %run_scoped3A = tpu.sem_alloc : memref<!tpu.dma_semaphore, #tpu.memory_space<semaphore_mem>>
      %dma_start3A = arith.constant 0 : i32
      %dma_start3A_42 = tpu.memref_slice %arg5[%arg0, %add3A_33, %dma_start3A] : memref<2x10000x128xf32, #tpu.memory_space<hbm>> -> memref<1x128x128xf32, #tpu.memory_space<hbm>>
      %dma_start3A_43 = tpu.memref_squeeze %dma_start3A_42 : memref<1x128x128xf32, #tpu.memory_space<hbm>> -> memref<128x128xf32, #tpu.memory_space<hbm>>
      %dma_start3A_44 = arith.constant 0 : i32
      %dma_start3A_45 = tpu.memref_slice %arg8[%add3A_31, %dma_start3A_44] : memref<10016x128xf32, #tpu.memory_space<vmem_shared>> -> memref<128x128xf32, #tpu.memory_space<vmem_shared>>
      tpu.enqueue_dma source(%dma_start3A_45 : memref<128x128xf32, #tpu.memory_space<vmem_shared>>) target(%dma_start3A_43 : memref<128x128xf32, #tpu.memory_space<hbm>>) target_semaphore(%run_scoped3A : memref<!tpu.dma_semaphore, #tpu.memory_space<semaphore_mem>>)
      %dma_wait3A = arith.constant 0 : i32
      %dma_wait3A_46 = tpu.memref_slice %arg5[%arg0, %add3A_33, %dma_wait3A] : memref<2x10000x128xf32, #tpu.memory_space<hbm>> -> memref<1x128x128xf32, #tpu.memory_space<hbm>>
      %dma_wait3A_47 = tpu.memref_squeeze %dma_wait3A_46 : memref<1x128x128xf32, #tpu.memory_space<hbm>> -> memref<128x128xf32, #tpu.memory_space<hbm>>
      %dma_wait3A_48 = arith.constant 0 : i32
      %dma_wait3A_49 = tpu.memref_slice %arg8[%add3A_31, %dma_wait3A_48] : memref<10016x128xf32, #tpu.memory_space<vmem_shared>> -> memref<128x128xf32, #tpu.memory_space<vmem_shared>>
      tpu.wait_dma2 semaphore(%run_scoped3A : memref<!tpu.dma_semaphore, #tpu.memory_space<semaphore_mem>>) src(%dma_wait3A_49 : memref<128x128xf32, #tpu.memory_space<vmem_shared>>) dst(%dma_wait3A_47 : memref<128x128xf32, #tpu.memory_space<hbm>>)
      tpu.yield
    }) : () -> ()
    %add3A_34 = arith.constant 384 : i32
    %add3A_35 = arith.addi %mul3A_0, %add3A_34 : i32
    %add3A_36 = arith.constant 384 : i32
    %add3A_37 = arith.addi %mul3A_0, %add3A_36 : i32
    "tpu.region"() ({
      %run_scoped3A = tpu.sem_alloc : memref<!tpu.dma_semaphore, #tpu.memory_space<semaphore_mem>>
      %dma_start3A = arith.constant 0 : i32
      %dma_start3A_42 = tpu.memref_slice %arg5[%arg0, %add3A_37, %dma_start3A] : memref<2x10000x128xf32, #tpu.memory_space<hbm>> -> memref<1x128x128xf32, #tpu.memory_space<hbm>>
      %dma_start3A_43 = tpu.memref_squeeze %dma_start3A_42 : memref<1x128x128xf32, #tpu.memory_space<hbm>> -> memref<128x128xf32, #tpu.memory_space<hbm>>
      %dma_start3A_44 = arith.constant 0 : i32
      %dma_start3A_45 = tpu.memref_slice %arg8[%add3A_35, %dma_start3A_44] : memref<10016x128xf32, #tpu.memory_space<vmem_shared>> -> memref<128x128xf32, #tpu.memory_space<vmem_shared>>
      tpu.enqueue_dma source(%dma_start3A_45 : memref<128x128xf32, #tpu.memory_space<vmem_shared>>) target(%dma_start3A_43 : memref<128x128xf32, #tpu.memory_space<hbm>>) target_semaphore(%run_scoped3A : memref<!tpu.dma_semaphore, #tpu.memory_space<semaphore_mem>>)
      %dma_wait3A = arith.constant 0 : i32
      %dma_wait3A_46 = tpu.memref_slice %arg5[%arg0, %add3A_37, %dma_wait3A] : memref<2x10000x128xf32, #tpu.memory_space<hbm>> -> memref<1x128x128xf32, #tpu.memory_space<hbm>>
      %dma_wait3A_47 = tpu.memref_squeeze %dma_wait3A_46 : memref<1x128x128xf32, #tpu.memory_space<hbm>> -> memref<128x128xf32, #tpu.memory_space<hbm>>
      %dma_wait3A_48 = arith.constant 0 : i32
      %dma_wait3A_49 = tpu.memref_slice %arg8[%add3A_35, %dma_wait3A_48] : memref<10016x128xf32, #tpu.memory_space<vmem_shared>> -> memref<128x128xf32, #tpu.memory_space<vmem_shared>>
      tpu.wait_dma2 semaphore(%run_scoped3A : memref<!tpu.dma_semaphore, #tpu.memory_space<semaphore_mem>>) src(%dma_wait3A_49 : memref<128x128xf32, #tpu.memory_space<vmem_shared>>) dst(%dma_wait3A_47 : memref<128x128xf32, #tpu.memory_space<hbm>>)
      tpu.yield
    }) : () -> ()
    %add3A_38 = arith.constant 512 : i32
    %add3A_39 = arith.addi %mul3A_0, %add3A_38 : i32
    %add3A_40 = arith.constant 512 : i32
    %add3A_41 = arith.addi %mul3A_0, %add3A_40 : i32
    "tpu.region"() ({
      %run_scoped3A = tpu.sem_alloc : memref<!tpu.dma_semaphore, #tpu.memory_space<semaphore_mem>>
      %dma_start3A = arith.constant 0 : i32
      %dma_start3A_42 = tpu.memref_slice %arg5[%arg0, %add3A_41, %dma_start3A] : memref<2x10000x128xf32, #tpu.memory_space<hbm>> -> memref<1x128x128xf32, #tpu.memory_space<hbm>>
      %dma_start3A_43 = tpu.memref_squeeze %dma_start3A_42 : memref<1x128x128xf32, #tpu.memory_space<hbm>> -> memref<128x128xf32, #tpu.memory_space<hbm>>
      %dma_start3A_44 = arith.constant 0 : i32
      %dma_start3A_45 = tpu.memref_slice %arg8[%add3A_39, %dma_start3A_44] : memref<10016x128xf32, #tpu.memory_space<vmem_shared>> -> memref<128x128xf32, #tpu.memory_space<vmem_shared>>
      tpu.enqueue_dma source(%dma_start3A_45 : memref<128x128xf32, #tpu.memory_space<vmem_shared>>) target(%dma_start3A_43 : memref<128x128xf32, #tpu.memory_space<hbm>>) target_semaphore(%run_scoped3A : memref<!tpu.dma_semaphore, #tpu.memory_space<semaphore_mem>>)
      %dma_wait3A = arith.constant 0 : i32
      %dma_wait3A_46 = tpu.memref_slice %arg5[%arg0, %add3A_41, %dma_wait3A] : memref<2x10000x128xf32, #tpu.memory_space<hbm>> -> memref<1x128x128xf32, #tpu.memory_space<hbm>>
      %dma_wait3A_47 = tpu.memref_squeeze %dma_wait3A_46 : memref<1x128x128xf32, #tpu.memory_space<hbm>> -> memref<128x128xf32, #tpu.memory_space<hbm>>
      %dma_wait3A_48 = arith.constant 0 : i32
      %dma_wait3A_49 = tpu.memref_slice %arg8[%add3A_39, %dma_wait3A_48] : memref<10016x128xf32, #tpu.memory_space<vmem_shared>> -> memref<128x128xf32, #tpu.memory_space<vmem_shared>>
      tpu.wait_dma2 semaphore(%run_scoped3A : memref<!tpu.dma_semaphore, #tpu.memory_space<semaphore_mem>>) src(%dma_wait3A_49 : memref<128x128xf32, #tpu.memory_space<vmem_shared>>) dst(%dma_wait3A_47 : memref<128x128xf32, #tpu.memory_space<hbm>>)
      tpu.yield
    }) : () -> ()
    return
  }
}

#map = affine_map<(d0, d1) -> (0, 0)>
#map1 = affine_map<(d0, d1) -> (0, 0, 0, 0)>
#map2 = affine_map<(d0, d1) -> (0, 0, 0)>
module attributes {stable_mosaic.version = 14 : i64} {
  func.func @_agg_kernel(%arg0: i32, %arg1: i32, %arg2: memref<20000x128xf32, #tpu.memory_space<hbm>>, %arg3: memref<2x16x80x128xi32, #tpu.memory_space<hbm>>, %arg4: memref<16x80x128xi32, #tpu.memory_space<hbm>>, %arg5: memref<128x128xf32, #tpu.memory_space<hbm>>, %arg6: memref<2x10000x128xf32, #tpu.memory_space<hbm>>, %arg7: memref<80x128xi32, #tpu.memory_space<vmem>>, %arg8: memref<16x128xi32, #tpu.memory_space<vmem>>, %arg9: memref<128x128xf32, #tpu.memory_space<vmem>>, %arg10: memref<128x128xf32, #tpu.memory_space<vmem>>, %arg11: memref<10016x128xf32, #tpu.memory_space<vmem_shared>>, %arg12: memref<!tpu.dma_semaphore, #tpu.memory_space<semaphore_mem>>, %arg13: memref<!tpu.dma_semaphore, #tpu.memory_space<semaphore_mem>>, %arg14: memref<!tpu.dma_semaphore, #tpu.memory_space<semaphore_mem>>, %arg15: memref<!tpu.dma_semaphore, #tpu.memory_space<semaphore_mem>>, %arg16: memref<!tpu.dma_semaphore, #tpu.memory_space<semaphore_mem>>) attributes {dimension_semantics = [#tpu.dimension_semantics<core_parallel>, #tpu.dimension_semantics<subcore_parallel>], iteration_bounds = array<i64: 2, 16>, scalar_prefetch = 0 : i64, scratch_operands = 10 : i64, tpu.core_type = #tpu.core_type<sc_vector_subcore>, window_params = [{transform_indices = #map}, {transform_indices = #map1}, {transform_indices = #map2}, {transform_indices = #map}, {transform_indices = #map2}]} {
    "tpu.region"() ({
      %run_scoped3A = tpu.sem_alloc : memref<!tpu.dma_semaphore, #tpu.memory_space<semaphore_mem>>
      %dma_start3A_718 = arith.constant 0 : i32
      %dma_start3A_719 = arith.constant 0 : i32
      %dma_start3A_720 = tpu.memref_slice %arg3[%arg0, %arg1, %dma_start3A_718, %dma_start3A_719] : memref<2x16x80x128xi32, #tpu.memory_space<hbm>> -> memref<1x1x80x128xi32, #tpu.memory_space<hbm>>
      %dma_start3A_721 = tpu.memref_squeeze %dma_start3A_720 : memref<1x1x80x128xi32, #tpu.memory_space<hbm>> -> memref<80x128xi32, #tpu.memory_space<hbm>>
      %dma_start3A_722 = arith.constant 0 : i32
      %dma_start3A_723 = arith.constant 0 : i32
      %dma_start3A_724 = tpu.memref_slice %arg3[%arg0, %arg1, %dma_start3A_722, %dma_start3A_723] : memref<2x16x80x128xi32, #tpu.memory_space<hbm>> -> memref<1x1x80x128xi32, #tpu.memory_space<hbm>>
      %dma_start3A_725 = tpu.memref_squeeze %dma_start3A_724 : memref<1x1x80x128xi32, #tpu.memory_space<hbm>> -> memref<80x128xi32, #tpu.memory_space<hbm>>
      tpu.enqueue_dma source(%dma_start3A_725 : memref<80x128xi32, #tpu.memory_space<hbm>>) target(%arg7 : memref<80x128xi32, #tpu.memory_space<vmem>>) target_semaphore(%run_scoped3A : memref<!tpu.dma_semaphore, #tpu.memory_space<semaphore_mem>>)
      %dma_wait3A_726 = arith.constant 0 : i32
      %dma_wait3A_727 = arith.constant 0 : i32
      %dma_wait3A_728 = tpu.memref_slice %arg3[%arg0, %arg1, %dma_wait3A_726, %dma_wait3A_727] : memref<2x16x80x128xi32, #tpu.memory_space<hbm>> -> memref<1x1x80x128xi32, #tpu.memory_space<hbm>>
      %dma_wait3A_729 = tpu.memref_squeeze %dma_wait3A_728 : memref<1x1x80x128xi32, #tpu.memory_space<hbm>> -> memref<80x128xi32, #tpu.memory_space<hbm>>
      %dma_wait3A_730 = arith.constant 0 : i32
      %dma_wait3A_731 = arith.constant 0 : i32
      %dma_wait3A_732 = tpu.memref_slice %arg3[%arg0, %arg1, %dma_wait3A_730, %dma_wait3A_731] : memref<2x16x80x128xi32, #tpu.memory_space<hbm>> -> memref<1x1x80x128xi32, #tpu.memory_space<hbm>>
      %dma_wait3A_733 = tpu.memref_squeeze %dma_wait3A_732 : memref<1x1x80x128xi32, #tpu.memory_space<hbm>> -> memref<80x128xi32, #tpu.memory_space<hbm>>
      tpu.wait_dma2 semaphore(%run_scoped3A : memref<!tpu.dma_semaphore, #tpu.memory_space<semaphore_mem>>) src(%dma_wait3A_733 : memref<80x128xi32, #tpu.memory_space<hbm>>) dst(%arg7 : memref<80x128xi32, #tpu.memory_space<vmem>>)
      tpu.yield
    }) : () -> ()
    "tpu.region"() ({
      %run_scoped3A = tpu.sem_alloc : memref<!tpu.dma_semaphore, #tpu.memory_space<semaphore_mem>>
      tpu.enqueue_dma source(%arg5 : memref<128x128xf32, #tpu.memory_space<hbm>>) target(%arg9 : memref<128x128xf32, #tpu.memory_space<vmem>>) target_semaphore(%run_scoped3A : memref<!tpu.dma_semaphore, #tpu.memory_space<semaphore_mem>>)
      tpu.wait_dma2 semaphore(%run_scoped3A : memref<!tpu.dma_semaphore, #tpu.memory_space<semaphore_mem>>) src(%arg5 : memref<128x128xf32, #tpu.memory_space<hbm>>) dst(%arg9 : memref<128x128xf32, #tpu.memory_space<vmem>>)
      tpu.yield
    }) : () -> ()
    %mul3A = arith.constant 624 : i32
    %mul3A_0 = arith.muli %arg1, %mul3A : i32
    %add3A = arith.constant 0 : i32
    %add3A_1 = arith.addi %mul3A_0, %add3A : i32
    "tpu.region"() ({
      %run_scoped3A = tpu.sem_alloc : memref<!tpu.dma_semaphore, #tpu.memory_space<semaphore_mem>>
      %dma_start3A_718 = arith.constant 0 : i32
      %dma_start3A_719 = tpu.memref_slice %arg11[%add3A_1, %dma_start3A_718] : memref<10016x128xf32, #tpu.memory_space<vmem_shared>> -> memref<128x128xf32, #tpu.memory_space<vmem_shared>>
      %dma_start3A_720 = arith.constant 0 : i32
      %dma_start3A_721 = tpu.memref_slice %arg11[%add3A_1, %dma_start3A_720] : memref<10016x128xf32, #tpu.memory_space<vmem_shared>> -> memref<128x128xf32, #tpu.memory_space<vmem_shared>>
      tpu.enqueue_dma source(%arg9 : memref<128x128xf32, #tpu.memory_space<vmem>>) target(%dma_start3A_721 : memref<128x128xf32, #tpu.memory_space<vmem_shared>>) target_semaphore(%run_scoped3A : memref<!tpu.dma_semaphore, #tpu.memory_space<semaphore_mem>>)
      %dma_wait3A_722 = arith.constant 0 : i32
      %dma_wait3A_723 = tpu.memref_slice %arg11[%add3A_1, %dma_wait3A_722] : memref<10016x128xf32, #tpu.memory_space<vmem_shared>> -> memref<128x128xf32, #tpu.memory_space<vmem_shared>>
      %dma_wait3A_724 = arith.constant 0 : i32
      %dma_wait3A_725 = tpu.memref_slice %arg11[%add3A_1, %dma_wait3A_724] : memref<10016x128xf32, #tpu.memory_space<vmem_shared>> -> memref<128x128xf32, #tpu.memory_space<vmem_shared>>
      tpu.wait_dma2 semaphore(%run_scoped3A : memref<!tpu.dma_semaphore, #tpu.memory_space<semaphore_mem>>) src(%arg9 : memref<128x128xf32, #tpu.memory_space<vmem>>) dst(%dma_wait3A_725 : memref<128x128xf32, #tpu.memory_space<vmem_shared>>)
      tpu.yield
    }) : () -> ()
    %add3A_2 = arith.constant 128 : i32
    %add3A_3 = arith.addi %mul3A_0, %add3A_2 : i32
    "tpu.region"() ({
      %run_scoped3A = tpu.sem_alloc : memref<!tpu.dma_semaphore, #tpu.memory_space<semaphore_mem>>
      %dma_start3A_718 = arith.constant 0 : i32
      %dma_start3A_719 = tpu.memref_slice %arg11[%add3A_3, %dma_start3A_718] : memref<10016x128xf32, #tpu.memory_space<vmem_shared>> -> memref<128x128xf32, #tpu.memory_space<vmem_shared>>
      %dma_start3A_720 = arith.constant 0 : i32
      %dma_start3A_721 = tpu.memref_slice %arg11[%add3A_3, %dma_start3A_720] : memref<10016x128xf32, #tpu.memory_space<vmem_shared>> -> memref<128x128xf32, #tpu.memory_space<vmem_shared>>
      tpu.enqueue_dma source(%arg9 : memref<128x128xf32, #tpu.memory_space<vmem>>) target(%dma_start3A_721 : memref<128x128xf32, #tpu.memory_space<vmem_shared>>) target_semaphore(%run_scoped3A : memref<!tpu.dma_semaphore, #tpu.memory_space<semaphore_mem>>)
      %dma_wait3A_722 = arith.constant 0 : i32
      %dma_wait3A_723 = tpu.memref_slice %arg11[%add3A_3, %dma_wait3A_722] : memref<10016x128xf32, #tpu.memory_space<vmem_shared>> -> memref<128x128xf32, #tpu.memory_space<vmem_shared>>
      %dma_wait3A_724 = arith.constant 0 : i32
      %dma_wait3A_725 = tpu.memref_slice %arg11[%add3A_3, %dma_wait3A_724] : memref<10016x128xf32, #tpu.memory_space<vmem_shared>> -> memref<128x128xf32, #tpu.memory_space<vmem_shared>>
      tpu.wait_dma2 semaphore(%run_scoped3A : memref<!tpu.dma_semaphore, #tpu.memory_space<semaphore_mem>>) src(%arg9 : memref<128x128xf32, #tpu.memory_space<vmem>>) dst(%dma_wait3A_725 : memref<128x128xf32, #tpu.memory_space<vmem_shared>>)
      tpu.yield
    }) : () -> ()
    %add3A_4 = arith.constant 256 : i32
    %add3A_5 = arith.addi %mul3A_0, %add3A_4 : i32
    "tpu.region"() ({
      %run_scoped3A = tpu.sem_alloc : memref<!tpu.dma_semaphore, #tpu.memory_space<semaphore_mem>>
      %dma_start3A_718 = arith.constant 0 : i32
      %dma_start3A_719 = tpu.memref_slice %arg11[%add3A_5, %dma_start3A_718] : memref<10016x128xf32, #tpu.memory_space<vmem_shared>> -> memref<128x128xf32, #tpu.memory_space<vmem_shared>>
      %dma_start3A_720 = arith.constant 0 : i32
      %dma_start3A_721 = tpu.memref_slice %arg11[%add3A_5, %dma_start3A_720] : memref<10016x128xf32, #tpu.memory_space<vmem_shared>> -> memref<128x128xf32, #tpu.memory_space<vmem_shared>>
      tpu.enqueue_dma source(%arg9 : memref<128x128xf32, #tpu.memory_space<vmem>>) target(%dma_start3A_721 : memref<128x128xf32, #tpu.memory_space<vmem_shared>>) target_semaphore(%run_scoped3A : memref<!tpu.dma_semaphore, #tpu.memory_space<semaphore_mem>>)
      %dma_wait3A_722 = arith.constant 0 : i32
      %dma_wait3A_723 = tpu.memref_slice %arg11[%add3A_5, %dma_wait3A_722] : memref<10016x128xf32, #tpu.memory_space<vmem_shared>> -> memref<128x128xf32, #tpu.memory_space<vmem_shared>>
      %dma_wait3A_724 = arith.constant 0 : i32
      %dma_wait3A_725 = tpu.memref_slice %arg11[%add3A_5, %dma_wait3A_724] : memref<10016x128xf32, #tpu.memory_space<vmem_shared>> -> memref<128x128xf32, #tpu.memory_space<vmem_shared>>
      tpu.wait_dma2 semaphore(%run_scoped3A : memref<!tpu.dma_semaphore, #tpu.memory_space<semaphore_mem>>) src(%arg9 : memref<128x128xf32, #tpu.memory_space<vmem>>) dst(%dma_wait3A_725 : memref<128x128xf32, #tpu.memory_space<vmem_shared>>)
      tpu.yield
    }) : () -> ()
    %add3A_6 = arith.constant 384 : i32
    %add3A_7 = arith.addi %mul3A_0, %add3A_6 : i32
    "tpu.region"() ({
      %run_scoped3A = tpu.sem_alloc : memref<!tpu.dma_semaphore, #tpu.memory_space<semaphore_mem>>
      %dma_start3A_718 = arith.constant 0 : i32
      %dma_start3A_719 = tpu.memref_slice %arg11[%add3A_7, %dma_start3A_718] : memref<10016x128xf32, #tpu.memory_space<vmem_shared>> -> memref<128x128xf32, #tpu.memory_space<vmem_shared>>
      %dma_start3A_720 = arith.constant 0 : i32
      %dma_start3A_721 = tpu.memref_slice %arg11[%add3A_7, %dma_start3A_720] : memref<10016x128xf32, #tpu.memory_space<vmem_shared>> -> memref<128x128xf32, #tpu.memory_space<vmem_shared>>
      tpu.enqueue_dma source(%arg9 : memref<128x128xf32, #tpu.memory_space<vmem>>) target(%dma_start3A_721 : memref<128x128xf32, #tpu.memory_space<vmem_shared>>) target_semaphore(%run_scoped3A : memref<!tpu.dma_semaphore, #tpu.memory_space<semaphore_mem>>)
      %dma_wait3A_722 = arith.constant 0 : i32
      %dma_wait3A_723 = tpu.memref_slice %arg11[%add3A_7, %dma_wait3A_722] : memref<10016x128xf32, #tpu.memory_space<vmem_shared>> -> memref<128x128xf32, #tpu.memory_space<vmem_shared>>
      %dma_wait3A_724 = arith.constant 0 : i32
      %dma_wait3A_725 = tpu.memref_slice %arg11[%add3A_7, %dma_wait3A_724] : memref<10016x128xf32, #tpu.memory_space<vmem_shared>> -> memref<128x128xf32, #tpu.memory_space<vmem_shared>>
      tpu.wait_dma2 semaphore(%run_scoped3A : memref<!tpu.dma_semaphore, #tpu.memory_space<semaphore_mem>>) src(%arg9 : memref<128x128xf32, #tpu.memory_space<vmem>>) dst(%dma_wait3A_725 : memref<128x128xf32, #tpu.memory_space<vmem_shared>>)
      tpu.yield
    }) : () -> ()
    %add3A_8 = arith.constant 512 : i32
    %add3A_9 = arith.addi %mul3A_0, %add3A_8 : i32
    "tpu.region"() ({
      %run_scoped3A = tpu.sem_alloc : memref<!tpu.dma_semaphore, #tpu.memory_space<semaphore_mem>>
      %dma_start3A_718 = arith.constant 0 : i32
      %dma_start3A_719 = tpu.memref_slice %arg11[%add3A_9, %dma_start3A_718] : memref<10016x128xf32, #tpu.memory_space<vmem_shared>> -> memref<128x128xf32, #tpu.memory_space<vmem_shared>>
      %dma_start3A_720 = arith.constant 0 : i32
      %dma_start3A_721 = tpu.memref_slice %arg11[%add3A_9, %dma_start3A_720] : memref<10016x128xf32, #tpu.memory_space<vmem_shared>> -> memref<128x128xf32, #tpu.memory_space<vmem_shared>>
      tpu.enqueue_dma source(%arg9 : memref<128x128xf32, #tpu.memory_space<vmem>>) target(%dma_start3A_721 : memref<128x128xf32, #tpu.memory_space<vmem_shared>>) target_semaphore(%run_scoped3A : memref<!tpu.dma_semaphore, #tpu.memory_space<semaphore_mem>>)
      %dma_wait3A_722 = arith.constant 0 : i32
      %dma_wait3A_723 = tpu.memref_slice %arg11[%add3A_9, %dma_wait3A_722] : memref<10016x128xf32, #tpu.memory_space<vmem_shared>> -> memref<128x128xf32, #tpu.memory_space<vmem_shared>>
      %dma_wait3A_724 = arith.constant 0 : i32
      %dma_wait3A_725 = tpu.memref_slice %arg11[%add3A_9, %dma_wait3A_724] : memref<10016x128xf32, #tpu.memory_space<vmem_shared>> -> memref<128x128xf32, #tpu.memory_space<vmem_shared>>
      tpu.wait_dma2 semaphore(%run_scoped3A : memref<!tpu.dma_semaphore, #tpu.memory_space<semaphore_mem>>) src(%arg9 : memref<128x128xf32, #tpu.memory_space<vmem>>) dst(%dma_wait3A_725 : memref<128x128xf32, #tpu.memory_space<vmem_shared>>)
      tpu.yield
    }) : () -> ()
    "tpu.region"() ({
      %run_scoped3A = tpu.sem_alloc : memref<!tpu.dma_semaphore, #tpu.memory_space<semaphore_mem>>
      %dma_start3A_718 = arith.constant 0 : i32
      %dma_start3A_719 = arith.constant 0 : i32
      %dma_start3A_720 = tpu.memref_slice %arg8[%dma_start3A_718, %dma_start3A_719] : memref<16x128xi32, #tpu.memory_space<vmem>> -> memref<8x128xi32, #tpu.memory_space<vmem>>
      %dma_start3A_721 = arith.constant 0 : i32
      %dma_start3A_722 = arith.constant 0 : i32
      %dma_start3A_723 = tpu.memref_slice %arg4[%arg1, %dma_start3A_721, %dma_start3A_722] : memref<16x80x128xi32, #tpu.memory_space<hbm>> -> memref<1x8x128xi32, #tpu.memory_space<hbm>>
      %dma_start3A_724 = tpu.memref_squeeze %dma_start3A_723 : memref<1x8x128xi32, #tpu.memory_space<hbm>> -> memref<8x128xi32, #tpu.memory_space<hbm>>
      %dma_start3A_725 = arith.constant 0 : i32
      %dma_start3A_726 = arith.constant 0 : i32
      %dma_start3A_727 = tpu.memref_slice %arg8[%dma_start3A_725, %dma_start3A_726] : memref<16x128xi32, #tpu.memory_space<vmem>> -> memref<8x128xi32, #tpu.memory_space<vmem>>
      %dma_start3A_728 = arith.constant 0 : i32
      %dma_start3A_729 = arith.constant 0 : i32
      %dma_start3A_730 = tpu.memref_slice %arg4[%arg1, %dma_start3A_728, %dma_start3A_729] : memref<16x80x128xi32, #tpu.memory_space<hbm>> -> memref<1x8x128xi32, #tpu.memory_space<hbm>>
      %dma_start3A_731 = tpu.memref_squeeze %dma_start3A_730 : memref<1x8x128xi32, #tpu.memory_space<hbm>> -> memref<8x128xi32, #tpu.memory_space<hbm>>
      tpu.enqueue_dma source(%dma_start3A_731 : memref<8x128xi32, #tpu.memory_space<hbm>>) target(%dma_start3A_727 : memref<8x128xi32, #tpu.memory_space<vmem>>) target_semaphore(%run_scoped3A : memref<!tpu.dma_semaphore, #tpu.memory_space<semaphore_mem>>)
      %dma_wait3A_732 = arith.constant 0 : i32
      %dma_wait3A_733 = arith.constant 0 : i32
      %dma_wait3A_734 = tpu.memref_slice %arg8[%dma_wait3A_732, %dma_wait3A_733] : memref<16x128xi32, #tpu.memory_space<vmem>> -> memref<8x128xi32, #tpu.memory_space<vmem>>
      %dma_wait3A_735 = arith.constant 0 : i32
      %dma_wait3A_736 = arith.constant 0 : i32
      %dma_wait3A_737 = tpu.memref_slice %arg4[%arg1, %dma_wait3A_735, %dma_wait3A_736] : memref<16x80x128xi32, #tpu.memory_space<hbm>> -> memref<1x8x128xi32, #tpu.memory_space<hbm>>
      %dma_wait3A_738 = tpu.memref_squeeze %dma_wait3A_737 : memref<1x8x128xi32, #tpu.memory_space<hbm>> -> memref<8x128xi32, #tpu.memory_space<hbm>>
      %dma_wait3A_739 = arith.constant 0 : i32
      %dma_wait3A_740 = arith.constant 0 : i32
      %dma_wait3A_741 = tpu.memref_slice %arg8[%dma_wait3A_739, %dma_wait3A_740] : memref<16x128xi32, #tpu.memory_space<vmem>> -> memref<8x128xi32, #tpu.memory_space<vmem>>
      %dma_wait3A_742 = arith.constant 0 : i32
      %dma_wait3A_743 = arith.constant 0 : i32
      %dma_wait3A_744 = tpu.memref_slice %arg4[%arg1, %dma_wait3A_742, %dma_wait3A_743] : memref<16x80x128xi32, #tpu.memory_space<hbm>> -> memref<1x8x128xi32, #tpu.memory_space<hbm>>
      %dma_wait3A_745 = tpu.memref_squeeze %dma_wait3A_744 : memref<1x8x128xi32, #tpu.memory_space<hbm>> -> memref<8x128xi32, #tpu.memory_space<hbm>>
      tpu.wait_dma2 semaphore(%run_scoped3A : memref<!tpu.dma_semaphore, #tpu.memory_space<semaphore_mem>>) src(%dma_wait3A_745 : memref<8x128xi32, #tpu.memory_space<hbm>>) dst(%dma_wait3A_741 : memref<8x128xi32, #tpu.memory_space<vmem>>)
      tpu.yield
    }) : () -> ()
    %dma_start3A = arith.constant 0 : i32
    %dma_start3A_10 = arith.constant 0 : i32
    %dma_start3A_11 = arith.constant 0 : i32
    %dma_start3A_12 = tpu.memref_slice %arg9[%dma_start3A_10, %dma_start3A_11] : memref<128x128xf32, #tpu.memory_space<vmem>> -> memref<64x128xf32, #tpu.memory_space<vmem>>
    %dma_start3A_13 = arith.constant 0 : i32
    %dma_start3A_14 = tpu.memref_slice %arg7[%dma_start3A, %dma_start3A_13] : memref<80x128xi32, #tpu.memory_space<vmem>> -> memref<1x64xi32, #tpu.memory_space<vmem>>
    %dma_start3A_15 = tpu.memref_squeeze %dma_start3A_14 : memref<1x64xi32, #tpu.memory_space<vmem>> -> memref<64xi32, #tpu.memory_space<vmem>>
    %dma_start3A_16 = arith.constant 0 : i32
    %dma_start3A_17 = arith.constant 0 : i32
    %dma_start3A_18 = tpu.memref_slice %arg2[%dma_start3A_16, %dma_start3A_17] : memref<20000x128xf32, #tpu.memory_space<hbm>> -> memref<20000x128xf32, #tpu.memory_space<hbm>>
    tpu.enqueue_indirect_dma source(%dma_start3A_18 : memref<20000x128xf32, #tpu.memory_space<hbm>>) target(%dma_start3A_12 : memref<64x128xf32, #tpu.memory_space<vmem>>) offsets(%dma_start3A_15 : memref<64xi32, #tpu.memory_space<vmem>>) semaphore(%arg12 : memref<!tpu.dma_semaphore, #tpu.memory_space<semaphore_mem>>)
    %dma_start3A_19 = arith.constant 0 : i32
    %dma_start3A_20 = arith.constant 64 : i32
    %dma_start3A_21 = arith.constant 0 : i32
    %dma_start3A_22 = tpu.memref_slice %arg9[%dma_start3A_20, %dma_start3A_21] : memref<128x128xf32, #tpu.memory_space<vmem>> -> memref<64x128xf32, #tpu.memory_space<vmem>>
    %dma_start3A_23 = arith.constant 64 : i32
    %dma_start3A_24 = tpu.memref_slice %arg7[%dma_start3A_19, %dma_start3A_23] : memref<80x128xi32, #tpu.memory_space<vmem>> -> memref<1x64xi32, #tpu.memory_space<vmem>>
    %dma_start3A_25 = tpu.memref_squeeze %dma_start3A_24 : memref<1x64xi32, #tpu.memory_space<vmem>> -> memref<64xi32, #tpu.memory_space<vmem>>
    %dma_start3A_26 = arith.constant 0 : i32
    %dma_start3A_27 = arith.constant 0 : i32
    %dma_start3A_28 = tpu.memref_slice %arg2[%dma_start3A_26, %dma_start3A_27] : memref<20000x128xf32, #tpu.memory_space<hbm>> -> memref<20000x128xf32, #tpu.memory_space<hbm>>
    tpu.enqueue_indirect_dma source(%dma_start3A_28 : memref<20000x128xf32, #tpu.memory_space<hbm>>) target(%dma_start3A_22 : memref<64x128xf32, #tpu.memory_space<vmem>>) offsets(%dma_start3A_25 : memref<64xi32, #tpu.memory_space<vmem>>) semaphore(%arg12 : memref<!tpu.dma_semaphore, #tpu.memory_space<semaphore_mem>>)
    %dma_start3A_29 = arith.constant 1 : i32
    %dma_start3A_30 = arith.constant 0 : i32
    %dma_start3A_31 = arith.constant 0 : i32
    %dma_start3A_32 = tpu.memref_slice %arg10[%dma_start3A_30, %dma_start3A_31] : memref<128x128xf32, #tpu.memory_space<vmem>> -> memref<64x128xf32, #tpu.memory_space<vmem>>
    %dma_start3A_33 = arith.constant 0 : i32
    %dma_start3A_34 = tpu.memref_slice %arg7[%dma_start3A_29, %dma_start3A_33] : memref<80x128xi32, #tpu.memory_space<vmem>> -> memref<1x64xi32, #tpu.memory_space<vmem>>
    %dma_start3A_35 = tpu.memref_squeeze %dma_start3A_34 : memref<1x64xi32, #tpu.memory_space<vmem>> -> memref<64xi32, #tpu.memory_space<vmem>>
    %dma_start3A_36 = arith.constant 0 : i32
    %dma_start3A_37 = arith.constant 0 : i32
    %dma_start3A_38 = tpu.memref_slice %arg2[%dma_start3A_36, %dma_start3A_37] : memref<20000x128xf32, #tpu.memory_space<hbm>> -> memref<20000x128xf32, #tpu.memory_space<hbm>>
    tpu.enqueue_indirect_dma source(%dma_start3A_38 : memref<20000x128xf32, #tpu.memory_space<hbm>>) target(%dma_start3A_32 : memref<64x128xf32, #tpu.memory_space<vmem>>) offsets(%dma_start3A_35 : memref<64xi32, #tpu.memory_space<vmem>>) semaphore(%arg13 : memref<!tpu.dma_semaphore, #tpu.memory_space<semaphore_mem>>)
    %dma_start3A_39 = arith.constant 1 : i32
    %dma_start3A_40 = arith.constant 64 : i32
    %dma_start3A_41 = arith.constant 0 : i32
    %dma_start3A_42 = tpu.memref_slice %arg10[%dma_start3A_40, %dma_start3A_41] : memref<128x128xf32, #tpu.memory_space<vmem>> -> memref<64x128xf32, #tpu.memory_space<vmem>>
    %dma_start3A_43 = arith.constant 64 : i32
    %dma_start3A_44 = tpu.memref_slice %arg7[%dma_start3A_39, %dma_start3A_43] : memref<80x128xi32, #tpu.memory_space<vmem>> -> memref<1x64xi32, #tpu.memory_space<vmem>>
    %dma_start3A_45 = tpu.memref_squeeze %dma_start3A_44 : memref<1x64xi32, #tpu.memory_space<vmem>> -> memref<64xi32, #tpu.memory_space<vmem>>
    %dma_start3A_46 = arith.constant 0 : i32
    %dma_start3A_47 = arith.constant 0 : i32
    %dma_start3A_48 = tpu.memref_slice %arg2[%dma_start3A_46, %dma_start3A_47] : memref<20000x128xf32, #tpu.memory_space<hbm>> -> memref<20000x128xf32, #tpu.memory_space<hbm>>
    tpu.enqueue_indirect_dma source(%dma_start3A_48 : memref<20000x128xf32, #tpu.memory_space<hbm>>) target(%dma_start3A_42 : memref<64x128xf32, #tpu.memory_space<vmem>>) offsets(%dma_start3A_45 : memref<64xi32, #tpu.memory_space<vmem>>) semaphore(%arg13 : memref<!tpu.dma_semaphore, #tpu.memory_space<semaphore_mem>>)
    %barrier3A = arith.constant 0 : index
    tpu.barrier barrier_id(%barrier3A)
    %dma_wait3A = arith.constant 0 : i32
    %dma_wait3A_49 = arith.constant 0 : i32
    %dma_wait3A_50 = tpu.memref_slice %arg7[%dma_wait3A, %dma_wait3A_49] : memref<80x128xi32, #tpu.memory_space<vmem>> -> memref<1x128xi32, #tpu.memory_space<vmem>>
    %dma_wait3A_51 = tpu.memref_squeeze %dma_wait3A_50 : memref<1x128xi32, #tpu.memory_space<vmem>> -> memref<128xi32, #tpu.memory_space<vmem>>
    %dma_wait3A_52 = arith.constant 0 : i32
    %dma_wait3A_53 = arith.constant 0 : i32
    %dma_wait3A_54 = tpu.memref_slice %arg2[%dma_wait3A_52, %dma_wait3A_53] : memref<20000x128xf32, #tpu.memory_space<hbm>> -> memref<20000x128xf32, #tpu.memory_space<hbm>>
    tpu.wait_indirect_dma semaphore(%arg12 : memref<!tpu.dma_semaphore, #tpu.memory_space<semaphore_mem>>) src(%dma_wait3A_54 : memref<20000x128xf32, #tpu.memory_space<hbm>>) dst(%arg9 : memref<128x128xf32, #tpu.memory_space<vmem>>)
    %dma_start3A_55 = arith.constant 0 : i32
    %dma_start3A_56 = arith.constant 0 : i32
    %dma_start3A_57 = tpu.memref_slice %arg8[%dma_start3A_55, %dma_start3A_56] : memref<16x128xi32, #tpu.memory_space<vmem>> -> memref<1x128xi32, #tpu.memory_space<vmem>>
    %dma_start3A_58 = tpu.memref_squeeze %dma_start3A_57 : memref<1x128xi32, #tpu.memory_space<vmem>> -> memref<128xi32, #tpu.memory_space<vmem>>
    %dma_start3A_59 = arith.constant 0 : i32
    %dma_start3A_60 = arith.constant 0 : i32
    %dma_start3A_61 = tpu.memref_slice %arg11[%dma_start3A_59, %dma_start3A_60] : memref<10016x128xf32, #tpu.memory_space<vmem_shared>> -> memref<10016x128xf32, #tpu.memory_space<vmem_shared>>
    tpu.enqueue_indirect_dma source(%arg9 : memref<128x128xf32, #tpu.memory_space<vmem>>) target(%dma_start3A_61 : memref<10016x128xf32, #tpu.memory_space<vmem_shared>>) offsets(%dma_start3A_58 : memref<128xi32, #tpu.memory_space<vmem>>) semaphore(%arg14 : memref<!tpu.dma_semaphore, #tpu.memory_space<semaphore_mem>>) {add = true}
    %dma_wait3A_62 = arith.constant 0 : i32
    %dma_wait3A_63 = arith.constant 0 : i32
    %dma_wait3A_64 = tpu.memref_slice %arg8[%dma_wait3A_62, %dma_wait3A_63] : memref<16x128xi32, #tpu.memory_space<vmem>> -> memref<1x128xi32, #tpu.memory_space<vmem>>
    %dma_wait3A_65 = tpu.memref_squeeze %dma_wait3A_64 : memref<1x128xi32, #tpu.memory_space<vmem>> -> memref<128xi32, #tpu.memory_space<vmem>>
    %dma_wait3A_66 = arith.constant 0 : i32
    %dma_wait3A_67 = arith.constant 0 : i32
    %dma_wait3A_68 = tpu.memref_slice %arg11[%dma_wait3A_66, %dma_wait3A_67] : memref<10016x128xf32, #tpu.memory_space<vmem_shared>> -> memref<10016x128xf32, #tpu.memory_space<vmem_shared>>
    tpu.wait_indirect_dma semaphore(%arg14 : memref<!tpu.dma_semaphore, #tpu.memory_space<semaphore_mem>>) src(%arg9 : memref<128x128xf32, #tpu.memory_space<vmem>>) dst(%dma_wait3A_68 : memref<10016x128xf32, #tpu.memory_space<vmem_shared>>)
    %dma_start3A_69 = arith.constant 8 : i32
    %dma_start3A_70 = arith.constant 0 : i32
    %dma_start3A_71 = tpu.memref_slice %arg8[%dma_start3A_69, %dma_start3A_70] : memref<16x128xi32, #tpu.memory_space<vmem>> -> memref<8x128xi32, #tpu.memory_space<vmem>>
    %dma_start3A_72 = arith.constant 8 : i32
    %dma_start3A_73 = arith.constant 0 : i32
    %dma_start3A_74 = tpu.memref_slice %arg4[%arg1, %dma_start3A_72, %dma_start3A_73] : memref<16x80x128xi32, #tpu.memory_space<hbm>> -> memref<1x8x128xi32, #tpu.memory_space<hbm>>
    %dma_start3A_75 = tpu.memref_squeeze %dma_start3A_74 : memref<1x8x128xi32, #tpu.memory_space<hbm>> -> memref<8x128xi32, #tpu.memory_space<hbm>>
    %dma_start3A_76 = arith.constant 8 : i32
    %dma_start3A_77 = arith.constant 0 : i32
    %dma_start3A_78 = tpu.memref_slice %arg8[%dma_start3A_76, %dma_start3A_77] : memref<16x128xi32, #tpu.memory_space<vmem>> -> memref<8x128xi32, #tpu.memory_space<vmem>>
    %dma_start3A_79 = arith.constant 8 : i32
    %dma_start3A_80 = arith.constant 0 : i32
    %dma_start3A_81 = tpu.memref_slice %arg4[%arg1, %dma_start3A_79, %dma_start3A_80] : memref<16x80x128xi32, #tpu.memory_space<hbm>> -> memref<1x8x128xi32, #tpu.memory_space<hbm>>
    %dma_start3A_82 = tpu.memref_squeeze %dma_start3A_81 : memref<1x8x128xi32, #tpu.memory_space<hbm>> -> memref<8x128xi32, #tpu.memory_space<hbm>>
    tpu.enqueue_dma source(%dma_start3A_82 : memref<8x128xi32, #tpu.memory_space<hbm>>) target(%dma_start3A_78 : memref<8x128xi32, #tpu.memory_space<vmem>>) target_semaphore(%arg16 : memref<!tpu.dma_semaphore, #tpu.memory_space<semaphore_mem>>)
    %dma_start3A_83 = arith.constant 2 : i32
    %dma_start3A_84 = arith.constant 0 : i32
    %dma_start3A_85 = arith.constant 0 : i32
    %dma_start3A_86 = tpu.memref_slice %arg9[%dma_start3A_84, %dma_start3A_85] : memref<128x128xf32, #tpu.memory_space<vmem>> -> memref<64x128xf32, #tpu.memory_space<vmem>>
    %dma_start3A_87 = arith.constant 0 : i32
    %dma_start3A_88 = tpu.memref_slice %arg7[%dma_start3A_83, %dma_start3A_87] : memref<80x128xi32, #tpu.memory_space<vmem>> -> memref<1x64xi32, #tpu.memory_space<vmem>>
    %dma_start3A_89 = tpu.memref_squeeze %dma_start3A_88 : memref<1x64xi32, #tpu.memory_space<vmem>> -> memref<64xi32, #tpu.memory_space<vmem>>
    %dma_start3A_90 = arith.constant 0 : i32
    %dma_start3A_91 = arith.constant 0 : i32
    %dma_start3A_92 = tpu.memref_slice %arg2[%dma_start3A_90, %dma_start3A_91] : memref<20000x128xf32, #tpu.memory_space<hbm>> -> memref<20000x128xf32, #tpu.memory_space<hbm>>
    tpu.enqueue_indirect_dma source(%dma_start3A_92 : memref<20000x128xf32, #tpu.memory_space<hbm>>) target(%dma_start3A_86 : memref<64x128xf32, #tpu.memory_space<vmem>>) offsets(%dma_start3A_89 : memref<64xi32, #tpu.memory_space<vmem>>) semaphore(%arg12 : memref<!tpu.dma_semaphore, #tpu.memory_space<semaphore_mem>>)
    %dma_start3A_93 = arith.constant 2 : i32
    %dma_start3A_94 = arith.constant 64 : i32
    %dma_start3A_95 = arith.constant 0 : i32
    %dma_start3A_96 = tpu.memref_slice %arg9[%dma_start3A_94, %dma_start3A_95] : memref<128x128xf32, #tpu.memory_space<vmem>> -> memref<64x128xf32, #tpu.memory_space<vmem>>
    %dma_start3A_97 = arith.constant 64 : i32
    %dma_start3A_98 = tpu.memref_slice %arg7[%dma_start3A_93, %dma_start3A_97] : memref<80x128xi32, #tpu.memory_space<vmem>> -> memref<1x64xi32, #tpu.memory_space<vmem>>
    %dma_start3A_99 = tpu.memref_squeeze %dma_start3A_98 : memref<1x64xi32, #tpu.memory_space<vmem>> -> memref<64xi32, #tpu.memory_space<vmem>>
    %dma_start3A_100 = arith.constant 0 : i32
    %dma_start3A_101 = arith.constant 0 : i32
    %dma_start3A_102 = tpu.memref_slice %arg2[%dma_start3A_100, %dma_start3A_101] : memref<20000x128xf32, #tpu.memory_space<hbm>> -> memref<20000x128xf32, #tpu.memory_space<hbm>>
    tpu.enqueue_indirect_dma source(%dma_start3A_102 : memref<20000x128xf32, #tpu.memory_space<hbm>>) target(%dma_start3A_96 : memref<64x128xf32, #tpu.memory_space<vmem>>) offsets(%dma_start3A_99 : memref<64xi32, #tpu.memory_space<vmem>>) semaphore(%arg12 : memref<!tpu.dma_semaphore, #tpu.memory_space<semaphore_mem>>)
    %dma_wait3A_103 = arith.constant 1 : i32
    %dma_wait3A_104 = arith.constant 0 : i32
    %dma_wait3A_105 = tpu.memref_slice %arg7[%dma_wait3A_103, %dma_wait3A_104] : memref<80x128xi32, #tpu.memory_space<vmem>> -> memref<1x128xi32, #tpu.memory_space<vmem>>
    %dma_wait3A_106 = tpu.memref_squeeze %dma_wait3A_105 : memref<1x128xi32, #tpu.memory_space<vmem>> -> memref<128xi32, #tpu.memory_space<vmem>>
    %dma_wait3A_107 = arith.constant 0 : i32
    %dma_wait3A_108 = arith.constant 0 : i32
    %dma_wait3A_109 = tpu.memref_slice %arg2[%dma_wait3A_107, %dma_wait3A_108] : memref<20000x128xf32, #tpu.memory_space<hbm>> -> memref<20000x128xf32, #tpu.memory_space<hbm>>
    tpu.wait_indirect_dma semaphore(%arg13 : memref<!tpu.dma_semaphore, #tpu.memory_space<semaphore_mem>>) src(%dma_wait3A_109 : memref<20000x128xf32, #tpu.memory_space<hbm>>) dst(%arg10 : memref<128x128xf32, #tpu.memory_space<vmem>>)
    %dma_start3A_110 = arith.constant 1 : i32
    %dma_start3A_111 = arith.constant 0 : i32
    %dma_start3A_112 = tpu.memref_slice %arg8[%dma_start3A_110, %dma_start3A_111] : memref<16x128xi32, #tpu.memory_space<vmem>> -> memref<1x128xi32, #tpu.memory_space<vmem>>
    %dma_start3A_113 = tpu.memref_squeeze %dma_start3A_112 : memref<1x128xi32, #tpu.memory_space<vmem>> -> memref<128xi32, #tpu.memory_space<vmem>>
    %dma_start3A_114 = arith.constant 0 : i32
    %dma_start3A_115 = arith.constant 0 : i32
    %dma_start3A_116 = tpu.memref_slice %arg11[%dma_start3A_114, %dma_start3A_115] : memref<10016x128xf32, #tpu.memory_space<vmem_shared>> -> memref<10016x128xf32, #tpu.memory_space<vmem_shared>>
    tpu.enqueue_indirect_dma source(%arg10 : memref<128x128xf32, #tpu.memory_space<vmem>>) target(%dma_start3A_116 : memref<10016x128xf32, #tpu.memory_space<vmem_shared>>) offsets(%dma_start3A_113 : memref<128xi32, #tpu.memory_space<vmem>>) semaphore(%arg15 : memref<!tpu.dma_semaphore, #tpu.memory_space<semaphore_mem>>) {add = true}
    %dma_wait3A_117 = arith.constant 0 : i32
    %dma_wait3A_118 = arith.constant 0 : i32
    %dma_wait3A_119 = tpu.memref_slice %arg8[%dma_wait3A_117, %dma_wait3A_118] : memref<16x128xi32, #tpu.memory_space<vmem>> -> memref<1x128xi32, #tpu.memory_space<vmem>>
    %dma_wait3A_120 = tpu.memref_squeeze %dma_wait3A_119 : memref<1x128xi32, #tpu.memory_space<vmem>> -> memref<128xi32, #tpu.memory_space<vmem>>
    %dma_wait3A_121 = arith.constant 0 : i32
    %dma_wait3A_122 = arith.constant 0 : i32
    %dma_wait3A_123 = tpu.memref_slice %arg11[%dma_wait3A_121, %dma_wait3A_122] : memref<10016x128xf32, #tpu.memory_space<vmem_shared>> -> memref<10016x128xf32, #tpu.memory_space<vmem_shared>>
    tpu.wait_indirect_dma semaphore(%arg15 : memref<!tpu.dma_semaphore, #tpu.memory_space<semaphore_mem>>) src(%arg10 : memref<128x128xf32, #tpu.memory_space<vmem>>) dst(%dma_wait3A_123 : memref<10016x128xf32, #tpu.memory_space<vmem_shared>>)
    %dma_start3A_124 = arith.constant 3 : i32
    %dma_start3A_125 = arith.constant 0 : i32
    %dma_start3A_126 = arith.constant 0 : i32
    %dma_start3A_127 = tpu.memref_slice %arg10[%dma_start3A_125, %dma_start3A_126] : memref<128x128xf32, #tpu.memory_space<vmem>> -> memref<64x128xf32, #tpu.memory_space<vmem>>
    %dma_start3A_128 = arith.constant 0 : i32
    %dma_start3A_129 = tpu.memref_slice %arg7[%dma_start3A_124, %dma_start3A_128] : memref<80x128xi32, #tpu.memory_space<vmem>> -> memref<1x64xi32, #tpu.memory_space<vmem>>
    %dma_start3A_130 = tpu.memref_squeeze %dma_start3A_129 : memref<1x64xi32, #tpu.memory_space<vmem>> -> memref<64xi32, #tpu.memory_space<vmem>>
    %dma_start3A_131 = arith.constant 0 : i32
    %dma_start3A_132 = arith.constant 0 : i32
    %dma_start3A_133 = tpu.memref_slice %arg2[%dma_start3A_131, %dma_start3A_132] : memref<20000x128xf32, #tpu.memory_space<hbm>> -> memref<20000x128xf32, #tpu.memory_space<hbm>>
    tpu.enqueue_indirect_dma source(%dma_start3A_133 : memref<20000x128xf32, #tpu.memory_space<hbm>>) target(%dma_start3A_127 : memref<64x128xf32, #tpu.memory_space<vmem>>) offsets(%dma_start3A_130 : memref<64xi32, #tpu.memory_space<vmem>>) semaphore(%arg13 : memref<!tpu.dma_semaphore, #tpu.memory_space<semaphore_mem>>)
    %dma_start3A_134 = arith.constant 3 : i32
    %dma_start3A_135 = arith.constant 64 : i32
    %dma_start3A_136 = arith.constant 0 : i32
    %dma_start3A_137 = tpu.memref_slice %arg10[%dma_start3A_135, %dma_start3A_136] : memref<128x128xf32, #tpu.memory_space<vmem>> -> memref<64x128xf32, #tpu.memory_space<vmem>>
    %dma_start3A_138 = arith.constant 64 : i32
    %dma_start3A_139 = tpu.memref_slice %arg7[%dma_start3A_134, %dma_start3A_138] : memref<80x128xi32, #tpu.memory_space<vmem>> -> memref<1x64xi32, #tpu.memory_space<vmem>>
    %dma_start3A_140 = tpu.memref_squeeze %dma_start3A_139 : memref<1x64xi32, #tpu.memory_space<vmem>> -> memref<64xi32, #tpu.memory_space<vmem>>
    %dma_start3A_141 = arith.constant 0 : i32
    %dma_start3A_142 = arith.constant 0 : i32
    %dma_start3A_143 = tpu.memref_slice %arg2[%dma_start3A_141, %dma_start3A_142] : memref<20000x128xf32, #tpu.memory_space<hbm>> -> memref<20000x128xf32, #tpu.memory_space<hbm>>
    tpu.enqueue_indirect_dma source(%dma_start3A_143 : memref<20000x128xf32, #tpu.memory_space<hbm>>) target(%dma_start3A_137 : memref<64x128xf32, #tpu.memory_space<vmem>>) offsets(%dma_start3A_140 : memref<64xi32, #tpu.memory_space<vmem>>) semaphore(%arg13 : memref<!tpu.dma_semaphore, #tpu.memory_space<semaphore_mem>>)
    %dma_wait3A_144 = arith.constant 2 : i32
    %dma_wait3A_145 = arith.constant 0 : i32
    %dma_wait3A_146 = tpu.memref_slice %arg7[%dma_wait3A_144, %dma_wait3A_145] : memref<80x128xi32, #tpu.memory_space<vmem>> -> memref<1x128xi32, #tpu.memory_space<vmem>>
    %dma_wait3A_147 = tpu.memref_squeeze %dma_wait3A_146 : memref<1x128xi32, #tpu.memory_space<vmem>> -> memref<128xi32, #tpu.memory_space<vmem>>
    %dma_wait3A_148 = arith.constant 0 : i32
    %dma_wait3A_149 = arith.constant 0 : i32
    %dma_wait3A_150 = tpu.memref_slice %arg2[%dma_wait3A_148, %dma_wait3A_149] : memref<20000x128xf32, #tpu.memory_space<hbm>> -> memref<20000x128xf32, #tpu.memory_space<hbm>>
    tpu.wait_indirect_dma semaphore(%arg12 : memref<!tpu.dma_semaphore, #tpu.memory_space<semaphore_mem>>) src(%dma_wait3A_150 : memref<20000x128xf32, #tpu.memory_space<hbm>>) dst(%arg9 : memref<128x128xf32, #tpu.memory_space<vmem>>)
    %dma_start3A_151 = arith.constant 2 : i32
    %dma_start3A_152 = arith.constant 0 : i32
    %dma_start3A_153 = tpu.memref_slice %arg8[%dma_start3A_151, %dma_start3A_152] : memref<16x128xi32, #tpu.memory_space<vmem>> -> memref<1x128xi32, #tpu.memory_space<vmem>>
    %dma_start3A_154 = tpu.memref_squeeze %dma_start3A_153 : memref<1x128xi32, #tpu.memory_space<vmem>> -> memref<128xi32, #tpu.memory_space<vmem>>
    %dma_start3A_155 = arith.constant 0 : i32
    %dma_start3A_156 = arith.constant 0 : i32
    %dma_start3A_157 = tpu.memref_slice %arg11[%dma_start3A_155, %dma_start3A_156] : memref<10016x128xf32, #tpu.memory_space<vmem_shared>> -> memref<10016x128xf32, #tpu.memory_space<vmem_shared>>
    tpu.enqueue_indirect_dma source(%arg9 : memref<128x128xf32, #tpu.memory_space<vmem>>) target(%dma_start3A_157 : memref<10016x128xf32, #tpu.memory_space<vmem_shared>>) offsets(%dma_start3A_154 : memref<128xi32, #tpu.memory_space<vmem>>) semaphore(%arg14 : memref<!tpu.dma_semaphore, #tpu.memory_space<semaphore_mem>>) {add = true}
    %dma_wait3A_158 = arith.constant 0 : i32
    %dma_wait3A_159 = arith.constant 0 : i32
    %dma_wait3A_160 = tpu.memref_slice %arg8[%dma_wait3A_158, %dma_wait3A_159] : memref<16x128xi32, #tpu.memory_space<vmem>> -> memref<1x128xi32, #tpu.memory_space<vmem>>
    %dma_wait3A_161 = tpu.memref_squeeze %dma_wait3A_160 : memref<1x128xi32, #tpu.memory_space<vmem>> -> memref<128xi32, #tpu.memory_space<vmem>>
    %dma_wait3A_162 = arith.constant 0 : i32
    %dma_wait3A_163 = arith.constant 0 : i32
    %dma_wait3A_164 = tpu.memref_slice %arg11[%dma_wait3A_162, %dma_wait3A_163] : memref<10016x128xf32, #tpu.memory_space<vmem_shared>> -> memref<10016x128xf32, #tpu.memory_space<vmem_shared>>
    tpu.wait_indirect_dma semaphore(%arg14 : memref<!tpu.dma_semaphore, #tpu.memory_space<semaphore_mem>>) src(%arg9 : memref<128x128xf32, #tpu.memory_space<vmem>>) dst(%dma_wait3A_164 : memref<10016x128xf32, #tpu.memory_space<vmem_shared>>)
    %dma_start3A_165 = arith.constant 4 : i32
    %dma_start3A_166 = arith.constant 0 : i32
    %dma_start3A_167 = arith.constant 0 : i32
    %dma_start3A_168 = tpu.memref_slice %arg9[%dma_start3A_166, %dma_start3A_167] : memref<128x128xf32, #tpu.memory_space<vmem>> -> memref<64x128xf32, #tpu.memory_space<vmem>>
    %dma_start3A_169 = arith.constant 0 : i32
    %dma_start3A_170 = tpu.memref_slice %arg7[%dma_start3A_165, %dma_start3A_169] : memref<80x128xi32, #tpu.memory_space<vmem>> -> memref<1x64xi32, #tpu.memory_space<vmem>>
    %dma_start3A_171 = tpu.memref_squeeze %dma_start3A_170 : memref<1x64xi32, #tpu.memory_space<vmem>> -> memref<64xi32, #tpu.memory_space<vmem>>
    %dma_start3A_172 = arith.constant 0 : i32
    %dma_start3A_173 = arith.constant 0 : i32
    %dma_start3A_174 = tpu.memref_slice %arg2[%dma_start3A_172, %dma_start3A_173] : memref<20000x128xf32, #tpu.memory_space<hbm>> -> memref<20000x128xf32, #tpu.memory_space<hbm>>
    tpu.enqueue_indirect_dma source(%dma_start3A_174 : memref<20000x128xf32, #tpu.memory_space<hbm>>) target(%dma_start3A_168 : memref<64x128xf32, #tpu.memory_space<vmem>>) offsets(%dma_start3A_171 : memref<64xi32, #tpu.memory_space<vmem>>) semaphore(%arg12 : memref<!tpu.dma_semaphore, #tpu.memory_space<semaphore_mem>>)
    %dma_start3A_175 = arith.constant 4 : i32
    %dma_start3A_176 = arith.constant 64 : i32
    %dma_start3A_177 = arith.constant 0 : i32
    %dma_start3A_178 = tpu.memref_slice %arg9[%dma_start3A_176, %dma_start3A_177] : memref<128x128xf32, #tpu.memory_space<vmem>> -> memref<64x128xf32, #tpu.memory_space<vmem>>
    %dma_start3A_179 = arith.constant 64 : i32
    %dma_start3A_180 = tpu.memref_slice %arg7[%dma_start3A_175, %dma_start3A_179] : memref<80x128xi32, #tpu.memory_space<vmem>> -> memref<1x64xi32, #tpu.memory_space<vmem>>
    %dma_start3A_181 = tpu.memref_squeeze %dma_start3A_180 : memref<1x64xi32, #tpu.memory_space<vmem>> -> memref<64xi32, #tpu.memory_space<vmem>>
    %dma_start3A_182 = arith.constant 0 : i32
    %dma_start3A_183 = arith.constant 0 : i32
    %dma_start3A_184 = tpu.memref_slice %arg2[%dma_start3A_182, %dma_start3A_183] : memref<20000x128xf32, #tpu.memory_space<hbm>> -> memref<20000x128xf32, #tpu.memory_space<hbm>>
    tpu.enqueue_indirect_dma source(%dma_start3A_184 : memref<20000x128xf32, #tpu.memory_space<hbm>>) target(%dma_start3A_178 : memref<64x128xf32, #tpu.memory_space<vmem>>) offsets(%dma_start3A_181 : memref<64xi32, #tpu.memory_space<vmem>>) semaphore(%arg12 : memref<!tpu.dma_semaphore, #tpu.memory_space<semaphore_mem>>)
    %dma_wait3A_185 = arith.constant 3 : i32
    %dma_wait3A_186 = arith.constant 0 : i32
    %dma_wait3A_187 = tpu.memref_slice %arg7[%dma_wait3A_185, %dma_wait3A_186] : memref<80x128xi32, #tpu.memory_space<vmem>> -> memref<1x128xi32, #tpu.memory_space<vmem>>
    %dma_wait3A_188 = tpu.memref_squeeze %dma_wait3A_187 : memref<1x128xi32, #tpu.memory_space<vmem>> -> memref<128xi32, #tpu.memory_space<vmem>>
    %dma_wait3A_189 = arith.constant 0 : i32
    %dma_wait3A_190 = arith.constant 0 : i32
    %dma_wait3A_191 = tpu.memref_slice %arg2[%dma_wait3A_189, %dma_wait3A_190] : memref<20000x128xf32, #tpu.memory_space<hbm>> -> memref<20000x128xf32, #tpu.memory_space<hbm>>
    tpu.wait_indirect_dma semaphore(%arg13 : memref<!tpu.dma_semaphore, #tpu.memory_space<semaphore_mem>>) src(%dma_wait3A_191 : memref<20000x128xf32, #tpu.memory_space<hbm>>) dst(%arg10 : memref<128x128xf32, #tpu.memory_space<vmem>>)
    %dma_start3A_192 = arith.constant 3 : i32
    %dma_start3A_193 = arith.constant 0 : i32
    %dma_start3A_194 = tpu.memref_slice %arg8[%dma_start3A_192, %dma_start3A_193] : memref<16x128xi32, #tpu.memory_space<vmem>> -> memref<1x128xi32, #tpu.memory_space<vmem>>
    %dma_start3A_195 = tpu.memref_squeeze %dma_start3A_194 : memref<1x128xi32, #tpu.memory_space<vmem>> -> memref<128xi32, #tpu.memory_space<vmem>>
    %dma_start3A_196 = arith.constant 0 : i32
    %dma_start3A_197 = arith.constant 0 : i32
    %dma_start3A_198 = tpu.memref_slice %arg11[%dma_start3A_196, %dma_start3A_197] : memref<10016x128xf32, #tpu.memory_space<vmem_shared>> -> memref<10016x128xf32, #tpu.memory_space<vmem_shared>>
    tpu.enqueue_indirect_dma source(%arg10 : memref<128x128xf32, #tpu.memory_space<vmem>>) target(%dma_start3A_198 : memref<10016x128xf32, #tpu.memory_space<vmem_shared>>) offsets(%dma_start3A_195 : memref<128xi32, #tpu.memory_space<vmem>>) semaphore(%arg15 : memref<!tpu.dma_semaphore, #tpu.memory_space<semaphore_mem>>) {add = true}
    %dma_wait3A_199 = arith.constant 0 : i32
    %dma_wait3A_200 = arith.constant 0 : i32
    %dma_wait3A_201 = tpu.memref_slice %arg8[%dma_wait3A_199, %dma_wait3A_200] : memref<16x128xi32, #tpu.memory_space<vmem>> -> memref<1x128xi32, #tpu.memory_space<vmem>>
    %dma_wait3A_202 = tpu.memref_squeeze %dma_wait3A_201 : memref<1x128xi32, #tpu.memory_space<vmem>> -> memref<128xi32, #tpu.memory_space<vmem>>
    %dma_wait3A_203 = arith.constant 0 : i32
    %dma_wait3A_204 = arith.constant 0 : i32
    %dma_wait3A_205 = tpu.memref_slice %arg11[%dma_wait3A_203, %dma_wait3A_204] : memref<10016x128xf32, #tpu.memory_space<vmem_shared>> -> memref<10016x128xf32, #tpu.memory_space<vmem_shared>>
    tpu.wait_indirect_dma semaphore(%arg15 : memref<!tpu.dma_semaphore, #tpu.memory_space<semaphore_mem>>) src(%arg10 : memref<128x128xf32, #tpu.memory_space<vmem>>) dst(%dma_wait3A_205 : memref<10016x128xf32, #tpu.memory_space<vmem_shared>>)
    %dma_start3A_206 = arith.constant 5 : i32
    %dma_start3A_207 = arith.constant 0 : i32
    %dma_start3A_208 = arith.constant 0 : i32
    %dma_start3A_209 = tpu.memref_slice %arg10[%dma_start3A_207, %dma_start3A_208] : memref<128x128xf32, #tpu.memory_space<vmem>> -> memref<64x128xf32, #tpu.memory_space<vmem>>
    %dma_start3A_210 = arith.constant 0 : i32
    %dma_start3A_211 = tpu.memref_slice %arg7[%dma_start3A_206, %dma_start3A_210] : memref<80x128xi32, #tpu.memory_space<vmem>> -> memref<1x64xi32, #tpu.memory_space<vmem>>
    %dma_start3A_212 = tpu.memref_squeeze %dma_start3A_211 : memref<1x64xi32, #tpu.memory_space<vmem>> -> memref<64xi32, #tpu.memory_space<vmem>>
    %dma_start3A_213 = arith.constant 0 : i32
    %dma_start3A_214 = arith.constant 0 : i32
    %dma_start3A_215 = tpu.memref_slice %arg2[%dma_start3A_213, %dma_start3A_214] : memref<20000x128xf32, #tpu.memory_space<hbm>> -> memref<20000x128xf32, #tpu.memory_space<hbm>>
    tpu.enqueue_indirect_dma source(%dma_start3A_215 : memref<20000x128xf32, #tpu.memory_space<hbm>>) target(%dma_start3A_209 : memref<64x128xf32, #tpu.memory_space<vmem>>) offsets(%dma_start3A_212 : memref<64xi32, #tpu.memory_space<vmem>>) semaphore(%arg13 : memref<!tpu.dma_semaphore, #tpu.memory_space<semaphore_mem>>)
    %dma_start3A_216 = arith.constant 5 : i32
    %dma_start3A_217 = arith.constant 64 : i32
    %dma_start3A_218 = arith.constant 0 : i32
    %dma_start3A_219 = tpu.memref_slice %arg10[%dma_start3A_217, %dma_start3A_218] : memref<128x128xf32, #tpu.memory_space<vmem>> -> memref<64x128xf32, #tpu.memory_space<vmem>>
    %dma_start3A_220 = arith.constant 64 : i32
    %dma_start3A_221 = tpu.memref_slice %arg7[%dma_start3A_216, %dma_start3A_220] : memref<80x128xi32, #tpu.memory_space<vmem>> -> memref<1x64xi32, #tpu.memory_space<vmem>>
    %dma_start3A_222 = tpu.memref_squeeze %dma_start3A_221 : memref<1x64xi32, #tpu.memory_space<vmem>> -> memref<64xi32, #tpu.memory_space<vmem>>
    %dma_start3A_223 = arith.constant 0 : i32
    %dma_start3A_224 = arith.constant 0 : i32
    %dma_start3A_225 = tpu.memref_slice %arg2[%dma_start3A_223, %dma_start3A_224] : memref<20000x128xf32, #tpu.memory_space<hbm>> -> memref<20000x128xf32, #tpu.memory_space<hbm>>
    tpu.enqueue_indirect_dma source(%dma_start3A_225 : memref<20000x128xf32, #tpu.memory_space<hbm>>) target(%dma_start3A_219 : memref<64x128xf32, #tpu.memory_space<vmem>>) offsets(%dma_start3A_222 : memref<64xi32, #tpu.memory_space<vmem>>) semaphore(%arg13 : memref<!tpu.dma_semaphore, #tpu.memory_space<semaphore_mem>>)
    %dma_wait3A_226 = arith.constant 4 : i32
    %dma_wait3A_227 = arith.constant 0 : i32
    %dma_wait3A_228 = tpu.memref_slice %arg7[%dma_wait3A_226, %dma_wait3A_227] : memref<80x128xi32, #tpu.memory_space<vmem>> -> memref<1x128xi32, #tpu.memory_space<vmem>>
    %dma_wait3A_229 = tpu.memref_squeeze %dma_wait3A_228 : memref<1x128xi32, #tpu.memory_space<vmem>> -> memref<128xi32, #tpu.memory_space<vmem>>
    %dma_wait3A_230 = arith.constant 0 : i32
    %dma_wait3A_231 = arith.constant 0 : i32
    %dma_wait3A_232 = tpu.memref_slice %arg2[%dma_wait3A_230, %dma_wait3A_231] : memref<20000x128xf32, #tpu.memory_space<hbm>> -> memref<20000x128xf32, #tpu.memory_space<hbm>>
    tpu.wait_indirect_dma semaphore(%arg12 : memref<!tpu.dma_semaphore, #tpu.memory_space<semaphore_mem>>) src(%dma_wait3A_232 : memref<20000x128xf32, #tpu.memory_space<hbm>>) dst(%arg9 : memref<128x128xf32, #tpu.memory_space<vmem>>)
    %dma_start3A_233 = arith.constant 4 : i32
    %dma_start3A_234 = arith.constant 0 : i32
    %dma_start3A_235 = tpu.memref_slice %arg8[%dma_start3A_233, %dma_start3A_234] : memref<16x128xi32, #tpu.memory_space<vmem>> -> memref<1x128xi32, #tpu.memory_space<vmem>>
    %dma_start3A_236 = tpu.memref_squeeze %dma_start3A_235 : memref<1x128xi32, #tpu.memory_space<vmem>> -> memref<128xi32, #tpu.memory_space<vmem>>
    %dma_start3A_237 = arith.constant 0 : i32
    %dma_start3A_238 = arith.constant 0 : i32
    %dma_start3A_239 = tpu.memref_slice %arg11[%dma_start3A_237, %dma_start3A_238] : memref<10016x128xf32, #tpu.memory_space<vmem_shared>> -> memref<10016x128xf32, #tpu.memory_space<vmem_shared>>
    tpu.enqueue_indirect_dma source(%arg9 : memref<128x128xf32, #tpu.memory_space<vmem>>) target(%dma_start3A_239 : memref<10016x128xf32, #tpu.memory_space<vmem_shared>>) offsets(%dma_start3A_236 : memref<128xi32, #tpu.memory_space<vmem>>) semaphore(%arg14 : memref<!tpu.dma_semaphore, #tpu.memory_space<semaphore_mem>>) {add = true}
    %dma_wait3A_240 = arith.constant 0 : i32
    %dma_wait3A_241 = arith.constant 0 : i32
    %dma_wait3A_242 = tpu.memref_slice %arg8[%dma_wait3A_240, %dma_wait3A_241] : memref<16x128xi32, #tpu.memory_space<vmem>> -> memref<1x128xi32, #tpu.memory_space<vmem>>
    %dma_wait3A_243 = tpu.memref_squeeze %dma_wait3A_242 : memref<1x128xi32, #tpu.memory_space<vmem>> -> memref<128xi32, #tpu.memory_space<vmem>>
    %dma_wait3A_244 = arith.constant 0 : i32
    %dma_wait3A_245 = arith.constant 0 : i32
    %dma_wait3A_246 = tpu.memref_slice %arg11[%dma_wait3A_244, %dma_wait3A_245] : memref<10016x128xf32, #tpu.memory_space<vmem_shared>> -> memref<10016x128xf32, #tpu.memory_space<vmem_shared>>
    tpu.wait_indirect_dma semaphore(%arg14 : memref<!tpu.dma_semaphore, #tpu.memory_space<semaphore_mem>>) src(%arg9 : memref<128x128xf32, #tpu.memory_space<vmem>>) dst(%dma_wait3A_246 : memref<10016x128xf32, #tpu.memory_space<vmem_shared>>)
    %dma_start3A_247 = arith.constant 6 : i32
    %dma_start3A_248 = arith.constant 0 : i32
    %dma_start3A_249 = arith.constant 0 : i32
    %dma_start3A_250 = tpu.memref_slice %arg9[%dma_start3A_248, %dma_start3A_249] : memref<128x128xf32, #tpu.memory_space<vmem>> -> memref<64x128xf32, #tpu.memory_space<vmem>>
    %dma_start3A_251 = arith.constant 0 : i32
    %dma_start3A_252 = tpu.memref_slice %arg7[%dma_start3A_247, %dma_start3A_251] : memref<80x128xi32, #tpu.memory_space<vmem>> -> memref<1x64xi32, #tpu.memory_space<vmem>>
    %dma_start3A_253 = tpu.memref_squeeze %dma_start3A_252 : memref<1x64xi32, #tpu.memory_space<vmem>> -> memref<64xi32, #tpu.memory_space<vmem>>
    %dma_start3A_254 = arith.constant 0 : i32
    %dma_start3A_255 = arith.constant 0 : i32
    %dma_start3A_256 = tpu.memref_slice %arg2[%dma_start3A_254, %dma_start3A_255] : memref<20000x128xf32, #tpu.memory_space<hbm>> -> memref<20000x128xf32, #tpu.memory_space<hbm>>
    tpu.enqueue_indirect_dma source(%dma_start3A_256 : memref<20000x128xf32, #tpu.memory_space<hbm>>) target(%dma_start3A_250 : memref<64x128xf32, #tpu.memory_space<vmem>>) offsets(%dma_start3A_253 : memref<64xi32, #tpu.memory_space<vmem>>) semaphore(%arg12 : memref<!tpu.dma_semaphore, #tpu.memory_space<semaphore_mem>>)
    %dma_start3A_257 = arith.constant 6 : i32
    %dma_start3A_258 = arith.constant 64 : i32
    %dma_start3A_259 = arith.constant 0 : i32
    %dma_start3A_260 = tpu.memref_slice %arg9[%dma_start3A_258, %dma_start3A_259] : memref<128x128xf32, #tpu.memory_space<vmem>> -> memref<64x128xf32, #tpu.memory_space<vmem>>
    %dma_start3A_261 = arith.constant 64 : i32
    %dma_start3A_262 = tpu.memref_slice %arg7[%dma_start3A_257, %dma_start3A_261] : memref<80x128xi32, #tpu.memory_space<vmem>> -> memref<1x64xi32, #tpu.memory_space<vmem>>
    %dma_start3A_263 = tpu.memref_squeeze %dma_start3A_262 : memref<1x64xi32, #tpu.memory_space<vmem>> -> memref<64xi32, #tpu.memory_space<vmem>>
    %dma_start3A_264 = arith.constant 0 : i32
    %dma_start3A_265 = arith.constant 0 : i32
    %dma_start3A_266 = tpu.memref_slice %arg2[%dma_start3A_264, %dma_start3A_265] : memref<20000x128xf32, #tpu.memory_space<hbm>> -> memref<20000x128xf32, #tpu.memory_space<hbm>>
    tpu.enqueue_indirect_dma source(%dma_start3A_266 : memref<20000x128xf32, #tpu.memory_space<hbm>>) target(%dma_start3A_260 : memref<64x128xf32, #tpu.memory_space<vmem>>) offsets(%dma_start3A_263 : memref<64xi32, #tpu.memory_space<vmem>>) semaphore(%arg12 : memref<!tpu.dma_semaphore, #tpu.memory_space<semaphore_mem>>)
    %dma_wait3A_267 = arith.constant 5 : i32
    %dma_wait3A_268 = arith.constant 0 : i32
    %dma_wait3A_269 = tpu.memref_slice %arg7[%dma_wait3A_267, %dma_wait3A_268] : memref<80x128xi32, #tpu.memory_space<vmem>> -> memref<1x128xi32, #tpu.memory_space<vmem>>
    %dma_wait3A_270 = tpu.memref_squeeze %dma_wait3A_269 : memref<1x128xi32, #tpu.memory_space<vmem>> -> memref<128xi32, #tpu.memory_space<vmem>>
    %dma_wait3A_271 = arith.constant 0 : i32
    %dma_wait3A_272 = arith.constant 0 : i32
    %dma_wait3A_273 = tpu.memref_slice %arg2[%dma_wait3A_271, %dma_wait3A_272] : memref<20000x128xf32, #tpu.memory_space<hbm>> -> memref<20000x128xf32, #tpu.memory_space<hbm>>
    tpu.wait_indirect_dma semaphore(%arg13 : memref<!tpu.dma_semaphore, #tpu.memory_space<semaphore_mem>>) src(%dma_wait3A_273 : memref<20000x128xf32, #tpu.memory_space<hbm>>) dst(%arg10 : memref<128x128xf32, #tpu.memory_space<vmem>>)
    %dma_start3A_274 = arith.constant 5 : i32
    %dma_start3A_275 = arith.constant 0 : i32
    %dma_start3A_276 = tpu.memref_slice %arg8[%dma_start3A_274, %dma_start3A_275] : memref<16x128xi32, #tpu.memory_space<vmem>> -> memref<1x128xi32, #tpu.memory_space<vmem>>
    %dma_start3A_277 = tpu.memref_squeeze %dma_start3A_276 : memref<1x128xi32, #tpu.memory_space<vmem>> -> memref<128xi32, #tpu.memory_space<vmem>>
    %dma_start3A_278 = arith.constant 0 : i32
    %dma_start3A_279 = arith.constant 0 : i32
    %dma_start3A_280 = tpu.memref_slice %arg11[%dma_start3A_278, %dma_start3A_279] : memref<10016x128xf32, #tpu.memory_space<vmem_shared>> -> memref<10016x128xf32, #tpu.memory_space<vmem_shared>>
    tpu.enqueue_indirect_dma source(%arg10 : memref<128x128xf32, #tpu.memory_space<vmem>>) target(%dma_start3A_280 : memref<10016x128xf32, #tpu.memory_space<vmem_shared>>) offsets(%dma_start3A_277 : memref<128xi32, #tpu.memory_space<vmem>>) semaphore(%arg15 : memref<!tpu.dma_semaphore, #tpu.memory_space<semaphore_mem>>) {add = true}
    %dma_wait3A_281 = arith.constant 0 : i32
    %dma_wait3A_282 = arith.constant 0 : i32
    %dma_wait3A_283 = tpu.memref_slice %arg8[%dma_wait3A_281, %dma_wait3A_282] : memref<16x128xi32, #tpu.memory_space<vmem>> -> memref<1x128xi32, #tpu.memory_space<vmem>>
    %dma_wait3A_284 = tpu.memref_squeeze %dma_wait3A_283 : memref<1x128xi32, #tpu.memory_space<vmem>> -> memref<128xi32, #tpu.memory_space<vmem>>
    %dma_wait3A_285 = arith.constant 0 : i32
    %dma_wait3A_286 = arith.constant 0 : i32
    %dma_wait3A_287 = tpu.memref_slice %arg11[%dma_wait3A_285, %dma_wait3A_286] : memref<10016x128xf32, #tpu.memory_space<vmem_shared>> -> memref<10016x128xf32, #tpu.memory_space<vmem_shared>>
    tpu.wait_indirect_dma semaphore(%arg15 : memref<!tpu.dma_semaphore, #tpu.memory_space<semaphore_mem>>) src(%arg10 : memref<128x128xf32, #tpu.memory_space<vmem>>) dst(%dma_wait3A_287 : memref<10016x128xf32, #tpu.memory_space<vmem_shared>>)
    %dma_start3A_288 = arith.constant 7 : i32
    %dma_start3A_289 = arith.constant 0 : i32
    %dma_start3A_290 = arith.constant 0 : i32
    %dma_start3A_291 = tpu.memref_slice %arg10[%dma_start3A_289, %dma_start3A_290] : memref<128x128xf32, #tpu.memory_space<vmem>> -> memref<64x128xf32, #tpu.memory_space<vmem>>
    %dma_start3A_292 = arith.constant 0 : i32
    %dma_start3A_293 = tpu.memref_slice %arg7[%dma_start3A_288, %dma_start3A_292] : memref<80x128xi32, #tpu.memory_space<vmem>> -> memref<1x64xi32, #tpu.memory_space<vmem>>
    %dma_start3A_294 = tpu.memref_squeeze %dma_start3A_293 : memref<1x64xi32, #tpu.memory_space<vmem>> -> memref<64xi32, #tpu.memory_space<vmem>>
    %dma_start3A_295 = arith.constant 0 : i32
    %dma_start3A_296 = arith.constant 0 : i32
    %dma_start3A_297 = tpu.memref_slice %arg2[%dma_start3A_295, %dma_start3A_296] : memref<20000x128xf32, #tpu.memory_space<hbm>> -> memref<20000x128xf32, #tpu.memory_space<hbm>>
    tpu.enqueue_indirect_dma source(%dma_start3A_297 : memref<20000x128xf32, #tpu.memory_space<hbm>>) target(%dma_start3A_291 : memref<64x128xf32, #tpu.memory_space<vmem>>) offsets(%dma_start3A_294 : memref<64xi32, #tpu.memory_space<vmem>>) semaphore(%arg13 : memref<!tpu.dma_semaphore, #tpu.memory_space<semaphore_mem>>)
    %dma_start3A_298 = arith.constant 7 : i32
    %dma_start3A_299 = arith.constant 64 : i32
    %dma_start3A_300 = arith.constant 0 : i32
    %dma_start3A_301 = tpu.memref_slice %arg10[%dma_start3A_299, %dma_start3A_300] : memref<128x128xf32, #tpu.memory_space<vmem>> -> memref<64x128xf32, #tpu.memory_space<vmem>>
    %dma_start3A_302 = arith.constant 64 : i32
    %dma_start3A_303 = tpu.memref_slice %arg7[%dma_start3A_298, %dma_start3A_302] : memref<80x128xi32, #tpu.memory_space<vmem>> -> memref<1x64xi32, #tpu.memory_space<vmem>>
    %dma_start3A_304 = tpu.memref_squeeze %dma_start3A_303 : memref<1x64xi32, #tpu.memory_space<vmem>> -> memref<64xi32, #tpu.memory_space<vmem>>
    %dma_start3A_305 = arith.constant 0 : i32
    %dma_start3A_306 = arith.constant 0 : i32
    %dma_start3A_307 = tpu.memref_slice %arg2[%dma_start3A_305, %dma_start3A_306] : memref<20000x128xf32, #tpu.memory_space<hbm>> -> memref<20000x128xf32, #tpu.memory_space<hbm>>
    tpu.enqueue_indirect_dma source(%dma_start3A_307 : memref<20000x128xf32, #tpu.memory_space<hbm>>) target(%dma_start3A_301 : memref<64x128xf32, #tpu.memory_space<vmem>>) offsets(%dma_start3A_304 : memref<64xi32, #tpu.memory_space<vmem>>) semaphore(%arg13 : memref<!tpu.dma_semaphore, #tpu.memory_space<semaphore_mem>>)
    %dma_wait3A_308 = arith.constant 6 : i32
    %dma_wait3A_309 = arith.constant 0 : i32
    %dma_wait3A_310 = tpu.memref_slice %arg7[%dma_wait3A_308, %dma_wait3A_309] : memref<80x128xi32, #tpu.memory_space<vmem>> -> memref<1x128xi32, #tpu.memory_space<vmem>>
    %dma_wait3A_311 = tpu.memref_squeeze %dma_wait3A_310 : memref<1x128xi32, #tpu.memory_space<vmem>> -> memref<128xi32, #tpu.memory_space<vmem>>
    %dma_wait3A_312 = arith.constant 0 : i32
    %dma_wait3A_313 = arith.constant 0 : i32
    %dma_wait3A_314 = tpu.memref_slice %arg2[%dma_wait3A_312, %dma_wait3A_313] : memref<20000x128xf32, #tpu.memory_space<hbm>> -> memref<20000x128xf32, #tpu.memory_space<hbm>>
    tpu.wait_indirect_dma semaphore(%arg12 : memref<!tpu.dma_semaphore, #tpu.memory_space<semaphore_mem>>) src(%dma_wait3A_314 : memref<20000x128xf32, #tpu.memory_space<hbm>>) dst(%arg9 : memref<128x128xf32, #tpu.memory_space<vmem>>)
    %dma_start3A_315 = arith.constant 6 : i32
    %dma_start3A_316 = arith.constant 0 : i32
    %dma_start3A_317 = tpu.memref_slice %arg8[%dma_start3A_315, %dma_start3A_316] : memref<16x128xi32, #tpu.memory_space<vmem>> -> memref<1x128xi32, #tpu.memory_space<vmem>>
    %dma_start3A_318 = tpu.memref_squeeze %dma_start3A_317 : memref<1x128xi32, #tpu.memory_space<vmem>> -> memref<128xi32, #tpu.memory_space<vmem>>
    %dma_start3A_319 = arith.constant 0 : i32
    %dma_start3A_320 = arith.constant 0 : i32
    %dma_start3A_321 = tpu.memref_slice %arg11[%dma_start3A_319, %dma_start3A_320] : memref<10016x128xf32, #tpu.memory_space<vmem_shared>> -> memref<10016x128xf32, #tpu.memory_space<vmem_shared>>
    tpu.enqueue_indirect_dma source(%arg9 : memref<128x128xf32, #tpu.memory_space<vmem>>) target(%dma_start3A_321 : memref<10016x128xf32, #tpu.memory_space<vmem_shared>>) offsets(%dma_start3A_318 : memref<128xi32, #tpu.memory_space<vmem>>) semaphore(%arg14 : memref<!tpu.dma_semaphore, #tpu.memory_space<semaphore_mem>>) {add = true}
    %dma_wait3A_322 = arith.constant 0 : i32
    %dma_wait3A_323 = arith.constant 0 : i32
    %dma_wait3A_324 = tpu.memref_slice %arg8[%dma_wait3A_322, %dma_wait3A_323] : memref<16x128xi32, #tpu.memory_space<vmem>> -> memref<1x128xi32, #tpu.memory_space<vmem>>
    %dma_wait3A_325 = tpu.memref_squeeze %dma_wait3A_324 : memref<1x128xi32, #tpu.memory_space<vmem>> -> memref<128xi32, #tpu.memory_space<vmem>>
    %dma_wait3A_326 = arith.constant 0 : i32
    %dma_wait3A_327 = arith.constant 0 : i32
    %dma_wait3A_328 = tpu.memref_slice %arg11[%dma_wait3A_326, %dma_wait3A_327] : memref<10016x128xf32, #tpu.memory_space<vmem_shared>> -> memref<10016x128xf32, #tpu.memory_space<vmem_shared>>
    tpu.wait_indirect_dma semaphore(%arg14 : memref<!tpu.dma_semaphore, #tpu.memory_space<semaphore_mem>>) src(%arg9 : memref<128x128xf32, #tpu.memory_space<vmem>>) dst(%dma_wait3A_328 : memref<10016x128xf32, #tpu.memory_space<vmem_shared>>)
    %dma_start3A_329 = arith.constant 8 : i32
    %dma_start3A_330 = arith.constant 0 : i32
    %dma_start3A_331 = arith.constant 0 : i32
    %dma_start3A_332 = tpu.memref_slice %arg9[%dma_start3A_330, %dma_start3A_331] : memref<128x128xf32, #tpu.memory_space<vmem>> -> memref<64x128xf32, #tpu.memory_space<vmem>>
    %dma_start3A_333 = arith.constant 0 : i32
    %dma_start3A_334 = tpu.memref_slice %arg7[%dma_start3A_329, %dma_start3A_333] : memref<80x128xi32, #tpu.memory_space<vmem>> -> memref<1x64xi32, #tpu.memory_space<vmem>>
    %dma_start3A_335 = tpu.memref_squeeze %dma_start3A_334 : memref<1x64xi32, #tpu.memory_space<vmem>> -> memref<64xi32, #tpu.memory_space<vmem>>
    %dma_start3A_336 = arith.constant 0 : i32
    %dma_start3A_337 = arith.constant 0 : i32
    %dma_start3A_338 = tpu.memref_slice %arg2[%dma_start3A_336, %dma_start3A_337] : memref<20000x128xf32, #tpu.memory_space<hbm>> -> memref<20000x128xf32, #tpu.memory_space<hbm>>
    tpu.enqueue_indirect_dma source(%dma_start3A_338 : memref<20000x128xf32, #tpu.memory_space<hbm>>) target(%dma_start3A_332 : memref<64x128xf32, #tpu.memory_space<vmem>>) offsets(%dma_start3A_335 : memref<64xi32, #tpu.memory_space<vmem>>) semaphore(%arg12 : memref<!tpu.dma_semaphore, #tpu.memory_space<semaphore_mem>>)
    %dma_start3A_339 = arith.constant 8 : i32
    %dma_start3A_340 = arith.constant 64 : i32
    %dma_start3A_341 = arith.constant 0 : i32
    %dma_start3A_342 = tpu.memref_slice %arg9[%dma_start3A_340, %dma_start3A_341] : memref<128x128xf32, #tpu.memory_space<vmem>> -> memref<64x128xf32, #tpu.memory_space<vmem>>
    %dma_start3A_343 = arith.constant 64 : i32
    %dma_start3A_344 = tpu.memref_slice %arg7[%dma_start3A_339, %dma_start3A_343] : memref<80x128xi32, #tpu.memory_space<vmem>> -> memref<1x64xi32, #tpu.memory_space<vmem>>
    %dma_start3A_345 = tpu.memref_squeeze %dma_start3A_344 : memref<1x64xi32, #tpu.memory_space<vmem>> -> memref<64xi32, #tpu.memory_space<vmem>>
    %dma_start3A_346 = arith.constant 0 : i32
    %dma_start3A_347 = arith.constant 0 : i32
    %dma_start3A_348 = tpu.memref_slice %arg2[%dma_start3A_346, %dma_start3A_347] : memref<20000x128xf32, #tpu.memory_space<hbm>> -> memref<20000x128xf32, #tpu.memory_space<hbm>>
    tpu.enqueue_indirect_dma source(%dma_start3A_348 : memref<20000x128xf32, #tpu.memory_space<hbm>>) target(%dma_start3A_342 : memref<64x128xf32, #tpu.memory_space<vmem>>) offsets(%dma_start3A_345 : memref<64xi32, #tpu.memory_space<vmem>>) semaphore(%arg12 : memref<!tpu.dma_semaphore, #tpu.memory_space<semaphore_mem>>)
    %dma_wait3A_349 = arith.constant 7 : i32
    %dma_wait3A_350 = arith.constant 0 : i32
    %dma_wait3A_351 = tpu.memref_slice %arg7[%dma_wait3A_349, %dma_wait3A_350] : memref<80x128xi32, #tpu.memory_space<vmem>> -> memref<1x128xi32, #tpu.memory_space<vmem>>
    %dma_wait3A_352 = tpu.memref_squeeze %dma_wait3A_351 : memref<1x128xi32, #tpu.memory_space<vmem>> -> memref<128xi32, #tpu.memory_space<vmem>>
    %dma_wait3A_353 = arith.constant 0 : i32
    %dma_wait3A_354 = arith.constant 0 : i32
    %dma_wait3A_355 = tpu.memref_slice %arg2[%dma_wait3A_353, %dma_wait3A_354] : memref<20000x128xf32, #tpu.memory_space<hbm>> -> memref<20000x128xf32, #tpu.memory_space<hbm>>
    tpu.wait_indirect_dma semaphore(%arg13 : memref<!tpu.dma_semaphore, #tpu.memory_space<semaphore_mem>>) src(%dma_wait3A_355 : memref<20000x128xf32, #tpu.memory_space<hbm>>) dst(%arg10 : memref<128x128xf32, #tpu.memory_space<vmem>>)
    %dma_start3A_356 = arith.constant 7 : i32
    %dma_start3A_357 = arith.constant 0 : i32
    %dma_start3A_358 = tpu.memref_slice %arg8[%dma_start3A_356, %dma_start3A_357] : memref<16x128xi32, #tpu.memory_space<vmem>> -> memref<1x128xi32, #tpu.memory_space<vmem>>
    %dma_start3A_359 = tpu.memref_squeeze %dma_start3A_358 : memref<1x128xi32, #tpu.memory_space<vmem>> -> memref<128xi32, #tpu.memory_space<vmem>>
    %dma_start3A_360 = arith.constant 0 : i32
    %dma_start3A_361 = arith.constant 0 : i32
    %dma_start3A_362 = tpu.memref_slice %arg11[%dma_start3A_360, %dma_start3A_361] : memref<10016x128xf32, #tpu.memory_space<vmem_shared>> -> memref<10016x128xf32, #tpu.memory_space<vmem_shared>>
    tpu.enqueue_indirect_dma source(%arg10 : memref<128x128xf32, #tpu.memory_space<vmem>>) target(%dma_start3A_362 : memref<10016x128xf32, #tpu.memory_space<vmem_shared>>) offsets(%dma_start3A_359 : memref<128xi32, #tpu.memory_space<vmem>>) semaphore(%arg15 : memref<!tpu.dma_semaphore, #tpu.memory_space<semaphore_mem>>) {add = true}
    %dma_wait3A_363 = arith.constant 0 : i32
    %dma_wait3A_364 = arith.constant 0 : i32
    %dma_wait3A_365 = tpu.memref_slice %arg8[%dma_wait3A_363, %dma_wait3A_364] : memref<16x128xi32, #tpu.memory_space<vmem>> -> memref<8x128xi32, #tpu.memory_space<vmem>>
    %dma_wait3A_366 = arith.constant 0 : i32
    %dma_wait3A_367 = arith.constant 0 : i32
    %dma_wait3A_368 = tpu.memref_slice %arg4[%arg1, %dma_wait3A_366, %dma_wait3A_367] : memref<16x80x128xi32, #tpu.memory_space<hbm>> -> memref<1x8x128xi32, #tpu.memory_space<hbm>>
    %dma_wait3A_369 = tpu.memref_squeeze %dma_wait3A_368 : memref<1x8x128xi32, #tpu.memory_space<hbm>> -> memref<8x128xi32, #tpu.memory_space<hbm>>
    %dma_wait3A_370 = arith.constant 0 : i32
    %dma_wait3A_371 = arith.constant 0 : i32
    %dma_wait3A_372 = tpu.memref_slice %arg8[%dma_wait3A_370, %dma_wait3A_371] : memref<16x128xi32, #tpu.memory_space<vmem>> -> memref<8x128xi32, #tpu.memory_space<vmem>>
    %dma_wait3A_373 = arith.constant 0 : i32
    %dma_wait3A_374 = arith.constant 0 : i32
    %dma_wait3A_375 = tpu.memref_slice %arg4[%arg1, %dma_wait3A_373, %dma_wait3A_374] : memref<16x80x128xi32, #tpu.memory_space<hbm>> -> memref<1x8x128xi32, #tpu.memory_space<hbm>>
    %dma_wait3A_376 = tpu.memref_squeeze %dma_wait3A_375 : memref<1x8x128xi32, #tpu.memory_space<hbm>> -> memref<8x128xi32, #tpu.memory_space<hbm>>
    tpu.wait_dma2 semaphore(%arg16 : memref<!tpu.dma_semaphore, #tpu.memory_space<semaphore_mem>>) src(%dma_wait3A_376 : memref<8x128xi32, #tpu.memory_space<hbm>>) dst(%dma_wait3A_372 : memref<8x128xi32, #tpu.memory_space<vmem>>)
    %scan3A = arith.constant 0 : i32
    %scan3A_377 = arith.constant 1 : i32
    %scan3A_378 = arith.constant 8 : i32
    %scan3A_379 = arith.addi %scan3A_377, %scan3A_378 : i32
    %scan3A_380 = arith.constant 1 : i32
    scf.for %scan3A_718 = %scan3A_377 to %scan3A_379 step %scan3A_380  : i32 {
      %mul3A_719 = arith.constant 8 : i32
      %mul3A_720 = arith.muli %scan3A_718, %mul3A_719 : i32
      %add3A_721 = arith.constant 0 : i32
      %add3A_722 = arith.addi %mul3A_720, %add3A_721 : i32
      %dma_wait3A_723 = arith.constant 0 : i32
      %dma_wait3A_724 = arith.constant 0 : i32
      %dma_wait3A_725 = tpu.memref_slice %arg8[%dma_wait3A_723, %dma_wait3A_724] : memref<16x128xi32, #tpu.memory_space<vmem>> -> memref<1x128xi32, #tpu.memory_space<vmem>>
      %dma_wait3A_726 = tpu.memref_squeeze %dma_wait3A_725 : memref<1x128xi32, #tpu.memory_space<vmem>> -> memref<128xi32, #tpu.memory_space<vmem>>
      %dma_wait3A_727 = arith.constant 0 : i32
      %dma_wait3A_728 = arith.constant 0 : i32
      %dma_wait3A_729 = tpu.memref_slice %arg11[%dma_wait3A_727, %dma_wait3A_728] : memref<10016x128xf32, #tpu.memory_space<vmem_shared>> -> memref<10016x128xf32, #tpu.memory_space<vmem_shared>>
      tpu.wait_indirect_dma semaphore(%arg15 : memref<!tpu.dma_semaphore, #tpu.memory_space<semaphore_mem>>) src(%arg10 : memref<128x128xf32, #tpu.memory_space<vmem>>) dst(%dma_wait3A_729 : memref<10016x128xf32, #tpu.memory_space<vmem_shared>>)
      %add3A_730 = arith.constant 1 : i32
      %add3A_731 = arith.addi %add3A_722, %add3A_730 : i32
      %dma_start3A_732 = arith.constant 0 : i32
      %dma_start3A_733 = arith.constant 0 : i32
      %dma_start3A_734 = tpu.memref_slice %arg10[%dma_start3A_732, %dma_start3A_733] : memref<128x128xf32, #tpu.memory_space<vmem>> -> memref<64x128xf32, #tpu.memory_space<vmem>>
      %dma_start3A_735 = arith.constant 0 : i32
      %dma_start3A_736 = tpu.memref_slice %arg7[%add3A_731, %dma_start3A_735] : memref<80x128xi32, #tpu.memory_space<vmem>> -> memref<1x64xi32, #tpu.memory_space<vmem>>
      %dma_start3A_737 = tpu.memref_squeeze %dma_start3A_736 : memref<1x64xi32, #tpu.memory_space<vmem>> -> memref<64xi32, #tpu.memory_space<vmem>>
      %dma_start3A_738 = arith.constant 0 : i32
      %dma_start3A_739 = arith.constant 0 : i32
      %dma_start3A_740 = tpu.memref_slice %arg2[%dma_start3A_738, %dma_start3A_739] : memref<20000x128xf32, #tpu.memory_space<hbm>> -> memref<20000x128xf32, #tpu.memory_space<hbm>>
      tpu.enqueue_indirect_dma source(%dma_start3A_740 : memref<20000x128xf32, #tpu.memory_space<hbm>>) target(%dma_start3A_734 : memref<64x128xf32, #tpu.memory_space<vmem>>) offsets(%dma_start3A_737 : memref<64xi32, #tpu.memory_space<vmem>>) semaphore(%arg13 : memref<!tpu.dma_semaphore, #tpu.memory_space<semaphore_mem>>)
      %add3A_741 = arith.constant 1 : i32
      %add3A_742 = arith.addi %add3A_722, %add3A_741 : i32
      %dma_start3A_743 = arith.constant 64 : i32
      %dma_start3A_744 = arith.constant 0 : i32
      %dma_start3A_745 = tpu.memref_slice %arg10[%dma_start3A_743, %dma_start3A_744] : memref<128x128xf32, #tpu.memory_space<vmem>> -> memref<64x128xf32, #tpu.memory_space<vmem>>
      %dma_start3A_746 = arith.constant 64 : i32
      %dma_start3A_747 = tpu.memref_slice %arg7[%add3A_742, %dma_start3A_746] : memref<80x128xi32, #tpu.memory_space<vmem>> -> memref<1x64xi32, #tpu.memory_space<vmem>>
      %dma_start3A_748 = tpu.memref_squeeze %dma_start3A_747 : memref<1x64xi32, #tpu.memory_space<vmem>> -> memref<64xi32, #tpu.memory_space<vmem>>
      %dma_start3A_749 = arith.constant 0 : i32
      %dma_start3A_750 = arith.constant 0 : i32
      %dma_start3A_751 = tpu.memref_slice %arg2[%dma_start3A_749, %dma_start3A_750] : memref<20000x128xf32, #tpu.memory_space<hbm>> -> memref<20000x128xf32, #tpu.memory_space<hbm>>
      tpu.enqueue_indirect_dma source(%dma_start3A_751 : memref<20000x128xf32, #tpu.memory_space<hbm>>) target(%dma_start3A_745 : memref<64x128xf32, #tpu.memory_space<vmem>>) offsets(%dma_start3A_748 : memref<64xi32, #tpu.memory_space<vmem>>) semaphore(%arg13 : memref<!tpu.dma_semaphore, #tpu.memory_space<semaphore_mem>>)
      %dma_wait3A_752 = arith.constant 0 : i32
      %dma_wait3A_753 = tpu.memref_slice %arg7[%add3A_722, %dma_wait3A_752] : memref<80x128xi32, #tpu.memory_space<vmem>> -> memref<1x128xi32, #tpu.memory_space<vmem>>
      %dma_wait3A_754 = tpu.memref_squeeze %dma_wait3A_753 : memref<1x128xi32, #tpu.memory_space<vmem>> -> memref<128xi32, #tpu.memory_space<vmem>>
      %dma_wait3A_755 = arith.constant 0 : i32
      %dma_wait3A_756 = arith.constant 0 : i32
      %dma_wait3A_757 = tpu.memref_slice %arg2[%dma_wait3A_755, %dma_wait3A_756] : memref<20000x128xf32, #tpu.memory_space<hbm>> -> memref<20000x128xf32, #tpu.memory_space<hbm>>
      tpu.wait_indirect_dma semaphore(%arg12 : memref<!tpu.dma_semaphore, #tpu.memory_space<semaphore_mem>>) src(%dma_wait3A_757 : memref<20000x128xf32, #tpu.memory_space<hbm>>) dst(%arg9 : memref<128x128xf32, #tpu.memory_space<vmem>>)
      %jit3A = arith.constant 2 : i32
      %eq3A = arith.constant 0 : i32
      %eq3A_758 = arith.cmpi eq, %jit3A, %eq3A : i32
      %jit3A_759 = arith.constant 1 : i32
      %select_n3A = arith.select %eq3A_758, %jit3A_759, %jit3A : i32
      %rem3A = arith.remsi %scan3A_718, %select_n3A : i32
      %ne3A = arith.constant 0 : i32
      %ne3A_760 = arith.cmpi ne, %rem3A, %ne3A : i32
      %lt3A = arith.constant 0 : i32
      %lt3A_761 = arith.cmpi slt, %rem3A, %lt3A : i32
      %lt3A_762 = arith.constant 0 : i32
      %lt3A_763 = arith.cmpi slt, %select_n3A, %lt3A_762 : i32
      %ne3A_764 = arith.xori %lt3A_761, %lt3A_763 : i1
      %and3A = arith.andi %ne3A_764, %ne3A_760 : i1
      %add3A_765 = arith.addi %rem3A, %select_n3A : i32
      %select_n3A_766 = arith.select %and3A, %add3A_765, %rem3A : i32
      %mul3A_767 = arith.constant 8 : i32
      %mul3A_768 = arith.muli %select_n3A_766, %mul3A_767 : i32
      %add3A_769 = arith.constant 0 : i32
      %add3A_770 = arith.addi %mul3A_768, %add3A_769 : i32
      %dma_start3A_771 = arith.constant 0 : i32
      %dma_start3A_772 = tpu.memref_slice %arg8[%add3A_770, %dma_start3A_771] : memref<16x128xi32, #tpu.memory_space<vmem>> -> memref<1x128xi32, #tpu.memory_space<vmem>>
      %dma_start3A_773 = tpu.memref_squeeze %dma_start3A_772 : memref<1x128xi32, #tpu.memory_space<vmem>> -> memref<128xi32, #tpu.memory_space<vmem>>
      %dma_start3A_774 = arith.constant 0 : i32
      %dma_start3A_775 = arith.constant 0 : i32
      %dma_start3A_776 = tpu.memref_slice %arg11[%dma_start3A_774, %dma_start3A_775] : memref<10016x128xf32, #tpu.memory_space<vmem_shared>> -> memref<10016x128xf32, #tpu.memory_space<vmem_shared>>
      tpu.enqueue_indirect_dma source(%arg9 : memref<128x128xf32, #tpu.memory_space<vmem>>) target(%dma_start3A_776 : memref<10016x128xf32, #tpu.memory_space<vmem_shared>>) offsets(%dma_start3A_773 : memref<128xi32, #tpu.memory_space<vmem>>) semaphore(%arg14 : memref<!tpu.dma_semaphore, #tpu.memory_space<semaphore_mem>>) {add = true}
      %mul3A_777 = arith.constant 8 : i32
      %mul3A_778 = arith.muli %scan3A_718, %mul3A_777 : i32
      %add3A_779 = arith.constant 1 : i32
      %add3A_780 = arith.addi %mul3A_778, %add3A_779 : i32
      %dma_wait3A_781 = arith.constant 0 : i32
      %dma_wait3A_782 = arith.constant 0 : i32
      %dma_wait3A_783 = tpu.memref_slice %arg8[%dma_wait3A_781, %dma_wait3A_782] : memref<16x128xi32, #tpu.memory_space<vmem>> -> memref<1x128xi32, #tpu.memory_space<vmem>>
      %dma_wait3A_784 = tpu.memref_squeeze %dma_wait3A_783 : memref<1x128xi32, #tpu.memory_space<vmem>> -> memref<128xi32, #tpu.memory_space<vmem>>
      %dma_wait3A_785 = arith.constant 0 : i32
      %dma_wait3A_786 = arith.constant 0 : i32
      %dma_wait3A_787 = tpu.memref_slice %arg11[%dma_wait3A_785, %dma_wait3A_786] : memref<10016x128xf32, #tpu.memory_space<vmem_shared>> -> memref<10016x128xf32, #tpu.memory_space<vmem_shared>>
      tpu.wait_indirect_dma semaphore(%arg14 : memref<!tpu.dma_semaphore, #tpu.memory_space<semaphore_mem>>) src(%arg9 : memref<128x128xf32, #tpu.memory_space<vmem>>) dst(%dma_wait3A_787 : memref<10016x128xf32, #tpu.memory_space<vmem_shared>>)
      %add3A_788 = arith.constant 1 : i32
      %add3A_789 = arith.addi %scan3A_718, %add3A_788 : i32
      %mul3A_790 = arith.constant 8 : i32
      %mul3A_791 = arith.muli %add3A_789, %mul3A_790 : i32
      %add3A_792 = arith.constant 1 : i32
      %add3A_793 = arith.addi %scan3A_718, %add3A_792 : i32
      %jit3A_794 = arith.constant 2 : i32
      %eq3A_795 = arith.constant 0 : i32
      %eq3A_796 = arith.cmpi eq, %jit3A_794, %eq3A_795 : i32
      %jit3A_797 = arith.constant 1 : i32
      %select_n3A_798 = arith.select %eq3A_796, %jit3A_797, %jit3A_794 : i32
      %rem3A_799 = arith.remsi %add3A_793, %select_n3A_798 : i32
      %ne3A_800 = arith.constant 0 : i32
      %ne3A_801 = arith.cmpi ne, %rem3A_799, %ne3A_800 : i32
      %lt3A_802 = arith.constant 0 : i32
      %lt3A_803 = arith.cmpi slt, %rem3A_799, %lt3A_802 : i32
      %lt3A_804 = arith.constant 0 : i32
      %lt3A_805 = arith.cmpi slt, %select_n3A_798, %lt3A_804 : i32
      %ne3A_806 = arith.xori %lt3A_803, %lt3A_805 : i1
      %and3A_807 = arith.andi %ne3A_806, %ne3A_801 : i1
      %add3A_808 = arith.addi %rem3A_799, %select_n3A_798 : i32
      %select_n3A_809 = arith.select %and3A_807, %add3A_808, %rem3A_799 : i32
      %mul3A_810 = arith.constant 8 : i32
      %mul3A_811 = arith.muli %select_n3A_809, %mul3A_810 : i32
      %dma_start3A_812 = arith.constant 0 : i32
      %dma_start3A_813 = tpu.memref_slice %arg8[%mul3A_811, %dma_start3A_812] : memref<16x128xi32, #tpu.memory_space<vmem>> -> memref<8x128xi32, #tpu.memory_space<vmem>>
      %dma_start3A_814 = arith.constant 0 : i32
      %dma_start3A_815 = tpu.memref_slice %arg4[%arg1, %mul3A_791, %dma_start3A_814] : memref<16x80x128xi32, #tpu.memory_space<hbm>> -> memref<1x8x128xi32, #tpu.memory_space<hbm>>
      %dma_start3A_816 = tpu.memref_squeeze %dma_start3A_815 : memref<1x8x128xi32, #tpu.memory_space<hbm>> -> memref<8x128xi32, #tpu.memory_space<hbm>>
      %dma_start3A_817 = arith.constant 0 : i32
      %dma_start3A_818 = tpu.memref_slice %arg8[%mul3A_811, %dma_start3A_817] : memref<16x128xi32, #tpu.memory_space<vmem>> -> memref<8x128xi32, #tpu.memory_space<vmem>>
      %dma_start3A_819 = arith.constant 0 : i32
      %dma_start3A_820 = tpu.memref_slice %arg4[%arg1, %mul3A_791, %dma_start3A_819] : memref<16x80x128xi32, #tpu.memory_space<hbm>> -> memref<1x8x128xi32, #tpu.memory_space<hbm>>
      %dma_start3A_821 = tpu.memref_squeeze %dma_start3A_820 : memref<1x8x128xi32, #tpu.memory_space<hbm>> -> memref<8x128xi32, #tpu.memory_space<hbm>>
      tpu.enqueue_dma source(%dma_start3A_821 : memref<8x128xi32, #tpu.memory_space<hbm>>) target(%dma_start3A_818 : memref<8x128xi32, #tpu.memory_space<vmem>>) target_semaphore(%arg16 : memref<!tpu.dma_semaphore, #tpu.memory_space<semaphore_mem>>)
      %add3A_822 = arith.constant 1 : i32
      %add3A_823 = arith.addi %add3A_780, %add3A_822 : i32
      %dma_start3A_824 = arith.constant 0 : i32
      %dma_start3A_825 = arith.constant 0 : i32
      %dma_start3A_826 = tpu.memref_slice %arg9[%dma_start3A_824, %dma_start3A_825] : memref<128x128xf32, #tpu.memory_space<vmem>> -> memref<64x128xf32, #tpu.memory_space<vmem>>
      %dma_start3A_827 = arith.constant 0 : i32
      %dma_start3A_828 = tpu.memref_slice %arg7[%add3A_823, %dma_start3A_827] : memref<80x128xi32, #tpu.memory_space<vmem>> -> memref<1x64xi32, #tpu.memory_space<vmem>>
      %dma_start3A_829 = tpu.memref_squeeze %dma_start3A_828 : memref<1x64xi32, #tpu.memory_space<vmem>> -> memref<64xi32, #tpu.memory_space<vmem>>
      %dma_start3A_830 = arith.constant 0 : i32
      %dma_start3A_831 = arith.constant 0 : i32
      %dma_start3A_832 = tpu.memref_slice %arg2[%dma_start3A_830, %dma_start3A_831] : memref<20000x128xf32, #tpu.memory_space<hbm>> -> memref<20000x128xf32, #tpu.memory_space<hbm>>
      tpu.enqueue_indirect_dma source(%dma_start3A_832 : memref<20000x128xf32, #tpu.memory_space<hbm>>) target(%dma_start3A_826 : memref<64x128xf32, #tpu.memory_space<vmem>>) offsets(%dma_start3A_829 : memref<64xi32, #tpu.memory_space<vmem>>) semaphore(%arg12 : memref<!tpu.dma_semaphore, #tpu.memory_space<semaphore_mem>>)
      %add3A_833 = arith.constant 1 : i32
      %add3A_834 = arith.addi %add3A_780, %add3A_833 : i32
      %dma_start3A_835 = arith.constant 64 : i32
      %dma_start3A_836 = arith.constant 0 : i32
      %dma_start3A_837 = tpu.memref_slice %arg9[%dma_start3A_835, %dma_start3A_836] : memref<128x128xf32, #tpu.memory_space<vmem>> -> memref<64x128xf32, #tpu.memory_space<vmem>>
      %dma_start3A_838 = arith.constant 64 : i32
      %dma_start3A_839 = tpu.memref_slice %arg7[%add3A_834, %dma_start3A_838] : memref<80x128xi32, #tpu.memory_space<vmem>> -> memref<1x64xi32, #tpu.memory_space<vmem>>
      %dma_start3A_840 = tpu.memref_squeeze %dma_start3A_839 : memref<1x64xi32, #tpu.memory_space<vmem>> -> memref<64xi32, #tpu.memory_space<vmem>>
      %dma_start3A_841 = arith.constant 0 : i32
      %dma_start3A_842 = arith.constant 0 : i32
      %dma_start3A_843 = tpu.memref_slice %arg2[%dma_start3A_841, %dma_start3A_842] : memref<20000x128xf32, #tpu.memory_space<hbm>> -> memref<20000x128xf32, #tpu.memory_space<hbm>>
      tpu.enqueue_indirect_dma source(%dma_start3A_843 : memref<20000x128xf32, #tpu.memory_space<hbm>>) target(%dma_start3A_837 : memref<64x128xf32, #tpu.memory_space<vmem>>) offsets(%dma_start3A_840 : memref<64xi32, #tpu.memory_space<vmem>>) semaphore(%arg12 : memref<!tpu.dma_semaphore, #tpu.memory_space<semaphore_mem>>)
      %dma_wait3A_844 = arith.constant 0 : i32
      %dma_wait3A_845 = tpu.memref_slice %arg7[%add3A_780, %dma_wait3A_844] : memref<80x128xi32, #tpu.memory_space<vmem>> -> memref<1x128xi32, #tpu.memory_space<vmem>>
      %dma_wait3A_846 = tpu.memref_squeeze %dma_wait3A_845 : memref<1x128xi32, #tpu.memory_space<vmem>> -> memref<128xi32, #tpu.memory_space<vmem>>
      %dma_wait3A_847 = arith.constant 0 : i32
      %dma_wait3A_848 = arith.constant 0 : i32
      %dma_wait3A_849 = tpu.memref_slice %arg2[%dma_wait3A_847, %dma_wait3A_848] : memref<20000x128xf32, #tpu.memory_space<hbm>> -> memref<20000x128xf32, #tpu.memory_space<hbm>>
      tpu.wait_indirect_dma semaphore(%arg13 : memref<!tpu.dma_semaphore, #tpu.memory_space<semaphore_mem>>) src(%dma_wait3A_849 : memref<20000x128xf32, #tpu.memory_space<hbm>>) dst(%arg10 : memref<128x128xf32, #tpu.memory_space<vmem>>)
      %jit3A_850 = arith.constant 2 : i32
      %eq3A_851 = arith.constant 0 : i32
      %eq3A_852 = arith.cmpi eq, %jit3A_850, %eq3A_851 : i32
      %jit3A_853 = arith.constant 1 : i32
      %select_n3A_854 = arith.select %eq3A_852, %jit3A_853, %jit3A_850 : i32
      %rem3A_855 = arith.remsi %scan3A_718, %select_n3A_854 : i32
      %ne3A_856 = arith.constant 0 : i32
      %ne3A_857 = arith.cmpi ne, %rem3A_855, %ne3A_856 : i32
      %lt3A_858 = arith.constant 0 : i32
      %lt3A_859 = arith.cmpi slt, %rem3A_855, %lt3A_858 : i32
      %lt3A_860 = arith.constant 0 : i32
      %lt3A_861 = arith.cmpi slt, %select_n3A_854, %lt3A_860 : i32
      %ne3A_862 = arith.xori %lt3A_859, %lt3A_861 : i1
      %and3A_863 = arith.andi %ne3A_862, %ne3A_857 : i1
      %add3A_864 = arith.addi %rem3A_855, %select_n3A_854 : i32
      %select_n3A_865 = arith.select %and3A_863, %add3A_864, %rem3A_855 : i32
      %mul3A_866 = arith.constant 8 : i32
      %mul3A_867 = arith.muli %select_n3A_865, %mul3A_866 : i32
      %add3A_868 = arith.constant 1 : i32
      %add3A_869 = arith.addi %mul3A_867, %add3A_868 : i32
      %dma_start3A_870 = arith.constant 0 : i32
      %dma_start3A_871 = tpu.memref_slice %arg8[%add3A_869, %dma_start3A_870] : memref<16x128xi32, #tpu.memory_space<vmem>> -> memref<1x128xi32, #tpu.memory_space<vmem>>
      %dma_start3A_872 = tpu.memref_squeeze %dma_start3A_871 : memref<1x128xi32, #tpu.memory_space<vmem>> -> memref<128xi32, #tpu.memory_space<vmem>>
      %dma_start3A_873 = arith.constant 0 : i32
      %dma_start3A_874 = arith.constant 0 : i32
      %dma_start3A_875 = tpu.memref_slice %arg11[%dma_start3A_873, %dma_start3A_874] : memref<10016x128xf32, #tpu.memory_space<vmem_shared>> -> memref<10016x128xf32, #tpu.memory_space<vmem_shared>>
      tpu.enqueue_indirect_dma source(%arg10 : memref<128x128xf32, #tpu.memory_space<vmem>>) target(%dma_start3A_875 : memref<10016x128xf32, #tpu.memory_space<vmem_shared>>) offsets(%dma_start3A_872 : memref<128xi32, #tpu.memory_space<vmem>>) semaphore(%arg15 : memref<!tpu.dma_semaphore, #tpu.memory_space<semaphore_mem>>) {add = true}
      %mul3A_876 = arith.constant 8 : i32
      %mul3A_877 = arith.muli %scan3A_718, %mul3A_876 : i32
      %add3A_878 = arith.constant 2 : i32
      %add3A_879 = arith.addi %mul3A_877, %add3A_878 : i32
      %dma_wait3A_880 = arith.constant 0 : i32
      %dma_wait3A_881 = arith.constant 0 : i32
      %dma_wait3A_882 = tpu.memref_slice %arg8[%dma_wait3A_880, %dma_wait3A_881] : memref<16x128xi32, #tpu.memory_space<vmem>> -> memref<1x128xi32, #tpu.memory_space<vmem>>
      %dma_wait3A_883 = tpu.memref_squeeze %dma_wait3A_882 : memref<1x128xi32, #tpu.memory_space<vmem>> -> memref<128xi32, #tpu.memory_space<vmem>>
      %dma_wait3A_884 = arith.constant 0 : i32
      %dma_wait3A_885 = arith.constant 0 : i32
      %dma_wait3A_886 = tpu.memref_slice %arg11[%dma_wait3A_884, %dma_wait3A_885] : memref<10016x128xf32, #tpu.memory_space<vmem_shared>> -> memref<10016x128xf32, #tpu.memory_space<vmem_shared>>
      tpu.wait_indirect_dma semaphore(%arg15 : memref<!tpu.dma_semaphore, #tpu.memory_space<semaphore_mem>>) src(%arg10 : memref<128x128xf32, #tpu.memory_space<vmem>>) dst(%dma_wait3A_886 : memref<10016x128xf32, #tpu.memory_space<vmem_shared>>)
      %add3A_887 = arith.constant 1 : i32
      %add3A_888 = arith.addi %add3A_879, %add3A_887 : i32
      %dma_start3A_889 = arith.constant 0 : i32
      %dma_start3A_890 = arith.constant 0 : i32
      %dma_start3A_891 = tpu.memref_slice %arg10[%dma_start3A_889, %dma_start3A_890] : memref<128x128xf32, #tpu.memory_space<vmem>> -> memref<64x128xf32, #tpu.memory_space<vmem>>
      %dma_start3A_892 = arith.constant 0 : i32
      %dma_start3A_893 = tpu.memref_slice %arg7[%add3A_888, %dma_start3A_892] : memref<80x128xi32, #tpu.memory_space<vmem>> -> memref<1x64xi32, #tpu.memory_space<vmem>>
      %dma_start3A_894 = tpu.memref_squeeze %dma_start3A_893 : memref<1x64xi32, #tpu.memory_space<vmem>> -> memref<64xi32, #tpu.memory_space<vmem>>
      %dma_start3A_895 = arith.constant 0 : i32
      %dma_start3A_896 = arith.constant 0 : i32
      %dma_start3A_897 = tpu.memref_slice %arg2[%dma_start3A_895, %dma_start3A_896] : memref<20000x128xf32, #tpu.memory_space<hbm>> -> memref<20000x128xf32, #tpu.memory_space<hbm>>
      tpu.enqueue_indirect_dma source(%dma_start3A_897 : memref<20000x128xf32, #tpu.memory_space<hbm>>) target(%dma_start3A_891 : memref<64x128xf32, #tpu.memory_space<vmem>>) offsets(%dma_start3A_894 : memref<64xi32, #tpu.memory_space<vmem>>) semaphore(%arg13 : memref<!tpu.dma_semaphore, #tpu.memory_space<semaphore_mem>>)
      %add3A_898 = arith.constant 1 : i32
      %add3A_899 = arith.addi %add3A_879, %add3A_898 : i32
      %dma_start3A_900 = arith.constant 64 : i32
      %dma_start3A_901 = arith.constant 0 : i32
      %dma_start3A_902 = tpu.memref_slice %arg10[%dma_start3A_900, %dma_start3A_901] : memref<128x128xf32, #tpu.memory_space<vmem>> -> memref<64x128xf32, #tpu.memory_space<vmem>>
      %dma_start3A_903 = arith.constant 64 : i32
      %dma_start3A_904 = tpu.memref_slice %arg7[%add3A_899, %dma_start3A_903] : memref<80x128xi32, #tpu.memory_space<vmem>> -> memref<1x64xi32, #tpu.memory_space<vmem>>
      %dma_start3A_905 = tpu.memref_squeeze %dma_start3A_904 : memref<1x64xi32, #tpu.memory_space<vmem>> -> memref<64xi32, #tpu.memory_space<vmem>>
      %dma_start3A_906 = arith.constant 0 : i32
      %dma_start3A_907 = arith.constant 0 : i32
      %dma_start3A_908 = tpu.memref_slice %arg2[%dma_start3A_906, %dma_start3A_907] : memref<20000x128xf32, #tpu.memory_space<hbm>> -> memref<20000x128xf32, #tpu.memory_space<hbm>>
      tpu.enqueue_indirect_dma source(%dma_start3A_908 : memref<20000x128xf32, #tpu.memory_space<hbm>>) target(%dma_start3A_902 : memref<64x128xf32, #tpu.memory_space<vmem>>) offsets(%dma_start3A_905 : memref<64xi32, #tpu.memory_space<vmem>>) semaphore(%arg13 : memref<!tpu.dma_semaphore, #tpu.memory_space<semaphore_mem>>)
      %dma_wait3A_909 = arith.constant 0 : i32
      %dma_wait3A_910 = tpu.memref_slice %arg7[%add3A_879, %dma_wait3A_909] : memref<80x128xi32, #tpu.memory_space<vmem>> -> memref<1x128xi32, #tpu.memory_space<vmem>>
      %dma_wait3A_911 = tpu.memref_squeeze %dma_wait3A_910 : memref<1x128xi32, #tpu.memory_space<vmem>> -> memref<128xi32, #tpu.memory_space<vmem>>
      %dma_wait3A_912 = arith.constant 0 : i32
      %dma_wait3A_913 = arith.constant 0 : i32
      %dma_wait3A_914 = tpu.memref_slice %arg2[%dma_wait3A_912, %dma_wait3A_913] : memref<20000x128xf32, #tpu.memory_space<hbm>> -> memref<20000x128xf32, #tpu.memory_space<hbm>>
      tpu.wait_indirect_dma semaphore(%arg12 : memref<!tpu.dma_semaphore, #tpu.memory_space<semaphore_mem>>) src(%dma_wait3A_914 : memref<20000x128xf32, #tpu.memory_space<hbm>>) dst(%arg9 : memref<128x128xf32, #tpu.memory_space<vmem>>)
      %jit3A_915 = arith.constant 2 : i32
      %eq3A_916 = arith.constant 0 : i32
      %eq3A_917 = arith.cmpi eq, %jit3A_915, %eq3A_916 : i32
      %jit3A_918 = arith.constant 1 : i32
      %select_n3A_919 = arith.select %eq3A_917, %jit3A_918, %jit3A_915 : i32
      %rem3A_920 = arith.remsi %scan3A_718, %select_n3A_919 : i32
      %ne3A_921 = arith.constant 0 : i32
      %ne3A_922 = arith.cmpi ne, %rem3A_920, %ne3A_921 : i32
      %lt3A_923 = arith.constant 0 : i32
      %lt3A_924 = arith.cmpi slt, %rem3A_920, %lt3A_923 : i32
      %lt3A_925 = arith.constant 0 : i32
      %lt3A_926 = arith.cmpi slt, %select_n3A_919, %lt3A_925 : i32
      %ne3A_927 = arith.xori %lt3A_924, %lt3A_926 : i1
      %and3A_928 = arith.andi %ne3A_927, %ne3A_922 : i1
      %add3A_929 = arith.addi %rem3A_920, %select_n3A_919 : i32
      %select_n3A_930 = arith.select %and3A_928, %add3A_929, %rem3A_920 : i32
      %mul3A_931 = arith.constant 8 : i32
      %mul3A_932 = arith.muli %select_n3A_930, %mul3A_931 : i32
      %add3A_933 = arith.constant 2 : i32
      %add3A_934 = arith.addi %mul3A_932, %add3A_933 : i32
      %dma_start3A_935 = arith.constant 0 : i32
      %dma_start3A_936 = tpu.memref_slice %arg8[%add3A_934, %dma_start3A_935] : memref<16x128xi32, #tpu.memory_space<vmem>> -> memref<1x128xi32, #tpu.memory_space<vmem>>
      %dma_start3A_937 = tpu.memref_squeeze %dma_start3A_936 : memref<1x128xi32, #tpu.memory_space<vmem>> -> memref<128xi32, #tpu.memory_space<vmem>>
      %dma_start3A_938 = arith.constant 0 : i32
      %dma_start3A_939 = arith.constant 0 : i32
      %dma_start3A_940 = tpu.memref_slice %arg11[%dma_start3A_938, %dma_start3A_939] : memref<10016x128xf32, #tpu.memory_space<vmem_shared>> -> memref<10016x128xf32, #tpu.memory_space<vmem_shared>>
      tpu.enqueue_indirect_dma source(%arg9 : memref<128x128xf32, #tpu.memory_space<vmem>>) target(%dma_start3A_940 : memref<10016x128xf32, #tpu.memory_space<vmem_shared>>) offsets(%dma_start3A_937 : memref<128xi32, #tpu.memory_space<vmem>>) semaphore(%arg14 : memref<!tpu.dma_semaphore, #tpu.memory_space<semaphore_mem>>) {add = true}
      %mul3A_941 = arith.constant 8 : i32
      %mul3A_942 = arith.muli %scan3A_718, %mul3A_941 : i32
      %add3A_943 = arith.constant 3 : i32
      %add3A_944 = arith.addi %mul3A_942, %add3A_943 : i32
      %dma_wait3A_945 = arith.constant 0 : i32
      %dma_wait3A_946 = arith.constant 0 : i32
      %dma_wait3A_947 = tpu.memref_slice %arg8[%dma_wait3A_945, %dma_wait3A_946] : memref<16x128xi32, #tpu.memory_space<vmem>> -> memref<1x128xi32, #tpu.memory_space<vmem>>
      %dma_wait3A_948 = tpu.memref_squeeze %dma_wait3A_947 : memref<1x128xi32, #tpu.memory_space<vmem>> -> memref<128xi32, #tpu.memory_space<vmem>>
      %dma_wait3A_949 = arith.constant 0 : i32
      %dma_wait3A_950 = arith.constant 0 : i32
      %dma_wait3A_951 = tpu.memref_slice %arg11[%dma_wait3A_949, %dma_wait3A_950] : memref<10016x128xf32, #tpu.memory_space<vmem_shared>> -> memref<10016x128xf32, #tpu.memory_space<vmem_shared>>
      tpu.wait_indirect_dma semaphore(%arg14 : memref<!tpu.dma_semaphore, #tpu.memory_space<semaphore_mem>>) src(%arg9 : memref<128x128xf32, #tpu.memory_space<vmem>>) dst(%dma_wait3A_951 : memref<10016x128xf32, #tpu.memory_space<vmem_shared>>)
      %add3A_952 = arith.constant 1 : i32
      %add3A_953 = arith.addi %add3A_944, %add3A_952 : i32
      %dma_start3A_954 = arith.constant 0 : i32
      %dma_start3A_955 = arith.constant 0 : i32
      %dma_start3A_956 = tpu.memref_slice %arg9[%dma_start3A_954, %dma_start3A_955] : memref<128x128xf32, #tpu.memory_space<vmem>> -> memref<64x128xf32, #tpu.memory_space<vmem>>
      %dma_start3A_957 = arith.constant 0 : i32
      %dma_start3A_958 = tpu.memref_slice %arg7[%add3A_953, %dma_start3A_957] : memref<80x128xi32, #tpu.memory_space<vmem>> -> memref<1x64xi32, #tpu.memory_space<vmem>>
      %dma_start3A_959 = tpu.memref_squeeze %dma_start3A_958 : memref<1x64xi32, #tpu.memory_space<vmem>> -> memref<64xi32, #tpu.memory_space<vmem>>
      %dma_start3A_960 = arith.constant 0 : i32
      %dma_start3A_961 = arith.constant 0 : i32
      %dma_start3A_962 = tpu.memref_slice %arg2[%dma_start3A_960, %dma_start3A_961] : memref<20000x128xf32, #tpu.memory_space<hbm>> -> memref<20000x128xf32, #tpu.memory_space<hbm>>
      tpu.enqueue_indirect_dma source(%dma_start3A_962 : memref<20000x128xf32, #tpu.memory_space<hbm>>) target(%dma_start3A_956 : memref<64x128xf32, #tpu.memory_space<vmem>>) offsets(%dma_start3A_959 : memref<64xi32, #tpu.memory_space<vmem>>) semaphore(%arg12 : memref<!tpu.dma_semaphore, #tpu.memory_space<semaphore_mem>>)
      %add3A_963 = arith.constant 1 : i32
      %add3A_964 = arith.addi %add3A_944, %add3A_963 : i32
      %dma_start3A_965 = arith.constant 64 : i32
      %dma_start3A_966 = arith.constant 0 : i32
      %dma_start3A_967 = tpu.memref_slice %arg9[%dma_start3A_965, %dma_start3A_966] : memref<128x128xf32, #tpu.memory_space<vmem>> -> memref<64x128xf32, #tpu.memory_space<vmem>>
      %dma_start3A_968 = arith.constant 64 : i32
      %dma_start3A_969 = tpu.memref_slice %arg7[%add3A_964, %dma_start3A_968] : memref<80x128xi32, #tpu.memory_space<vmem>> -> memref<1x64xi32, #tpu.memory_space<vmem>>
      %dma_start3A_970 = tpu.memref_squeeze %dma_start3A_969 : memref<1x64xi32, #tpu.memory_space<vmem>> -> memref<64xi32, #tpu.memory_space<vmem>>
      %dma_start3A_971 = arith.constant 0 : i32
      %dma_start3A_972 = arith.constant 0 : i32
      %dma_start3A_973 = tpu.memref_slice %arg2[%dma_start3A_971, %dma_start3A_972] : memref<20000x128xf32, #tpu.memory_space<hbm>> -> memref<20000x128xf32, #tpu.memory_space<hbm>>
      tpu.enqueue_indirect_dma source(%dma_start3A_973 : memref<20000x128xf32, #tpu.memory_space<hbm>>) target(%dma_start3A_967 : memref<64x128xf32, #tpu.memory_space<vmem>>) offsets(%dma_start3A_970 : memref<64xi32, #tpu.memory_space<vmem>>) semaphore(%arg12 : memref<!tpu.dma_semaphore, #tpu.memory_space<semaphore_mem>>)
      %dma_wait3A_974 = arith.constant 0 : i32
      %dma_wait3A_975 = tpu.memref_slice %arg7[%add3A_944, %dma_wait3A_974] : memref<80x128xi32, #tpu.memory_space<vmem>> -> memref<1x128xi32, #tpu.memory_space<vmem>>
      %dma_wait3A_976 = tpu.memref_squeeze %dma_wait3A_975 : memref<1x128xi32, #tpu.memory_space<vmem>> -> memref<128xi32, #tpu.memory_space<vmem>>
      %dma_wait3A_977 = arith.constant 0 : i32
      %dma_wait3A_978 = arith.constant 0 : i32
      %dma_wait3A_979 = tpu.memref_slice %arg2[%dma_wait3A_977, %dma_wait3A_978] : memref<20000x128xf32, #tpu.memory_space<hbm>> -> memref<20000x128xf32, #tpu.memory_space<hbm>>
      tpu.wait_indirect_dma semaphore(%arg13 : memref<!tpu.dma_semaphore, #tpu.memory_space<semaphore_mem>>) src(%dma_wait3A_979 : memref<20000x128xf32, #tpu.memory_space<hbm>>) dst(%arg10 : memref<128x128xf32, #tpu.memory_space<vmem>>)
      %jit3A_980 = arith.constant 2 : i32
      %eq3A_981 = arith.constant 0 : i32
      %eq3A_982 = arith.cmpi eq, %jit3A_980, %eq3A_981 : i32
      %jit3A_983 = arith.constant 1 : i32
      %select_n3A_984 = arith.select %eq3A_982, %jit3A_983, %jit3A_980 : i32
      %rem3A_985 = arith.remsi %scan3A_718, %select_n3A_984 : i32
      %ne3A_986 = arith.constant 0 : i32
      %ne3A_987 = arith.cmpi ne, %rem3A_985, %ne3A_986 : i32
      %lt3A_988 = arith.constant 0 : i32
      %lt3A_989 = arith.cmpi slt, %rem3A_985, %lt3A_988 : i32
      %lt3A_990 = arith.constant 0 : i32
      %lt3A_991 = arith.cmpi slt, %select_n3A_984, %lt3A_990 : i32
      %ne3A_992 = arith.xori %lt3A_989, %lt3A_991 : i1
      %and3A_993 = arith.andi %ne3A_992, %ne3A_987 : i1
      %add3A_994 = arith.addi %rem3A_985, %select_n3A_984 : i32
      %select_n3A_995 = arith.select %and3A_993, %add3A_994, %rem3A_985 : i32
      %mul3A_996 = arith.constant 8 : i32
      %mul3A_997 = arith.muli %select_n3A_995, %mul3A_996 : i32
      %add3A_998 = arith.constant 3 : i32
      %add3A_999 = arith.addi %mul3A_997, %add3A_998 : i32
      %dma_start3A_1000 = arith.constant 0 : i32
      %dma_start3A_1001 = tpu.memref_slice %arg8[%add3A_999, %dma_start3A_1000] : memref<16x128xi32, #tpu.memory_space<vmem>> -> memref<1x128xi32, #tpu.memory_space<vmem>>
      %dma_start3A_1002 = tpu.memref_squeeze %dma_start3A_1001 : memref<1x128xi32, #tpu.memory_space<vmem>> -> memref<128xi32, #tpu.memory_space<vmem>>
      %dma_start3A_1003 = arith.constant 0 : i32
      %dma_start3A_1004 = arith.constant 0 : i32
      %dma_start3A_1005 = tpu.memref_slice %arg11[%dma_start3A_1003, %dma_start3A_1004] : memref<10016x128xf32, #tpu.memory_space<vmem_shared>> -> memref<10016x128xf32, #tpu.memory_space<vmem_shared>>
      tpu.enqueue_indirect_dma source(%arg10 : memref<128x128xf32, #tpu.memory_space<vmem>>) target(%dma_start3A_1005 : memref<10016x128xf32, #tpu.memory_space<vmem_shared>>) offsets(%dma_start3A_1002 : memref<128xi32, #tpu.memory_space<vmem>>) semaphore(%arg15 : memref<!tpu.dma_semaphore, #tpu.memory_space<semaphore_mem>>) {add = true}
      %mul3A_1006 = arith.constant 8 : i32
      %mul3A_1007 = arith.muli %scan3A_718, %mul3A_1006 : i32
      %add3A_1008 = arith.constant 4 : i32
      %add3A_1009 = arith.addi %mul3A_1007, %add3A_1008 : i32
      %dma_wait3A_1010 = arith.constant 0 : i32
      %dma_wait3A_1011 = arith.constant 0 : i32
      %dma_wait3A_1012 = tpu.memref_slice %arg8[%dma_wait3A_1010, %dma_wait3A_1011] : memref<16x128xi32, #tpu.memory_space<vmem>> -> memref<1x128xi32, #tpu.memory_space<vmem>>
      %dma_wait3A_1013 = tpu.memref_squeeze %dma_wait3A_1012 : memref<1x128xi32, #tpu.memory_space<vmem>> -> memref<128xi32, #tpu.memory_space<vmem>>
      %dma_wait3A_1014 = arith.constant 0 : i32
      %dma_wait3A_1015 = arith.constant 0 : i32
      %dma_wait3A_1016 = tpu.memref_slice %arg11[%dma_wait3A_1014, %dma_wait3A_1015] : memref<10016x128xf32, #tpu.memory_space<vmem_shared>> -> memref<10016x128xf32, #tpu.memory_space<vmem_shared>>
      tpu.wait_indirect_dma semaphore(%arg15 : memref<!tpu.dma_semaphore, #tpu.memory_space<semaphore_mem>>) src(%arg10 : memref<128x128xf32, #tpu.memory_space<vmem>>) dst(%dma_wait3A_1016 : memref<10016x128xf32, #tpu.memory_space<vmem_shared>>)
      %add3A_1017 = arith.constant 1 : i32
      %add3A_1018 = arith.addi %add3A_1009, %add3A_1017 : i32
      %dma_start3A_1019 = arith.constant 0 : i32
      %dma_start3A_1020 = arith.constant 0 : i32
      %dma_start3A_1021 = tpu.memref_slice %arg10[%dma_start3A_1019, %dma_start3A_1020] : memref<128x128xf32, #tpu.memory_space<vmem>> -> memref<64x128xf32, #tpu.memory_space<vmem>>
      %dma_start3A_1022 = arith.constant 0 : i32
      %dma_start3A_1023 = tpu.memref_slice %arg7[%add3A_1018, %dma_start3A_1022] : memref<80x128xi32, #tpu.memory_space<vmem>> -> memref<1x64xi32, #tpu.memory_space<vmem>>
      %dma_start3A_1024 = tpu.memref_squeeze %dma_start3A_1023 : memref<1x64xi32, #tpu.memory_space<vmem>> -> memref<64xi32, #tpu.memory_space<vmem>>
      %dma_start3A_1025 = arith.constant 0 : i32
      %dma_start3A_1026 = arith.constant 0 : i32
      %dma_start3A_1027 = tpu.memref_slice %arg2[%dma_start3A_1025, %dma_start3A_1026] : memref<20000x128xf32, #tpu.memory_space<hbm>> -> memref<20000x128xf32, #tpu.memory_space<hbm>>
      tpu.enqueue_indirect_dma source(%dma_start3A_1027 : memref<20000x128xf32, #tpu.memory_space<hbm>>) target(%dma_start3A_1021 : memref<64x128xf32, #tpu.memory_space<vmem>>) offsets(%dma_start3A_1024 : memref<64xi32, #tpu.memory_space<vmem>>) semaphore(%arg13 : memref<!tpu.dma_semaphore, #tpu.memory_space<semaphore_mem>>)
      %add3A_1028 = arith.constant 1 : i32
      %add3A_1029 = arith.addi %add3A_1009, %add3A_1028 : i32
      %dma_start3A_1030 = arith.constant 64 : i32
      %dma_start3A_1031 = arith.constant 0 : i32
      %dma_start3A_1032 = tpu.memref_slice %arg10[%dma_start3A_1030, %dma_start3A_1031] : memref<128x128xf32, #tpu.memory_space<vmem>> -> memref<64x128xf32, #tpu.memory_space<vmem>>
      %dma_start3A_1033 = arith.constant 64 : i32
      %dma_start3A_1034 = tpu.memref_slice %arg7[%add3A_1029, %dma_start3A_1033] : memref<80x128xi32, #tpu.memory_space<vmem>> -> memref<1x64xi32, #tpu.memory_space<vmem>>
      %dma_start3A_1035 = tpu.memref_squeeze %dma_start3A_1034 : memref<1x64xi32, #tpu.memory_space<vmem>> -> memref<64xi32, #tpu.memory_space<vmem>>
      %dma_start3A_1036 = arith.constant 0 : i32
      %dma_start3A_1037 = arith.constant 0 : i32
      %dma_start3A_1038 = tpu.memref_slice %arg2[%dma_start3A_1036, %dma_start3A_1037] : memref<20000x128xf32, #tpu.memory_space<hbm>> -> memref<20000x128xf32, #tpu.memory_space<hbm>>
      tpu.enqueue_indirect_dma source(%dma_start3A_1038 : memref<20000x128xf32, #tpu.memory_space<hbm>>) target(%dma_start3A_1032 : memref<64x128xf32, #tpu.memory_space<vmem>>) offsets(%dma_start3A_1035 : memref<64xi32, #tpu.memory_space<vmem>>) semaphore(%arg13 : memref<!tpu.dma_semaphore, #tpu.memory_space<semaphore_mem>>)
      %dma_wait3A_1039 = arith.constant 0 : i32
      %dma_wait3A_1040 = tpu.memref_slice %arg7[%add3A_1009, %dma_wait3A_1039] : memref<80x128xi32, #tpu.memory_space<vmem>> -> memref<1x128xi32, #tpu.memory_space<vmem>>
      %dma_wait3A_1041 = tpu.memref_squeeze %dma_wait3A_1040 : memref<1x128xi32, #tpu.memory_space<vmem>> -> memref<128xi32, #tpu.memory_space<vmem>>
      %dma_wait3A_1042 = arith.constant 0 : i32
      %dma_wait3A_1043 = arith.constant 0 : i32
      %dma_wait3A_1044 = tpu.memref_slice %arg2[%dma_wait3A_1042, %dma_wait3A_1043] : memref<20000x128xf32, #tpu.memory_space<hbm>> -> memref<20000x128xf32, #tpu.memory_space<hbm>>
      tpu.wait_indirect_dma semaphore(%arg12 : memref<!tpu.dma_semaphore, #tpu.memory_space<semaphore_mem>>) src(%dma_wait3A_1044 : memref<20000x128xf32, #tpu.memory_space<hbm>>) dst(%arg9 : memref<128x128xf32, #tpu.memory_space<vmem>>)
      %jit3A_1045 = arith.constant 2 : i32
      %eq3A_1046 = arith.constant 0 : i32
      %eq3A_1047 = arith.cmpi eq, %jit3A_1045, %eq3A_1046 : i32
      %jit3A_1048 = arith.constant 1 : i32
      %select_n3A_1049 = arith.select %eq3A_1047, %jit3A_1048, %jit3A_1045 : i32
      %rem3A_1050 = arith.remsi %scan3A_718, %select_n3A_1049 : i32
      %ne3A_1051 = arith.constant 0 : i32
      %ne3A_1052 = arith.cmpi ne, %rem3A_1050, %ne3A_1051 : i32
      %lt3A_1053 = arith.constant 0 : i32
      %lt3A_1054 = arith.cmpi slt, %rem3A_1050, %lt3A_1053 : i32
      %lt3A_1055 = arith.constant 0 : i32
      %lt3A_1056 = arith.cmpi slt, %select_n3A_1049, %lt3A_1055 : i32
      %ne3A_1057 = arith.xori %lt3A_1054, %lt3A_1056 : i1
      %and3A_1058 = arith.andi %ne3A_1057, %ne3A_1052 : i1
      %add3A_1059 = arith.addi %rem3A_1050, %select_n3A_1049 : i32
      %select_n3A_1060 = arith.select %and3A_1058, %add3A_1059, %rem3A_1050 : i32
      %mul3A_1061 = arith.constant 8 : i32
      %mul3A_1062 = arith.muli %select_n3A_1060, %mul3A_1061 : i32
      %add3A_1063 = arith.constant 4 : i32
      %add3A_1064 = arith.addi %mul3A_1062, %add3A_1063 : i32
      %dma_start3A_1065 = arith.constant 0 : i32
      %dma_start3A_1066 = tpu.memref_slice %arg8[%add3A_1064, %dma_start3A_1065] : memref<16x128xi32, #tpu.memory_space<vmem>> -> memref<1x128xi32, #tpu.memory_space<vmem>>
      %dma_start3A_1067 = tpu.memref_squeeze %dma_start3A_1066 : memref<1x128xi32, #tpu.memory_space<vmem>> -> memref<128xi32, #tpu.memory_space<vmem>>
      %dma_start3A_1068 = arith.constant 0 : i32
      %dma_start3A_1069 = arith.constant 0 : i32
      %dma_start3A_1070 = tpu.memref_slice %arg11[%dma_start3A_1068, %dma_start3A_1069] : memref<10016x128xf32, #tpu.memory_space<vmem_shared>> -> memref<10016x128xf32, #tpu.memory_space<vmem_shared>>
      tpu.enqueue_indirect_dma source(%arg9 : memref<128x128xf32, #tpu.memory_space<vmem>>) target(%dma_start3A_1070 : memref<10016x128xf32, #tpu.memory_space<vmem_shared>>) offsets(%dma_start3A_1067 : memref<128xi32, #tpu.memory_space<vmem>>) semaphore(%arg14 : memref<!tpu.dma_semaphore, #tpu.memory_space<semaphore_mem>>) {add = true}
      %mul3A_1071 = arith.constant 8 : i32
      %mul3A_1072 = arith.muli %scan3A_718, %mul3A_1071 : i32
      %add3A_1073 = arith.constant 5 : i32
      %add3A_1074 = arith.addi %mul3A_1072, %add3A_1073 : i32
      %dma_wait3A_1075 = arith.constant 0 : i32
      %dma_wait3A_1076 = arith.constant 0 : i32
      %dma_wait3A_1077 = tpu.memref_slice %arg8[%dma_wait3A_1075, %dma_wait3A_1076] : memref<16x128xi32, #tpu.memory_space<vmem>> -> memref<1x128xi32, #tpu.memory_space<vmem>>
      %dma_wait3A_1078 = tpu.memref_squeeze %dma_wait3A_1077 : memref<1x128xi32, #tpu.memory_space<vmem>> -> memref<128xi32, #tpu.memory_space<vmem>>
      %dma_wait3A_1079 = arith.constant 0 : i32
      %dma_wait3A_1080 = arith.constant 0 : i32
      %dma_wait3A_1081 = tpu.memref_slice %arg11[%dma_wait3A_1079, %dma_wait3A_1080] : memref<10016x128xf32, #tpu.memory_space<vmem_shared>> -> memref<10016x128xf32, #tpu.memory_space<vmem_shared>>
      tpu.wait_indirect_dma semaphore(%arg14 : memref<!tpu.dma_semaphore, #tpu.memory_space<semaphore_mem>>) src(%arg9 : memref<128x128xf32, #tpu.memory_space<vmem>>) dst(%dma_wait3A_1081 : memref<10016x128xf32, #tpu.memory_space<vmem_shared>>)
      %add3A_1082 = arith.constant 1 : i32
      %add3A_1083 = arith.addi %add3A_1074, %add3A_1082 : i32
      %dma_start3A_1084 = arith.constant 0 : i32
      %dma_start3A_1085 = arith.constant 0 : i32
      %dma_start3A_1086 = tpu.memref_slice %arg9[%dma_start3A_1084, %dma_start3A_1085] : memref<128x128xf32, #tpu.memory_space<vmem>> -> memref<64x128xf32, #tpu.memory_space<vmem>>
      %dma_start3A_1087 = arith.constant 0 : i32
      %dma_start3A_1088 = tpu.memref_slice %arg7[%add3A_1083, %dma_start3A_1087] : memref<80x128xi32, #tpu.memory_space<vmem>> -> memref<1x64xi32, #tpu.memory_space<vmem>>
      %dma_start3A_1089 = tpu.memref_squeeze %dma_start3A_1088 : memref<1x64xi32, #tpu.memory_space<vmem>> -> memref<64xi32, #tpu.memory_space<vmem>>
      %dma_start3A_1090 = arith.constant 0 : i32
      %dma_start3A_1091 = arith.constant 0 : i32
      %dma_start3A_1092 = tpu.memref_slice %arg2[%dma_start3A_1090, %dma_start3A_1091] : memref<20000x128xf32, #tpu.memory_space<hbm>> -> memref<20000x128xf32, #tpu.memory_space<hbm>>
      tpu.enqueue_indirect_dma source(%dma_start3A_1092 : memref<20000x128xf32, #tpu.memory_space<hbm>>) target(%dma_start3A_1086 : memref<64x128xf32, #tpu.memory_space<vmem>>) offsets(%dma_start3A_1089 : memref<64xi32, #tpu.memory_space<vmem>>) semaphore(%arg12 : memref<!tpu.dma_semaphore, #tpu.memory_space<semaphore_mem>>)
      %add3A_1093 = arith.constant 1 : i32
      %add3A_1094 = arith.addi %add3A_1074, %add3A_1093 : i32
      %dma_start3A_1095 = arith.constant 64 : i32
      %dma_start3A_1096 = arith.constant 0 : i32
      %dma_start3A_1097 = tpu.memref_slice %arg9[%dma_start3A_1095, %dma_start3A_1096] : memref<128x128xf32, #tpu.memory_space<vmem>> -> memref<64x128xf32, #tpu.memory_space<vmem>>
      %dma_start3A_1098 = arith.constant 64 : i32
      %dma_start3A_1099 = tpu.memref_slice %arg7[%add3A_1094, %dma_start3A_1098] : memref<80x128xi32, #tpu.memory_space<vmem>> -> memref<1x64xi32, #tpu.memory_space<vmem>>
      %dma_start3A_1100 = tpu.memref_squeeze %dma_start3A_1099 : memref<1x64xi32, #tpu.memory_space<vmem>> -> memref<64xi32, #tpu.memory_space<vmem>>
      %dma_start3A_1101 = arith.constant 0 : i32
      %dma_start3A_1102 = arith.constant 0 : i32
      %dma_start3A_1103 = tpu.memref_slice %arg2[%dma_start3A_1101, %dma_start3A_1102] : memref<20000x128xf32, #tpu.memory_space<hbm>> -> memref<20000x128xf32, #tpu.memory_space<hbm>>
      tpu.enqueue_indirect_dma source(%dma_start3A_1103 : memref<20000x128xf32, #tpu.memory_space<hbm>>) target(%dma_start3A_1097 : memref<64x128xf32, #tpu.memory_space<vmem>>) offsets(%dma_start3A_1100 : memref<64xi32, #tpu.memory_space<vmem>>) semaphore(%arg12 : memref<!tpu.dma_semaphore, #tpu.memory_space<semaphore_mem>>)
      %dma_wait3A_1104 = arith.constant 0 : i32
      %dma_wait3A_1105 = tpu.memref_slice %arg7[%add3A_1074, %dma_wait3A_1104] : memref<80x128xi32, #tpu.memory_space<vmem>> -> memref<1x128xi32, #tpu.memory_space<vmem>>
      %dma_wait3A_1106 = tpu.memref_squeeze %dma_wait3A_1105 : memref<1x128xi32, #tpu.memory_space<vmem>> -> memref<128xi32, #tpu.memory_space<vmem>>
      %dma_wait3A_1107 = arith.constant 0 : i32
      %dma_wait3A_1108 = arith.constant 0 : i32
      %dma_wait3A_1109 = tpu.memref_slice %arg2[%dma_wait3A_1107, %dma_wait3A_1108] : memref<20000x128xf32, #tpu.memory_space<hbm>> -> memref<20000x128xf32, #tpu.memory_space<hbm>>
      tpu.wait_indirect_dma semaphore(%arg13 : memref<!tpu.dma_semaphore, #tpu.memory_space<semaphore_mem>>) src(%dma_wait3A_1109 : memref<20000x128xf32, #tpu.memory_space<hbm>>) dst(%arg10 : memref<128x128xf32, #tpu.memory_space<vmem>>)
      %jit3A_1110 = arith.constant 2 : i32
      %eq3A_1111 = arith.constant 0 : i32
      %eq3A_1112 = arith.cmpi eq, %jit3A_1110, %eq3A_1111 : i32
      %jit3A_1113 = arith.constant 1 : i32
      %select_n3A_1114 = arith.select %eq3A_1112, %jit3A_1113, %jit3A_1110 : i32
      %rem3A_1115 = arith.remsi %scan3A_718, %select_n3A_1114 : i32
      %ne3A_1116 = arith.constant 0 : i32
      %ne3A_1117 = arith.cmpi ne, %rem3A_1115, %ne3A_1116 : i32
      %lt3A_1118 = arith.constant 0 : i32
      %lt3A_1119 = arith.cmpi slt, %rem3A_1115, %lt3A_1118 : i32
      %lt3A_1120 = arith.constant 0 : i32
      %lt3A_1121 = arith.cmpi slt, %select_n3A_1114, %lt3A_1120 : i32
      %ne3A_1122 = arith.xori %lt3A_1119, %lt3A_1121 : i1
      %and3A_1123 = arith.andi %ne3A_1122, %ne3A_1117 : i1
      %add3A_1124 = arith.addi %rem3A_1115, %select_n3A_1114 : i32
      %select_n3A_1125 = arith.select %and3A_1123, %add3A_1124, %rem3A_1115 : i32
      %mul3A_1126 = arith.constant 8 : i32
      %mul3A_1127 = arith.muli %select_n3A_1125, %mul3A_1126 : i32
      %add3A_1128 = arith.constant 5 : i32
      %add3A_1129 = arith.addi %mul3A_1127, %add3A_1128 : i32
      %dma_start3A_1130 = arith.constant 0 : i32
      %dma_start3A_1131 = tpu.memref_slice %arg8[%add3A_1129, %dma_start3A_1130] : memref<16x128xi32, #tpu.memory_space<vmem>> -> memref<1x128xi32, #tpu.memory_space<vmem>>
      %dma_start3A_1132 = tpu.memref_squeeze %dma_start3A_1131 : memref<1x128xi32, #tpu.memory_space<vmem>> -> memref<128xi32, #tpu.memory_space<vmem>>
      %dma_start3A_1133 = arith.constant 0 : i32
      %dma_start3A_1134 = arith.constant 0 : i32
      %dma_start3A_1135 = tpu.memref_slice %arg11[%dma_start3A_1133, %dma_start3A_1134] : memref<10016x128xf32, #tpu.memory_space<vmem_shared>> -> memref<10016x128xf32, #tpu.memory_space<vmem_shared>>
      tpu.enqueue_indirect_dma source(%arg10 : memref<128x128xf32, #tpu.memory_space<vmem>>) target(%dma_start3A_1135 : memref<10016x128xf32, #tpu.memory_space<vmem_shared>>) offsets(%dma_start3A_1132 : memref<128xi32, #tpu.memory_space<vmem>>) semaphore(%arg15 : memref<!tpu.dma_semaphore, #tpu.memory_space<semaphore_mem>>) {add = true}
      %mul3A_1136 = arith.constant 8 : i32
      %mul3A_1137 = arith.muli %scan3A_718, %mul3A_1136 : i32
      %add3A_1138 = arith.constant 6 : i32
      %add3A_1139 = arith.addi %mul3A_1137, %add3A_1138 : i32
      %dma_wait3A_1140 = arith.constant 0 : i32
      %dma_wait3A_1141 = arith.constant 0 : i32
      %dma_wait3A_1142 = tpu.memref_slice %arg8[%dma_wait3A_1140, %dma_wait3A_1141] : memref<16x128xi32, #tpu.memory_space<vmem>> -> memref<1x128xi32, #tpu.memory_space<vmem>>
      %dma_wait3A_1143 = tpu.memref_squeeze %dma_wait3A_1142 : memref<1x128xi32, #tpu.memory_space<vmem>> -> memref<128xi32, #tpu.memory_space<vmem>>
      %dma_wait3A_1144 = arith.constant 0 : i32
      %dma_wait3A_1145 = arith.constant 0 : i32
      %dma_wait3A_1146 = tpu.memref_slice %arg11[%dma_wait3A_1144, %dma_wait3A_1145] : memref<10016x128xf32, #tpu.memory_space<vmem_shared>> -> memref<10016x128xf32, #tpu.memory_space<vmem_shared>>
      tpu.wait_indirect_dma semaphore(%arg15 : memref<!tpu.dma_semaphore, #tpu.memory_space<semaphore_mem>>) src(%arg10 : memref<128x128xf32, #tpu.memory_space<vmem>>) dst(%dma_wait3A_1146 : memref<10016x128xf32, #tpu.memory_space<vmem_shared>>)
      %add3A_1147 = arith.constant 1 : i32
      %add3A_1148 = arith.addi %add3A_1139, %add3A_1147 : i32
      %dma_start3A_1149 = arith.constant 0 : i32
      %dma_start3A_1150 = arith.constant 0 : i32
      %dma_start3A_1151 = tpu.memref_slice %arg10[%dma_start3A_1149, %dma_start3A_1150] : memref<128x128xf32, #tpu.memory_space<vmem>> -> memref<64x128xf32, #tpu.memory_space<vmem>>
      %dma_start3A_1152 = arith.constant 0 : i32
      %dma_start3A_1153 = tpu.memref_slice %arg7[%add3A_1148, %dma_start3A_1152] : memref<80x128xi32, #tpu.memory_space<vmem>> -> memref<1x64xi32, #tpu.memory_space<vmem>>
      %dma_start3A_1154 = tpu.memref_squeeze %dma_start3A_1153 : memref<1x64xi32, #tpu.memory_space<vmem>> -> memref<64xi32, #tpu.memory_space<vmem>>
      %dma_start3A_1155 = arith.constant 0 : i32
      %dma_start3A_1156 = arith.constant 0 : i32
      %dma_start3A_1157 = tpu.memref_slice %arg2[%dma_start3A_1155, %dma_start3A_1156] : memref<20000x128xf32, #tpu.memory_space<hbm>> -> memref<20000x128xf32, #tpu.memory_space<hbm>>
      tpu.enqueue_indirect_dma source(%dma_start3A_1157 : memref<20000x128xf32, #tpu.memory_space<hbm>>) target(%dma_start3A_1151 : memref<64x128xf32, #tpu.memory_space<vmem>>) offsets(%dma_start3A_1154 : memref<64xi32, #tpu.memory_space<vmem>>) semaphore(%arg13 : memref<!tpu.dma_semaphore, #tpu.memory_space<semaphore_mem>>)
      %add3A_1158 = arith.constant 1 : i32
      %add3A_1159 = arith.addi %add3A_1139, %add3A_1158 : i32
      %dma_start3A_1160 = arith.constant 64 : i32
      %dma_start3A_1161 = arith.constant 0 : i32
      %dma_start3A_1162 = tpu.memref_slice %arg10[%dma_start3A_1160, %dma_start3A_1161] : memref<128x128xf32, #tpu.memory_space<vmem>> -> memref<64x128xf32, #tpu.memory_space<vmem>>
      %dma_start3A_1163 = arith.constant 64 : i32
      %dma_start3A_1164 = tpu.memref_slice %arg7[%add3A_1159, %dma_start3A_1163] : memref<80x128xi32, #tpu.memory_space<vmem>> -> memref<1x64xi32, #tpu.memory_space<vmem>>
      %dma_start3A_1165 = tpu.memref_squeeze %dma_start3A_1164 : memref<1x64xi32, #tpu.memory_space<vmem>> -> memref<64xi32, #tpu.memory_space<vmem>>
      %dma_start3A_1166 = arith.constant 0 : i32
      %dma_start3A_1167 = arith.constant 0 : i32
      %dma_start3A_1168 = tpu.memref_slice %arg2[%dma_start3A_1166, %dma_start3A_1167] : memref<20000x128xf32, #tpu.memory_space<hbm>> -> memref<20000x128xf32, #tpu.memory_space<hbm>>
      tpu.enqueue_indirect_dma source(%dma_start3A_1168 : memref<20000x128xf32, #tpu.memory_space<hbm>>) target(%dma_start3A_1162 : memref<64x128xf32, #tpu.memory_space<vmem>>) offsets(%dma_start3A_1165 : memref<64xi32, #tpu.memory_space<vmem>>) semaphore(%arg13 : memref<!tpu.dma_semaphore, #tpu.memory_space<semaphore_mem>>)
      %dma_wait3A_1169 = arith.constant 0 : i32
      %dma_wait3A_1170 = tpu.memref_slice %arg7[%add3A_1139, %dma_wait3A_1169] : memref<80x128xi32, #tpu.memory_space<vmem>> -> memref<1x128xi32, #tpu.memory_space<vmem>>
      %dma_wait3A_1171 = tpu.memref_squeeze %dma_wait3A_1170 : memref<1x128xi32, #tpu.memory_space<vmem>> -> memref<128xi32, #tpu.memory_space<vmem>>
      %dma_wait3A_1172 = arith.constant 0 : i32
      %dma_wait3A_1173 = arith.constant 0 : i32
      %dma_wait3A_1174 = tpu.memref_slice %arg2[%dma_wait3A_1172, %dma_wait3A_1173] : memref<20000x128xf32, #tpu.memory_space<hbm>> -> memref<20000x128xf32, #tpu.memory_space<hbm>>
      tpu.wait_indirect_dma semaphore(%arg12 : memref<!tpu.dma_semaphore, #tpu.memory_space<semaphore_mem>>) src(%dma_wait3A_1174 : memref<20000x128xf32, #tpu.memory_space<hbm>>) dst(%arg9 : memref<128x128xf32, #tpu.memory_space<vmem>>)
      %jit3A_1175 = arith.constant 2 : i32
      %eq3A_1176 = arith.constant 0 : i32
      %eq3A_1177 = arith.cmpi eq, %jit3A_1175, %eq3A_1176 : i32
      %jit3A_1178 = arith.constant 1 : i32
      %select_n3A_1179 = arith.select %eq3A_1177, %jit3A_1178, %jit3A_1175 : i32
      %rem3A_1180 = arith.remsi %scan3A_718, %select_n3A_1179 : i32
      %ne3A_1181 = arith.constant 0 : i32
      %ne3A_1182 = arith.cmpi ne, %rem3A_1180, %ne3A_1181 : i32
      %lt3A_1183 = arith.constant 0 : i32
      %lt3A_1184 = arith.cmpi slt, %rem3A_1180, %lt3A_1183 : i32
      %lt3A_1185 = arith.constant 0 : i32
      %lt3A_1186 = arith.cmpi slt, %select_n3A_1179, %lt3A_1185 : i32
      %ne3A_1187 = arith.xori %lt3A_1184, %lt3A_1186 : i1
      %and3A_1188 = arith.andi %ne3A_1187, %ne3A_1182 : i1
      %add3A_1189 = arith.addi %rem3A_1180, %select_n3A_1179 : i32
      %select_n3A_1190 = arith.select %and3A_1188, %add3A_1189, %rem3A_1180 : i32
      %mul3A_1191 = arith.constant 8 : i32
      %mul3A_1192 = arith.muli %select_n3A_1190, %mul3A_1191 : i32
      %add3A_1193 = arith.constant 6 : i32
      %add3A_1194 = arith.addi %mul3A_1192, %add3A_1193 : i32
      %dma_start3A_1195 = arith.constant 0 : i32
      %dma_start3A_1196 = tpu.memref_slice %arg8[%add3A_1194, %dma_start3A_1195] : memref<16x128xi32, #tpu.memory_space<vmem>> -> memref<1x128xi32, #tpu.memory_space<vmem>>
      %dma_start3A_1197 = tpu.memref_squeeze %dma_start3A_1196 : memref<1x128xi32, #tpu.memory_space<vmem>> -> memref<128xi32, #tpu.memory_space<vmem>>
      %dma_start3A_1198 = arith.constant 0 : i32
      %dma_start3A_1199 = arith.constant 0 : i32
      %dma_start3A_1200 = tpu.memref_slice %arg11[%dma_start3A_1198, %dma_start3A_1199] : memref<10016x128xf32, #tpu.memory_space<vmem_shared>> -> memref<10016x128xf32, #tpu.memory_space<vmem_shared>>
      tpu.enqueue_indirect_dma source(%arg9 : memref<128x128xf32, #tpu.memory_space<vmem>>) target(%dma_start3A_1200 : memref<10016x128xf32, #tpu.memory_space<vmem_shared>>) offsets(%dma_start3A_1197 : memref<128xi32, #tpu.memory_space<vmem>>) semaphore(%arg14 : memref<!tpu.dma_semaphore, #tpu.memory_space<semaphore_mem>>) {add = true}
      %mul3A_1201 = arith.constant 8 : i32
      %mul3A_1202 = arith.muli %scan3A_718, %mul3A_1201 : i32
      %add3A_1203 = arith.constant 7 : i32
      %add3A_1204 = arith.addi %mul3A_1202, %add3A_1203 : i32
      %dma_wait3A_1205 = arith.constant 0 : i32
      %dma_wait3A_1206 = arith.constant 0 : i32
      %dma_wait3A_1207 = tpu.memref_slice %arg8[%dma_wait3A_1205, %dma_wait3A_1206] : memref<16x128xi32, #tpu.memory_space<vmem>> -> memref<1x128xi32, #tpu.memory_space<vmem>>
      %dma_wait3A_1208 = tpu.memref_squeeze %dma_wait3A_1207 : memref<1x128xi32, #tpu.memory_space<vmem>> -> memref<128xi32, #tpu.memory_space<vmem>>
      %dma_wait3A_1209 = arith.constant 0 : i32
      %dma_wait3A_1210 = arith.constant 0 : i32
      %dma_wait3A_1211 = tpu.memref_slice %arg11[%dma_wait3A_1209, %dma_wait3A_1210] : memref<10016x128xf32, #tpu.memory_space<vmem_shared>> -> memref<10016x128xf32, #tpu.memory_space<vmem_shared>>
      tpu.wait_indirect_dma semaphore(%arg14 : memref<!tpu.dma_semaphore, #tpu.memory_space<semaphore_mem>>) src(%arg9 : memref<128x128xf32, #tpu.memory_space<vmem>>) dst(%dma_wait3A_1211 : memref<10016x128xf32, #tpu.memory_space<vmem_shared>>)
      %add3A_1212 = arith.constant 1 : i32
      %add3A_1213 = arith.addi %add3A_1204, %add3A_1212 : i32
      %dma_start3A_1214 = arith.constant 0 : i32
      %dma_start3A_1215 = arith.constant 0 : i32
      %dma_start3A_1216 = tpu.memref_slice %arg9[%dma_start3A_1214, %dma_start3A_1215] : memref<128x128xf32, #tpu.memory_space<vmem>> -> memref<64x128xf32, #tpu.memory_space<vmem>>
      %dma_start3A_1217 = arith.constant 0 : i32
      %dma_start3A_1218 = tpu.memref_slice %arg7[%add3A_1213, %dma_start3A_1217] : memref<80x128xi32, #tpu.memory_space<vmem>> -> memref<1x64xi32, #tpu.memory_space<vmem>>
      %dma_start3A_1219 = tpu.memref_squeeze %dma_start3A_1218 : memref<1x64xi32, #tpu.memory_space<vmem>> -> memref<64xi32, #tpu.memory_space<vmem>>
      %dma_start3A_1220 = arith.constant 0 : i32
      %dma_start3A_1221 = arith.constant 0 : i32
      %dma_start3A_1222 = tpu.memref_slice %arg2[%dma_start3A_1220, %dma_start3A_1221] : memref<20000x128xf32, #tpu.memory_space<hbm>> -> memref<20000x128xf32, #tpu.memory_space<hbm>>
      tpu.enqueue_indirect_dma source(%dma_start3A_1222 : memref<20000x128xf32, #tpu.memory_space<hbm>>) target(%dma_start3A_1216 : memref<64x128xf32, #tpu.memory_space<vmem>>) offsets(%dma_start3A_1219 : memref<64xi32, #tpu.memory_space<vmem>>) semaphore(%arg12 : memref<!tpu.dma_semaphore, #tpu.memory_space<semaphore_mem>>)
      %add3A_1223 = arith.constant 1 : i32
      %add3A_1224 = arith.addi %add3A_1204, %add3A_1223 : i32
      %dma_start3A_1225 = arith.constant 64 : i32
      %dma_start3A_1226 = arith.constant 0 : i32
      %dma_start3A_1227 = tpu.memref_slice %arg9[%dma_start3A_1225, %dma_start3A_1226] : memref<128x128xf32, #tpu.memory_space<vmem>> -> memref<64x128xf32, #tpu.memory_space<vmem>>
      %dma_start3A_1228 = arith.constant 64 : i32
      %dma_start3A_1229 = tpu.memref_slice %arg7[%add3A_1224, %dma_start3A_1228] : memref<80x128xi32, #tpu.memory_space<vmem>> -> memref<1x64xi32, #tpu.memory_space<vmem>>
      %dma_start3A_1230 = tpu.memref_squeeze %dma_start3A_1229 : memref<1x64xi32, #tpu.memory_space<vmem>> -> memref<64xi32, #tpu.memory_space<vmem>>
      %dma_start3A_1231 = arith.constant 0 : i32
      %dma_start3A_1232 = arith.constant 0 : i32
      %dma_start3A_1233 = tpu.memref_slice %arg2[%dma_start3A_1231, %dma_start3A_1232] : memref<20000x128xf32, #tpu.memory_space<hbm>> -> memref<20000x128xf32, #tpu.memory_space<hbm>>
      tpu.enqueue_indirect_dma source(%dma_start3A_1233 : memref<20000x128xf32, #tpu.memory_space<hbm>>) target(%dma_start3A_1227 : memref<64x128xf32, #tpu.memory_space<vmem>>) offsets(%dma_start3A_1230 : memref<64xi32, #tpu.memory_space<vmem>>) semaphore(%arg12 : memref<!tpu.dma_semaphore, #tpu.memory_space<semaphore_mem>>)
      %dma_wait3A_1234 = arith.constant 0 : i32
      %dma_wait3A_1235 = tpu.memref_slice %arg7[%add3A_1204, %dma_wait3A_1234] : memref<80x128xi32, #tpu.memory_space<vmem>> -> memref<1x128xi32, #tpu.memory_space<vmem>>
      %dma_wait3A_1236 = tpu.memref_squeeze %dma_wait3A_1235 : memref<1x128xi32, #tpu.memory_space<vmem>> -> memref<128xi32, #tpu.memory_space<vmem>>
      %dma_wait3A_1237 = arith.constant 0 : i32
      %dma_wait3A_1238 = arith.constant 0 : i32
      %dma_wait3A_1239 = tpu.memref_slice %arg2[%dma_wait3A_1237, %dma_wait3A_1238] : memref<20000x128xf32, #tpu.memory_space<hbm>> -> memref<20000x128xf32, #tpu.memory_space<hbm>>
      tpu.wait_indirect_dma semaphore(%arg13 : memref<!tpu.dma_semaphore, #tpu.memory_space<semaphore_mem>>) src(%dma_wait3A_1239 : memref<20000x128xf32, #tpu.memory_space<hbm>>) dst(%arg10 : memref<128x128xf32, #tpu.memory_space<vmem>>)
      %jit3A_1240 = arith.constant 2 : i32
      %eq3A_1241 = arith.constant 0 : i32
      %eq3A_1242 = arith.cmpi eq, %jit3A_1240, %eq3A_1241 : i32
      %jit3A_1243 = arith.constant 1 : i32
      %select_n3A_1244 = arith.select %eq3A_1242, %jit3A_1243, %jit3A_1240 : i32
      %rem3A_1245 = arith.remsi %scan3A_718, %select_n3A_1244 : i32
      %ne3A_1246 = arith.constant 0 : i32
      %ne3A_1247 = arith.cmpi ne, %rem3A_1245, %ne3A_1246 : i32
      %lt3A_1248 = arith.constant 0 : i32
      %lt3A_1249 = arith.cmpi slt, %rem3A_1245, %lt3A_1248 : i32
      %lt3A_1250 = arith.constant 0 : i32
      %lt3A_1251 = arith.cmpi slt, %select_n3A_1244, %lt3A_1250 : i32
      %ne3A_1252 = arith.xori %lt3A_1249, %lt3A_1251 : i1
      %and3A_1253 = arith.andi %ne3A_1252, %ne3A_1247 : i1
      %add3A_1254 = arith.addi %rem3A_1245, %select_n3A_1244 : i32
      %select_n3A_1255 = arith.select %and3A_1253, %add3A_1254, %rem3A_1245 : i32
      %mul3A_1256 = arith.constant 8 : i32
      %mul3A_1257 = arith.muli %select_n3A_1255, %mul3A_1256 : i32
      %add3A_1258 = arith.constant 7 : i32
      %add3A_1259 = arith.addi %mul3A_1257, %add3A_1258 : i32
      %dma_start3A_1260 = arith.constant 0 : i32
      %dma_start3A_1261 = tpu.memref_slice %arg8[%add3A_1259, %dma_start3A_1260] : memref<16x128xi32, #tpu.memory_space<vmem>> -> memref<1x128xi32, #tpu.memory_space<vmem>>
      %dma_start3A_1262 = tpu.memref_squeeze %dma_start3A_1261 : memref<1x128xi32, #tpu.memory_space<vmem>> -> memref<128xi32, #tpu.memory_space<vmem>>
      %dma_start3A_1263 = arith.constant 0 : i32
      %dma_start3A_1264 = arith.constant 0 : i32
      %dma_start3A_1265 = tpu.memref_slice %arg11[%dma_start3A_1263, %dma_start3A_1264] : memref<10016x128xf32, #tpu.memory_space<vmem_shared>> -> memref<10016x128xf32, #tpu.memory_space<vmem_shared>>
      tpu.enqueue_indirect_dma source(%arg10 : memref<128x128xf32, #tpu.memory_space<vmem>>) target(%dma_start3A_1265 : memref<10016x128xf32, #tpu.memory_space<vmem_shared>>) offsets(%dma_start3A_1262 : memref<128xi32, #tpu.memory_space<vmem>>) semaphore(%arg15 : memref<!tpu.dma_semaphore, #tpu.memory_space<semaphore_mem>>) {add = true}
      %dma_wait3A_1266 = arith.constant 0 : i32
      %dma_wait3A_1267 = arith.constant 0 : i32
      %dma_wait3A_1268 = tpu.memref_slice %arg8[%dma_wait3A_1266, %dma_wait3A_1267] : memref<16x128xi32, #tpu.memory_space<vmem>> -> memref<8x128xi32, #tpu.memory_space<vmem>>
      %dma_wait3A_1269 = arith.constant 0 : i32
      %dma_wait3A_1270 = arith.constant 0 : i32
      %dma_wait3A_1271 = tpu.memref_slice %arg4[%arg1, %dma_wait3A_1269, %dma_wait3A_1270] : memref<16x80x128xi32, #tpu.memory_space<hbm>> -> memref<1x8x128xi32, #tpu.memory_space<hbm>>
      %dma_wait3A_1272 = tpu.memref_squeeze %dma_wait3A_1271 : memref<1x8x128xi32, #tpu.memory_space<hbm>> -> memref<8x128xi32, #tpu.memory_space<hbm>>
      %dma_wait3A_1273 = arith.constant 0 : i32
      %dma_wait3A_1274 = arith.constant 0 : i32
      %dma_wait3A_1275 = tpu.memref_slice %arg8[%dma_wait3A_1273, %dma_wait3A_1274] : memref<16x128xi32, #tpu.memory_space<vmem>> -> memref<8x128xi32, #tpu.memory_space<vmem>>
      %dma_wait3A_1276 = arith.constant 0 : i32
      %dma_wait3A_1277 = arith.constant 0 : i32
      %dma_wait3A_1278 = tpu.memref_slice %arg4[%arg1, %dma_wait3A_1276, %dma_wait3A_1277] : memref<16x80x128xi32, #tpu.memory_space<hbm>> -> memref<1x8x128xi32, #tpu.memory_space<hbm>>
      %dma_wait3A_1279 = tpu.memref_squeeze %dma_wait3A_1278 : memref<1x8x128xi32, #tpu.memory_space<hbm>> -> memref<8x128xi32, #tpu.memory_space<hbm>>
      tpu.wait_dma2 semaphore(%arg16 : memref<!tpu.dma_semaphore, #tpu.memory_space<semaphore_mem>>) src(%dma_wait3A_1279 : memref<8x128xi32, #tpu.memory_space<hbm>>) dst(%dma_wait3A_1275 : memref<8x128xi32, #tpu.memory_space<vmem>>)
    }
    %scan3A_381 = arith.constant 8 : i32
    %dma_wait3A_382 = arith.constant 0 : i32
    %dma_wait3A_383 = arith.constant 0 : i32
    %dma_wait3A_384 = tpu.memref_slice %arg8[%dma_wait3A_382, %dma_wait3A_383] : memref<16x128xi32, #tpu.memory_space<vmem>> -> memref<1x128xi32, #tpu.memory_space<vmem>>
    %dma_wait3A_385 = tpu.memref_squeeze %dma_wait3A_384 : memref<1x128xi32, #tpu.memory_space<vmem>> -> memref<128xi32, #tpu.memory_space<vmem>>
    %dma_wait3A_386 = arith.constant 0 : i32
    %dma_wait3A_387 = arith.constant 0 : i32
    %dma_wait3A_388 = tpu.memref_slice %arg11[%dma_wait3A_386, %dma_wait3A_387] : memref<10016x128xf32, #tpu.memory_space<vmem_shared>> -> memref<10016x128xf32, #tpu.memory_space<vmem_shared>>
    tpu.wait_indirect_dma semaphore(%arg15 : memref<!tpu.dma_semaphore, #tpu.memory_space<semaphore_mem>>) src(%arg10 : memref<128x128xf32, #tpu.memory_space<vmem>>) dst(%dma_wait3A_388 : memref<10016x128xf32, #tpu.memory_space<vmem_shared>>)
    %dma_start3A_389 = arith.constant 73 : i32
    %dma_start3A_390 = arith.constant 0 : i32
    %dma_start3A_391 = arith.constant 0 : i32
    %dma_start3A_392 = tpu.memref_slice %arg10[%dma_start3A_390, %dma_start3A_391] : memref<128x128xf32, #tpu.memory_space<vmem>> -> memref<64x128xf32, #tpu.memory_space<vmem>>
    %dma_start3A_393 = arith.constant 0 : i32
    %dma_start3A_394 = tpu.memref_slice %arg7[%dma_start3A_389, %dma_start3A_393] : memref<80x128xi32, #tpu.memory_space<vmem>> -> memref<1x64xi32, #tpu.memory_space<vmem>>
    %dma_start3A_395 = tpu.memref_squeeze %dma_start3A_394 : memref<1x64xi32, #tpu.memory_space<vmem>> -> memref<64xi32, #tpu.memory_space<vmem>>
    %dma_start3A_396 = arith.constant 0 : i32
    %dma_start3A_397 = arith.constant 0 : i32
    %dma_start3A_398 = tpu.memref_slice %arg2[%dma_start3A_396, %dma_start3A_397] : memref<20000x128xf32, #tpu.memory_space<hbm>> -> memref<20000x128xf32, #tpu.memory_space<hbm>>
    tpu.enqueue_indirect_dma source(%dma_start3A_398 : memref<20000x128xf32, #tpu.memory_space<hbm>>) target(%dma_start3A_392 : memref<64x128xf32, #tpu.memory_space<vmem>>) offsets(%dma_start3A_395 : memref<64xi32, #tpu.memory_space<vmem>>) semaphore(%arg13 : memref<!tpu.dma_semaphore, #tpu.memory_space<semaphore_mem>>)
    %dma_start3A_399 = arith.constant 73 : i32
    %dma_start3A_400 = arith.constant 64 : i32
    %dma_start3A_401 = arith.constant 0 : i32
    %dma_start3A_402 = tpu.memref_slice %arg10[%dma_start3A_400, %dma_start3A_401] : memref<128x128xf32, #tpu.memory_space<vmem>> -> memref<64x128xf32, #tpu.memory_space<vmem>>
    %dma_start3A_403 = arith.constant 64 : i32
    %dma_start3A_404 = tpu.memref_slice %arg7[%dma_start3A_399, %dma_start3A_403] : memref<80x128xi32, #tpu.memory_space<vmem>> -> memref<1x64xi32, #tpu.memory_space<vmem>>
    %dma_start3A_405 = tpu.memref_squeeze %dma_start3A_404 : memref<1x64xi32, #tpu.memory_space<vmem>> -> memref<64xi32, #tpu.memory_space<vmem>>
    %dma_start3A_406 = arith.constant 0 : i32
    %dma_start3A_407 = arith.constant 0 : i32
    %dma_start3A_408 = tpu.memref_slice %arg2[%dma_start3A_406, %dma_start3A_407] : memref<20000x128xf32, #tpu.memory_space<hbm>> -> memref<20000x128xf32, #tpu.memory_space<hbm>>
    tpu.enqueue_indirect_dma source(%dma_start3A_408 : memref<20000x128xf32, #tpu.memory_space<hbm>>) target(%dma_start3A_402 : memref<64x128xf32, #tpu.memory_space<vmem>>) offsets(%dma_start3A_405 : memref<64xi32, #tpu.memory_space<vmem>>) semaphore(%arg13 : memref<!tpu.dma_semaphore, #tpu.memory_space<semaphore_mem>>)
    %dma_wait3A_409 = arith.constant 72 : i32
    %dma_wait3A_410 = arith.constant 0 : i32
    %dma_wait3A_411 = tpu.memref_slice %arg7[%dma_wait3A_409, %dma_wait3A_410] : memref<80x128xi32, #tpu.memory_space<vmem>> -> memref<1x128xi32, #tpu.memory_space<vmem>>
    %dma_wait3A_412 = tpu.memref_squeeze %dma_wait3A_411 : memref<1x128xi32, #tpu.memory_space<vmem>> -> memref<128xi32, #tpu.memory_space<vmem>>
    %dma_wait3A_413 = arith.constant 0 : i32
    %dma_wait3A_414 = arith.constant 0 : i32
    %dma_wait3A_415 = tpu.memref_slice %arg2[%dma_wait3A_413, %dma_wait3A_414] : memref<20000x128xf32, #tpu.memory_space<hbm>> -> memref<20000x128xf32, #tpu.memory_space<hbm>>
    tpu.wait_indirect_dma semaphore(%arg12 : memref<!tpu.dma_semaphore, #tpu.memory_space<semaphore_mem>>) src(%dma_wait3A_415 : memref<20000x128xf32, #tpu.memory_space<hbm>>) dst(%arg9 : memref<128x128xf32, #tpu.memory_space<vmem>>)
    %dma_start3A_416 = arith.constant 8 : i32
    %dma_start3A_417 = arith.constant 0 : i32
    %dma_start3A_418 = tpu.memref_slice %arg8[%dma_start3A_416, %dma_start3A_417] : memref<16x128xi32, #tpu.memory_space<vmem>> -> memref<1x128xi32, #tpu.memory_space<vmem>>
    %dma_start3A_419 = tpu.memref_squeeze %dma_start3A_418 : memref<1x128xi32, #tpu.memory_space<vmem>> -> memref<128xi32, #tpu.memory_space<vmem>>
    %dma_start3A_420 = arith.constant 0 : i32
    %dma_start3A_421 = arith.constant 0 : i32
    %dma_start3A_422 = tpu.memref_slice %arg11[%dma_start3A_420, %dma_start3A_421] : memref<10016x128xf32, #tpu.memory_space<vmem_shared>> -> memref<10016x128xf32, #tpu.memory_space<vmem_shared>>
    tpu.enqueue_indirect_dma source(%arg9 : memref<128x128xf32, #tpu.memory_space<vmem>>) target(%dma_start3A_422 : memref<10016x128xf32, #tpu.memory_space<vmem_shared>>) offsets(%dma_start3A_419 : memref<128xi32, #tpu.memory_space<vmem>>) semaphore(%arg14 : memref<!tpu.dma_semaphore, #tpu.memory_space<semaphore_mem>>) {add = true}
    %dma_wait3A_423 = arith.constant 0 : i32
    %dma_wait3A_424 = arith.constant 0 : i32
    %dma_wait3A_425 = tpu.memref_slice %arg8[%dma_wait3A_423, %dma_wait3A_424] : memref<16x128xi32, #tpu.memory_space<vmem>> -> memref<1x128xi32, #tpu.memory_space<vmem>>
    %dma_wait3A_426 = tpu.memref_squeeze %dma_wait3A_425 : memref<1x128xi32, #tpu.memory_space<vmem>> -> memref<128xi32, #tpu.memory_space<vmem>>
    %dma_wait3A_427 = arith.constant 0 : i32
    %dma_wait3A_428 = arith.constant 0 : i32
    %dma_wait3A_429 = tpu.memref_slice %arg11[%dma_wait3A_427, %dma_wait3A_428] : memref<10016x128xf32, #tpu.memory_space<vmem_shared>> -> memref<10016x128xf32, #tpu.memory_space<vmem_shared>>
    tpu.wait_indirect_dma semaphore(%arg14 : memref<!tpu.dma_semaphore, #tpu.memory_space<semaphore_mem>>) src(%arg9 : memref<128x128xf32, #tpu.memory_space<vmem>>) dst(%dma_wait3A_429 : memref<10016x128xf32, #tpu.memory_space<vmem_shared>>)
    %dma_start3A_430 = arith.constant 74 : i32
    %dma_start3A_431 = arith.constant 0 : i32
    %dma_start3A_432 = arith.constant 0 : i32
    %dma_start3A_433 = tpu.memref_slice %arg9[%dma_start3A_431, %dma_start3A_432] : memref<128x128xf32, #tpu.memory_space<vmem>> -> memref<64x128xf32, #tpu.memory_space<vmem>>
    %dma_start3A_434 = arith.constant 0 : i32
    %dma_start3A_435 = tpu.memref_slice %arg7[%dma_start3A_430, %dma_start3A_434] : memref<80x128xi32, #tpu.memory_space<vmem>> -> memref<1x64xi32, #tpu.memory_space<vmem>>
    %dma_start3A_436 = tpu.memref_squeeze %dma_start3A_435 : memref<1x64xi32, #tpu.memory_space<vmem>> -> memref<64xi32, #tpu.memory_space<vmem>>
    %dma_start3A_437 = arith.constant 0 : i32
    %dma_start3A_438 = arith.constant 0 : i32
    %dma_start3A_439 = tpu.memref_slice %arg2[%dma_start3A_437, %dma_start3A_438] : memref<20000x128xf32, #tpu.memory_space<hbm>> -> memref<20000x128xf32, #tpu.memory_space<hbm>>
    tpu.enqueue_indirect_dma source(%dma_start3A_439 : memref<20000x128xf32, #tpu.memory_space<hbm>>) target(%dma_start3A_433 : memref<64x128xf32, #tpu.memory_space<vmem>>) offsets(%dma_start3A_436 : memref<64xi32, #tpu.memory_space<vmem>>) semaphore(%arg12 : memref<!tpu.dma_semaphore, #tpu.memory_space<semaphore_mem>>)
    %dma_start3A_440 = arith.constant 74 : i32
    %dma_start3A_441 = arith.constant 64 : i32
    %dma_start3A_442 = arith.constant 0 : i32
    %dma_start3A_443 = tpu.memref_slice %arg9[%dma_start3A_441, %dma_start3A_442] : memref<128x128xf32, #tpu.memory_space<vmem>> -> memref<64x128xf32, #tpu.memory_space<vmem>>
    %dma_start3A_444 = arith.constant 64 : i32
    %dma_start3A_445 = tpu.memref_slice %arg7[%dma_start3A_440, %dma_start3A_444] : memref<80x128xi32, #tpu.memory_space<vmem>> -> memref<1x64xi32, #tpu.memory_space<vmem>>
    %dma_start3A_446 = tpu.memref_squeeze %dma_start3A_445 : memref<1x64xi32, #tpu.memory_space<vmem>> -> memref<64xi32, #tpu.memory_space<vmem>>
    %dma_start3A_447 = arith.constant 0 : i32
    %dma_start3A_448 = arith.constant 0 : i32
    %dma_start3A_449 = tpu.memref_slice %arg2[%dma_start3A_447, %dma_start3A_448] : memref<20000x128xf32, #tpu.memory_space<hbm>> -> memref<20000x128xf32, #tpu.memory_space<hbm>>
    tpu.enqueue_indirect_dma source(%dma_start3A_449 : memref<20000x128xf32, #tpu.memory_space<hbm>>) target(%dma_start3A_443 : memref<64x128xf32, #tpu.memory_space<vmem>>) offsets(%dma_start3A_446 : memref<64xi32, #tpu.memory_space<vmem>>) semaphore(%arg12 : memref<!tpu.dma_semaphore, #tpu.memory_space<semaphore_mem>>)
    %dma_wait3A_450 = arith.constant 73 : i32
    %dma_wait3A_451 = arith.constant 0 : i32
    %dma_wait3A_452 = tpu.memref_slice %arg7[%dma_wait3A_450, %dma_wait3A_451] : memref<80x128xi32, #tpu.memory_space<vmem>> -> memref<1x128xi32, #tpu.memory_space<vmem>>
    %dma_wait3A_453 = tpu.memref_squeeze %dma_wait3A_452 : memref<1x128xi32, #tpu.memory_space<vmem>> -> memref<128xi32, #tpu.memory_space<vmem>>
    %dma_wait3A_454 = arith.constant 0 : i32
    %dma_wait3A_455 = arith.constant 0 : i32
    %dma_wait3A_456 = tpu.memref_slice %arg2[%dma_wait3A_454, %dma_wait3A_455] : memref<20000x128xf32, #tpu.memory_space<hbm>> -> memref<20000x128xf32, #tpu.memory_space<hbm>>
    tpu.wait_indirect_dma semaphore(%arg13 : memref<!tpu.dma_semaphore, #tpu.memory_space<semaphore_mem>>) src(%dma_wait3A_456 : memref<20000x128xf32, #tpu.memory_space<hbm>>) dst(%arg10 : memref<128x128xf32, #tpu.memory_space<vmem>>)
    %dma_start3A_457 = arith.constant 9 : i32
    %dma_start3A_458 = arith.constant 0 : i32
    %dma_start3A_459 = tpu.memref_slice %arg8[%dma_start3A_457, %dma_start3A_458] : memref<16x128xi32, #tpu.memory_space<vmem>> -> memref<1x128xi32, #tpu.memory_space<vmem>>
    %dma_start3A_460 = tpu.memref_squeeze %dma_start3A_459 : memref<1x128xi32, #tpu.memory_space<vmem>> -> memref<128xi32, #tpu.memory_space<vmem>>
    %dma_start3A_461 = arith.constant 0 : i32
    %dma_start3A_462 = arith.constant 0 : i32
    %dma_start3A_463 = tpu.memref_slice %arg11[%dma_start3A_461, %dma_start3A_462] : memref<10016x128xf32, #tpu.memory_space<vmem_shared>> -> memref<10016x128xf32, #tpu.memory_space<vmem_shared>>
    tpu.enqueue_indirect_dma source(%arg10 : memref<128x128xf32, #tpu.memory_space<vmem>>) target(%dma_start3A_463 : memref<10016x128xf32, #tpu.memory_space<vmem_shared>>) offsets(%dma_start3A_460 : memref<128xi32, #tpu.memory_space<vmem>>) semaphore(%arg15 : memref<!tpu.dma_semaphore, #tpu.memory_space<semaphore_mem>>) {add = true}
    %dma_wait3A_464 = arith.constant 0 : i32
    %dma_wait3A_465 = arith.constant 0 : i32
    %dma_wait3A_466 = tpu.memref_slice %arg8[%dma_wait3A_464, %dma_wait3A_465] : memref<16x128xi32, #tpu.memory_space<vmem>> -> memref<1x128xi32, #tpu.memory_space<vmem>>
    %dma_wait3A_467 = tpu.memref_squeeze %dma_wait3A_466 : memref<1x128xi32, #tpu.memory_space<vmem>> -> memref<128xi32, #tpu.memory_space<vmem>>
    %dma_wait3A_468 = arith.constant 0 : i32
    %dma_wait3A_469 = arith.constant 0 : i32
    %dma_wait3A_470 = tpu.memref_slice %arg11[%dma_wait3A_468, %dma_wait3A_469] : memref<10016x128xf32, #tpu.memory_space<vmem_shared>> -> memref<10016x128xf32, #tpu.memory_space<vmem_shared>>
    tpu.wait_indirect_dma semaphore(%arg15 : memref<!tpu.dma_semaphore, #tpu.memory_space<semaphore_mem>>) src(%arg10 : memref<128x128xf32, #tpu.memory_space<vmem>>) dst(%dma_wait3A_470 : memref<10016x128xf32, #tpu.memory_space<vmem_shared>>)
    %dma_start3A_471 = arith.constant 75 : i32
    %dma_start3A_472 = arith.constant 0 : i32
    %dma_start3A_473 = arith.constant 0 : i32
    %dma_start3A_474 = tpu.memref_slice %arg10[%dma_start3A_472, %dma_start3A_473] : memref<128x128xf32, #tpu.memory_space<vmem>> -> memref<64x128xf32, #tpu.memory_space<vmem>>
    %dma_start3A_475 = arith.constant 0 : i32
    %dma_start3A_476 = tpu.memref_slice %arg7[%dma_start3A_471, %dma_start3A_475] : memref<80x128xi32, #tpu.memory_space<vmem>> -> memref<1x64xi32, #tpu.memory_space<vmem>>
    %dma_start3A_477 = tpu.memref_squeeze %dma_start3A_476 : memref<1x64xi32, #tpu.memory_space<vmem>> -> memref<64xi32, #tpu.memory_space<vmem>>
    %dma_start3A_478 = arith.constant 0 : i32
    %dma_start3A_479 = arith.constant 0 : i32
    %dma_start3A_480 = tpu.memref_slice %arg2[%dma_start3A_478, %dma_start3A_479] : memref<20000x128xf32, #tpu.memory_space<hbm>> -> memref<20000x128xf32, #tpu.memory_space<hbm>>
    tpu.enqueue_indirect_dma source(%dma_start3A_480 : memref<20000x128xf32, #tpu.memory_space<hbm>>) target(%dma_start3A_474 : memref<64x128xf32, #tpu.memory_space<vmem>>) offsets(%dma_start3A_477 : memref<64xi32, #tpu.memory_space<vmem>>) semaphore(%arg13 : memref<!tpu.dma_semaphore, #tpu.memory_space<semaphore_mem>>)
    %dma_start3A_481 = arith.constant 75 : i32
    %dma_start3A_482 = arith.constant 64 : i32
    %dma_start3A_483 = arith.constant 0 : i32
    %dma_start3A_484 = tpu.memref_slice %arg10[%dma_start3A_482, %dma_start3A_483] : memref<128x128xf32, #tpu.memory_space<vmem>> -> memref<64x128xf32, #tpu.memory_space<vmem>>
    %dma_start3A_485 = arith.constant 64 : i32
    %dma_start3A_486 = tpu.memref_slice %arg7[%dma_start3A_481, %dma_start3A_485] : memref<80x128xi32, #tpu.memory_space<vmem>> -> memref<1x64xi32, #tpu.memory_space<vmem>>
    %dma_start3A_487 = tpu.memref_squeeze %dma_start3A_486 : memref<1x64xi32, #tpu.memory_space<vmem>> -> memref<64xi32, #tpu.memory_space<vmem>>
    %dma_start3A_488 = arith.constant 0 : i32
    %dma_start3A_489 = arith.constant 0 : i32
    %dma_start3A_490 = tpu.memref_slice %arg2[%dma_start3A_488, %dma_start3A_489] : memref<20000x128xf32, #tpu.memory_space<hbm>> -> memref<20000x128xf32, #tpu.memory_space<hbm>>
    tpu.enqueue_indirect_dma source(%dma_start3A_490 : memref<20000x128xf32, #tpu.memory_space<hbm>>) target(%dma_start3A_484 : memref<64x128xf32, #tpu.memory_space<vmem>>) offsets(%dma_start3A_487 : memref<64xi32, #tpu.memory_space<vmem>>) semaphore(%arg13 : memref<!tpu.dma_semaphore, #tpu.memory_space<semaphore_mem>>)
    %dma_wait3A_491 = arith.constant 74 : i32
    %dma_wait3A_492 = arith.constant 0 : i32
    %dma_wait3A_493 = tpu.memref_slice %arg7[%dma_wait3A_491, %dma_wait3A_492] : memref<80x128xi32, #tpu.memory_space<vmem>> -> memref<1x128xi32, #tpu.memory_space<vmem>>
    %dma_wait3A_494 = tpu.memref_squeeze %dma_wait3A_493 : memref<1x128xi32, #tpu.memory_space<vmem>> -> memref<128xi32, #tpu.memory_space<vmem>>
    %dma_wait3A_495 = arith.constant 0 : i32
    %dma_wait3A_496 = arith.constant 0 : i32
    %dma_wait3A_497 = tpu.memref_slice %arg2[%dma_wait3A_495, %dma_wait3A_496] : memref<20000x128xf32, #tpu.memory_space<hbm>> -> memref<20000x128xf32, #tpu.memory_space<hbm>>
    tpu.wait_indirect_dma semaphore(%arg12 : memref<!tpu.dma_semaphore, #tpu.memory_space<semaphore_mem>>) src(%dma_wait3A_497 : memref<20000x128xf32, #tpu.memory_space<hbm>>) dst(%arg9 : memref<128x128xf32, #tpu.memory_space<vmem>>)
    %dma_start3A_498 = arith.constant 10 : i32
    %dma_start3A_499 = arith.constant 0 : i32
    %dma_start3A_500 = tpu.memref_slice %arg8[%dma_start3A_498, %dma_start3A_499] : memref<16x128xi32, #tpu.memory_space<vmem>> -> memref<1x128xi32, #tpu.memory_space<vmem>>
    %dma_start3A_501 = tpu.memref_squeeze %dma_start3A_500 : memref<1x128xi32, #tpu.memory_space<vmem>> -> memref<128xi32, #tpu.memory_space<vmem>>
    %dma_start3A_502 = arith.constant 0 : i32
    %dma_start3A_503 = arith.constant 0 : i32
    %dma_start3A_504 = tpu.memref_slice %arg11[%dma_start3A_502, %dma_start3A_503] : memref<10016x128xf32, #tpu.memory_space<vmem_shared>> -> memref<10016x128xf32, #tpu.memory_space<vmem_shared>>
    tpu.enqueue_indirect_dma source(%arg9 : memref<128x128xf32, #tpu.memory_space<vmem>>) target(%dma_start3A_504 : memref<10016x128xf32, #tpu.memory_space<vmem_shared>>) offsets(%dma_start3A_501 : memref<128xi32, #tpu.memory_space<vmem>>) semaphore(%arg14 : memref<!tpu.dma_semaphore, #tpu.memory_space<semaphore_mem>>) {add = true}
    %dma_wait3A_505 = arith.constant 0 : i32
    %dma_wait3A_506 = arith.constant 0 : i32
    %dma_wait3A_507 = tpu.memref_slice %arg8[%dma_wait3A_505, %dma_wait3A_506] : memref<16x128xi32, #tpu.memory_space<vmem>> -> memref<1x128xi32, #tpu.memory_space<vmem>>
    %dma_wait3A_508 = tpu.memref_squeeze %dma_wait3A_507 : memref<1x128xi32, #tpu.memory_space<vmem>> -> memref<128xi32, #tpu.memory_space<vmem>>
    %dma_wait3A_509 = arith.constant 0 : i32
    %dma_wait3A_510 = arith.constant 0 : i32
    %dma_wait3A_511 = tpu.memref_slice %arg11[%dma_wait3A_509, %dma_wait3A_510] : memref<10016x128xf32, #tpu.memory_space<vmem_shared>> -> memref<10016x128xf32, #tpu.memory_space<vmem_shared>>
    tpu.wait_indirect_dma semaphore(%arg14 : memref<!tpu.dma_semaphore, #tpu.memory_space<semaphore_mem>>) src(%arg9 : memref<128x128xf32, #tpu.memory_space<vmem>>) dst(%dma_wait3A_511 : memref<10016x128xf32, #tpu.memory_space<vmem_shared>>)
    %dma_start3A_512 = arith.constant 76 : i32
    %dma_start3A_513 = arith.constant 0 : i32
    %dma_start3A_514 = arith.constant 0 : i32
    %dma_start3A_515 = tpu.memref_slice %arg9[%dma_start3A_513, %dma_start3A_514] : memref<128x128xf32, #tpu.memory_space<vmem>> -> memref<64x128xf32, #tpu.memory_space<vmem>>
    %dma_start3A_516 = arith.constant 0 : i32
    %dma_start3A_517 = tpu.memref_slice %arg7[%dma_start3A_512, %dma_start3A_516] : memref<80x128xi32, #tpu.memory_space<vmem>> -> memref<1x64xi32, #tpu.memory_space<vmem>>
    %dma_start3A_518 = tpu.memref_squeeze %dma_start3A_517 : memref<1x64xi32, #tpu.memory_space<vmem>> -> memref<64xi32, #tpu.memory_space<vmem>>
    %dma_start3A_519 = arith.constant 0 : i32
    %dma_start3A_520 = arith.constant 0 : i32
    %dma_start3A_521 = tpu.memref_slice %arg2[%dma_start3A_519, %dma_start3A_520] : memref<20000x128xf32, #tpu.memory_space<hbm>> -> memref<20000x128xf32, #tpu.memory_space<hbm>>
    tpu.enqueue_indirect_dma source(%dma_start3A_521 : memref<20000x128xf32, #tpu.memory_space<hbm>>) target(%dma_start3A_515 : memref<64x128xf32, #tpu.memory_space<vmem>>) offsets(%dma_start3A_518 : memref<64xi32, #tpu.memory_space<vmem>>) semaphore(%arg12 : memref<!tpu.dma_semaphore, #tpu.memory_space<semaphore_mem>>)
    %dma_start3A_522 = arith.constant 76 : i32
    %dma_start3A_523 = arith.constant 64 : i32
    %dma_start3A_524 = arith.constant 0 : i32
    %dma_start3A_525 = tpu.memref_slice %arg9[%dma_start3A_523, %dma_start3A_524] : memref<128x128xf32, #tpu.memory_space<vmem>> -> memref<64x128xf32, #tpu.memory_space<vmem>>
    %dma_start3A_526 = arith.constant 64 : i32
    %dma_start3A_527 = tpu.memref_slice %arg7[%dma_start3A_522, %dma_start3A_526] : memref<80x128xi32, #tpu.memory_space<vmem>> -> memref<1x64xi32, #tpu.memory_space<vmem>>
    %dma_start3A_528 = tpu.memref_squeeze %dma_start3A_527 : memref<1x64xi32, #tpu.memory_space<vmem>> -> memref<64xi32, #tpu.memory_space<vmem>>
    %dma_start3A_529 = arith.constant 0 : i32
    %dma_start3A_530 = arith.constant 0 : i32
    %dma_start3A_531 = tpu.memref_slice %arg2[%dma_start3A_529, %dma_start3A_530] : memref<20000x128xf32, #tpu.memory_space<hbm>> -> memref<20000x128xf32, #tpu.memory_space<hbm>>
    tpu.enqueue_indirect_dma source(%dma_start3A_531 : memref<20000x128xf32, #tpu.memory_space<hbm>>) target(%dma_start3A_525 : memref<64x128xf32, #tpu.memory_space<vmem>>) offsets(%dma_start3A_528 : memref<64xi32, #tpu.memory_space<vmem>>) semaphore(%arg12 : memref<!tpu.dma_semaphore, #tpu.memory_space<semaphore_mem>>)
    %dma_wait3A_532 = arith.constant 75 : i32
    %dma_wait3A_533 = arith.constant 0 : i32
    %dma_wait3A_534 = tpu.memref_slice %arg7[%dma_wait3A_532, %dma_wait3A_533] : memref<80x128xi32, #tpu.memory_space<vmem>> -> memref<1x128xi32, #tpu.memory_space<vmem>>
    %dma_wait3A_535 = tpu.memref_squeeze %dma_wait3A_534 : memref<1x128xi32, #tpu.memory_space<vmem>> -> memref<128xi32, #tpu.memory_space<vmem>>
    %dma_wait3A_536 = arith.constant 0 : i32
    %dma_wait3A_537 = arith.constant 0 : i32
    %dma_wait3A_538 = tpu.memref_slice %arg2[%dma_wait3A_536, %dma_wait3A_537] : memref<20000x128xf32, #tpu.memory_space<hbm>> -> memref<20000x128xf32, #tpu.memory_space<hbm>>
    tpu.wait_indirect_dma semaphore(%arg13 : memref<!tpu.dma_semaphore, #tpu.memory_space<semaphore_mem>>) src(%dma_wait3A_538 : memref<20000x128xf32, #tpu.memory_space<hbm>>) dst(%arg10 : memref<128x128xf32, #tpu.memory_space<vmem>>)
    %dma_start3A_539 = arith.constant 11 : i32
    %dma_start3A_540 = arith.constant 0 : i32
    %dma_start3A_541 = tpu.memref_slice %arg8[%dma_start3A_539, %dma_start3A_540] : memref<16x128xi32, #tpu.memory_space<vmem>> -> memref<1x128xi32, #tpu.memory_space<vmem>>
    %dma_start3A_542 = tpu.memref_squeeze %dma_start3A_541 : memref<1x128xi32, #tpu.memory_space<vmem>> -> memref<128xi32, #tpu.memory_space<vmem>>
    %dma_start3A_543 = arith.constant 0 : i32
    %dma_start3A_544 = arith.constant 0 : i32
    %dma_start3A_545 = tpu.memref_slice %arg11[%dma_start3A_543, %dma_start3A_544] : memref<10016x128xf32, #tpu.memory_space<vmem_shared>> -> memref<10016x128xf32, #tpu.memory_space<vmem_shared>>
    tpu.enqueue_indirect_dma source(%arg10 : memref<128x128xf32, #tpu.memory_space<vmem>>) target(%dma_start3A_545 : memref<10016x128xf32, #tpu.memory_space<vmem_shared>>) offsets(%dma_start3A_542 : memref<128xi32, #tpu.memory_space<vmem>>) semaphore(%arg15 : memref<!tpu.dma_semaphore, #tpu.memory_space<semaphore_mem>>) {add = true}
    %dma_wait3A_546 = arith.constant 0 : i32
    %dma_wait3A_547 = arith.constant 0 : i32
    %dma_wait3A_548 = tpu.memref_slice %arg8[%dma_wait3A_546, %dma_wait3A_547] : memref<16x128xi32, #tpu.memory_space<vmem>> -> memref<1x128xi32, #tpu.memory_space<vmem>>
    %dma_wait3A_549 = tpu.memref_squeeze %dma_wait3A_548 : memref<1x128xi32, #tpu.memory_space<vmem>> -> memref<128xi32, #tpu.memory_space<vmem>>
    %dma_wait3A_550 = arith.constant 0 : i32
    %dma_wait3A_551 = arith.constant 0 : i32
    %dma_wait3A_552 = tpu.memref_slice %arg11[%dma_wait3A_550, %dma_wait3A_551] : memref<10016x128xf32, #tpu.memory_space<vmem_shared>> -> memref<10016x128xf32, #tpu.memory_space<vmem_shared>>
    tpu.wait_indirect_dma semaphore(%arg15 : memref<!tpu.dma_semaphore, #tpu.memory_space<semaphore_mem>>) src(%arg10 : memref<128x128xf32, #tpu.memory_space<vmem>>) dst(%dma_wait3A_552 : memref<10016x128xf32, #tpu.memory_space<vmem_shared>>)
    %dma_start3A_553 = arith.constant 77 : i32
    %dma_start3A_554 = arith.constant 0 : i32
    %dma_start3A_555 = arith.constant 0 : i32
    %dma_start3A_556 = tpu.memref_slice %arg10[%dma_start3A_554, %dma_start3A_555] : memref<128x128xf32, #tpu.memory_space<vmem>> -> memref<64x128xf32, #tpu.memory_space<vmem>>
    %dma_start3A_557 = arith.constant 0 : i32
    %dma_start3A_558 = tpu.memref_slice %arg7[%dma_start3A_553, %dma_start3A_557] : memref<80x128xi32, #tpu.memory_space<vmem>> -> memref<1x64xi32, #tpu.memory_space<vmem>>
    %dma_start3A_559 = tpu.memref_squeeze %dma_start3A_558 : memref<1x64xi32, #tpu.memory_space<vmem>> -> memref<64xi32, #tpu.memory_space<vmem>>
    %dma_start3A_560 = arith.constant 0 : i32
    %dma_start3A_561 = arith.constant 0 : i32
    %dma_start3A_562 = tpu.memref_slice %arg2[%dma_start3A_560, %dma_start3A_561] : memref<20000x128xf32, #tpu.memory_space<hbm>> -> memref<20000x128xf32, #tpu.memory_space<hbm>>
    tpu.enqueue_indirect_dma source(%dma_start3A_562 : memref<20000x128xf32, #tpu.memory_space<hbm>>) target(%dma_start3A_556 : memref<64x128xf32, #tpu.memory_space<vmem>>) offsets(%dma_start3A_559 : memref<64xi32, #tpu.memory_space<vmem>>) semaphore(%arg13 : memref<!tpu.dma_semaphore, #tpu.memory_space<semaphore_mem>>)
    %dma_start3A_563 = arith.constant 77 : i32
    %dma_start3A_564 = arith.constant 64 : i32
    %dma_start3A_565 = arith.constant 0 : i32
    %dma_start3A_566 = tpu.memref_slice %arg10[%dma_start3A_564, %dma_start3A_565] : memref<128x128xf32, #tpu.memory_space<vmem>> -> memref<64x128xf32, #tpu.memory_space<vmem>>
    %dma_start3A_567 = arith.constant 64 : i32
    %dma_start3A_568 = tpu.memref_slice %arg7[%dma_start3A_563, %dma_start3A_567] : memref<80x128xi32, #tpu.memory_space<vmem>> -> memref<1x64xi32, #tpu.memory_space<vmem>>
    %dma_start3A_569 = tpu.memref_squeeze %dma_start3A_568 : memref<1x64xi32, #tpu.memory_space<vmem>> -> memref<64xi32, #tpu.memory_space<vmem>>
    %dma_start3A_570 = arith.constant 0 : i32
    %dma_start3A_571 = arith.constant 0 : i32
    %dma_start3A_572 = tpu.memref_slice %arg2[%dma_start3A_570, %dma_start3A_571] : memref<20000x128xf32, #tpu.memory_space<hbm>> -> memref<20000x128xf32, #tpu.memory_space<hbm>>
    tpu.enqueue_indirect_dma source(%dma_start3A_572 : memref<20000x128xf32, #tpu.memory_space<hbm>>) target(%dma_start3A_566 : memref<64x128xf32, #tpu.memory_space<vmem>>) offsets(%dma_start3A_569 : memref<64xi32, #tpu.memory_space<vmem>>) semaphore(%arg13 : memref<!tpu.dma_semaphore, #tpu.memory_space<semaphore_mem>>)
    %dma_wait3A_573 = arith.constant 76 : i32
    %dma_wait3A_574 = arith.constant 0 : i32
    %dma_wait3A_575 = tpu.memref_slice %arg7[%dma_wait3A_573, %dma_wait3A_574] : memref<80x128xi32, #tpu.memory_space<vmem>> -> memref<1x128xi32, #tpu.memory_space<vmem>>
    %dma_wait3A_576 = tpu.memref_squeeze %dma_wait3A_575 : memref<1x128xi32, #tpu.memory_space<vmem>> -> memref<128xi32, #tpu.memory_space<vmem>>
    %dma_wait3A_577 = arith.constant 0 : i32
    %dma_wait3A_578 = arith.constant 0 : i32
    %dma_wait3A_579 = tpu.memref_slice %arg2[%dma_wait3A_577, %dma_wait3A_578] : memref<20000x128xf32, #tpu.memory_space<hbm>> -> memref<20000x128xf32, #tpu.memory_space<hbm>>
    tpu.wait_indirect_dma semaphore(%arg12 : memref<!tpu.dma_semaphore, #tpu.memory_space<semaphore_mem>>) src(%dma_wait3A_579 : memref<20000x128xf32, #tpu.memory_space<hbm>>) dst(%arg9 : memref<128x128xf32, #tpu.memory_space<vmem>>)
    %dma_start3A_580 = arith.constant 12 : i32
    %dma_start3A_581 = arith.constant 0 : i32
    %dma_start3A_582 = tpu.memref_slice %arg8[%dma_start3A_580, %dma_start3A_581] : memref<16x128xi32, #tpu.memory_space<vmem>> -> memref<1x128xi32, #tpu.memory_space<vmem>>
    %dma_start3A_583 = tpu.memref_squeeze %dma_start3A_582 : memref<1x128xi32, #tpu.memory_space<vmem>> -> memref<128xi32, #tpu.memory_space<vmem>>
    %dma_start3A_584 = arith.constant 0 : i32
    %dma_start3A_585 = arith.constant 0 : i32
    %dma_start3A_586 = tpu.memref_slice %arg11[%dma_start3A_584, %dma_start3A_585] : memref<10016x128xf32, #tpu.memory_space<vmem_shared>> -> memref<10016x128xf32, #tpu.memory_space<vmem_shared>>
    tpu.enqueue_indirect_dma source(%arg9 : memref<128x128xf32, #tpu.memory_space<vmem>>) target(%dma_start3A_586 : memref<10016x128xf32, #tpu.memory_space<vmem_shared>>) offsets(%dma_start3A_583 : memref<128xi32, #tpu.memory_space<vmem>>) semaphore(%arg14 : memref<!tpu.dma_semaphore, #tpu.memory_space<semaphore_mem>>) {add = true}
    %dma_wait3A_587 = arith.constant 0 : i32
    %dma_wait3A_588 = arith.constant 0 : i32
    %dma_wait3A_589 = tpu.memref_slice %arg8[%dma_wait3A_587, %dma_wait3A_588] : memref<16x128xi32, #tpu.memory_space<vmem>> -> memref<1x128xi32, #tpu.memory_space<vmem>>
    %dma_wait3A_590 = tpu.memref_squeeze %dma_wait3A_589 : memref<1x128xi32, #tpu.memory_space<vmem>> -> memref<128xi32, #tpu.memory_space<vmem>>
    %dma_wait3A_591 = arith.constant 0 : i32
    %dma_wait3A_592 = arith.constant 0 : i32
    %dma_wait3A_593 = tpu.memref_slice %arg11[%dma_wait3A_591, %dma_wait3A_592] : memref<10016x128xf32, #tpu.memory_space<vmem_shared>> -> memref<10016x128xf32, #tpu.memory_space<vmem_shared>>
    tpu.wait_indirect_dma semaphore(%arg14 : memref<!tpu.dma_semaphore, #tpu.memory_space<semaphore_mem>>) src(%arg9 : memref<128x128xf32, #tpu.memory_space<vmem>>) dst(%dma_wait3A_593 : memref<10016x128xf32, #tpu.memory_space<vmem_shared>>)
    %dma_start3A_594 = arith.constant 78 : i32
    %dma_start3A_595 = arith.constant 0 : i32
    %dma_start3A_596 = arith.constant 0 : i32
    %dma_start3A_597 = tpu.memref_slice %arg9[%dma_start3A_595, %dma_start3A_596] : memref<128x128xf32, #tpu.memory_space<vmem>> -> memref<64x128xf32, #tpu.memory_space<vmem>>
    %dma_start3A_598 = arith.constant 0 : i32
    %dma_start3A_599 = tpu.memref_slice %arg7[%dma_start3A_594, %dma_start3A_598] : memref<80x128xi32, #tpu.memory_space<vmem>> -> memref<1x64xi32, #tpu.memory_space<vmem>>
    %dma_start3A_600 = tpu.memref_squeeze %dma_start3A_599 : memref<1x64xi32, #tpu.memory_space<vmem>> -> memref<64xi32, #tpu.memory_space<vmem>>
    %dma_start3A_601 = arith.constant 0 : i32
    %dma_start3A_602 = arith.constant 0 : i32
    %dma_start3A_603 = tpu.memref_slice %arg2[%dma_start3A_601, %dma_start3A_602] : memref<20000x128xf32, #tpu.memory_space<hbm>> -> memref<20000x128xf32, #tpu.memory_space<hbm>>
    tpu.enqueue_indirect_dma source(%dma_start3A_603 : memref<20000x128xf32, #tpu.memory_space<hbm>>) target(%dma_start3A_597 : memref<64x128xf32, #tpu.memory_space<vmem>>) offsets(%dma_start3A_600 : memref<64xi32, #tpu.memory_space<vmem>>) semaphore(%arg12 : memref<!tpu.dma_semaphore, #tpu.memory_space<semaphore_mem>>)
    %dma_start3A_604 = arith.constant 78 : i32
    %dma_start3A_605 = arith.constant 64 : i32
    %dma_start3A_606 = arith.constant 0 : i32
    %dma_start3A_607 = tpu.memref_slice %arg9[%dma_start3A_605, %dma_start3A_606] : memref<128x128xf32, #tpu.memory_space<vmem>> -> memref<64x128xf32, #tpu.memory_space<vmem>>
    %dma_start3A_608 = arith.constant 64 : i32
    %dma_start3A_609 = tpu.memref_slice %arg7[%dma_start3A_604, %dma_start3A_608] : memref<80x128xi32, #tpu.memory_space<vmem>> -> memref<1x64xi32, #tpu.memory_space<vmem>>
    %dma_start3A_610 = tpu.memref_squeeze %dma_start3A_609 : memref<1x64xi32, #tpu.memory_space<vmem>> -> memref<64xi32, #tpu.memory_space<vmem>>
    %dma_start3A_611 = arith.constant 0 : i32
    %dma_start3A_612 = arith.constant 0 : i32
    %dma_start3A_613 = tpu.memref_slice %arg2[%dma_start3A_611, %dma_start3A_612] : memref<20000x128xf32, #tpu.memory_space<hbm>> -> memref<20000x128xf32, #tpu.memory_space<hbm>>
    tpu.enqueue_indirect_dma source(%dma_start3A_613 : memref<20000x128xf32, #tpu.memory_space<hbm>>) target(%dma_start3A_607 : memref<64x128xf32, #tpu.memory_space<vmem>>) offsets(%dma_start3A_610 : memref<64xi32, #tpu.memory_space<vmem>>) semaphore(%arg12 : memref<!tpu.dma_semaphore, #tpu.memory_space<semaphore_mem>>)
    %dma_wait3A_614 = arith.constant 77 : i32
    %dma_wait3A_615 = arith.constant 0 : i32
    %dma_wait3A_616 = tpu.memref_slice %arg7[%dma_wait3A_614, %dma_wait3A_615] : memref<80x128xi32, #tpu.memory_space<vmem>> -> memref<1x128xi32, #tpu.memory_space<vmem>>
    %dma_wait3A_617 = tpu.memref_squeeze %dma_wait3A_616 : memref<1x128xi32, #tpu.memory_space<vmem>> -> memref<128xi32, #tpu.memory_space<vmem>>
    %dma_wait3A_618 = arith.constant 0 : i32
    %dma_wait3A_619 = arith.constant 0 : i32
    %dma_wait3A_620 = tpu.memref_slice %arg2[%dma_wait3A_618, %dma_wait3A_619] : memref<20000x128xf32, #tpu.memory_space<hbm>> -> memref<20000x128xf32, #tpu.memory_space<hbm>>
    tpu.wait_indirect_dma semaphore(%arg13 : memref<!tpu.dma_semaphore, #tpu.memory_space<semaphore_mem>>) src(%dma_wait3A_620 : memref<20000x128xf32, #tpu.memory_space<hbm>>) dst(%arg10 : memref<128x128xf32, #tpu.memory_space<vmem>>)
    %dma_start3A_621 = arith.constant 13 : i32
    %dma_start3A_622 = arith.constant 0 : i32
    %dma_start3A_623 = tpu.memref_slice %arg8[%dma_start3A_621, %dma_start3A_622] : memref<16x128xi32, #tpu.memory_space<vmem>> -> memref<1x128xi32, #tpu.memory_space<vmem>>
    %dma_start3A_624 = tpu.memref_squeeze %dma_start3A_623 : memref<1x128xi32, #tpu.memory_space<vmem>> -> memref<128xi32, #tpu.memory_space<vmem>>
    %dma_start3A_625 = arith.constant 0 : i32
    %dma_start3A_626 = arith.constant 0 : i32
    %dma_start3A_627 = tpu.memref_slice %arg11[%dma_start3A_625, %dma_start3A_626] : memref<10016x128xf32, #tpu.memory_space<vmem_shared>> -> memref<10016x128xf32, #tpu.memory_space<vmem_shared>>
    tpu.enqueue_indirect_dma source(%arg10 : memref<128x128xf32, #tpu.memory_space<vmem>>) target(%dma_start3A_627 : memref<10016x128xf32, #tpu.memory_space<vmem_shared>>) offsets(%dma_start3A_624 : memref<128xi32, #tpu.memory_space<vmem>>) semaphore(%arg15 : memref<!tpu.dma_semaphore, #tpu.memory_space<semaphore_mem>>) {add = true}
    %dma_wait3A_628 = arith.constant 0 : i32
    %dma_wait3A_629 = arith.constant 0 : i32
    %dma_wait3A_630 = tpu.memref_slice %arg8[%dma_wait3A_628, %dma_wait3A_629] : memref<16x128xi32, #tpu.memory_space<vmem>> -> memref<1x128xi32, #tpu.memory_space<vmem>>
    %dma_wait3A_631 = tpu.memref_squeeze %dma_wait3A_630 : memref<1x128xi32, #tpu.memory_space<vmem>> -> memref<128xi32, #tpu.memory_space<vmem>>
    %dma_wait3A_632 = arith.constant 0 : i32
    %dma_wait3A_633 = arith.constant 0 : i32
    %dma_wait3A_634 = tpu.memref_slice %arg11[%dma_wait3A_632, %dma_wait3A_633] : memref<10016x128xf32, #tpu.memory_space<vmem_shared>> -> memref<10016x128xf32, #tpu.memory_space<vmem_shared>>
    tpu.wait_indirect_dma semaphore(%arg15 : memref<!tpu.dma_semaphore, #tpu.memory_space<semaphore_mem>>) src(%arg10 : memref<128x128xf32, #tpu.memory_space<vmem>>) dst(%dma_wait3A_634 : memref<10016x128xf32, #tpu.memory_space<vmem_shared>>)
    %dma_start3A_635 = arith.constant 79 : i32
    %dma_start3A_636 = arith.constant 0 : i32
    %dma_start3A_637 = arith.constant 0 : i32
    %dma_start3A_638 = tpu.memref_slice %arg10[%dma_start3A_636, %dma_start3A_637] : memref<128x128xf32, #tpu.memory_space<vmem>> -> memref<64x128xf32, #tpu.memory_space<vmem>>
    %dma_start3A_639 = arith.constant 0 : i32
    %dma_start3A_640 = tpu.memref_slice %arg7[%dma_start3A_635, %dma_start3A_639] : memref<80x128xi32, #tpu.memory_space<vmem>> -> memref<1x64xi32, #tpu.memory_space<vmem>>
    %dma_start3A_641 = tpu.memref_squeeze %dma_start3A_640 : memref<1x64xi32, #tpu.memory_space<vmem>> -> memref<64xi32, #tpu.memory_space<vmem>>
    %dma_start3A_642 = arith.constant 0 : i32
    %dma_start3A_643 = arith.constant 0 : i32
    %dma_start3A_644 = tpu.memref_slice %arg2[%dma_start3A_642, %dma_start3A_643] : memref<20000x128xf32, #tpu.memory_space<hbm>> -> memref<20000x128xf32, #tpu.memory_space<hbm>>
    tpu.enqueue_indirect_dma source(%dma_start3A_644 : memref<20000x128xf32, #tpu.memory_space<hbm>>) target(%dma_start3A_638 : memref<64x128xf32, #tpu.memory_space<vmem>>) offsets(%dma_start3A_641 : memref<64xi32, #tpu.memory_space<vmem>>) semaphore(%arg13 : memref<!tpu.dma_semaphore, #tpu.memory_space<semaphore_mem>>)
    %dma_start3A_645 = arith.constant 79 : i32
    %dma_start3A_646 = arith.constant 64 : i32
    %dma_start3A_647 = arith.constant 0 : i32
    %dma_start3A_648 = tpu.memref_slice %arg10[%dma_start3A_646, %dma_start3A_647] : memref<128x128xf32, #tpu.memory_space<vmem>> -> memref<64x128xf32, #tpu.memory_space<vmem>>
    %dma_start3A_649 = arith.constant 64 : i32
    %dma_start3A_650 = tpu.memref_slice %arg7[%dma_start3A_645, %dma_start3A_649] : memref<80x128xi32, #tpu.memory_space<vmem>> -> memref<1x64xi32, #tpu.memory_space<vmem>>
    %dma_start3A_651 = tpu.memref_squeeze %dma_start3A_650 : memref<1x64xi32, #tpu.memory_space<vmem>> -> memref<64xi32, #tpu.memory_space<vmem>>
    %dma_start3A_652 = arith.constant 0 : i32
    %dma_start3A_653 = arith.constant 0 : i32
    %dma_start3A_654 = tpu.memref_slice %arg2[%dma_start3A_652, %dma_start3A_653] : memref<20000x128xf32, #tpu.memory_space<hbm>> -> memref<20000x128xf32, #tpu.memory_space<hbm>>
    tpu.enqueue_indirect_dma source(%dma_start3A_654 : memref<20000x128xf32, #tpu.memory_space<hbm>>) target(%dma_start3A_648 : memref<64x128xf32, #tpu.memory_space<vmem>>) offsets(%dma_start3A_651 : memref<64xi32, #tpu.memory_space<vmem>>) semaphore(%arg13 : memref<!tpu.dma_semaphore, #tpu.memory_space<semaphore_mem>>)
    %dma_wait3A_655 = arith.constant 78 : i32
    %dma_wait3A_656 = arith.constant 0 : i32
    %dma_wait3A_657 = tpu.memref_slice %arg7[%dma_wait3A_655, %dma_wait3A_656] : memref<80x128xi32, #tpu.memory_space<vmem>> -> memref<1x128xi32, #tpu.memory_space<vmem>>
    %dma_wait3A_658 = tpu.memref_squeeze %dma_wait3A_657 : memref<1x128xi32, #tpu.memory_space<vmem>> -> memref<128xi32, #tpu.memory_space<vmem>>
    %dma_wait3A_659 = arith.constant 0 : i32
    %dma_wait3A_660 = arith.constant 0 : i32
    %dma_wait3A_661 = tpu.memref_slice %arg2[%dma_wait3A_659, %dma_wait3A_660] : memref<20000x128xf32, #tpu.memory_space<hbm>> -> memref<20000x128xf32, #tpu.memory_space<hbm>>
    tpu.wait_indirect_dma semaphore(%arg12 : memref<!tpu.dma_semaphore, #tpu.memory_space<semaphore_mem>>) src(%dma_wait3A_661 : memref<20000x128xf32, #tpu.memory_space<hbm>>) dst(%arg9 : memref<128x128xf32, #tpu.memory_space<vmem>>)
    %dma_start3A_662 = arith.constant 14 : i32
    %dma_start3A_663 = arith.constant 0 : i32
    %dma_start3A_664 = tpu.memref_slice %arg8[%dma_start3A_662, %dma_start3A_663] : memref<16x128xi32, #tpu.memory_space<vmem>> -> memref<1x128xi32, #tpu.memory_space<vmem>>
    %dma_start3A_665 = tpu.memref_squeeze %dma_start3A_664 : memref<1x128xi32, #tpu.memory_space<vmem>> -> memref<128xi32, #tpu.memory_space<vmem>>
    %dma_start3A_666 = arith.constant 0 : i32
    %dma_start3A_667 = arith.constant 0 : i32
    %dma_start3A_668 = tpu.memref_slice %arg11[%dma_start3A_666, %dma_start3A_667] : memref<10016x128xf32, #tpu.memory_space<vmem_shared>> -> memref<10016x128xf32, #tpu.memory_space<vmem_shared>>
    tpu.enqueue_indirect_dma source(%arg9 : memref<128x128xf32, #tpu.memory_space<vmem>>) target(%dma_start3A_668 : memref<10016x128xf32, #tpu.memory_space<vmem_shared>>) offsets(%dma_start3A_665 : memref<128xi32, #tpu.memory_space<vmem>>) semaphore(%arg14 : memref<!tpu.dma_semaphore, #tpu.memory_space<semaphore_mem>>) {add = true}
    %dma_wait3A_669 = arith.constant 0 : i32
    %dma_wait3A_670 = arith.constant 0 : i32
    %dma_wait3A_671 = tpu.memref_slice %arg8[%dma_wait3A_669, %dma_wait3A_670] : memref<16x128xi32, #tpu.memory_space<vmem>> -> memref<1x128xi32, #tpu.memory_space<vmem>>
    %dma_wait3A_672 = tpu.memref_squeeze %dma_wait3A_671 : memref<1x128xi32, #tpu.memory_space<vmem>> -> memref<128xi32, #tpu.memory_space<vmem>>
    %dma_wait3A_673 = arith.constant 0 : i32
    %dma_wait3A_674 = arith.constant 0 : i32
    %dma_wait3A_675 = tpu.memref_slice %arg11[%dma_wait3A_673, %dma_wait3A_674] : memref<10016x128xf32, #tpu.memory_space<vmem_shared>> -> memref<10016x128xf32, #tpu.memory_space<vmem_shared>>
    tpu.wait_indirect_dma semaphore(%arg14 : memref<!tpu.dma_semaphore, #tpu.memory_space<semaphore_mem>>) src(%arg9 : memref<128x128xf32, #tpu.memory_space<vmem>>) dst(%dma_wait3A_675 : memref<10016x128xf32, #tpu.memory_space<vmem_shared>>)
    %dma_wait3A_676 = arith.constant 79 : i32
    %dma_wait3A_677 = arith.constant 0 : i32
    %dma_wait3A_678 = tpu.memref_slice %arg7[%dma_wait3A_676, %dma_wait3A_677] : memref<80x128xi32, #tpu.memory_space<vmem>> -> memref<1x128xi32, #tpu.memory_space<vmem>>
    %dma_wait3A_679 = tpu.memref_squeeze %dma_wait3A_678 : memref<1x128xi32, #tpu.memory_space<vmem>> -> memref<128xi32, #tpu.memory_space<vmem>>
    %dma_wait3A_680 = arith.constant 0 : i32
    %dma_wait3A_681 = arith.constant 0 : i32
    %dma_wait3A_682 = tpu.memref_slice %arg2[%dma_wait3A_680, %dma_wait3A_681] : memref<20000x128xf32, #tpu.memory_space<hbm>> -> memref<20000x128xf32, #tpu.memory_space<hbm>>
    tpu.wait_indirect_dma semaphore(%arg13 : memref<!tpu.dma_semaphore, #tpu.memory_space<semaphore_mem>>) src(%dma_wait3A_682 : memref<20000x128xf32, #tpu.memory_space<hbm>>) dst(%arg10 : memref<128x128xf32, #tpu.memory_space<vmem>>)
    %dma_start3A_683 = arith.constant 15 : i32
    %dma_start3A_684 = arith.constant 0 : i32
    %dma_start3A_685 = tpu.memref_slice %arg8[%dma_start3A_683, %dma_start3A_684] : memref<16x128xi32, #tpu.memory_space<vmem>> -> memref<1x128xi32, #tpu.memory_space<vmem>>
    %dma_start3A_686 = tpu.memref_squeeze %dma_start3A_685 : memref<1x128xi32, #tpu.memory_space<vmem>> -> memref<128xi32, #tpu.memory_space<vmem>>
    %dma_start3A_687 = arith.constant 0 : i32
    %dma_start3A_688 = arith.constant 0 : i32
    %dma_start3A_689 = tpu.memref_slice %arg11[%dma_start3A_687, %dma_start3A_688] : memref<10016x128xf32, #tpu.memory_space<vmem_shared>> -> memref<10016x128xf32, #tpu.memory_space<vmem_shared>>
    tpu.enqueue_indirect_dma source(%arg10 : memref<128x128xf32, #tpu.memory_space<vmem>>) target(%dma_start3A_689 : memref<10016x128xf32, #tpu.memory_space<vmem_shared>>) offsets(%dma_start3A_686 : memref<128xi32, #tpu.memory_space<vmem>>) semaphore(%arg15 : memref<!tpu.dma_semaphore, #tpu.memory_space<semaphore_mem>>) {add = true}
    %dma_wait3A_690 = arith.constant 0 : i32
    %dma_wait3A_691 = arith.constant 0 : i32
    %dma_wait3A_692 = tpu.memref_slice %arg8[%dma_wait3A_690, %dma_wait3A_691] : memref<16x128xi32, #tpu.memory_space<vmem>> -> memref<1x128xi32, #tpu.memory_space<vmem>>
    %dma_wait3A_693 = tpu.memref_squeeze %dma_wait3A_692 : memref<1x128xi32, #tpu.memory_space<vmem>> -> memref<128xi32, #tpu.memory_space<vmem>>
    %dma_wait3A_694 = arith.constant 0 : i32
    %dma_wait3A_695 = arith.constant 0 : i32
    %dma_wait3A_696 = tpu.memref_slice %arg11[%dma_wait3A_694, %dma_wait3A_695] : memref<10016x128xf32, #tpu.memory_space<vmem_shared>> -> memref<10016x128xf32, #tpu.memory_space<vmem_shared>>
    tpu.wait_indirect_dma semaphore(%arg15 : memref<!tpu.dma_semaphore, #tpu.memory_space<semaphore_mem>>) src(%arg10 : memref<128x128xf32, #tpu.memory_space<vmem>>) dst(%dma_wait3A_696 : memref<10016x128xf32, #tpu.memory_space<vmem_shared>>)
    %barrier3A_697 = arith.constant 0 : index
    tpu.barrier barrier_id(%barrier3A_697)
    %add3A_698 = arith.constant 0 : i32
    %add3A_699 = arith.addi %mul3A_0, %add3A_698 : i32
    %add3A_700 = arith.constant 0 : i32
    %add3A_701 = arith.addi %mul3A_0, %add3A_700 : i32
    "tpu.region"() ({
      %run_scoped3A = tpu.sem_alloc : memref<!tpu.dma_semaphore, #tpu.memory_space<semaphore_mem>>
      %dma_start3A_718 = arith.constant 0 : i32
      %dma_start3A_719 = tpu.memref_slice %arg6[%arg0, %add3A_701, %dma_start3A_718] : memref<2x10000x128xf32, #tpu.memory_space<hbm>> -> memref<1x128x128xf32, #tpu.memory_space<hbm>>
      %dma_start3A_720 = tpu.memref_squeeze %dma_start3A_719 : memref<1x128x128xf32, #tpu.memory_space<hbm>> -> memref<128x128xf32, #tpu.memory_space<hbm>>
      %dma_start3A_721 = arith.constant 0 : i32
      %dma_start3A_722 = tpu.memref_slice %arg11[%add3A_699, %dma_start3A_721] : memref<10016x128xf32, #tpu.memory_space<vmem_shared>> -> memref<128x128xf32, #tpu.memory_space<vmem_shared>>
      tpu.enqueue_dma source(%dma_start3A_722 : memref<128x128xf32, #tpu.memory_space<vmem_shared>>) target(%dma_start3A_720 : memref<128x128xf32, #tpu.memory_space<hbm>>) target_semaphore(%run_scoped3A : memref<!tpu.dma_semaphore, #tpu.memory_space<semaphore_mem>>)
      %dma_wait3A_723 = arith.constant 0 : i32
      %dma_wait3A_724 = tpu.memref_slice %arg6[%arg0, %add3A_701, %dma_wait3A_723] : memref<2x10000x128xf32, #tpu.memory_space<hbm>> -> memref<1x128x128xf32, #tpu.memory_space<hbm>>
      %dma_wait3A_725 = tpu.memref_squeeze %dma_wait3A_724 : memref<1x128x128xf32, #tpu.memory_space<hbm>> -> memref<128x128xf32, #tpu.memory_space<hbm>>
      %dma_wait3A_726 = arith.constant 0 : i32
      %dma_wait3A_727 = tpu.memref_slice %arg11[%add3A_699, %dma_wait3A_726] : memref<10016x128xf32, #tpu.memory_space<vmem_shared>> -> memref<128x128xf32, #tpu.memory_space<vmem_shared>>
      tpu.wait_dma2 semaphore(%run_scoped3A : memref<!tpu.dma_semaphore, #tpu.memory_space<semaphore_mem>>) src(%dma_wait3A_727 : memref<128x128xf32, #tpu.memory_space<vmem_shared>>) dst(%dma_wait3A_725 : memref<128x128xf32, #tpu.memory_space<hbm>>)
      tpu.yield
    }) : () -> ()
    %add3A_702 = arith.constant 128 : i32
    %add3A_703 = arith.addi %mul3A_0, %add3A_702 : i32
    %add3A_704 = arith.constant 128 : i32
    %add3A_705 = arith.addi %mul3A_0, %add3A_704 : i32
    "tpu.region"() ({
      %run_scoped3A = tpu.sem_alloc : memref<!tpu.dma_semaphore, #tpu.memory_space<semaphore_mem>>
      %dma_start3A_718 = arith.constant 0 : i32
      %dma_start3A_719 = tpu.memref_slice %arg6[%arg0, %add3A_705, %dma_start3A_718] : memref<2x10000x128xf32, #tpu.memory_space<hbm>> -> memref<1x128x128xf32, #tpu.memory_space<hbm>>
      %dma_start3A_720 = tpu.memref_squeeze %dma_start3A_719 : memref<1x128x128xf32, #tpu.memory_space<hbm>> -> memref<128x128xf32, #tpu.memory_space<hbm>>
      %dma_start3A_721 = arith.constant 0 : i32
      %dma_start3A_722 = tpu.memref_slice %arg11[%add3A_703, %dma_start3A_721] : memref<10016x128xf32, #tpu.memory_space<vmem_shared>> -> memref<128x128xf32, #tpu.memory_space<vmem_shared>>
      tpu.enqueue_dma source(%dma_start3A_722 : memref<128x128xf32, #tpu.memory_space<vmem_shared>>) target(%dma_start3A_720 : memref<128x128xf32, #tpu.memory_space<hbm>>) target_semaphore(%run_scoped3A : memref<!tpu.dma_semaphore, #tpu.memory_space<semaphore_mem>>)
      %dma_wait3A_723 = arith.constant 0 : i32
      %dma_wait3A_724 = tpu.memref_slice %arg6[%arg0, %add3A_705, %dma_wait3A_723] : memref<2x10000x128xf32, #tpu.memory_space<hbm>> -> memref<1x128x128xf32, #tpu.memory_space<hbm>>
      %dma_wait3A_725 = tpu.memref_squeeze %dma_wait3A_724 : memref<1x128x128xf32, #tpu.memory_space<hbm>> -> memref<128x128xf32, #tpu.memory_space<hbm>>
      %dma_wait3A_726 = arith.constant 0 : i32
      %dma_wait3A_727 = tpu.memref_slice %arg11[%add3A_703, %dma_wait3A_726] : memref<10016x128xf32, #tpu.memory_space<vmem_shared>> -> memref<128x128xf32, #tpu.memory_space<vmem_shared>>
      tpu.wait_dma2 semaphore(%run_scoped3A : memref<!tpu.dma_semaphore, #tpu.memory_space<semaphore_mem>>) src(%dma_wait3A_727 : memref<128x128xf32, #tpu.memory_space<vmem_shared>>) dst(%dma_wait3A_725 : memref<128x128xf32, #tpu.memory_space<hbm>>)
      tpu.yield
    }) : () -> ()
    %add3A_706 = arith.constant 256 : i32
    %add3A_707 = arith.addi %mul3A_0, %add3A_706 : i32
    %add3A_708 = arith.constant 256 : i32
    %add3A_709 = arith.addi %mul3A_0, %add3A_708 : i32
    "tpu.region"() ({
      %run_scoped3A = tpu.sem_alloc : memref<!tpu.dma_semaphore, #tpu.memory_space<semaphore_mem>>
      %dma_start3A_718 = arith.constant 0 : i32
      %dma_start3A_719 = tpu.memref_slice %arg6[%arg0, %add3A_709, %dma_start3A_718] : memref<2x10000x128xf32, #tpu.memory_space<hbm>> -> memref<1x128x128xf32, #tpu.memory_space<hbm>>
      %dma_start3A_720 = tpu.memref_squeeze %dma_start3A_719 : memref<1x128x128xf32, #tpu.memory_space<hbm>> -> memref<128x128xf32, #tpu.memory_space<hbm>>
      %dma_start3A_721 = arith.constant 0 : i32
      %dma_start3A_722 = tpu.memref_slice %arg11[%add3A_707, %dma_start3A_721] : memref<10016x128xf32, #tpu.memory_space<vmem_shared>> -> memref<128x128xf32, #tpu.memory_space<vmem_shared>>
      tpu.enqueue_dma source(%dma_start3A_722 : memref<128x128xf32, #tpu.memory_space<vmem_shared>>) target(%dma_start3A_720 : memref<128x128xf32, #tpu.memory_space<hbm>>) target_semaphore(%run_scoped3A : memref<!tpu.dma_semaphore, #tpu.memory_space<semaphore_mem>>)
      %dma_wait3A_723 = arith.constant 0 : i32
      %dma_wait3A_724 = tpu.memref_slice %arg6[%arg0, %add3A_709, %dma_wait3A_723] : memref<2x10000x128xf32, #tpu.memory_space<hbm>> -> memref<1x128x128xf32, #tpu.memory_space<hbm>>
      %dma_wait3A_725 = tpu.memref_squeeze %dma_wait3A_724 : memref<1x128x128xf32, #tpu.memory_space<hbm>> -> memref<128x128xf32, #tpu.memory_space<hbm>>
      %dma_wait3A_726 = arith.constant 0 : i32
      %dma_wait3A_727 = tpu.memref_slice %arg11[%add3A_707, %dma_wait3A_726] : memref<10016x128xf32, #tpu.memory_space<vmem_shared>> -> memref<128x128xf32, #tpu.memory_space<vmem_shared>>
      tpu.wait_dma2 semaphore(%run_scoped3A : memref<!tpu.dma_semaphore, #tpu.memory_space<semaphore_mem>>) src(%dma_wait3A_727 : memref<128x128xf32, #tpu.memory_space<vmem_shared>>) dst(%dma_wait3A_725 : memref<128x128xf32, #tpu.memory_space<hbm>>)
      tpu.yield
    }) : () -> ()
    %add3A_710 = arith.constant 384 : i32
    %add3A_711 = arith.addi %mul3A_0, %add3A_710 : i32
    %add3A_712 = arith.constant 384 : i32
    %add3A_713 = arith.addi %mul3A_0, %add3A_712 : i32
    "tpu.region"() ({
      %run_scoped3A = tpu.sem_alloc : memref<!tpu.dma_semaphore, #tpu.memory_space<semaphore_mem>>
      %dma_start3A_718 = arith.constant 0 : i32
      %dma_start3A_719 = tpu.memref_slice %arg6[%arg0, %add3A_713, %dma_start3A_718] : memref<2x10000x128xf32, #tpu.memory_space<hbm>> -> memref<1x128x128xf32, #tpu.memory_space<hbm>>
      %dma_start3A_720 = tpu.memref_squeeze %dma_start3A_719 : memref<1x128x128xf32, #tpu.memory_space<hbm>> -> memref<128x128xf32, #tpu.memory_space<hbm>>
      %dma_start3A_721 = arith.constant 0 : i32
      %dma_start3A_722 = tpu.memref_slice %arg11[%add3A_711, %dma_start3A_721] : memref<10016x128xf32, #tpu.memory_space<vmem_shared>> -> memref<128x128xf32, #tpu.memory_space<vmem_shared>>
      tpu.enqueue_dma source(%dma_start3A_722 : memref<128x128xf32, #tpu.memory_space<vmem_shared>>) target(%dma_start3A_720 : memref<128x128xf32, #tpu.memory_space<hbm>>) target_semaphore(%run_scoped3A : memref<!tpu.dma_semaphore, #tpu.memory_space<semaphore_mem>>)
      %dma_wait3A_723 = arith.constant 0 : i32
      %dma_wait3A_724 = tpu.memref_slice %arg6[%arg0, %add3A_713, %dma_wait3A_723] : memref<2x10000x128xf32, #tpu.memory_space<hbm>> -> memref<1x128x128xf32, #tpu.memory_space<hbm>>
      %dma_wait3A_725 = tpu.memref_squeeze %dma_wait3A_724 : memref<1x128x128xf32, #tpu.memory_space<hbm>> -> memref<128x128xf32, #tpu.memory_space<hbm>>
      %dma_wait3A_726 = arith.constant 0 : i32
      %dma_wait3A_727 = tpu.memref_slice %arg11[%add3A_711, %dma_wait3A_726] : memref<10016x128xf32, #tpu.memory_space<vmem_shared>> -> memref<128x128xf32, #tpu.memory_space<vmem_shared>>
      tpu.wait_dma2 semaphore(%run_scoped3A : memref<!tpu.dma_semaphore, #tpu.memory_space<semaphore_mem>>) src(%dma_wait3A_727 : memref<128x128xf32, #tpu.memory_space<vmem_shared>>) dst(%dma_wait3A_725 : memref<128x128xf32, #tpu.memory_space<hbm>>)
      tpu.yield
    }) : () -> ()
    %add3A_714 = arith.constant 512 : i32
    %add3A_715 = arith.addi %mul3A_0, %add3A_714 : i32
    %add3A_716 = arith.constant 512 : i32
    %add3A_717 = arith.addi %mul3A_0, %add3A_716 : i32
    "tpu.region"() ({
      %run_scoped3A = tpu.sem_alloc : memref<!tpu.dma_semaphore, #tpu.memory_space<semaphore_mem>>
      %dma_start3A_718 = arith.constant 0 : i32
      %dma_start3A_719 = tpu.memref_slice %arg6[%arg0, %add3A_717, %dma_start3A_718] : memref<2x10000x128xf32, #tpu.memory_space<hbm>> -> memref<1x128x128xf32, #tpu.memory_space<hbm>>
      %dma_start3A_720 = tpu.memref_squeeze %dma_start3A_719 : memref<1x128x128xf32, #tpu.memory_space<hbm>> -> memref<128x128xf32, #tpu.memory_space<hbm>>
      %dma_start3A_721 = arith.constant 0 : i32
      %dma_start3A_722 = tpu.memref_slice %arg11[%add3A_715, %dma_start3A_721] : memref<10016x128xf32, #tpu.memory_space<vmem_shared>> -> memref<128x128xf32, #tpu.memory_space<vmem_shared>>
      tpu.enqueue_dma source(%dma_start3A_722 : memref<128x128xf32, #tpu.memory_space<vmem_shared>>) target(%dma_start3A_720 : memref<128x128xf32, #tpu.memory_space<hbm>>) target_semaphore(%run_scoped3A : memref<!tpu.dma_semaphore, #tpu.memory_space<semaphore_mem>>)
      %dma_wait3A_723 = arith.constant 0 : i32
      %dma_wait3A_724 = tpu.memref_slice %arg6[%arg0, %add3A_717, %dma_wait3A_723] : memref<2x10000x128xf32, #tpu.memory_space<hbm>> -> memref<1x128x128xf32, #tpu.memory_space<hbm>>
      %dma_wait3A_725 = tpu.memref_squeeze %dma_wait3A_724 : memref<1x128x128xf32, #tpu.memory_space<hbm>> -> memref<128x128xf32, #tpu.memory_space<hbm>>
      %dma_wait3A_726 = arith.constant 0 : i32
      %dma_wait3A_727 = tpu.memref_slice %arg11[%add3A_715, %dma_wait3A_726] : memref<10016x128xf32, #tpu.memory_space<vmem_shared>> -> memref<128x128xf32, #tpu.memory_space<vmem_shared>>
      tpu.wait_dma2 semaphore(%run_scoped3A : memref<!tpu.dma_semaphore, #tpu.memory_space<semaphore_mem>>) src(%dma_wait3A_727 : memref<128x128xf32, #tpu.memory_space<vmem_shared>>) dst(%dma_wait3A_725 : memref<128x128xf32, #tpu.memory_space<hbm>>)
      tpu.yield
    }) : () -> ()
    return
  }
}

module attributes {stable_mosaic.version = 14 : i64} {
  func.func @_bmm_body(%arg0: i32, %arg1: memref<1000x256xf32, #tpu.memory_space<vmem>>, %arg2: memref<256x256xf32, #tpu.memory_space<vmem>>, %arg3: memref<2x1000x128xf32, #tpu.memory_space<vmem>>) attributes {dimension_semantics = [#tpu.dimension_semantics<arbitrary>], iteration_bounds = array<i64: 10>, scalar_prefetch = 0 : i64, scratch_operands = 0 : i64, tpu.core_type = #tpu.core_type<tc>, window_params = [{transform_indices = @transform_0, window_bounds = array<i64: 1000, 256>}, {pipeline_mode = #tpu.pipeline_mode<synchronous>, transform_indices = @transform_1, window_bounds = array<i64: 256, 256>}, {transform_indices = @transform_2, window_bounds = array<i64: 2, 1000, 128>}]} {
    %get3A = arith.constant 0 : index
    %get3A_0 = arith.constant 0 : index
    %get3A_1 = vector.load %arg1[%get3A, %get3A_0] : memref<1000x256xf32, #tpu.memory_space<vmem>>, vector<1000x256xf32>
    %get3A_2 = arith.constant 0 : index
    %get3A_3 = arith.constant 0 : index
    %get3A_4 = vector.load %arg2[%get3A_2, %get3A_3] : memref<256x256xf32, #tpu.memory_space<vmem>>, vector<256x256xf32>
    %dot_general3A = arith.constant dense<0.000000e+00> : vector<1000x256xf32>
    %dot_general3A_5 = tpu.matmul %get3A_1, %get3A_4, %dot_general3A {dimension_numbers = #tpu.dot_dimension_numbers<[1], [0], [0], [1], [0, 0, 1, 1], [], []>, transpose_lhs_hint = false} : vector<1000x256xf32>, vector<256x256xf32>, vector<1000x256xf32> -> vector<1000x256xf32>
    %slice3A = vector.extract_strided_slice %dot_general3A_5 {offsets = [0, 0], sizes = [1000, 128], strides = [1, 1]} : vector<1000x256xf32> to vector<1000x128xf32>
    %swap3A = arith.constant 0 : index
    %swap3A_6 = arith.constant 0 : index
    %swap3A_7 = arith.constant 0 : index
    %swap3A_8 = vector.load %arg3[%swap3A, %swap3A_6, %swap3A_7] : memref<2x1000x128xf32, #tpu.memory_space<vmem>>, vector<1x1000x128xf32>
    %swap3A_9 = vector.shape_cast %swap3A_8 : vector<1x1000x128xf32> to vector<1000x128xf32>
    %swap3A_10 = vector.shape_cast %slice3A : vector<1000x128xf32> to vector<1x1000x128xf32>
    tpu.vector_store %arg3[%swap3A, %swap3A_6, %swap3A_7], %swap3A_10 {strides = array<i32>} : memref<2x1000x128xf32, #tpu.memory_space<vmem>>, vector<1x1000x128xf32>,
    %slice3A_11 = vector.extract_strided_slice %dot_general3A_5 {offsets = [0, 128], sizes = [1000, 128], strides = [1, 1]} : vector<1000x256xf32> to vector<1000x128xf32>
    %swap3A_12 = arith.constant 1 : index
    %swap3A_13 = arith.constant 0 : index
    %swap3A_14 = arith.constant 0 : index
    %swap3A_15 = vector.load %arg3[%swap3A_12, %swap3A_13, %swap3A_14] : memref<2x1000x128xf32, #tpu.memory_space<vmem>>, vector<1x1000x128xf32>
    %swap3A_16 = vector.shape_cast %swap3A_15 : vector<1x1000x128xf32> to vector<1000x128xf32>
    %swap3A_17 = vector.shape_cast %slice3A_11 : vector<1000x128xf32> to vector<1x1000x128xf32>
    tpu.vector_store %arg3[%swap3A_12, %swap3A_13, %swap3A_14], %swap3A_17 {strides = array<i32>} : memref<2x1000x128xf32, #tpu.memory_space<vmem>>, vector<1x1000x128xf32>,
    return
  }
  func.func @transform_0(%arg0: i32) -> (i32, i32) {
    %c0_i32 = arith.constant 0 : i32
    %c0_i32_0 = arith.constant 0 : i32
    return %arg0, %c0_i32 : i32, i32
  }
  func.func @transform_1(%arg0: i32) -> (i32, i32) {
    %c0_i32 = arith.constant 0 : i32
    %c0_i32_0 = arith.constant 0 : i32
    %c0_i32_1 = arith.constant 0 : i32
    return %c0_i32, %c0_i32_0 : i32, i32
  }
  func.func @transform_2(%arg0: i32) -> (i32, i32, i32) {
    %c0_i32 = arith.constant 0 : i32
    %c0_i32_0 = arith.constant 0 : i32
    %c0_i32_1 = arith.constant 0 : i32
    return %c0_i32, %arg0, %c0_i32_0 : i32, i32, i32
  }
}

module attributes {stable_mosaic.version = 14 : i64} {
  func.func @_scale_body(%arg0: i32, %arg1: memref<2x1000x128xf32, #tpu.memory_space<vmem>>, %arg2: memref<2x1000x128xf32, #tpu.memory_space<vmem>>, %arg3: memref<2x1000x128xf32, #tpu.memory_space<vmem>>, %arg4: memref<1000x16xf32, #tpu.memory_space<vmem>>) attributes {dimension_semantics = [#tpu.dimension_semantics<arbitrary>], iteration_bounds = array<i64: 10>, scalar_prefetch = 0 : i64, scratch_operands = 0 : i64, tpu.core_type = #tpu.core_type<tc>, window_params = [{transform_indices = @transform_0, window_bounds = array<i64: 2, 1000, 128>}, {transform_indices = @transform_1, window_bounds = array<i64: 2, 1000, 128>}, {transform_indices = @transform_2, window_bounds = array<i64: 2, 1000, 128>}, {transform_indices = @transform_3, window_bounds = array<i64: 1000, 16>}]} {
    %get3A = arith.constant 0 : index
    %get3A_0 = arith.constant 0 : index
    %get3A_1 = arith.constant 0 : index
    %get3A_2 = vector.load %arg2[%get3A, %get3A_0, %get3A_1] : memref<2x1000x128xf32, #tpu.memory_space<vmem>>, vector<1x1000x1xf32>
    %get3A_3 = vector.shape_cast %get3A_2 : vector<1x1000x1xf32> to vector<1000x1xf32>
    %get3A_4 = arith.constant 1 : index
    %get3A_5 = arith.constant 0 : index
    %get3A_6 = arith.constant 0 : index
    %get3A_7 = vector.load %arg2[%get3A_4, %get3A_5, %get3A_6] : memref<2x1000x128xf32, #tpu.memory_space<vmem>>, vector<1x1000x1xf32>
    %get3A_8 = vector.shape_cast %get3A_7 : vector<1x1000x1xf32> to vector<1000x1xf32>
    %add3A = arith.addf %get3A_3, %get3A_8 : vector<1000x1xf32>
    %add3A_9 = arith.constant 1.000000e+00 : f32
    %add3A_10 = vector.broadcast %add3A_9 : f32 to vector<1000x1xf32>
    %add3A_11 = arith.addf %add3A, %add3A_10 : vector<1000x1xf32>
    %sqrt3A = math.sqrt %add3A_11 : vector<1000x1xf32>
    %div3A = arith.constant 1.000000e+00 : f32
    %div3A_12 = vector.broadcast %div3A : f32 to vector<1000x1xf32>
    %div3A_13 = arith.divf %div3A_12, %sqrt3A : vector<1000x1xf32>
    %get3A_14 = arith.constant 0 : index
    %get3A_15 = arith.constant 0 : index
    %get3A_16 = arith.constant 0 : index
    %get3A_17 = vector.load %arg1[%get3A_14, %get3A_15, %get3A_16] : memref<2x1000x128xf32, #tpu.memory_space<vmem>>, vector<1x1000x128xf32>
    %get3A_18 = vector.shape_cast %get3A_17 : vector<1x1000x128xf32> to vector<1000x128xf32>
    %mul3A = vector.broadcast %div3A_13 : vector<1000x1xf32> to vector<1000x128xf32>
    %mul3A_19 = arith.mulf %get3A_18, %mul3A : vector<1000x128xf32>
    %swap3A = arith.constant 0 : index
    %swap3A_20 = arith.constant 0 : index
    %swap3A_21 = arith.constant 0 : index
    %swap3A_22 = vector.load %arg3[%swap3A, %swap3A_20, %swap3A_21] : memref<2x1000x128xf32, #tpu.memory_space<vmem>>, vector<1x1000x128xf32>
    %swap3A_23 = vector.shape_cast %swap3A_22 : vector<1x1000x128xf32> to vector<1000x128xf32>
    %swap3A_24 = vector.shape_cast %mul3A_19 : vector<1000x128xf32> to vector<1x1000x128xf32>
    tpu.vector_store %arg3[%swap3A, %swap3A_20, %swap3A_21], %swap3A_24 {strides = array<i32>} : memref<2x1000x128xf32, #tpu.memory_space<vmem>>, vector<1x1000x128xf32>,
    %get3A_25 = arith.constant 1 : index
    %get3A_26 = arith.constant 0 : index
    %get3A_27 = arith.constant 0 : index
    %get3A_28 = vector.load %arg1[%get3A_25, %get3A_26, %get3A_27] : memref<2x1000x128xf32, #tpu.memory_space<vmem>>, vector<1x1000x128xf32>
    %get3A_29 = vector.shape_cast %get3A_28 : vector<1x1000x128xf32> to vector<1000x128xf32>
    %mul3A_30 = vector.broadcast %div3A_13 : vector<1000x1xf32> to vector<1000x128xf32>
    %mul3A_31 = arith.mulf %get3A_29, %mul3A_30 : vector<1000x128xf32>
    %swap3A_32 = arith.constant 1 : index
    %swap3A_33 = arith.constant 0 : index
    %swap3A_34 = arith.constant 0 : index
    %swap3A_35 = vector.load %arg3[%swap3A_32, %swap3A_33, %swap3A_34] : memref<2x1000x128xf32, #tpu.memory_space<vmem>>, vector<1x1000x128xf32>
    %swap3A_36 = vector.shape_cast %swap3A_35 : vector<1x1000x128xf32> to vector<1000x128xf32>
    %swap3A_37 = vector.shape_cast %mul3A_31 : vector<1000x128xf32> to vector<1x1000x128xf32>
    tpu.vector_store %arg3[%swap3A_32, %swap3A_33, %swap3A_34], %swap3A_37 {strides = array<i32>} : memref<2x1000x128xf32, #tpu.memory_space<vmem>>, vector<1x1000x128xf32>,
    %broadcast_in_dim3A = vector.shape_cast %div3A_13 : vector<1000x1xf32> to vector<1000x1xf32>
    %broadcast_in_dim3A_38 = vector.broadcast %broadcast_in_dim3A : vector<1000x1xf32> to vector<1000x16xf32>
    %swap3A_39 = arith.constant 0 : index
    %swap3A_40 = arith.constant 0 : index
    %swap3A_41 = vector.load %arg4[%swap3A_39, %swap3A_40] : memref<1000x16xf32, #tpu.memory_space<vmem>>, vector<1000x16xf32>
    tpu.vector_store %arg4[%swap3A_39, %swap3A_40], %broadcast_in_dim3A_38 {strides = array<i32>} : memref<1000x16xf32, #tpu.memory_space<vmem>>, vector<1000x16xf32>,
    return
  }
  func.func @transform_0(%arg0: i32) -> (i32, i32, i32) {
    %c0_i32 = arith.constant 0 : i32
    %c0_i32_0 = arith.constant 0 : i32
    %c0_i32_1 = arith.constant 0 : i32
    return %c0_i32, %arg0, %c0_i32_0 : i32, i32, i32
  }
  func.func @transform_1(%arg0: i32) -> (i32, i32, i32) {
    %c0_i32 = arith.constant 0 : i32
    %c0_i32_0 = arith.constant 0 : i32
    %c0_i32_1 = arith.constant 0 : i32
    return %c0_i32, %arg0, %c0_i32_0 : i32, i32, i32
  }
  func.func @transform_2(%arg0: i32) -> (i32, i32, i32) {
    %c0_i32 = arith.constant 0 : i32
    %c0_i32_0 = arith.constant 0 : i32
    %c0_i32_1 = arith.constant 0 : i32
    return %c0_i32, %arg0, %c0_i32_0 : i32, i32, i32
  }
  func.func @transform_3(%arg0: i32) -> (i32, i32) {
    %c0_i32 = arith.constant 0 : i32
    %c0_i32_0 = arith.constant 0 : i32
    return %arg0, %c0_i32 : i32, i32
  }
}

module attributes {stable_mosaic.version = 14 : i64} {
  func.func @_b2_body(%arg0: i32, %arg1: memref<2x1000x128xf32, #tpu.memory_space<vmem>>, %arg2: memref<2x1000x128xf32, #tpu.memory_space<vmem>>, %arg3: memref<1000x16xf32, #tpu.memory_space<vmem>>, %arg4: memref<256x256xf32, #tpu.memory_space<vmem>>, %arg5: memref<1x256xf32, #tpu.memory_space<vmem>>, %arg6: memref<2x1000x128xf32, #tpu.memory_space<vmem>>) attributes {dimension_semantics = [#tpu.dimension_semantics<arbitrary>], iteration_bounds = array<i64: 10>, scalar_prefetch = 0 : i64, scratch_operands = 0 : i64, tpu.core_type = #tpu.core_type<tc>, window_params = [{transform_indices = @transform_0, window_bounds = array<i64: 2, 1000, 128>}, {transform_indices = @transform_1, window_bounds = array<i64: 2, 1000, 128>}, {transform_indices = @transform_2, window_bounds = array<i64: 1000, 16>}, {pipeline_mode = #tpu.pipeline_mode<synchronous>, transform_indices = @transform_3, window_bounds = array<i64: 256, 256>}, {pipeline_mode = #tpu.pipeline_mode<synchronous>, transform_indices = @transform_4, window_bounds = array<i64: 1, 256>}, {transform_indices = @transform_5, window_bounds = array<i64: 2, 1000, 128>}]} {
    %get3A = arith.constant 0 : index
    %get3A_0 = arith.constant 0 : index
    %get3A_1 = vector.load %arg3[%get3A, %get3A_0] : memref<1000x16xf32, #tpu.memory_space<vmem>>, vector<1000x1xf32>
    %get3A_2 = arith.constant 0 : index
    %get3A_3 = arith.constant 0 : index
    %get3A_4 = arith.constant 0 : index
    %get3A_5 = vector.load %arg1[%get3A_2, %get3A_3, %get3A_4] : memref<2x1000x128xf32, #tpu.memory_space<vmem>>, vector<1x1000x128xf32>
    %get3A_6 = vector.shape_cast %get3A_5 : vector<1x1000x128xf32> to vector<1000x128xf32>
    %get3A_7 = arith.constant 0 : index
    %get3A_8 = arith.constant 0 : index
    %get3A_9 = arith.constant 0 : index
    %get3A_10 = vector.load %arg2[%get3A_7, %get3A_8, %get3A_9] : memref<2x1000x128xf32, #tpu.memory_space<vmem>>, vector<1x1000x128xf32>
    %get3A_11 = vector.shape_cast %get3A_10 : vector<1x1000x128xf32> to vector<1000x128xf32>
    %add3A = arith.addf %get3A_6, %get3A_11 : vector<1000x128xf32>
    %get3A_12 = arith.constant 1 : index
    %get3A_13 = arith.constant 0 : index
    %get3A_14 = arith.constant 0 : index
    %get3A_15 = vector.load %arg1[%get3A_12, %get3A_13, %get3A_14] : memref<2x1000x128xf32, #tpu.memory_space<vmem>>, vector<1x1000x128xf32>
    %get3A_16 = vector.shape_cast %get3A_15 : vector<1x1000x128xf32> to vector<1000x128xf32>
    %get3A_17 = arith.constant 1 : index
    %get3A_18 = arith.constant 0 : index
    %get3A_19 = arith.constant 0 : index
    %get3A_20 = vector.load %arg2[%get3A_17, %get3A_18, %get3A_19] : memref<2x1000x128xf32, #tpu.memory_space<vmem>>, vector<1x1000x128xf32>
    %get3A_21 = vector.shape_cast %get3A_20 : vector<1x1000x128xf32> to vector<1000x128xf32>
    %add3A_22 = arith.addf %get3A_16, %get3A_21 : vector<1000x128xf32>
    %concatenate3A = tpu.concatenate %add3A, %add3A_22 in 1 : vector<1000x128xf32>, vector<1000x128xf32> -> vector<1000x256xf32>
    %mul3A = vector.broadcast %get3A_1 : vector<1000x1xf32> to vector<1000x256xf32>
    %mul3A_23 = arith.mulf %concatenate3A, %mul3A : vector<1000x256xf32>
    %get3A_24 = arith.constant 0 : index
    %get3A_25 = arith.constant 0 : index
    %get3A_26 = vector.load %arg5[%get3A_24, %get3A_25] : memref<1x256xf32, #tpu.memory_space<vmem>>, vector<1x256xf32>
    %add3A_27 = vector.broadcast %get3A_26 : vector<1x256xf32> to vector<1000x256xf32>
    %add3A_28 = arith.addf %mul3A_23, %add3A_27 : vector<1000x256xf32>
    %max3A = arith.constant 0.000000e+00 : f32
    %max3A_29 = vector.broadcast %max3A : f32 to vector<1000x256xf32>
    %max3A_30 = arith.maximumf %add3A_28, %max3A_29 : vector<1000x256xf32>
    %get3A_31 = arith.constant 0 : index
    %get3A_32 = arith.constant 0 : index
    %get3A_33 = vector.load %arg4[%get3A_31, %get3A_32] : memref<256x256xf32, #tpu.memory_space<vmem>>, vector<256x256xf32>
    %dot_general3A = arith.constant dense<0.000000e+00> : vector<1000x256xf32>
    %dot_general3A_34 = tpu.matmul %max3A_30, %get3A_33, %dot_general3A {dimension_numbers = #tpu.dot_dimension_numbers<[1], [0], [0], [1], [0, 0, 1, 1], [], []>, transpose_lhs_hint = false} : vector<1000x256xf32>, vector<256x256xf32>, vector<1000x256xf32> -> vector<1000x256xf32>
    %mul3A_35 = vector.broadcast %get3A_1 : vector<1000x1xf32> to vector<1000x256xf32>
    %mul3A_36 = arith.mulf %dot_general3A_34, %mul3A_35 : vector<1000x256xf32>
    %slice3A = vector.extract_strided_slice %mul3A_36 {offsets = [0, 0], sizes = [1000, 128], strides = [1, 1]} : vector<1000x256xf32> to vector<1000x128xf32>
    %swap3A = arith.constant 0 : index
    %swap3A_37 = arith.constant 0 : index
    %swap3A_38 = arith.constant 0 : index
    %swap3A_39 = vector.load %arg6[%swap3A, %swap3A_37, %swap3A_38] : memref<2x1000x128xf32, #tpu.memory_space<vmem>>, vector<1x1000x128xf32>
    %swap3A_40 = vector.shape_cast %swap3A_39 : vector<1x1000x128xf32> to vector<1000x128xf32>
    %swap3A_41 = vector.shape_cast %slice3A : vector<1000x128xf32> to vector<1x1000x128xf32>
    tpu.vector_store %arg6[%swap3A, %swap3A_37, %swap3A_38], %swap3A_41 {strides = array<i32>} : memref<2x1000x128xf32, #tpu.memory_space<vmem>>, vector<1x1000x128xf32>,
    %slice3A_42 = vector.extract_strided_slice %mul3A_36 {offsets = [0, 128], sizes = [1000, 128], strides = [1, 1]} : vector<1000x256xf32> to vector<1000x128xf32>
    %swap3A_43 = arith.constant 1 : index
    %swap3A_44 = arith.constant 0 : index
    %swap3A_45 = arith.constant 0 : index
    %swap3A_46 = vector.load %arg6[%swap3A_43, %swap3A_44, %swap3A_45] : memref<2x1000x128xf32, #tpu.memory_space<vmem>>, vector<1x1000x128xf32>
    %swap3A_47 = vector.shape_cast %swap3A_46 : vector<1x1000x128xf32> to vector<1000x128xf32>
    %swap3A_48 = vector.shape_cast %slice3A_42 : vector<1000x128xf32> to vector<1x1000x128xf32>
    tpu.vector_store %arg6[%swap3A_43, %swap3A_44, %swap3A_45], %swap3A_48 {strides = array<i32>} : memref<2x1000x128xf32, #tpu.memory_space<vmem>>, vector<1x1000x128xf32>,
    return
  }
  func.func @transform_0(%arg0: i32) -> (i32, i32, i32) {
    %c0_i32 = arith.constant 0 : i32
    %c0_i32_0 = arith.constant 0 : i32
    %c0_i32_1 = arith.constant 0 : i32
    return %c0_i32, %arg0, %c0_i32_0 : i32, i32, i32
  }
  func.func @transform_1(%arg0: i32) -> (i32, i32, i32) {
    %c0_i32 = arith.constant 0 : i32
    %c0_i32_0 = arith.constant 0 : i32
    %c0_i32_1 = arith.constant 0 : i32
    return %c0_i32, %arg0, %c0_i32_0 : i32, i32, i32
  }
  func.func @transform_2(%arg0: i32) -> (i32, i32) {
    %c0_i32 = arith.constant 0 : i32
    %c0_i32_0 = arith.constant 0 : i32
    return %arg0, %c0_i32 : i32, i32
  }
  func.func @transform_3(%arg0: i32) -> (i32, i32) {
    %c0_i32 = arith.constant 0 : i32
    %c0_i32_0 = arith.constant 0 : i32
    %c0_i32_1 = arith.constant 0 : i32
    return %c0_i32, %c0_i32_0 : i32, i32
  }
  func.func @transform_4(%arg0: i32) -> (i32, i32) {
    %c0_i32 = arith.constant 0 : i32
    %c0_i32_0 = arith.constant 0 : i32
    %c0_i32_1 = arith.constant 0 : i32
    return %c0_i32, %c0_i32_0 : i32, i32
  }
  func.func @transform_5(%arg0: i32) -> (i32, i32, i32) {
    %c0_i32 = arith.constant 0 : i32
    %c0_i32_0 = arith.constant 0 : i32
    %c0_i32_1 = arith.constant 0 : i32
    return %c0_i32, %arg0, %c0_i32_0 : i32, i32, i32
  }
}

module attributes {stable_mosaic.version = 14 : i64} {
  func.func @_b3_body(%arg0: i32, %arg1: memref<2x1000x128xf32, #tpu.memory_space<vmem>>, %arg2: memref<2x1000x128xf32, #tpu.memory_space<vmem>>, %arg3: memref<1000x16xf32, #tpu.memory_space<vmem>>, %arg4: memref<1x256xf32, #tpu.memory_space<vmem>>, %arg5: memref<1000x256xf32, #tpu.memory_space<vmem>>) attributes {dimension_semantics = [#tpu.dimension_semantics<arbitrary>], iteration_bounds = array<i64: 10>, scalar_prefetch = 0 : i64, scratch_operands = 0 : i64, tpu.core_type = #tpu.core_type<tc>, window_params = [{transform_indices = @transform_0, window_bounds = array<i64: 2, 1000, 128>}, {transform_indices = @transform_1, window_bounds = array<i64: 2, 1000, 128>}, {transform_indices = @transform_2, window_bounds = array<i64: 1000, 16>}, {pipeline_mode = #tpu.pipeline_mode<synchronous>, transform_indices = @transform_3, window_bounds = array<i64: 1, 256>}, {transform_indices = @transform_4, window_bounds = array<i64: 1000, 256>}]} {
    %get3A = arith.constant 0 : index
    %get3A_0 = arith.constant 0 : index
    %get3A_1 = vector.load %arg3[%get3A, %get3A_0] : memref<1000x16xf32, #tpu.memory_space<vmem>>, vector<1000x1xf32>
    %get3A_2 = arith.constant 0 : index
    %get3A_3 = arith.constant 0 : index
    %get3A_4 = arith.constant 0 : index
    %get3A_5 = vector.load %arg1[%get3A_2, %get3A_3, %get3A_4] : memref<2x1000x128xf32, #tpu.memory_space<vmem>>, vector<1x1000x128xf32>
    %get3A_6 = vector.shape_cast %get3A_5 : vector<1x1000x128xf32> to vector<1000x128xf32>
    %get3A_7 = arith.constant 0 : index
    %get3A_8 = arith.constant 0 : index
    %get3A_9 = arith.constant 0 : index
    %get3A_10 = vector.load %arg2[%get3A_7, %get3A_8, %get3A_9] : memref<2x1000x128xf32, #tpu.memory_space<vmem>>, vector<1x1000x128xf32>
    %get3A_11 = vector.shape_cast %get3A_10 : vector<1x1000x128xf32> to vector<1000x128xf32>
    %add3A = arith.addf %get3A_6, %get3A_11 : vector<1000x128xf32>
    %get3A_12 = arith.constant 1 : index
    %get3A_13 = arith.constant 0 : index
    %get3A_14 = arith.constant 0 : index
    %get3A_15 = vector.load %arg1[%get3A_12, %get3A_13, %get3A_14] : memref<2x1000x128xf32, #tpu.memory_space<vmem>>, vector<1x1000x128xf32>
    %get3A_16 = vector.shape_cast %get3A_15 : vector<1x1000x128xf32> to vector<1000x128xf32>
    %get3A_17 = arith.constant 1 : index
    %get3A_18 = arith.constant 0 : index
    %get3A_19 = arith.constant 0 : index
    %get3A_20 = vector.load %arg2[%get3A_17, %get3A_18, %get3A_19] : memref<2x1000x128xf32, #tpu.memory_space<vmem>>, vector<1x1000x128xf32>
    %get3A_21 = vector.shape_cast %get3A_20 : vector<1x1000x128xf32> to vector<1000x128xf32>
    %add3A_22 = arith.addf %get3A_16, %get3A_21 : vector<1000x128xf32>
    %concatenate3A = tpu.concatenate %add3A, %add3A_22 in 1 : vector<1000x128xf32>, vector<1000x128xf32> -> vector<1000x256xf32>
    %mul3A = vector.broadcast %get3A_1 : vector<1000x1xf32> to vector<1000x256xf32>
    %mul3A_23 = arith.mulf %concatenate3A, %mul3A : vector<1000x256xf32>
    %get3A_24 = arith.constant 0 : index
    %get3A_25 = arith.constant 0 : index
    %get3A_26 = vector.load %arg4[%get3A_24, %get3A_25] : memref<1x256xf32, #tpu.memory_space<vmem>>, vector<1x256xf32>
    %add3A_27 = vector.broadcast %get3A_26 : vector<1x256xf32> to vector<1000x256xf32>
    %add3A_28 = arith.addf %mul3A_23, %add3A_27 : vector<1000x256xf32>
    %max3A = arith.constant 0.000000e+00 : f32
    %max3A_29 = vector.broadcast %max3A : f32 to vector<1000x256xf32>
    %max3A_30 = arith.maximumf %add3A_28, %max3A_29 : vector<1000x256xf32>
    %swap3A = arith.constant 0 : index
    %swap3A_31 = arith.constant 0 : index
    %swap3A_32 = vector.load %arg5[%swap3A, %swap3A_31] : memref<1000x256xf32, #tpu.memory_space<vmem>>, vector<1000x256xf32>
    tpu.vector_store %arg5[%swap3A, %swap3A_31], %max3A_30 {strides = array<i32>} : memref<1000x256xf32, #tpu.memory_space<vmem>>, vector<1000x256xf32>,
    return
  }
  func.func @transform_0(%arg0: i32) -> (i32, i32, i32) {
    %c0_i32 = arith.constant 0 : i32
    %c0_i32_0 = arith.constant 0 : i32
    %c0_i32_1 = arith.constant 0 : i32
    return %c0_i32, %arg0, %c0_i32_0 : i32, i32, i32
  }
  func.func @transform_1(%arg0: i32) -> (i32, i32, i32) {
    %c0_i32 = arith.constant 0 : i32
    %c0_i32_0 = arith.constant 0 : i32
    %c0_i32_1 = arith.constant 0 : i32
    return %c0_i32, %arg0, %c0_i32_0 : i32, i32, i32
  }
  func.func @transform_2(%arg0: i32) -> (i32, i32) {
    %c0_i32 = arith.constant 0 : i32
    %c0_i32_0 = arith.constant 0 : i32
    return %arg0, %c0_i32 : i32, i32
  }
  func.func @transform_3(%arg0: i32) -> (i32, i32) {
    %c0_i32 = arith.constant 0 : i32
    %c0_i32_0 = arith.constant 0 : i32
    %c0_i32_1 = arith.constant 0 : i32
    return %c0_i32, %c0_i32_0 : i32, i32
  }
  func.func @transform_4(%arg0: i32) -> (i32, i32) {
    %c0_i32 = arith.constant 0 : i32
    %c0_i32_0 = arith.constant 0 : i32
    return %arg0, %c0_i32 : i32, i32
  }
}

</mosaic_0001>

<sc_bundles>
// kernel: kernel.12.cloned.1.call-start
scs
__scs_entry_jumppad:
0x0: {  	(pc) =	sbr.rel $0x88, $3  }
0x1: {  	(tag) =	ssettag $0x0;
	lr =	simm.s32 $0x1  }
0x2: {  	[smem:$0x3F9B] =	sst lr;
	_ =	strace $0xD0000000  }
0x3: {  	_ = 	snop  }
0x4: {  	_ = 	snop  }
0x5: {  	_ = 	snop  }
0x6: {  	_ = 	snop  }
0x7: {  	_ = 	snop  }
__scs_overlays_trampoline_lowered:
0x8: {  	[smem:$0x3FAA] =	sst s0  }
0x9: {  	[smem:$0x3FAB] =	sst s1  }
0xa: {  	[smem:$0x3FAC] =	sst s2  }
0xb: {  	[smem:$0x3FAD] =	sst s3  }
0xc: {  	[smem:$0x3FAE] =	sst s4  }
0xd: {  	[smem:$0x3FAF] =	sst s5  }
0xe: {  	[smem:$0x3FB0] =	sst s6  }
0xf: {  	[smem:$0x3FB1] =	sst s7  }
0x10: {  	[smem:$0x3FB2] =	sst s8  }
0x11: {  	[smem:$0x3FB3] =	sst s9;
	s0 =	simm.s32 @!p0 $0x0  }
0x12: {  	s1 =	sld [smem:$0x3F99];
	s0 =	simm.s32 @p0 $0x1  }
0x13: {  	[smem:$0x3FB4] =	sst s0;
	s0 =	simm.s32 @!p1 $0x0  }
0x14: {  	s2 =	sld [smem:$0x3F98];
	s0 =	simm.s32 @p1 $0x1  }
0x15: {  	[smem:$0x3FB5] =	sst s0;
	s0 =	simm.s32 @!p2 $0x0  }
0x16: {  	s3 =	sld [smem:$0x3FDB];
	s0 =	simm.s32 @p2 $0x1  }
0x17: {  	s4 =	simm.s32 $0x1BF5;
	[smem:$0x3FB7] =	sst s0  }
0x18: {  	s0 =	sld [smem:$0x3F9A];
	_ =	swait.ge [sflag:s4], $0x0  }
0x19: {  	s7 =	sld [smem:$0x3F9B]  }
0x1a: {  	s8 =	sadd.s32 $0xFFFFE003, lr  }
0x1b: {  	s9 =	sadd.s32 $0xFFFFFEF7, lr;
	s5 =	simm.s32 $0xFFFFFFFF;
	p2 =	slt.u32 s8, $0xFFFFF086  }
0x1c: {  	p1 =	slt.u32 s9, $0xF7A;
	s5 =	simm.s32 @!p2 $0x0  }
0x1d: {  	s5 =	simm.s32 @p1 $0x1;
	p0 =	seq.s32 s7, s2  }
0x1e: {  	s7 =	smul.u32 @!p0 $0xF7A, s2;
	p2 =	seq.s32 @!p0 s5, $0x0  }
0x1f: {  	s9 =	smul.u32 $0xF7A, s1;
	s8 =	simm.s32 @!p0 $0x1BF5;
	p2 =	por !p2, p0  }
0x20: {  	[sflag:s8] =	ssyncset.s32 @!p0 $0xFFFFF086;
	s6 =	sadd.s32 @!p0 s3, s7;
	s7 =	simm.s32 @!p0 $0x108  }
0x21: {  	s3 =	sadd.s32 s3, s9;
	s6 =	sadd.s32 @!p0 $0x88, s6;
	s7 =	simm.s32 @p2 $0x1082  }
0x22: {  	[simem:s7], [sflag:s8] =	dma.local @!p0 [hbm:s6], $0xF7A  }
0x23: {  	s9 =	sor.u32 $0xD0000000, s2;
	s6 =	simm.s32 $0x108;
	_ =	swait.ge @!p0 [sflag:s8], $0x0  }
0x24: {  	s3 =	sadd.s32 $0x88, s3;
	s6 =	simm.s32 @!p1 $0x1082;
	[sflag:s4] =	ssyncset.s32 $0xFFFFF086  }
0x25: {  	[simem:s6], [sflag:s4] =	dma.local [hbm:s3], $0xF7A  }
0x26: {  	[smem:$0x3F9B] =	sst s1;
	(tag) =	ssettag s2;
	_ =	strace s9  }
0x27: {  	s1 =	sld [smem:$0x3FAB]  }
0x28: {  	s2 =	sld [smem:$0x3FAC]  }
0x29: {  	s4 =	sld [smem:$0x3FAE]  }
0x2a: {  	p0 =	seq.s32 s5, $0x0;
	s5 =	sld [smem:$0x3FAF]  }
0x2b: {  	s6 =	sld [smem:$0x3FB0]  }
0x2c: {  	s7 =	sld [smem:$0x3FB1]  }
0x2d: {  	s3 =	simm.s32 $0x108;
	s8 =	sld [smem:$0x3FB2]  }
0x2e: {  	s3 =	simm.s32 @!p0 $0x1082;
	s9 =	sld [smem:$0x3FB3]  }
0x2f: {  	lr =	sadd.s32 s0, s3;
	s0 =	sld [smem:$0x3FAA]  }
0x30: {  	s3 =	sld [smem:$0x3FAD]  }
0x31: {  	[smem:$0x3FB6] =	sst s10  }
0x32: {  	s10 =	sld [smem:$0x3FB4];
	_ =	sdelay $0x3  }
0x33: {  	p0 =	seq.s32 s10, $0x1;
	s10 =	sld [smem:$0x3FB6];
	_ =	sdelay $0x3  }
0x34: {  	[smem:$0x3FB6] =	sst s10  }
0x35: {  	s10 =	sld [smem:$0x3FB5];
	_ =	sdelay $0x3  }
0x36: {  	p1 =	seq.s32 s10, $0x1;
	s10 =	sld [smem:$0x3FB6];
	_ =	sdelay $0x3  }
0x37: {  	[smem:$0x3FB6] =	sst s10  }
0x38: {  	s10 =	sld [smem:$0x3FB7]  }
0x39: {  	_ = 	snop;
	(pc) =	sbr.ind lr, $3  }
0x3a: {  	_ = 	snop  }
0x3b: {  	_ = 	snop  }
0x3c: {  	p2 =	seq.s32 s10, $0x1;
	s10 =	sld [smem:$0x3FB6]  }
0x3d: {  	_ =	shalt  }
0x3e: {  	_ =	shalt  }
0x3f: {  	_ =	shalt  }
0x40: {  	_ =	shalt  }
0x41: {  	_ =	shalt  }
0x42: {  	_ =	shalt  }
0x43: {  	_ =	shalt  }
0x44: {  	_ =	shalt  }
0x45: {  	_ =	shalt  }
0x46: {  	_ =	shalt  }
0x47: {  	_ =	shalt  }
0x48: {  	_ =	shalt  }
0x49: {  	_ =	shalt  }
0x4a: {  	_ =	shalt  }
0x4b: {  	_ =	shalt  }
0x4c: {  	_ =	shalt  }
0x4d: {  	_ =	shalt  }
0x4e: {  	_ =	shalt  }
0x4f: {  	_ =	shalt  }
0x50: {  	_ =	shalt  }
0x51: {  	_ =	shalt  }
0x52: {  	_ =	shalt  }
0x53: {  	_ =	shalt  }
0x54: {  	_ =	shalt  }
0x55: {  	_ =	shalt  }
0x56: {  	_ =	shalt  }
0x57: {  	_ =	shalt  }
0x58: {  	_ =	shalt  }
0x59: {  	_ =	shalt  }
0x5a: {  	_ =	shalt  }
0x5b: {  	_ =	shalt  }
0x5c: {  	_ =	shalt  }
0x5d: {  	_ =	shalt  }
0x5e: {  	_ =	shalt  }
0x5f: {  	_ =	shalt  }
0x60: {  	_ =	shalt  }
0x61: {  	_ =	shalt  }
0x62: {  	_ =	shalt  }
0x63: {  	_ =	shalt  }
0x64: {  	_ =	shalt  }
0x65: {  	_ =	shalt  }
0x66: {  	_ =	shalt  }
0x67: {  	_ =	shalt  }
0x68: {  	_ =	shalt  }
0x69: {  	_ =	shalt  }
0x6a: {  	_ =	shalt  }
0x6b: {  	_ =	shalt  }
0x6c: {  	_ =	shalt  }
0x6d: {  	_ =	shalt  }
0x6e: {  	_ =	shalt  }
0x6f: {  	_ =	shalt  }
0x70: {  	_ =	shalt  }
0x71: {  	_ =	shalt  }
0x72: {  	_ =	shalt  }
0x73: {  	_ =	shalt  }
0x74: {  	_ =	shalt  }
0x75: {  	_ =	shalt  }
0x76: {  	_ =	shalt  }
0x77: {  	_ =	shalt  }
0x78: {  	_ =	shalt  }
0x79: {  	_ =	shalt  }
0x7a: {  	_ =	shalt  }
0x7b: {  	_ =	shalt  }
0x7c: {  	_ =	shalt  }
0x7d: {  	_ =	shalt  }
0x7e: {  	_ =	shalt  }
0x7f: {  	_ =	shalt  }
0x80: {  	_ =	shalt  }
0x81: {  	_ =	shalt  }
0x82: {  	_ =	shalt  }
0x83: {  	_ =	shalt  }
0x84: {  	_ =	shalt  }
0x85: {  	_ =	shalt  }
0x86: {  	_ =	shalt  }
0x87: {  	_ =	shalt  }
.Lfunc_end0:
.L_simem_size_0:
called_computation.1_lowered:
.L_overlay_start_0:
0x88: {  	s2 =	sld [smem:$0x3FD9]  }
0x89: {  	s3 =	sld [smem:$0x3FFE];
	_ =	sdelay $0x1  }
0x8a: {  	s1 =	srdreg.scid  }
0x8b: {  	s0 =	sand.u32 $0x1, s1  }
0x8c: {  	s17 =	sshll.u32 s0, $0xA;
	s2 =	sadd.s32 s3, s2  }
0x8d: {  	s2 =	sadd.s32 s2, s17  }
0x8e: {  	[smem:$0x3FC2] =	sst s2  }
0x8f: {  	_ = 	snop  }
0x90: {  	s2 =	sld [smem:$0x3FD0];
	(tm) =	ssettm $0x1  }
0x91: {  	s18 =	sld [smem:$0x3FFB];
	_ =	sdelay $0x3  }
0x92: {  	_ =	strace s18  }
0x93: {  	s3 =	sld [smem:$0x3FFC];
	_ =	sdelay $0x3  }
0x94: {  	_ =	strace s3  }
0x95: {  	s3 =	sld [smem:$0x3FFD];
	_ =	sdelay $0x3  }
0x96: {  	_ =	strace s3  }
0x97: {  	_ =	strace $0x8FFFFFFF  }
0x98: {  	s19 =	sld [smem:$0x3FDB];
	_ =	sdelay $0x1  }
0x99: {  	s4 =	simm.s32 $_scs_section_size  }
0x9a: {  	s5 =	simm.s32 $_size__tile_overlayer_lowered;
	s6 =	simm.s32 $_tile_overlayer_lowered  }
0x9b: {  	s22 =	simm.s32 $0x1BFF;
	s21 =	sshll.u32 s6, $0x1;
	s3 =	sadd.s32 s4, s19  }
0x9c: {  	s7 =	simm.s32 $0x0;
	s20 =	sshll.u32 s5, $0x1;
	s5 =	sadd.s32 s21, s3  }
0x9d: {  	[timem:s7], [sflag:s22] =	dma.local [hbm:s5], s20  }
0x9e: {  	_ =	swait.ge [sflag:s22], s20  }
0x9f: {  	s4 =	ssub.s32 $0x0, s20;
	[sflag:s22] =	ssyncset.done $0x0  }
0xa0: {  	[sflag:s22] =	ssyncadd.s32 s4;
	_ =	sdelay $0x1  }
0xa1: {  	s23 =	simm.s32 $0x1B8B  }
0xa2: {  	_ =	swait.ge [sflag:s23], $0x1  }
0xa3: {  	[sflag:s23] =	ssyncset.done $0x0  }
0xa4: {  	s25 =	simm.s32 $0x1B8E;
	s24 =	sld [smem:$0x3FFE];
	[sflag:s23] =	ssyncadd.s32 $0xFFFFFFFF  }
0xa5: {  	s26 =	simm.s32 $execute0_lowered;
	[smem:$0x3FD2] =	sst s25  }
0xa6: {  	s5 =	sshll.u32 s26, $0x1;
	_ =	strace $0x80000049;
	[dreg:$0x1] =	wrdreg $0xFFFFFFFF  }
0xa7: {  	s28 =	simm.s32 $_size_execute0_lowered;
	s3 =	sadd.s32 s3, s5;
	[dreg:$0x0] =	wrdreg $0x0  }
0xa8: {  	s5 =	sshll.u32 s28, $0x1;
	[dreg:$0x2] =	wrdreg s3  }
0xa9: {  	[dreg:$0x3] =	wrdreg s5  }
0xaa: {  	[dreg:$0x4] =	wrdreg $0xC0  }
0xab: {  	_ =	task [dreg:s7], $0x5FFFF  }
0xac: {  	[dreg:$0x1] =	wrdreg $0xFFFFFFFF  }
0xad: {  	[dreg:$0x0] =	wrdreg $0x60  }
0xae: {  	[dreg:$0x2] =	wrdreg s2  }
0xaf: {  	[dreg:$0x3] =	wrdreg s24  }
0xb0: {  	[dreg:$0x4] =	wrdreg $0xB0000  }
0xb1: {  	[dreg:$0x5] =	wrdreg $0x9  }
0xb2: {  	_ =	task.clear_ibuf [dreg:s7], $0x6FFFF;
	_ =	strace $0x90000049  }
0xb3: {  	s29 =	simm.s32 $0x9;
	_ =	strace $0x8000004B  }
0xb4: {  	_ =	swait.ge [sflag:s29], $0x1  }
0xb5: {  	[sflag:s29] =	ssyncadd.s32 $0xFFFFFFFF  }
0xb6: {  	_ =	strace $0x9000004B  }
0xb7: {  	_ =	sfence  }
0xb8: {  	s30 =	sld [smem:$0x0];
	_ =	sdelay $0x2  }
0xb9: {  	s31 =	sshll.u32 s1, $0xD;
	s1 =	sshrl.u32 s1, $0x2  }
0xba: {  	s3 =	sand.u32 $0x4000, s31;
	s1 =	sadd.s32 s1, s30  }
0xbb: {  	s0 =	sor.u32 s3, s0;
	s1 =	sshll.u32 s1, $0x11  }
0xbc: {  	s0 =	sor.u32 s1, s0  }
0xbd: {  	s0 =	sadd.s32 $0x8F2B, s0  }
0xbe: {  	[sflag:s0] =	ssyncadd.remote.s32 $0x1  }
0xbf: {  	_ =	sfence.sel $0xFFFF  }
0xc0: {  	[dreg:$0x0] =	wrdreg $0xFFFFFFFF;
	(pc) =	sbr.abs _section_cstart, $3  }
0xc1: {  	[dreg:$0x1] =	wrdreg $0xFFFFFFFF  }
0xc2: {  	_ =	task.clear_ibuf [dreg:s7], $0x2FFFF;
	_ =	strace $0x9FFFFFFF  }
0xc3: {  	(tm) =	ssettm $0x7FFFFFFF  }
tec
execute0_lowered:
.L_overlay_start_1:
0x0: {  	(tag) =	ssettag $0x1  }
0x1: {  	s2 =	rddreg [dreg:$0x0]  }
0x2: {  	s0 =	srdreg.scid;
	s5 =	rddreg [dreg:$0x1]  }
0x3: {  	s19 =	stileid.u32;
	s3 =	rddreg [dreg:$0x2];
	s4 =	simm.s32 $0x0  }
0x4: {  	s28 =	simm.s32 $0x7000;
	s30 =	simm.s32 $0x9000;
	s1 =	smul.u32 $0x2800, s19  }
0x5: {  	s31 =	simm.s32 $0x1;
	s29 =	simm.s32 $0x2C00;
	s8 =	smul.u32 $0x4E000, s19  }
0x6: {  	s0 =	sand.u32 $0x1, s0;
	[smem:$0x7FF] =	sst s4;
	s14 =	smul.u32 $0x13800, s19  }
0x7: {  	s13 =	sadd.s32 $0x2400, s5;
	s7 =	sadd.s32 $0x7400, s5;
	s6 =	smul.u32 $0x28000, s0  }
0x8: {  	_ =	strace $0x8000004A;
	[dreg:$0x4] =	wrdreg s7;
	s24 =	ssub.s32 $0x2, s0  }
0x9: {  	s0 =	smul.u32 $0x138800, s0;
	s9 =	sshrl.u32 s24, $0x1;
	s25 =	sshrl.u32 s8, $0x2  }
0xa: {  	s26 =	sadd.s32 $0x4000, s14;
	s16 =	sadd.s32 $0x8000, s14;
	s17 =	sadd.s32 $0xC000, s14  }
0xb: {  	s18 =	sadd.s32 $0x10000, s14;
	s6 =	sadd.s32 s1, s6;
	s15 =	ssub.s32 s24, s9  }
0xc: {  	s7 =	sadd.s32 s25, s3;
	s8 =	sadd.s32 s26, s3;
	s9 =	sadd.s32 s16, s3  }
0xd: {  	s1 =	sshrl.u32 s1, $0x3;
	s10 =	sadd.s32 s17, s3;
	s11 =	sadd.s32 s18, s3  }
0xe: {  	s14 =	sadd.s32 s14, s0;
	s20 =	sadd.s32 s0, s16;
	s23 =	sadd.s32 s0, s17  }
0xf: {  	s24 =	smul.u32 $0x500, s19;
	s6 =	sshrl.u32 s6, $0x3;
	s12 =	sadd.s32 s13, s1  }
0x10: {  	s22 =	sshrl.u32 s20, $0x3;
	s25 =	sshrl.u32 s23, $0x3;
	s19 =	smax.u32 s15, $0x1  }
0x11: {  	s6 =	sadd.s32 s6, s5;
	s5 =	sadd.s32 $0x7C00, s5;
	s1 =	sadd.s32 $0x80, s12  }
0x12: {  	s6 =	sadd.s32 $0x56600, s6;
	[dreg:$0x6] =	wrdreg s1;
	s1 =	sshrl.u32 s14, $0x3  }
0x13: {  	[dreg:$0x5] =	wrdreg s6;
	s6 =	sadd.s32 s0, s26;
	s1 =	sadd.s32 s5, s1  }
0x14: {  	s0 =	sadd.s32 s0, s18;
	s26 =	sadd.s32 s24, s13;
	s24 =	simm.s32 $0x40  }
0x15: {  	s13 =	simm.s32 $0x0;
	s6 =	sshrl.u32 s6, $0x3;
	[dreg:$0x7] =	wrdreg s1  }
0x16: {  	s1 =	sadd.s32 s5, s22;
	s0 =	sshrl.u32 s0, $0x3;
	s20 =	sadd.s32 $0x100, s26  }
0x17: {  	s22 =	simm.s32 $0x3000;
	s21 =	sadd.s32 s5, s6;
	[dreg:$0x9] =	wrdreg s1  }
0x18: {  	s26 =	simm.s32 $0x80;
	s1 =	sadd.s32 s5, s25;
	[dreg:$0x8] =	wrdreg s21  }
0x19: {  	s0 =	sadd.s32 s5, s0;
	s25 =	simm.s32 $0x5000;
	[dreg:$0xa] =	wrdreg s1  }
0x1a: {  	s5 =	simm.s32 $0x4;
	s6 =	simm.s32 $0x5;
	[dreg:$0xb] =	wrdreg s0  }
0x1b: {  	s21 =	simm.s32 $0x6;
	s1 =	simm.s32 $0x3;
	s0 =	simm.s32 $0x2  }
.LBB2_1:
0x1c: {  	s14 =	rddreg [dreg:$0x5]  }
0x1d: {  	[tilespmem:s4], [sflag:$0x6] =	stream.linear.gather [hbm4b:s14+s4], $0x2800, $0x38;
	[tilespmem:$0x1E900] =	vst v63  }
0x1e: {  	_ =	swait.ge [sflag:s21], $0x2800  }
0x1f: {  	[sflag:s21] =	ssyncset.done $0x0  }
0x20: {  	s15 =	rddreg [dreg:$0x4];
	[sflag:s21] =	ssyncadd.s32 $0xFFFFD800  }
0x21: {  	[tilespmem:s22], [sflag:$0x6] =	stream.linear.gather [hbm4b:s15+s4], $0x4000, $0x38;
	[tilespmem:$0x1E900] =	vst v63  }
0x22: {  	_ =	swait.ge [sflag:s21], $0x4000  }
0x23: {  	[sflag:s21] =	ssyncset.done $0x0  }
0x24: {  	[sflag:s21] =	ssyncadd.s32 $0xFFFFC000  }
0x25: {  	[spmem:s7] =	stream.linear.scatter [tilespmem:s22], [sflag:$0x6], $0x4000, $0x38;
	[tilespmem:$0x1E900] =	vst v63  }
0x26: {  	_ =	swait.ge [sflag:s21], $0x4000  }
0x27: {  	[sflag:s21] =	ssyncset.done $0x0  }
0x28: {  	[sflag:s21] =	ssyncadd.s32 $0xFFFFC000  }
0x29: {  	[spmem:s8] =	stream.linear.scatter [tilespmem:s22], [sflag:$0x6], $0x4000, $0x38;
	[tilespmem:$0x1E900] =	vst v63  }
0x2a: {  	_ =	swait.ge [sflag:s21], $0x4000  }
0x2b: {  	[sflag:s21] =	ssyncset.done $0x0  }
0x2c: {  	[sflag:s21] =	ssyncadd.s32 $0xFFFFC000  }
0x2d: {  	[spmem:s9] =	stream.linear.scatter [tilespmem:s22], [sflag:$0x6], $0x4000, $0x38;
	[tilespmem:$0x1E900] =	vst v63  }
0x2e: {  	_ =	swait.ge [sflag:s21], $0x4000  }
0x2f: {  	[sflag:s21] =	ssyncset.done $0x0  }
0x30: {  	[sflag:s21] =	ssyncadd.s32 $0xFFFFC000  }
0x31: {  	[spmem:s10] =	stream.linear.scatter [tilespmem:s22], [sflag:$0x6], $0x4000, $0x38;
	[tilespmem:$0x1E900] =	vst v63  }
0x32: {  	_ =	swait.ge [sflag:s21], $0x4000  }
0x33: {  	[sflag:s21] =	ssyncset.done $0x0  }
0x34: {  	[sflag:s21] =	ssyncadd.s32 $0xFFFFC000  }
0x35: {  	[spmem:s11] =	stream.linear.scatter [tilespmem:s22], [sflag:$0x6], $0x4000, $0x38;
	[tilespmem:$0x1E900] =	vst v63  }
0x36: {  	_ =	swait.ge [sflag:s21], $0x4000  }
0x37: {  	[sflag:s21] =	ssyncset.done $0x0  }
0x38: {  	s16 =	simm.s32 $0x2800;
	[sflag:s21] =	ssyncadd.s32 $0xFFFFC000  }
0x39: {  	[tilespmem:s16], [sflag:$0x6] =	stream.linear.gather [hbm4b:s12+s4], $0x400, $0x38;
	[tilespmem:$0x1E900] =	vst v63  }
0x3a: {  	_ =	swait.ge [sflag:s21], $0x400  }
0x3b: {  	[sflag:s21] =	ssyncset.done $0x0  }
0x3c: {  	[sflag:s21] =	ssyncadd.s32 $0xFFFFFC00  }
0x3d: {  	[tilespmem:s22], [sflag:$0x1] =	stream.indirect.gather [hbm4b:s2+s24], $0x80, s4, s24, $0xb8;
	[tilespmem:$0x1E900] =	vst v63  }
0x3e: {  	_ = 	snop  }
0x3f: {  	[tilespmem:s25], [sflag:$0x1] =	stream.indirect.gather [hbm4b:s2+s24], $0x80, s24, s24, $0xb8;
	[tilespmem:$0x1E900] =	vst v63  }
0x40: {  	_ = 	snop  }
0x41: {  	[tilespmem:s28], [sflag:$0x2] =	stream.indirect.gather [hbm4b:s2+s24], $0x80, s26, s24, $0xb8;
	[tilespmem:$0x1E900] =	vst v63  }
0x42: {  	s15 =	simm.s32 $0xC0  }
0x43: {  	[tilespmem:s30], [sflag:$0x2] =	stream.indirect.gather [hbm4b:s2+s24], $0x80, s15, s24, $0xb8;
	[tilespmem:$0x1E900] =	vst v63  }
0x44: {  	[bflag:$0x0] =	sbarrier.arrive $0xFFFF  }
0x45: {  	_ =	swait.ge [sflag:s31], $0x4000  }
0x46: {  	[sflag:s31] =	ssyncset.done $0x0  }
0x47: {  	[sflag:s31] =	ssyncadd.s32 $0xFFFFC000  }
0x48: {  	[spmem:s3] =	stream.indirect.scatter.add.f32 [tilespmem:s22], [sflag:$0x3], $0x80, s16, s26, $0xb8;
	[tilespmem:$0x1E900] =	vst v63  }
0x49: {  	_ =	swait.ge [sflag:s1], $0x4000  }
0x4a: {  	[sflag:s1] =	ssyncset.done $0x0  }
0x4b: {  	s17 =	rddreg [dreg:$0x6];
	[sflag:s1] =	ssyncadd.s32 $0xFFFFC000  }
0x4c: {  	[tilespmem:s29], [sflag:$0x5] =	stream.linear.gather [hbm4b:s17+s4], $0x400, $0x38;
	[tilespmem:$0x1E900] =	vst v63  }
0x4d: {  	s18 =	simm.s32 $0x100  }
0x4e: {  	[tilespmem:s22], [sflag:$0x1] =	stream.indirect.gather [hbm4b:s2+s24], $0x80, s18, s24, $0xb8;
	[tilespmem:$0x1E900] =	vst v63  }
0x4f: {  	s23 =	simm.s32 $0x140  }
0x50: {  	[tilespmem:s25], [sflag:$0x1] =	stream.indirect.gather [hbm4b:s2+s24], $0x80, s23, s24, $0xb8;
	[tilespmem:$0x1E900] =	vst v63  }
0x51: {  	_ =	swait.ge [sflag:s0], $0x4000  }
0x52: {  	[sflag:s0] =	ssyncset.done $0x0  }
0x53: {  	s15 =	simm.s32 $0x2880;
	[sflag:s0] =	ssyncadd.s32 $0xFFFFC000  }
0x54: {  	[spmem:s3] =	stream.indirect.scatter.add.f32 [tilespmem:s28], [sflag:$0x4], $0x80, s15, s26, $0xb8;
	[tilespmem:$0x1E900] =	vst v63  }
0x55: {  	_ =	swait.ge [sflag:s5], $0x4000  }
0x56: {  	[sflag:s5] =	ssyncset.done $0x0  }
0x57: {  	s16 =	simm.s32 $0x180;
	[sflag:s5] =	ssyncadd.s32 $0xFFFFC000  }
0x58: {  	[tilespmem:s28], [sflag:$0x2] =	stream.indirect.gather [hbm4b:s2+s24], $0x80, s16, s24, $0xb8;
	[tilespmem:$0x1E900] =	vst v63  }
0x59: {  	s17 =	simm.s32 $0x1C0  }
0x5a: {  	[tilespmem:s30], [sflag:$0x2] =	stream.indirect.gather [hbm4b:s2+s24], $0x80, s17, s24, $0xb8;
	[tilespmem:$0x1E900] =	vst v63  }
0x5b: {  	_ =	swait.ge [sflag:s31], $0x4000  }
0x5c: {  	[sflag:s31] =	ssyncset.done $0x0  }
0x5d: {  	s18 =	simm.s32 $0x2900;
	[sflag:s31] =	ssyncadd.s32 $0xFFFFC000  }
0x5e: {  	[spmem:s3] =	stream.indirect.scatter.add.f32 [tilespmem:s22], [sflag:$0x3], $0x80, s18, s26, $0xb8;
	[tilespmem:$0x1E900] =	vst v63  }
0x5f: {  	_ =	swait.ge [sflag:s1], $0x4000  }
0x60: {  	[sflag:s1] =	ssyncset.done $0x0  }
0x61: {  	s23 =	simm.s32 $0x200;
	[sflag:s1] =	ssyncadd.s32 $0xFFFFC000  }
0x62: {  	[tilespmem:s22], [sflag:$0x1] =	stream.indirect.gather [hbm4b:s2+s24], $0x80, s23, s24, $0xb8;
	[tilespmem:$0x1E900] =	vst v63  }
0x63: {  	s15 =	simm.s32 $0x240  }
0x64: {  	[tilespmem:s25], [sflag:$0x1] =	stream.indirect.gather [hbm4b:s2+s24], $0x80, s15, s24, $0xb8;
	[tilespmem:$0x1E900] =	vst v63  }
0x65: {  	_ =	swait.ge [sflag:s0], $0x4000  }
0x66: {  	[sflag:s0] =	ssyncset.done $0x0  }
0x67: {  	s16 =	simm.s32 $0x2980;
	[sflag:s0] =	ssyncadd.s32 $0xFFFFC000  }
0x68: {  	[spmem:s3] =	stream.indirect.scatter.add.f32 [tilespmem:s28], [sflag:$0x4], $0x80, s16, s26, $0xb8;
	[tilespmem:$0x1E900] =	vst v63  }
0x69: {  	_ =	swait.ge [sflag:s5], $0x4000  }
0x6a: {  	[sflag:s5] =	ssyncset.done $0x0  }
0x6b: {  	s17 =	simm.s32 $0x280;
	[sflag:s5] =	ssyncadd.s32 $0xFFFFC000  }
0x6c: {  	[tilespmem:s28], [sflag:$0x2] =	stream.indirect.gather [hbm4b:s2+s24], $0x80, s17, s24, $0xb8;
	[tilespmem:$0x1E900] =	vst v63  }
0x6d: {  	s18 =	simm.s32 $0x2C0  }
0x6e: {  	[tilespmem:s30], [sflag:$0x2] =	stream.indirect.gather [hbm4b:s2+s24], $0x80, s18, s24, $0xb8;
	[tilespmem:$0x1E900] =	vst v63  }
0x6f: {  	_ =	swait.ge [sflag:s31], $0x4000  }
0x70: {  	[sflag:s31] =	ssyncset.done $0x0  }
0x71: {  	s23 =	simm.s32 $0x2A00;
	[sflag:s31] =	ssyncadd.s32 $0xFFFFC000  }
0x72: {  	[spmem:s3] =	stream.indirect.scatter.add.f32 [tilespmem:s22], [sflag:$0x3], $0x80, s23, s26, $0xb8;
	[tilespmem:$0x1E900] =	vst v63  }
0x73: {  	_ =	swait.ge [sflag:s1], $0x4000  }
0x74: {  	[sflag:s1] =	ssyncset.done $0x0  }
0x75: {  	s15 =	simm.s32 $0x300;
	[sflag:s1] =	ssyncadd.s32 $0xFFFFC000  }
0x76: {  	[tilespmem:s22], [sflag:$0x1] =	stream.indirect.gather [hbm4b:s2+s24], $0x80, s15, s24, $0xb8;
	[tilespmem:$0x1E900] =	vst v63  }
0x77: {  	s16 =	simm.s32 $0x340  }
0x78: {  	[tilespmem:s25], [sflag:$0x1] =	stream.indirect.gather [hbm4b:s2+s24], $0x80, s16, s24, $0xb8;
	[tilespmem:$0x1E900] =	vst v63  }
0x79: {  	_ =	swait.ge [sflag:s0], $0x4000  }
0x7a: {  	[sflag:s0] =	ssyncset.done $0x0  }
0x7b: {  	s17 =	simm.s32 $0x2A80;
	[sflag:s0] =	ssyncadd.s32 $0xFFFFC000  }
0x7c: {  	[spmem:s3] =	stream.indirect.scatter.add.f32 [tilespmem:s28], [sflag:$0x4], $0x80, s17, s26, $0xb8;
	[tilespmem:$0x1E900] =	vst v63  }
0x7d: {  	_ =	swait.ge [sflag:s5], $0x4000  }
0x7e: {  	[sflag:s5] =	ssyncset.done $0x0  }
0x7f: {  	s18 =	simm.s32 $0x380;
	[sflag:s5] =	ssyncadd.s32 $0xFFFFC000  }
0x80: {  	[tilespmem:s28], [sflag:$0x2] =	stream.indirect.gather [hbm4b:s2+s24], $0x80, s18, s24, $0xb8;
	[tilespmem:$0x1E900] =	vst v63  }
0x81: {  	s23 =	simm.s32 $0x3C0  }
0x82: {  	[tilespmem:s30], [sflag:$0x2] =	stream.indirect.gather [hbm4b:s2+s24], $0x80, s23, s24, $0xb8;
	[tilespmem:$0x1E900] =	vst v63  }
0x83: {  	_ =	swait.ge [sflag:s31], $0x4000  }
0x84: {  	[sflag:s31] =	ssyncset.done $0x0  }
0x85: {  	s15 =	simm.s32 $0x2B00;
	[sflag:s31] =	ssyncadd.s32 $0xFFFFC000  }
0x86: {  	[spmem:s3] =	stream.indirect.scatter.add.f32 [tilespmem:s22], [sflag:$0x3], $0x80, s15, s26, $0xb8;
	[tilespmem:$0x1E900] =	vst v63  }
0x87: {  	_ =	swait.ge [sflag:s1], $0x4000  }
0x88: {  	[sflag:s1] =	ssyncset.done $0x0  }
0x89: {  	s16 =	simm.s32 $0x400;
	[sflag:s1] =	ssyncadd.s32 $0xFFFFC000  }
0x8a: {  	[tilespmem:s22], [sflag:$0x1] =	stream.indirect.gather [hbm4b:s2+s24], $0x80, s16, s24, $0xb8;
	[tilespmem:$0x1E900] =	vst v63  }
0x8b: {  	s17 =	simm.s32 $0x440  }
0x8c: {  	[tilespmem:s25], [sflag:$0x1] =	stream.indirect.gather [hbm4b:s2+s24], $0x80, s17, s24, $0xb8;
	[tilespmem:$0x1E900] =	vst v63  }
0x8d: {  	_ =	swait.ge [sflag:s0], $0x4000  }
0x8e: {  	[sflag:s0] =	ssyncset.done $0x0  }
0x8f: {  	s18 =	simm.s32 $0x2B80;
	[sflag:s0] =	ssyncadd.s32 $0xFFFFC000  }
0x90: {  	[spmem:s3] =	stream.indirect.scatter.add.f32 [tilespmem:s28], [sflag:$0x4], $0x80, s18, s26, $0xb8;
	[tilespmem:$0x1E900] =	vst v63  }
0x91: {  	_ =	swait.ge [sflag:s6], $0x400  }
0x92: {  	[sflag:s6] =	ssyncset.done $0x0  }
0x93: {  	[sflag:s6] =	ssyncadd.s32 $0xFFFFFC00  }
0x94: {  	_ =	swait.ge [sflag:s5], $0x4000  }
0x95: {  	[sflag:s5] =	ssyncset.done $0x0  }
0x96: {  	s23 =	simm.s32 $0x480;
	[sflag:s5] =	ssyncadd.s32 $0xFFFFC000  }
0x97: {  	[tilespmem:s28], [sflag:$0x2] =	stream.indirect.gather [hbm4b:s2+s24], $0x80, s23, s24, $0xb8;
	[tilespmem:$0x1E900] =	vst v63  }
0x98: {  	s15 =	simm.s32 $0x4C0;
	s17 =	simm.s32 $0x1000  }
0x99: {  	[tilespmem:s30], [sflag:$0x2] =	stream.indirect.gather [hbm4b:s2+s24], $0x80, s15, s24, $0xb8;
	[tilespmem:$0x1E900] =	vst v63  }
0x9a: {  	s16 =	sand.u32 $0x1000, s17;
	_ =	swait.ge [sflag:s31], $0x4000  }
0x9b: {  	s15 =	sshrl.u32 s16, $0x2;
	[sflag:s31] =	ssyncset.done $0x0  }
0x9c: {  	s14 =	sor.u32 $0x2800, s15;
	[sflag:s31] =	ssyncadd.s32 $0xFFFFC000  }
0x9d: {  	[spmem:s3] =	stream.indirect.scatter.add.f32 [tilespmem:s22], [sflag:$0x3], $0x80, s14, s26, $0xb8;
	[tilespmem:$0x1E900] =	vst v63  }
0x9e: {  	s14 =	simm.s32 $0x800;
	_ =	swait.ge [sflag:s1], $0x4000  }
0x9f: {  	s16 =	sand.u32 $0x400, s14;
	[sflag:s1] =	ssyncset.done $0x0  }
0xa0: {  	s16 =	sor.u32 $0x2800, s16;
	[sflag:s1] =	ssyncadd.s32 $0xFFFFC000  }
0xa1: {  	[tilespmem:s16], [sflag:$0x5] =	stream.linear.gather [hbm4b:s20+s4], $0x400, $0x38;
	[tilespmem:$0x1E900] =	vst v63  }
0xa2: {  	s18 =	simm.s32 $0x500  }
0xa3: {  	[tilespmem:s22], [sflag:$0x1] =	stream.indirect.gather [hbm4b:s2+s24], $0x80, s18, s24, $0xb8;
	[tilespmem:$0x1E900] =	vst v63  }
0xa4: {  	s23 =	simm.s32 $0x540  }
0xa5: {  	[tilespmem:s25], [sflag:$0x1] =	stream.indirect.gather [hbm4b:s2+s24], $0x80, s23, s24, $0xb8;
	[tilespmem:$0x1E900] =	vst v63  }
0xa6: {  	_ =	swait.ge [sflag:s0], $0x4000  }
0xa7: {  	[sflag:s0] =	ssyncset.done $0x0  }
0xa8: {  	s18 =	sor.u32 $0x2880, s15;
	[sflag:s0] =	ssyncadd.s32 $0xFFFFC000  }
0xa9: {  	[spmem:s3] =	stream.indirect.scatter.add.f32 [tilespmem:s28], [sflag:$0x4], $0x80, s18, s26, $0xb8;
	[tilespmem:$0x1E900] =	vst v63  }
0xaa: {  	_ =	swait.ge [sflag:s5], $0x4000  }
0xab: {  	[sflag:s5] =	ssyncset.done $0x0  }
0xac: {  	s23 =	simm.s32 $0x580;
	[sflag:s5] =	ssyncadd.s32 $0xFFFFC000  }
0xad: {  	[tilespmem:s28], [sflag:$0x2] =	stream.indirect.gather [hbm4b:s2+s24], $0x80, s23, s24, $0xb8;
	[tilespmem:$0x1E900] =	vst v63  }
0xae: {  	s18 =	simm.s32 $0x5C0  }
0xaf: {  	[tilespmem:s30], [sflag:$0x2] =	stream.indirect.gather [hbm4b:s2+s24], $0x80, s18, s24, $0xb8;
	[tilespmem:$0x1E900] =	vst v63  }
0xb0: {  	_ =	swait.ge [sflag:s31], $0x4000  }
0xb1: {  	[sflag:s31] =	ssyncset.done $0x0  }
0xb2: {  	s23 =	sor.u32 $0x2900, s15;
	[sflag:s31] =	ssyncadd.s32 $0xFFFFC000  }
0xb3: {  	[spmem:s3] =	stream.indirect.scatter.add.f32 [tilespmem:s22], [sflag:$0x3], $0x80, s23, s26, $0xb8;
	[tilespmem:$0x1E900] =	vst v63  }
0xb4: {  	_ =	swait.ge [sflag:s1], $0x4000  }
0xb5: {  	[sflag:s1] =	ssyncset.done $0x0  }
0xb6: {  	s18 =	simm.s32 $0x600;
	[sflag:s1] =	ssyncadd.s32 $0xFFFFC000  }
0xb7: {  	[tilespmem:s22], [sflag:$0x1] =	stream.indirect.gather [hbm4b:s2+s24], $0x80, s18, s24, $0xb8;
	[tilespmem:$0x1E900] =	vst v63  }
0xb8: {  	s23 =	simm.s32 $0x640  }
0xb9: {  	[tilespmem:s25], [sflag:$0x1] =	stream.indirect.gather [hbm4b:s2+s24], $0x80, s23, s24, $0xb8;
	[tilespmem:$0x1E900] =	vst v63  }
0xba: {  	_ =	swait.ge [sflag:s0], $0x4000  }
0xbb: {  	[sflag:s0] =	ssyncset.done $0x0  }
0xbc: {  	s18 =	sor.u32 $0x2980, s15;
	[sflag:s0] =	ssyncadd.s32 $0xFFFFC000  }
0xbd: {  	[spmem:s3] =	stream.indirect.scatter.add.f32 [tilespmem:s28], [sflag:$0x4], $0x80, s18, s26, $0xb8;
	[tilespmem:$0x1E900] =	vst v63  }
0xbe: {  	_ =	swait.ge [sflag:s5], $0x4000  }
0xbf: {  	[sflag:s5] =	ssyncset.done $0x0  }
0xc0: {  	s23 =	simm.s32 $0x680;
	[sflag:s5] =	ssyncadd.s32 $0xFFFFC000  }
0xc1: {  	[tilespmem:s28], [sflag:$0x2] =	stream.indirect.gather [hbm4b:s2+s24], $0x80, s23, s24, $0xb8;
	[tilespmem:$0x1E900] =	vst v63  }
0xc2: {  	s18 =	simm.s32 $0x6C0  }
0xc3: {  	[tilespmem:s30], [sflag:$0x2] =	stream.indirect.gather [hbm4b:s2+s24], $0x80, s18, s24, $0xb8;
	[tilespmem:$0x1E900] =	vst v63  }
0xc4: {  	_ =	swait.ge [sflag:s31], $0x4000  }
0xc5: {  	[sflag:s31] =	ssyncset.done $0x0  }
0xc6: {  	s23 =	sor.u32 $0x2A00, s15;
	[sflag:s31] =	ssyncadd.s32 $0xFFFFC000  }
0xc7: {  	[spmem:s3] =	stream.indirect.scatter.add.f32 [tilespmem:s22], [sflag:$0x3], $0x80, s23, s26, $0xb8;
	[tilespmem:$0x1E900] =	vst v63  }
0xc8: {  	_ =	swait.ge [sflag:s1], $0x4000  }
0xc9: {  	[sflag:s1] =	ssyncset.done $0x0  }
0xca: {  	s18 =	simm.s32 $0x700;
	[sflag:s1] =	ssyncadd.s32 $0xFFFFC000  }
0xcb: {  	[tilespmem:s22], [sflag:$0x1] =	stream.indirect.gather [hbm4b:s2+s24], $0x80, s18, s24, $0xb8;
	[tilespmem:$0x1E900] =	vst v63  }
0xcc: {  	s23 =	simm.s32 $0x740  }
0xcd: {  	[tilespmem:s25], [sflag:$0x1] =	stream.indirect.gather [hbm4b:s2+s24], $0x80, s23, s24, $0xb8;
	[tilespmem:$0x1E900] =	vst v63  }
0xce: {  	_ =	swait.ge [sflag:s0], $0x4000  }
0xcf: {  	[sflag:s0] =	ssyncset.done $0x0  }
0xd0: {  	s18 =	sor.u32 $0x2A80, s15;
	[sflag:s0] =	ssyncadd.s32 $0xFFFFC000  }
0xd1: {  	[spmem:s3] =	stream.indirect.scatter.add.f32 [tilespmem:s28], [sflag:$0x4], $0x80, s18, s26, $0xb8;
	[tilespmem:$0x1E900] =	vst v63  }
0xd2: {  	_ =	swait.ge [sflag:s5], $0x4000  }
0xd3: {  	[sflag:s5] =	ssyncset.done $0x0  }
0xd4: {  	s23 =	simm.s32 $0x780;
	[sflag:s5] =	ssyncadd.s32 $0xFFFFC000  }
0xd5: {  	[tilespmem:s28], [sflag:$0x2] =	stream.indirect.gather [hbm4b:s2+s24], $0x80, s23, s24, $0xb8;
	[tilespmem:$0x1E900] =	vst v63  }
0xd6: {  	s18 =	simm.s32 $0x7C0  }
0xd7: {  	[tilespmem:s30], [sflag:$0x2] =	stream.indirect.gather [hbm4b:s2+s24], $0x80, s18, s24, $0xb8;
	[tilespmem:$0x1E900] =	vst v63  }
0xd8: {  	_ =	swait.ge [sflag:s31], $0x4000  }
0xd9: {  	[sflag:s31] =	ssyncset.done $0x0  }
0xda: {  	s23 =	sor.u32 $0x2B00, s15;
	[sflag:s31] =	ssyncadd.s32 $0xFFFFC000  }
0xdb: {  	[spmem:s3] =	stream.indirect.scatter.add.f32 [tilespmem:s22], [sflag:$0x3], $0x80, s23, s26, $0xb8;
	[tilespmem:$0x1E900] =	vst v63  }
0xdc: {  	_ =	swait.ge [sflag:s1], $0x4000  }
0xdd: {  	[sflag:s1] =	ssyncset.done $0x0  }
0xde: {  	s18 =	simm.s32 $0x800;
	[sflag:s1] =	ssyncadd.s32 $0xFFFFC000  }
0xdf: {  	[tilespmem:s22], [sflag:$0x1] =	stream.indirect.gather [hbm4b:s2+s24], $0x80, s18, s24, $0xb8;
	[tilespmem:$0x1E900] =	vst v63  }
0xe0: {  	s23 =	simm.s32 $0x840  }
0xe1: {  	[tilespmem:s25], [sflag:$0x1] =	stream.indirect.gather [hbm4b:s2+s24], $0x80, s23, s24, $0xb8;
	[tilespmem:$0x1E900] =	vst v63  }
0xe2: {  	_ =	swait.ge [sflag:s0], $0x4000  }
0xe3: {  	[sflag:s0] =	ssyncset.done $0x0  }
0xe4: {  	s15 =	sor.u32 $0x2B80, s15;
	[sflag:s0] =	ssyncadd.s32 $0xFFFFC000  }
0xe5: {  	[spmem:s3] =	stream.indirect.scatter.add.f32 [tilespmem:s28], [sflag:$0x4], $0x80, s15, s26, $0xb8;
	[tilespmem:$0x1E900] =	vst v63  }
0xe6: {  	_ =	swait.ge [sflag:s6], $0x400  }
0xe7: {  	s15 =	sadd.s32 $0x80, s20;
	[sflag:s6] =	ssyncset.done $0x0  }
.LBB2_2:
0xe8: {  	[sflag:s6] =	ssyncadd.s32 $0xFFFFFC00  }
0xe9: {  	s14 =	sadd.s32 $0x400, s14;
	s23 =	smov.u32 s17;
	s16 =	sadd.s32 $0x1000, s17  }
0xea: {  	p0 =	sne.s32 s17, $0x7000;
	_ =	swait.ge [sflag:s5], $0x4000;
	s18 =	sand.u32 $0x1000, s16  }
0xeb: {  	s17 =	sshra.s32 s23, $0x2;
	[sflag:s5] =	ssyncset.done $0x0;
	s23 =	sshrl.u32 s18, $0x2  }
0xec: {  	s18 =	sadd.s32 $0x480, s17;
	[sflag:s5] =	ssyncadd.s32 $0xFFFFC000  }
0xed: {  	[tilespmem:s28], [sflag:$0x2] =	stream.indirect.gather [hbm4b:s2+s24], $0x80, s18, s24, $0xb8;
	[tilespmem:$0x1E900] =	vst v63  }
0xee: {  	s18 =	sadd.s32 $0x4C0, s17  }
0xef: {  	[tilespmem:s30], [sflag:$0x2] =	stream.indirect.gather [hbm4b:s2+s24], $0x80, s18, s24, $0xb8;
	[tilespmem:$0x1E900] =	vst v63  }
0xf0: {  	_ =	swait.ge [sflag:s31], $0x4000  }
0xf1: {  	[sflag:s31] =	ssyncset.done $0x0  }
0xf2: {  	s18 =	sor.u32 $0x2800, s23;
	[sflag:s31] =	ssyncadd.s32 $0xFFFFC000  }
0xf3: {  	[spmem:s3] =	stream.indirect.scatter.add.f32 [tilespmem:s22], [sflag:$0x3], $0x80, s18, s26, $0xb8;
	[tilespmem:$0x1E900] =	vst v63  }
0xf4: {  	_ =	swait.ge [sflag:s1], $0x4000  }
0xf5: {  	s18 =	sand.u32 $0x400, s14;
	[sflag:s1] =	ssyncset.done $0x0  }
0xf6: {  	s18 =	sor.u32 $0x2800, s18;
	[sflag:s1] =	ssyncadd.s32 $0xFFFFC000  }
0xf7: {  	[tilespmem:s18], [sflag:$0x5] =	stream.linear.gather [hbm4b:s15+s4], $0x400, $0x38;
	[tilespmem:$0x1E900] =	vst v63  }
0xf8: {  	s18 =	sadd.s32 $0x500, s17  }
0xf9: {  	[tilespmem:s22], [sflag:$0x1] =	stream.indirect.gather [hbm4b:s2+s24], $0x80, s18, s24, $0xb8;
	[tilespmem:$0x1E900] =	vst v63  }
0xfa: {  	s18 =	sadd.s32 $0x540, s17  }
0xfb: {  	[tilespmem:s25], [sflag:$0x1] =	stream.indirect.gather [hbm4b:s2+s24], $0x80, s18, s24, $0xb8;
	[tilespmem:$0x1E900] =	vst v63  }
0xfc: {  	_ =	swait.ge [sflag:s0], $0x4000  }
0xfd: {  	[sflag:s0] =	ssyncset.done $0x0  }
0xfe: {  	s18 =	sor.u32 $0x2880, s23;
	[sflag:s0] =	ssyncadd.s32 $0xFFFFC000  }
0xff: {  	[spmem:s3] =	stream.indirect.scatter.add.f32 [tilespmem:s28], [sflag:$0x4], $0x80, s18, s26, $0xb8;
	[tilespmem:$0x1E900] =	vst v63  }
0x100: {  	_ =	swait.ge [sflag:s5], $0x4000  }
0x101: {  	[sflag:s5] =	ssyncset.done $0x0  }
0x102: {  	s18 =	sadd.s32 $0x580, s17;
	[sflag:s5] =	ssyncadd.s32 $0xFFFFC000  }
0x103: {  	[tilespmem:s28], [sflag:$0x2] =	stream.indirect.gather [hbm4b:s2+s24], $0x80, s18, s24, $0xb8;
	[tilespmem:$0x1E900] =	vst v63  }
0x104: {  	s18 =	sadd.s32 $0x5C0, s17  }
0x105: {  	[tilespmem:s30], [sflag:$0x2] =	stream.indirect.gather [hbm4b:s2+s24], $0x80, s18, s24, $0xb8;
	[tilespmem:$0x1E900] =	vst v63  }
0x106: {  	_ =	swait.ge [sflag:s31], $0x4000  }
0x107: {  	[sflag:s31] =	ssyncset.done $0x0  }
0x108: {  	s18 =	sor.u32 $0x2900, s23;
	[sflag:s31] =	ssyncadd.s32 $0xFFFFC000  }
0x109: {  	[spmem:s3] =	stream.indirect.scatter.add.f32 [tilespmem:s22], [sflag:$0x3], $0x80, s18, s26, $0xb8;
	[tilespmem:$0x1E900] =	vst v63  }
0x10a: {  	_ =	swait.ge [sflag:s1], $0x4000  }
0x10b: {  	[sflag:s1] =	ssyncset.done $0x0  }
0x10c: {  	s18 =	sadd.s32 $0x600, s17;
	[sflag:s1] =	ssyncadd.s32 $0xFFFFC000  }
0x10d: {  	[tilespmem:s22], [sflag:$0x1] =	stream.indirect.gather [hbm4b:s2+s24], $0x80, s18, s24, $0xb8;
	[tilespmem:$0x1E900] =	vst v63  }
0x10e: {  	s18 =	sadd.s32 $0x640, s17  }
0x10f: {  	[tilespmem:s25], [sflag:$0x1] =	stream.indirect.gather [hbm4b:s2+s24], $0x80, s18, s24, $0xb8;
	[tilespmem:$0x1E900] =	vst v63  }
0x110: {  	_ =	swait.ge [sflag:s0], $0x4000  }
0x111: {  	[sflag:s0] =	ssyncset.done $0x0  }
0x112: {  	s18 =	sor.u32 $0x2980, s23;
	[sflag:s0] =	ssyncadd.s32 $0xFFFFC000  }
0x113: {  	[spmem:s3] =	stream.indirect.scatter.add.f32 [tilespmem:s28], [sflag:$0x4], $0x80, s18, s26, $0xb8;
	[tilespmem:$0x1E900] =	vst v63  }
0x114: {  	_ =	swait.ge [sflag:s5], $0x4000  }
0x115: {  	[sflag:s5] =	ssyncset.done $0x0  }
0x116: {  	s18 =	sadd.s32 $0x680, s17;
	[sflag:s5] =	ssyncadd.s32 $0xFFFFC000  }
0x117: {  	[tilespmem:s28], [sflag:$0x2] =	stream.indirect.gather [hbm4b:s2+s24], $0x80, s18, s24, $0xb8;
	[tilespmem:$0x1E900] =	vst v63  }
0x118: {  	s18 =	sadd.s32 $0x6C0, s17  }
0x119: {  	[tilespmem:s30], [sflag:$0x2] =	stream.indirect.gather [hbm4b:s2+s24], $0x80, s18, s24, $0xb8;
	[tilespmem:$0x1E900] =	vst v63  }
0x11a: {  	_ =	swait.ge [sflag:s31], $0x4000  }
0x11b: {  	[sflag:s31] =	ssyncset.done $0x0  }
0x11c: {  	s18 =	sor.u32 $0x2A00, s23;
	[sflag:s31] =	ssyncadd.s32 $0xFFFFC000  }
0x11d: {  	[spmem:s3] =	stream.indirect.scatter.add.f32 [tilespmem:s22], [sflag:$0x3], $0x80, s18, s26, $0xb8;
	[tilespmem:$0x1E900] =	vst v63  }
0x11e: {  	_ =	swait.ge [sflag:s1], $0x4000  }
0x11f: {  	[sflag:s1] =	ssyncset.done $0x0  }
0x120: {  	s18 =	sadd.s32 $0x700, s17;
	[sflag:s1] =	ssyncadd.s32 $0xFFFFC000  }
0x121: {  	[tilespmem:s22], [sflag:$0x1] =	stream.indirect.gather [hbm4b:s2+s24], $0x80, s18, s24, $0xb8;
	[tilespmem:$0x1E900] =	vst v63  }
0x122: {  	s18 =	sadd.s32 $0x740, s17  }
0x123: {  	[tilespmem:s25], [sflag:$0x1] =	stream.indirect.gather [hbm4b:s2+s24], $0x80, s18, s24, $0xb8;
	[tilespmem:$0x1E900] =	vst v63  }
0x124: {  	_ =	swait.ge [sflag:s0], $0x4000  }
0x125: {  	[sflag:s0] =	ssyncset.done $0x0  }
0x126: {  	s18 =	sor.u32 $0x2A80, s23;
	[sflag:s0] =	ssyncadd.s32 $0xFFFFC000  }
0x127: {  	[spmem:s3] =	stream.indirect.scatter.add.f32 [tilespmem:s28], [sflag:$0x4], $0x80, s18, s26, $0xb8;
	[tilespmem:$0x1E900] =	vst v63  }
0x128: {  	_ =	swait.ge [sflag:s5], $0x4000  }
0x129: {  	[sflag:s5] =	ssyncset.done $0x0  }
0x12a: {  	s18 =	sadd.s32 $0x780, s17;
	[sflag:s5] =	ssyncadd.s32 $0xFFFFC000  }
0x12b: {  	[tilespmem:s28], [sflag:$0x2] =	stream.indirect.gather [hbm4b:s2+s24], $0x80, s18, s24, $0xb8;
	[tilespmem:$0x1E900] =	vst v63  }
0x12c: {  	s18 =	sadd.s32 $0x7C0, s17  }
0x12d: {  	[tilespmem:s30], [sflag:$0x2] =	stream.indirect.gather [hbm4b:s2+s24], $0x80, s18, s24, $0xb8;
	[tilespmem:$0x1E900] =	vst v63  }
0x12e: {  	_ =	swait.ge [sflag:s31], $0x4000  }
0x12f: {  	[sflag:s31] =	ssyncset.done $0x0  }
0x130: {  	s18 =	sor.u32 $0x2B00, s23;
	[sflag:s31] =	ssyncadd.s32 $0xFFFFC000  }
0x131: {  	[spmem:s3] =	stream.indirect.scatter.add.f32 [tilespmem:s22], [sflag:$0x3], $0x80, s18, s26, $0xb8;
	[tilespmem:$0x1E900] =	vst v63  }
0x132: {  	_ =	swait.ge [sflag:s1], $0x4000  }
0x133: {  	[sflag:s1] =	ssyncset.done $0x0  }
0x134: {  	s18 =	sadd.s32 $0x800, s17;
	[sflag:s1] =	ssyncadd.s32 $0xFFFFC000  }
0x135: {  	[tilespmem:s22], [sflag:$0x1] =	stream.indirect.gather [hbm4b:s2+s24], $0x80, s18, s24, $0xb8;
	[tilespmem:$0x1E900] =	vst v63  }
0x136: {  	s17 =	sadd.s32 $0x840, s17  }
0x137: {  	[tilespmem:s25], [sflag:$0x1] =	stream.indirect.gather [hbm4b:s2+s24], $0x80, s17, s24, $0xb8;
	[tilespmem:$0x1E900] =	vst v63  }
0x138: {  	_ =	swait.ge [sflag:s0], $0x4000  }
.Ltmp0:
0x139: {  	[sflag:s0] =	ssyncset.done $0x0;
	(pc) =	sbr.rel @p0 .LBB2_2-.Ltmp0, $4  }
0x13a: {  	s17 =	sor.u32 $0x2B80, s23;
	[sflag:s0] =	ssyncadd.s32 $0xFFFFC000  }
0x13b: {  	[spmem:s3] =	stream.indirect.scatter.add.f32 [tilespmem:s28], [sflag:$0x4], $0x80, s17, s26, $0xb8;
	[tilespmem:$0x1E900] =	vst v63  }
0x13c: {  	_ =	swait.ge [sflag:s6], $0x400  }
0x13d: {  	s15 =	sadd.s32 $0x80, s15;
	s17 =	smov.u32 s16;
	[sflag:s6] =	ssyncset.done $0x0  }
0x13e: {  	[sflag:s6] =	ssyncadd.s32 $0xFFFFFC00  }
0x13f: {  	_ =	swait.ge [sflag:s5], $0x4000  }
0x140: {  	[sflag:s5] =	ssyncset.done $0x0  }
0x141: {  	s14 =	simm.s32 $0x2480;
	[sflag:s5] =	ssyncadd.s32 $0xFFFFC000  }
0x142: {  	[tilespmem:s28], [sflag:$0x2] =	stream.indirect.gather [hbm4b:s2+s24], $0x80, s14, s24, $0xb8;
	[tilespmem:$0x1E900] =	vst v63  }
0x143: {  	s15 =	simm.s32 $0x24C0  }
0x144: {  	[tilespmem:s30], [sflag:$0x2] =	stream.indirect.gather [hbm4b:s2+s24], $0x80, s15, s24, $0xb8;
	[tilespmem:$0x1E900] =	vst v63  }
0x145: {  	_ =	swait.ge [sflag:s31], $0x4000  }
0x146: {  	[sflag:s31] =	ssyncset.done $0x0  }
0x147: {  	[sflag:s31] =	ssyncadd.s32 $0xFFFFC000  }
0x148: {  	[spmem:s3] =	stream.indirect.scatter.add.f32 [tilespmem:s22], [sflag:$0x3], $0x80, s29, s26, $0xb8;
	[tilespmem:$0x1E900] =	vst v63  }
0x149: {  	_ =	swait.ge [sflag:s1], $0x4000  }
0x14a: {  	[sflag:s1] =	ssyncset.done $0x0  }
0x14b: {  	s16 =	simm.s32 $0x2500;
	[sflag:s1] =	ssyncadd.s32 $0xFFFFC000  }
0x14c: {  	[tilespmem:s22], [sflag:$0x1] =	stream.indirect.gather [hbm4b:s2+s24], $0x80, s16, s24, $0xb8;
	[tilespmem:$0x1E900] =	vst v63  }
0x14d: {  	s17 =	simm.s32 $0x2540  }
0x14e: {  	[tilespmem:s25], [sflag:$0x1] =	stream.indirect.gather [hbm4b:s2+s24], $0x80, s17, s24, $0xb8;
	[tilespmem:$0x1E900] =	vst v63  }
0x14f: {  	_ =	swait.ge [sflag:s0], $0x4000  }
0x150: {  	[sflag:s0] =	ssyncset.done $0x0  }
0x151: {  	s18 =	simm.s32 $0x2C80;
	[sflag:s0] =	ssyncadd.s32 $0xFFFFC000  }
0x152: {  	[spmem:s3] =	stream.indirect.scatter.add.f32 [tilespmem:s28], [sflag:$0x4], $0x80, s18, s26, $0xb8;
	[tilespmem:$0x1E900] =	vst v63  }
0x153: {  	_ =	swait.ge [sflag:s5], $0x4000  }
0x154: {  	[sflag:s5] =	ssyncset.done $0x0  }
0x155: {  	s23 =	simm.s32 $0x2580;
	[sflag:s5] =	ssyncadd.s32 $0xFFFFC000  }
0x156: {  	[tilespmem:s28], [sflag:$0x2] =	stream.indirect.gather [hbm4b:s2+s24], $0x80, s23, s24, $0xb8;
	[tilespmem:$0x1E900] =	vst v63  }
0x157: {  	s15 =	simm.s32 $0x25C0  }
0x158: {  	[tilespmem:s30], [sflag:$0x2] =	stream.indirect.gather [hbm4b:s2+s24], $0x80, s15, s24, $0xb8;
	[tilespmem:$0x1E900] =	vst v63  }
0x159: {  	_ =	swait.ge [sflag:s31], $0x4000  }
0x15a: {  	[sflag:s31] =	ssyncset.done $0x0  }
0x15b: {  	s16 =	simm.s32 $0x2D00;
	[sflag:s31] =	ssyncadd.s32 $0xFFFFC000  }
0x15c: {  	[spmem:s3] =	stream.indirect.scatter.add.f32 [tilespmem:s22], [sflag:$0x3], $0x80, s16, s26, $0xb8;
	[tilespmem:$0x1E900] =	vst v63  }
0x15d: {  	_ =	swait.ge [sflag:s1], $0x4000  }
0x15e: {  	[sflag:s1] =	ssyncset.done $0x0  }
0x15f: {  	s17 =	simm.s32 $0x2600;
	[sflag:s1] =	ssyncadd.s32 $0xFFFFC000  }
0x160: {  	[tilespmem:s22], [sflag:$0x1] =	stream.indirect.gather [hbm4b:s2+s24], $0x80, s17, s24, $0xb8;
	[tilespmem:$0x1E900] =	vst v63  }
0x161: {  	s18 =	simm.s32 $0x2640  }
0x162: {  	[tilespmem:s25], [sflag:$0x1] =	stream.indirect.gather [hbm4b:s2+s24], $0x80, s18, s24, $0xb8;
	[tilespmem:$0x1E900] =	vst v63  }
0x163: {  	_ =	swait.ge [sflag:s0], $0x4000  }
0x164: {  	[sflag:s0] =	ssyncset.done $0x0  }
0x165: {  	s23 =	simm.s32 $0x2D80;
	[sflag:s0] =	ssyncadd.s32 $0xFFFFC000  }
0x166: {  	[spmem:s3] =	stream.indirect.scatter.add.f32 [tilespmem:s28], [sflag:$0x4], $0x80, s23, s26, $0xb8;
	[tilespmem:$0x1E900] =	vst v63  }
0x167: {  	_ =	swait.ge [sflag:s5], $0x4000  }
0x168: {  	[sflag:s5] =	ssyncset.done $0x0  }
0x169: {  	s15 =	simm.s32 $0x2680;
	[sflag:s5] =	ssyncadd.s32 $0xFFFFC000  }
0x16a: {  	[tilespmem:s28], [sflag:$0x2] =	stream.indirect.gather [hbm4b:s2+s24], $0x80, s15, s24, $0xb8;
	[tilespmem:$0x1E900] =	vst v63  }
0x16b: {  	s16 =	simm.s32 $0x26C0  }
0x16c: {  	[tilespmem:s30], [sflag:$0x2] =	stream.indirect.gather [hbm4b:s2+s24], $0x80, s16, s24, $0xb8;
	[tilespmem:$0x1E900] =	vst v63  }
0x16d: {  	_ =	swait.ge [sflag:s31], $0x4000  }
0x16e: {  	[sflag:s31] =	ssyncset.done $0x0  }
0x16f: {  	s17 =	simm.s32 $0x2E00;
	[sflag:s31] =	ssyncadd.s32 $0xFFFFC000  }
0x170: {  	[spmem:s3] =	stream.indirect.scatter.add.f32 [tilespmem:s22], [sflag:$0x3], $0x80, s17, s26, $0xb8;
	[tilespmem:$0x1E900] =	vst v63  }
0x171: {  	_ =	swait.ge [sflag:s1], $0x4000  }
0x172: {  	[sflag:s1] =	ssyncset.done $0x0  }
0x173: {  	s18 =	simm.s32 $0x2700;
	[sflag:s1] =	ssyncadd.s32 $0xFFFFC000  }
0x174: {  	[tilespmem:s22], [sflag:$0x1] =	stream.indirect.gather [hbm4b:s2+s24], $0x80, s18, s24, $0xb8;
	[tilespmem:$0x1E900] =	vst v63  }
0x175: {  	s23 =	simm.s32 $0x2740  }
0x176: {  	[tilespmem:s25], [sflag:$0x1] =	stream.indirect.gather [hbm4b:s2+s24], $0x80, s23, s24, $0xb8;
	[tilespmem:$0x1E900] =	vst v63  }
0x177: {  	_ =	swait.ge [sflag:s0], $0x4000  }
0x178: {  	[sflag:s0] =	ssyncset.done $0x0  }
0x179: {  	s15 =	simm.s32 $0x2E80;
	[sflag:s0] =	ssyncadd.s32 $0xFFFFC000  }
0x17a: {  	[spmem:s3] =	stream.indirect.scatter.add.f32 [tilespmem:s28], [sflag:$0x4], $0x80, s15, s26, $0xb8;
	[tilespmem:$0x1E900] =	vst v63  }
0x17b: {  	_ =	swait.ge [sflag:s5], $0x4000  }
0x17c: {  	[sflag:s5] =	ssyncset.done $0x0  }
0x17d: {  	s16 =	simm.s32 $0x2780;
	[sflag:s5] =	ssyncadd.s32 $0xFFFFC000  }
0x17e: {  	[tilespmem:s28], [sflag:$0x2] =	stream.indirect.gather [hbm4b:s2+s24], $0x80, s16, s24, $0xb8;
	[tilespmem:$0x1E900] =	vst v63  }
0x17f: {  	s17 =	simm.s32 $0x27C0  }
0x180: {  	[tilespmem:s30], [sflag:$0x2] =	stream.indirect.gather [hbm4b:s2+s24], $0x80, s17, s24, $0xb8;
	[tilespmem:$0x1E900] =	vst v63  }
0x181: {  	_ =	swait.ge [sflag:s31], $0x4000  }
0x182: {  	[sflag:s31] =	ssyncset.done $0x0  }
0x183: {  	s18 =	simm.s32 $0x2F00;
	[sflag:s31] =	ssyncadd.s32 $0xFFFFC000  }
0x184: {  	[spmem:s3] =	stream.indirect.scatter.add.f32 [tilespmem:s22], [sflag:$0x3], $0x80, s18, s26, $0xb8;
	[tilespmem:$0x1E900] =	vst v63  }
0x185: {  	_ =	swait.ge [sflag:s1], $0x4000  }
0x186: {  	[sflag:s1] =	ssyncset.done $0x0  }
0x187: {  	[sflag:s1] =	ssyncadd.s32 $0xFFFFC000  }
0x188: {  	_ =	swait.ge [sflag:s0], $0x4000  }
0x189: {  	[sflag:s0] =	ssyncset.done $0x0  }
0x18a: {  	s23 =	simm.s32 $0x2F80;
	[sflag:s0] =	ssyncadd.s32 $0xFFFFC000  }
0x18b: {  	[spmem:s3] =	stream.indirect.scatter.add.f32 [tilespmem:s28], [sflag:$0x4], $0x80, s23, s26, $0xb8;
	[tilespmem:$0x1E900] =	vst v63  }
0x18c: {  	_ =	swait.ge [sflag:s5], $0x4000  }
0x18d: {  	[sflag:s5] =	ssyncset.done $0x0  }
0x18e: {  	s15 =	stileid.u32;
	[sflag:s5] =	ssyncadd.s32 $0xFFFFC000  }
0x18f: {  	s14 =	sshll.u32 s15, $0x6;
	[bflag:$0x0] =	sbarrier.arrive $0xFFFF  }
0x190: {  	s15 =	sshrl.u32 s7, $0x3;
	s14 =	sor.u32 $0x1C06, s14;
	s16 =	rddreg [dreg:$0x7]  }
0x191: {  	[hbm:s16], [sflag:s14] =	dma.local [spmem:s15], $0x800  }
0x192: {  	_ =	swait.ge [sflag:s21], $0x800  }
0x193: {  	[sflag:s21] =	ssyncset.done $0x0  }
0x194: {  	s16 =	sshrl.u32 s8, $0x3;
	s17 =	rddreg [dreg:$0x8];
	[sflag:s21] =	ssyncadd.s32 $0xFFFFF800  }
0x195: {  	[hbm:s17], [sflag:s14] =	dma.local [spmem:s16], $0x800  }
0x196: {  	_ =	swait.ge [sflag:s21], $0x800  }
0x197: {  	[sflag:s21] =	ssyncset.done $0x0  }
0x198: {  	s18 =	sshrl.u32 s9, $0x3;
	s23 =	rddreg [dreg:$0x9];
	[sflag:s21] =	ssyncadd.s32 $0xFFFFF800  }
0x199: {  	[hbm:s23], [sflag:s14] =	dma.local [spmem:s18], $0x800  }
0x19a: {  	_ =	swait.ge [sflag:s21], $0x800  }
0x19b: {  	[sflag:s21] =	ssyncset.done $0x0  }
0x19c: {  	s16 =	sshrl.u32 s10, $0x3;
	s17 =	rddreg [dreg:$0xa];
	[sflag:s21] =	ssyncadd.s32 $0xFFFFF800  }
0x19d: {  	[hbm:s17], [sflag:s14] =	dma.local [spmem:s16], $0x800  }
0x19e: {  	s13 =	sadd.s32 $0x1, s13;
	_ =	swait.ge [sflag:s21], $0x800  }
0x19f: {  	p0 =	sne.s32 s13, s19;
	s18 =	sshrl.u32 s11, $0x3;
	[sflag:s21] =	ssyncset.done $0x0  }
.Ltmp1:
0x1a0: {  	s23 =	rddreg [dreg:$0xb];
	[sflag:s21] =	ssyncadd.s32 $0xFFFFF800;
	(pc) =	sbr.rel @p0 .LBB2_1-.Ltmp1, $4  }
0x1a1: {  	[hbm:s23], [sflag:s14] =	dma.local [spmem:s18], $0x800  }
0x1a2: {  	_ =	swait.ge [sflag:s21], $0x800  }
0x1a3: {  	[sflag:s21] =	ssyncset.done $0x0  }
0x1a4: {  	[sflag:s21] =	ssyncadd.s32 $0xFFFFF800  }
0x1a5: {  	_ =	sfence.sel $0x180000  }
0x1a6: {  	[bflag:$0x0] =	sbarrier.arrive $0xFFFF  }
0x1a7: {  	_ =	strace $0x9000004A  }
0x1a8: {  	s0 =	stileid.u32;
	[bflag:$0x2] =	sbarrier.arrive $0xFFFF  }
0x1a9: {  	p0 =	sne.s32 s0, $0x0;
	s0 =	rddreg [dreg:$0x3]  }
0x1aa: {  	s0 =	sadd.s32 @!p0 $0x100000, s0  }
0x1ab: {  	[sflag:s0] =	ssyncadd.tile.s32 @!p0 $0x1;
	_ =	shalt  }
.Lfunc_end2:
_tile_overlayer_lowered:
.L_overlay_start_2:
0x1ac: {  	(tag) =	ssettag $0x2  }
0x1ad: {  	s0 =	rddreg [dreg:$0x0];
	s2 =	stileid.u32  }
0x1ae: {  	s1 =	rddreg [dreg:$0x1];
	p0 =	sne.s32 s2, $0x0  }
0x1af: {  	s3 =	rddreg [dreg:$0x2];
	[bflag:$0x3] =	sbarrier.arrive $0xFFFF;
	s2 =	simm.s32 @!p0 $0x1C06  }
0x1b0: {  	[timem:s3], [sflag:s2] =	dma.local @!p0 [hbm:s0], s1  }
0x1b1: {  	s0 =	simm.s32 @!p0 $0x6  }
0x1b2: {  	_ =	swait.ge @!p0 [sflag:s0], s1  }
0x1b3: {  	s1 =	ssub.s32 @!p0 $0x0, s1;
	[sflag:s0] =	ssyncset.done @!p0 $0x0  }
0x1b4: {  	[sflag:s0] =	ssyncadd.s32 @!p0 s1  }
0x1b5: {  	[bflag:$0x3] =	sbarrier.arrive $0xFFFF  }
0x1b6: {  	_ =	shalt  }

// kernel: kernel.15.cloned.1.call-start
scs
__scs_entry_jumppad:
0x0: {  	(pc) =	sbr.rel $0x88, $3  }
0x1: {  	(tag) =	ssettag $0x0;
	lr =	simm.s32 $0x1  }
0x2: {  	[smem:$0x3F9B] =	sst lr;
	_ =	strace $0xD0000000  }
0x3: {  	_ = 	snop  }
0x4: {  	_ = 	snop  }
0x5: {  	_ = 	snop  }
0x6: {  	_ = 	snop  }
0x7: {  	_ = 	snop  }
__scs_overlays_trampoline_lowered:
0x8: {  	[smem:$0x3FAA] =	sst s0  }
0x9: {  	[smem:$0x3FAB] =	sst s1  }
0xa: {  	[smem:$0x3FAC] =	sst s2  }
0xb: {  	[smem:$0x3FAD] =	sst s3  }
0xc: {  	[smem:$0x3FAE] =	sst s4  }
0xd: {  	[smem:$0x3FAF] =	sst s5  }
0xe: {  	[smem:$0x3FB0] =	sst s6  }
0xf: {  	[smem:$0x3FB1] =	sst s7  }
0x10: {  	[smem:$0x3FB2] =	sst s8  }
0x11: {  	[smem:$0x3FB3] =	sst s9;
	s0 =	simm.s32 @!p0 $0x0  }
0x12: {  	s1 =	sld [smem:$0x3F99];
	s0 =	simm.s32 @p0 $0x1  }
0x13: {  	[smem:$0x3FB4] =	sst s0;
	s0 =	simm.s32 @!p1 $0x0  }
0x14: {  	s2 =	sld [smem:$0x3F98];
	s0 =	simm.s32 @p1 $0x1  }
0x15: {  	[smem:$0x3FB5] =	sst s0;
	s0 =	simm.s32 @!p2 $0x0  }
0x16: {  	s3 =	sld [smem:$0x3FDB];
	s0 =	simm.s32 @p2 $0x1  }
0x17: {  	s4 =	simm.s32 $0x1BF5;
	[smem:$0x3FB7] =	sst s0  }
0x18: {  	s0 =	sld [smem:$0x3F9A];
	_ =	swait.ge [sflag:s4], $0x0  }
0x19: {  	s7 =	sld [smem:$0x3F9B]  }
0x1a: {  	s8 =	sadd.s32 $0xFFFFE003, lr  }
0x1b: {  	s9 =	sadd.s32 $0xFFFFFEF7, lr;
	s5 =	simm.s32 $0xFFFFFFFF;
	p2 =	slt.u32 s8, $0xFFFFF086  }
0x1c: {  	p1 =	slt.u32 s9, $0xF7A;
	s5 =	simm.s32 @!p2 $0x0  }
0x1d: {  	s5 =	simm.s32 @p1 $0x1;
	p0 =	seq.s32 s7, s2  }
0x1e: {  	s7 =	smul.u32 @!p0 $0xF7A, s2;
	p2 =	seq.s32 @!p0 s5, $0x0  }
0x1f: {  	s9 =	smul.u32 $0xF7A, s1;
	s8 =	simm.s32 @!p0 $0x1BF5;
	p2 =	por !p2, p0  }
0x20: {  	[sflag:s8] =	ssyncset.s32 @!p0 $0xFFFFF086;
	s6 =	sadd.s32 @!p0 s3, s7;
	s7 =	simm.s32 @!p0 $0x108  }
0x21: {  	s3 =	sadd.s32 s3, s9;
	s6 =	sadd.s32 @!p0 $0x88, s6;
	s7 =	simm.s32 @p2 $0x1082  }
0x22: {  	[simem:s7], [sflag:s8] =	dma.local @!p0 [hbm:s6], $0xF7A  }
0x23: {  	s9 =	sor.u32 $0xD0000000, s2;
	s6 =	simm.s32 $0x108;
	_ =	swait.ge @!p0 [sflag:s8], $0x0  }
0x24: {  	s3 =	sadd.s32 $0x88, s3;
	s6 =	simm.s32 @!p1 $0x1082;
	[sflag:s4] =	ssyncset.s32 $0xFFFFF086  }
0x25: {  	[simem:s6], [sflag:s4] =	dma.local [hbm:s3], $0xF7A  }
0x26: {  	[smem:$0x3F9B] =	sst s1;
	(tag) =	ssettag s2;
	_ =	strace s9  }
0x27: {  	s1 =	sld [smem:$0x3FAB]  }
0x28: {  	s2 =	sld [smem:$0x3FAC]  }
0x29: {  	s4 =	sld [smem:$0x3FAE]  }
0x2a: {  	p0 =	seq.s32 s5, $0x0;
	s5 =	sld [smem:$0x3FAF]  }
0x2b: {  	s6 =	sld [smem:$0x3FB0]  }
0x2c: {  	s7 =	sld [smem:$0x3FB1]  }
0x2d: {  	s3 =	simm.s32 $0x108;
	s8 =	sld [smem:$0x3FB2]  }
0x2e: {  	s3 =	simm.s32 @!p0 $0x1082;
	s9 =	sld [smem:$0x3FB3]  }
0x2f: {  	lr =	sadd.s32 s0, s3;
	s0 =	sld [smem:$0x3FAA]  }
0x30: {  	s3 =	sld [smem:$0x3FAD]  }
0x31: {  	[smem:$0x3FB6] =	sst s10  }
0x32: {  	s10 =	sld [smem:$0x3FB4];
	_ =	sdelay $0x3  }
0x33: {  	p0 =	seq.s32 s10, $0x1;
	s10 =	sld [smem:$0x3FB6];
	_ =	sdelay $0x3  }
0x34: {  	[smem:$0x3FB6] =	sst s10  }
0x35: {  	s10 =	sld [smem:$0x3FB5];
	_ =	sdelay $0x3  }
0x36: {  	p1 =	seq.s32 s10, $0x1;
	s10 =	sld [smem:$0x3FB6];
	_ =	sdelay $0x3  }
0x37: {  	[smem:$0x3FB6] =	sst s10  }
0x38: {  	s10 =	sld [smem:$0x3FB7]  }
0x39: {  	_ = 	snop;
	(pc) =	sbr.ind lr, $3  }
0x3a: {  	_ = 	snop  }
0x3b: {  	_ = 	snop  }
0x3c: {  	p2 =	seq.s32 s10, $0x1;
	s10 =	sld [smem:$0x3FB6]  }
0x3d: {  	_ =	shalt  }
0x3e: {  	_ =	shalt  }
0x3f: {  	_ =	shalt  }
0x40: {  	_ =	shalt  }
0x41: {  	_ =	shalt  }
0x42: {  	_ =	shalt  }
0x43: {  	_ =	shalt  }
0x44: {  	_ =	shalt  }
0x45: {  	_ =	shalt  }
0x46: {  	_ =	shalt  }
0x47: {  	_ =	shalt  }
0x48: {  	_ =	shalt  }
0x49: {  	_ =	shalt  }
0x4a: {  	_ =	shalt  }
0x4b: {  	_ =	shalt  }
0x4c: {  	_ =	shalt  }
0x4d: {  	_ =	shalt  }
0x4e: {  	_ =	shalt  }
0x4f: {  	_ =	shalt  }
0x50: {  	_ =	shalt  }
0x51: {  	_ =	shalt  }
0x52: {  	_ =	shalt  }
0x53: {  	_ =	shalt  }
0x54: {  	_ =	shalt  }
0x55: {  	_ =	shalt  }
0x56: {  	_ =	shalt  }
0x57: {  	_ =	shalt  }
0x58: {  	_ =	shalt  }
0x59: {  	_ =	shalt  }
0x5a: {  	_ =	shalt  }
0x5b: {  	_ =	shalt  }
0x5c: {  	_ =	shalt  }
0x5d: {  	_ =	shalt  }
0x5e: {  	_ =	shalt  }
0x5f: {  	_ =	shalt  }
0x60: {  	_ =	shalt  }
0x61: {  	_ =	shalt  }
0x62: {  	_ =	shalt  }
0x63: {  	_ =	shalt  }
0x64: {  	_ =	shalt  }
0x65: {  	_ =	shalt  }
0x66: {  	_ =	shalt  }
0x67: {  	_ =	shalt  }
0x68: {  	_ =	shalt  }
0x69: {  	_ =	shalt  }
0x6a: {  	_ =	shalt  }
0x6b: {  	_ =	shalt  }
0x6c: {  	_ =	shalt  }
0x6d: {  	_ =	shalt  }
0x6e: {  	_ =	shalt  }
0x6f: {  	_ =	shalt  }
0x70: {  	_ =	shalt  }
0x71: {  	_ =	shalt  }
0x72: {  	_ =	shalt  }
0x73: {  	_ =	shalt  }
0x74: {  	_ =	shalt  }
0x75: {  	_ =	shalt  }
0x76: {  	_ =	shalt  }
0x77: {  	_ =	shalt  }
0x78: {  	_ =	shalt  }
0x79: {  	_ =	shalt  }
0x7a: {  	_ =	shalt  }
0x7b: {  	_ =	shalt  }
0x7c: {  	_ =	shalt  }
0x7d: {  	_ =	shalt  }
0x7e: {  	_ =	shalt  }
0x7f: {  	_ =	shalt  }
0x80: {  	_ =	shalt  }
0x81: {  	_ =	shalt  }
0x82: {  	_ =	shalt  }
0x83: {  	_ =	shalt  }
0x84: {  	_ =	shalt  }
0x85: {  	_ =	shalt  }
0x86: {  	_ =	shalt  }
0x87: {  	_ =	shalt  }
.Lfunc_end0:
.L_simem_size_0:
called_computation.2_lowered:
.L_overlay_start_0:
0x88: {  	s2 =	sld [smem:$0x3FD9]  }
0x89: {  	s3 =	sld [smem:$0x3FFE];
	_ =	sdelay $0x1  }
0x8a: {  	s1 =	srdreg.scid  }
0x8b: {  	s0 =	sand.u32 $0x1, s1  }
0x8c: {  	s17 =	sshll.u32 s0, $0xA;
	s2 =	sadd.s32 s3, s2  }
0x8d: {  	s2 =	sadd.s32 s2, s17  }
0x8e: {  	[smem:$0x3FC2] =	sst s2  }
0x8f: {  	_ = 	snop  }
0x90: {  	s2 =	sld [smem:$0x3FD0];
	(tm) =	ssettm $0x1  }
0x91: {  	s18 =	sld [smem:$0x3FFB];
	_ =	sdelay $0x3  }
0x92: {  	_ =	strace s18  }
0x93: {  	s3 =	sld [smem:$0x3FFC];
	_ =	sdelay $0x3  }
0x94: {  	_ =	strace s3  }
0x95: {  	s3 =	sld [smem:$0x3FFD];
	_ =	sdelay $0x3  }
0x96: {  	_ =	strace s3  }
0x97: {  	_ =	strace $0x8FFFFFFF  }
0x98: {  	s19 =	sld [smem:$0x3FDB];
	_ =	sdelay $0x1  }
0x99: {  	s4 =	simm.s32 $_scs_section_size  }
0x9a: {  	s5 =	simm.s32 $_size__tile_overlayer_lowered;
	s6 =	simm.s32 $_tile_overlayer_lowered  }
0x9b: {  	s22 =	simm.s32 $0x1BFF;
	s21 =	sshll.u32 s6, $0x1;
	s3 =	sadd.s32 s4, s19  }
0x9c: {  	s7 =	simm.s32 $0x0;
	s20 =	sshll.u32 s5, $0x1;
	s5 =	sadd.s32 s21, s3  }
0x9d: {  	[timem:s7], [sflag:s22] =	dma.local [hbm:s5], s20  }
0x9e: {  	_ =	swait.ge [sflag:s22], s20  }
0x9f: {  	s4 =	ssub.s32 $0x0, s20;
	[sflag:s22] =	ssyncset.done $0x0  }
0xa0: {  	[sflag:s22] =	ssyncadd.s32 s4;
	_ =	sdelay $0x1  }
0xa1: {  	s23 =	simm.s32 $0x1B8B  }
0xa2: {  	_ =	swait.ge [sflag:s23], $0x1  }
0xa3: {  	[sflag:s23] =	ssyncset.done $0x0  }
0xa4: {  	s25 =	simm.s32 $0x1B8E;
	s24 =	sld [smem:$0x3FFE];
	[sflag:s23] =	ssyncadd.s32 $0xFFFFFFFF  }
0xa5: {  	s26 =	simm.s32 $execute0_lowered;
	[smem:$0x3FD2] =	sst s25  }
0xa6: {  	s5 =	sshll.u32 s26, $0x1;
	_ =	strace $0x8000004C;
	[dreg:$0x1] =	wrdreg $0xFFFFFFFF  }
0xa7: {  	s28 =	simm.s32 $_size_execute0_lowered;
	s3 =	sadd.s32 s3, s5;
	[dreg:$0x0] =	wrdreg $0x0  }
0xa8: {  	s5 =	sshll.u32 s28, $0x1;
	[dreg:$0x2] =	wrdreg s3  }
0xa9: {  	[dreg:$0x3] =	wrdreg s5  }
0xaa: {  	[dreg:$0x4] =	wrdreg $0xC0  }
0xab: {  	_ =	task [dreg:s7], $0x5FFFF  }
0xac: {  	[dreg:$0x1] =	wrdreg $0xFFFFFFFF  }
0xad: {  	[dreg:$0x0] =	wrdreg $0x60  }
0xae: {  	[dreg:$0x2] =	wrdreg s24  }
0xaf: {  	[dreg:$0x3] =	wrdreg s2  }
0xb0: {  	[dreg:$0x4] =	wrdreg $0xB0000  }
0xb1: {  	[dreg:$0x5] =	wrdreg $0x9  }
0xb2: {  	_ =	task.clear_ibuf [dreg:s7], $0x6FFFF;
	_ =	strace $0x9000004C  }
0xb3: {  	s29 =	simm.s32 $0x9;
	_ =	strace $0x8000004E  }
0xb4: {  	_ =	swait.ge [sflag:s29], $0x1  }
0xb5: {  	[sflag:s29] =	ssyncadd.s32 $0xFFFFFFFF  }
0xb6: {  	_ =	strace $0x9000004E  }
0xb7: {  	_ =	sfence  }
0xb8: {  	s30 =	sld [smem:$0x0];
	_ =	sdelay $0x2  }
0xb9: {  	s31 =	sshll.u32 s1, $0xD;
	s1 =	sshrl.u32 s1, $0x2  }
0xba: {  	s3 =	sand.u32 $0x4000, s31;
	s1 =	sadd.s32 s1, s30  }
0xbb: {  	s0 =	sor.u32 s3, s0;
	s1 =	sshll.u32 s1, $0x11  }
0xbc: {  	s0 =	sor.u32 s1, s0  }
0xbd: {  	s0 =	sadd.s32 $0x8F2B, s0  }
0xbe: {  	[sflag:s0] =	ssyncadd.remote.s32 $0x1  }
0xbf: {  	_ =	sfence.sel $0xFFFF  }
0xc0: {  	[dreg:$0x0] =	wrdreg $0xFFFFFFFF;
	(pc) =	sbr.abs _section_cstart, $3  }
0xc1: {  	[dreg:$0x1] =	wrdreg $0xFFFFFFFF  }
0xc2: {  	_ =	task.clear_ibuf [dreg:s7], $0x2FFFF;
	_ =	strace $0x9FFFFFFF  }
0xc3: {  	(tm) =	ssettm $0x7FFFFFFF  }
tec
execute0_lowered:
.L_overlay_start_1:
0x0: {  	(tag) =	ssettag $0x1  }
0x1: {  	s0 =	srdreg.scid;
	s1 =	rddreg [dreg:$0x0]  }
0x2: {  	s19 =	stileid.u32;
	s6 =	rddreg [dreg:$0x1]  }
0x3: {  	s2 =	rddreg [dreg:$0x2];
	s5 =	smul.u32 $0x2800, s19  }
0x4: {  	s3 =	simm.s32 $0x0;
	s28 =	simm.s32 $0x7000;
	s9 =	smul.u32 $0x4E000, s19  }
0x5: {  	s30 =	simm.s32 $0x9000;
	s31 =	simm.s32 $0x1;
	s14 =	smul.u32 $0x13800, s19  }
0x6: {  	s29 =	simm.s32 $0x2C00;
	s0 =	sand.u32 $0x1, s0;
	s24 =	smul.u32 $0x500, s19  }
0x7: {  	[smem:$0x7FF] =	sst s3;
	s13 =	sadd.s32 $0x2400, s1;
	s4 =	smul.u32 $0x28000, s0  }
0x8: {  	_ =	strace $0x8000004D;
	s8 =	ssub.s32 $0x2, s0;
	s0 =	smul.u32 $0x138800, s0  }
0x9: {  	s11 =	sshrl.u32 s8, $0x1;
	s12 =	sshrl.u32 s9, $0x2;
	s15 =	sadd.s32 $0x4000, s14  }
0xa: {  	s16 =	sadd.s32 $0x8000, s14;
	s17 =	sadd.s32 $0xC000, s14;
	s18 =	sadd.s32 $0x10000, s14  }
0xb: {  	s26 =	sadd.s32 s24, s13;
	s24 =	simm.s32 $0x40;
	s4 =	sadd.s32 s5, s4  }
0xc: {  	s9 =	sadd.s32 s16, s2;
	s5 =	sshrl.u32 s5, $0x3;
	s10 =	sadd.s32 s17, s2  }
0xd: {  	s14 =	sadd.s32 s14, s0;
	s20 =	sadd.s32 s0, s16;
	s23 =	sadd.s32 s0, s17  }
0xe: {  	s7 =	sshrl.u32 s4, $0x3;
	s4 =	sadd.s32 $0x7C00, s1;
	s22 =	sshrl.u32 s20, $0x3  }
0xf: {  	s25 =	sshrl.u32 s23, $0x3;
	s7 =	sadd.s32 s7, s1;
	s1 =	sadd.s32 $0x7400, s1  }
0x10: {  	s20 =	sadd.s32 $0x100, s26;
	s26 =	simm.s32 $0x80;
	[dreg:$0x4] =	wrdreg s1  }
0x11: {  	s1 =	ssub.s32 s8, s11;
	s7 =	sadd.s32 $0x56600, s7;
	s8 =	sadd.s32 s15, s2  }
0x12: {  	s11 =	sadd.s32 s18, s2;
	s15 =	sadd.s32 s0, s15;
	s0 =	sadd.s32 s0, s18  }
0x13: {  	[dreg:$0x5] =	wrdreg s7;
	s7 =	sadd.s32 s12, s2;
	s12 =	sadd.s32 s13, s5  }
0x14: {  	s0 =	sshrl.u32 s0, $0x3;
	s19 =	smax.u32 s1, $0x1;
	s5 =	sadd.s32 $0x80, s12  }
0x15: {  	s0 =	sadd.s32 s6, s0;
	[dreg:$0x6] =	wrdreg s5;
	s5 =	sshrl.u32 s14, $0x3  }
0x16: {  	s14 =	sshrl.u32 s15, $0x3;
	[dreg:$0xb] =	wrdreg s0;
	s5 =	sadd.s32 s6, s5  }
0x17: {  	s1 =	simm.s32 $0x3;
	s21 =	sadd.s32 s6, s14;
	[dreg:$0x7] =	wrdreg s5  }
0x18: {  	s13 =	simm.s32 $0x0;
	s0 =	simm.s32 $0x2;
	[dreg:$0x8] =	wrdreg s21  }
0x19: {  	s5 =	sadd.s32 s6, s22;
	s21 =	simm.s32 $0x6;
	s22 =	simm.s32 $0x3000  }
0x1a: {  	[dreg:$0x9] =	wrdreg s5;
	s5 =	sadd.s32 s6, s25;
	s25 =	simm.s32 $0x5000  }
0x1b: {  	s6 =	simm.s32 $0x5;
	[dreg:$0xa] =	wrdreg s5;
	s5 =	simm.s32 $0x4  }
.LBB2_1:
0x1c: {  	s14 =	rddreg [dreg:$0x5]  }
0x1d: {  	[tilespmem:s3], [sflag:$0x6] =	stream.linear.gather [hbm4b:s14+s3], $0x2800, $0x38;
	[tilespmem:$0x1E900] =	vst v63  }
0x1e: {  	_ =	swait.ge [sflag:s21], $0x2800  }
0x1f: {  	[sflag:s21] =	ssyncset.done $0x0  }
0x20: {  	s15 =	rddreg [dreg:$0x4];
	[sflag:s21] =	ssyncadd.s32 $0xFFFFD800  }
0x21: {  	[tilespmem:s22], [sflag:$0x6] =	stream.linear.gather [hbm4b:s15+s3], $0x4000, $0x38;
	[tilespmem:$0x1E900] =	vst v63  }
0x22: {  	_ =	swait.ge [sflag:s21], $0x4000  }
0x23: {  	[sflag:s21] =	ssyncset.done $0x0  }
0x24: {  	[sflag:s21] =	ssyncadd.s32 $0xFFFFC000  }
0x25: {  	[spmem:s7] =	stream.linear.scatter [tilespmem:s22], [sflag:$0x6], $0x4000, $0x38;
	[tilespmem:$0x1E900] =	vst v63  }
0x26: {  	_ =	swait.ge [sflag:s21], $0x4000  }
0x27: {  	[sflag:s21] =	ssyncset.done $0x0  }
0x28: {  	[sflag:s21] =	ssyncadd.s32 $0xFFFFC000  }
0x29: {  	[spmem:s8] =	stream.linear.scatter [tilespmem:s22], [sflag:$0x6], $0x4000, $0x38;
	[tilespmem:$0x1E900] =	vst v63  }
0x2a: {  	_ =	swait.ge [sflag:s21], $0x4000  }
0x2b: {  	[sflag:s21] =	ssyncset.done $0x0  }
0x2c: {  	[sflag:s21] =	ssyncadd.s32 $0xFFFFC000  }
0x2d: {  	[spmem:s9] =	stream.linear.scatter [tilespmem:s22], [sflag:$0x6], $0x4000, $0x38;
	[tilespmem:$0x1E900] =	vst v63  }
0x2e: {  	_ =	swait.ge [sflag:s21], $0x4000  }
0x2f: {  	[sflag:s21] =	ssyncset.done $0x0  }
0x30: {  	[sflag:s21] =	ssyncadd.s32 $0xFFFFC000  }
0x31: {  	[spmem:s10] =	stream.linear.scatter [tilespmem:s22], [sflag:$0x6], $0x4000, $0x38;
	[tilespmem:$0x1E900] =	vst v63  }
0x32: {  	_ =	swait.ge [sflag:s21], $0x4000  }
0x33: {  	[sflag:s21] =	ssyncset.done $0x0  }
0x34: {  	[sflag:s21] =	ssyncadd.s32 $0xFFFFC000  }
0x35: {  	[spmem:s11] =	stream.linear.scatter [tilespmem:s22], [sflag:$0x6], $0x4000, $0x38;
	[tilespmem:$0x1E900] =	vst v63  }
0x36: {  	_ =	swait.ge [sflag:s21], $0x4000  }
0x37: {  	[sflag:s21] =	ssyncset.done $0x0  }
0x38: {  	s16 =	simm.s32 $0x2800;
	[sflag:s21] =	ssyncadd.s32 $0xFFFFC000  }
0x39: {  	[tilespmem:s16], [sflag:$0x6] =	stream.linear.gather [hbm4b:s12+s3], $0x400, $0x38;
	[tilespmem:$0x1E900] =	vst v63  }
0x3a: {  	_ =	swait.ge [sflag:s21], $0x400  }
0x3b: {  	[sflag:s21] =	ssyncset.done $0x0  }
0x3c: {  	[sflag:s21] =	ssyncadd.s32 $0xFFFFFC00  }
0x3d: {  	[tilespmem:s22], [sflag:$0x1] =	stream.indirect.gather [hbm4b:s4+s24], $0x80, s3, s24, $0xb8;
	[tilespmem:$0x1E900] =	vst v63  }
0x3e: {  	_ = 	snop  }
0x3f: {  	[tilespmem:s25], [sflag:$0x1] =	stream.indirect.gather [hbm4b:s4+s24], $0x80, s24, s24, $0xb8;
	[tilespmem:$0x1E900] =	vst v63  }
0x40: {  	_ = 	snop  }
0x41: {  	[tilespmem:s28], [sflag:$0x2] =	stream.indirect.gather [hbm4b:s4+s24], $0x80, s26, s24, $0xb8;
	[tilespmem:$0x1E900] =	vst v63  }
0x42: {  	s15 =	simm.s32 $0xC0  }
0x43: {  	[tilespmem:s30], [sflag:$0x2] =	stream.indirect.gather [hbm4b:s4+s24], $0x80, s15, s24, $0xb8;
	[tilespmem:$0x1E900] =	vst v63  }
0x44: {  	[bflag:$0x0] =	sbarrier.arrive $0xFFFF  }
0x45: {  	_ =	swait.ge [sflag:s31], $0x4000  }
0x46: {  	[sflag:s31] =	ssyncset.done $0x0  }
0x47: {  	[sflag:s31] =	ssyncadd.s32 $0xFFFFC000  }
0x48: {  	[spmem:s2] =	stream.indirect.scatter.add.f32 [tilespmem:s22], [sflag:$0x3], $0x80, s16, s26, $0xb8;
	[tilespmem:$0x1E900] =	vst v63  }
0x49: {  	_ =	swait.ge [sflag:s1], $0x4000  }
0x4a: {  	[sflag:s1] =	ssyncset.done $0x0  }
0x4b: {  	s17 =	rddreg [dreg:$0x6];
	[sflag:s1] =	ssyncadd.s32 $0xFFFFC000  }
0x4c: {  	[tilespmem:s29], [sflag:$0x5] =	stream.linear.gather [hbm4b:s17+s3], $0x400, $0x38;
	[tilespmem:$0x1E900] =	vst v63  }
0x4d: {  	s18 =	simm.s32 $0x100  }
0x4e: {  	[tilespmem:s22], [sflag:$0x1] =	stream.indirect.gather [hbm4b:s4+s24], $0x80, s18, s24, $0xb8;
	[tilespmem:$0x1E900] =	vst v63  }
0x4f: {  	s23 =	simm.s32 $0x140  }
0x50: {  	[tilespmem:s25], [sflag:$0x1] =	stream.indirect.gather [hbm4b:s4+s24], $0x80, s23, s24, $0xb8;
	[tilespmem:$0x1E900] =	vst v63  }
0x51: {  	_ =	swait.ge [sflag:s0], $0x4000  }
0x52: {  	[sflag:s0] =	ssyncset.done $0x0  }
0x53: {  	s15 =	simm.s32 $0x2880;
	[sflag:s0] =	ssyncadd.s32 $0xFFFFC000  }
0x54: {  	[spmem:s2] =	stream.indirect.scatter.add.f32 [tilespmem:s28], [sflag:$0x4], $0x80, s15, s26, $0xb8;
	[tilespmem:$0x1E900] =	vst v63  }
0x55: {  	_ =	swait.ge [sflag:s5], $0x4000  }
0x56: {  	[sflag:s5] =	ssyncset.done $0x0  }
0x57: {  	s16 =	simm.s32 $0x180;
	[sflag:s5] =	ssyncadd.s32 $0xFFFFC000  }
0x58: {  	[tilespmem:s28], [sflag:$0x2] =	stream.indirect.gather [hbm4b:s4+s24], $0x80, s16, s24, $0xb8;
	[tilespmem:$0x1E900] =	vst v63  }
0x59: {  	s17 =	simm.s32 $0x1C0  }
0x5a: {  	[tilespmem:s30], [sflag:$0x2] =	stream.indirect.gather [hbm4b:s4+s24], $0x80, s17, s24, $0xb8;
	[tilespmem:$0x1E900] =	vst v63  }
0x5b: {  	_ =	swait.ge [sflag:s31], $0x4000  }
0x5c: {  	[sflag:s31] =	ssyncset.done $0x0  }
0x5d: {  	s18 =	simm.s32 $0x2900;
	[sflag:s31] =	ssyncadd.s32 $0xFFFFC000  }
0x5e: {  	[spmem:s2] =	stream.indirect.scatter.add.f32 [tilespmem:s22], [sflag:$0x3], $0x80, s18, s26, $0xb8;
	[tilespmem:$0x1E900] =	vst v63  }
0x5f: {  	_ =	swait.ge [sflag:s1], $0x4000  }
0x60: {  	[sflag:s1] =	ssyncset.done $0x0  }
0x61: {  	s23 =	simm.s32 $0x200;
	[sflag:s1] =	ssyncadd.s32 $0xFFFFC000  }
0x62: {  	[tilespmem:s22], [sflag:$0x1] =	stream.indirect.gather [hbm4b:s4+s24], $0x80, s23, s24, $0xb8;
	[tilespmem:$0x1E900] =	vst v63  }
0x63: {  	s15 =	simm.s32 $0x240  }
0x64: {  	[tilespmem:s25], [sflag:$0x1] =	stream.indirect.gather [hbm4b:s4+s24], $0x80, s15, s24, $0xb8;
	[tilespmem:$0x1E900] =	vst v63  }
0x65: {  	_ =	swait.ge [sflag:s0], $0x4000  }
0x66: {  	[sflag:s0] =	ssyncset.done $0x0  }
0x67: {  	s16 =	simm.s32 $0x2980;
	[sflag:s0] =	ssyncadd.s32 $0xFFFFC000  }
0x68: {  	[spmem:s2] =	stream.indirect.scatter.add.f32 [tilespmem:s28], [sflag:$0x4], $0x80, s16, s26, $0xb8;
	[tilespmem:$0x1E900] =	vst v63  }
0x69: {  	_ =	swait.ge [sflag:s5], $0x4000  }
0x6a: {  	[sflag:s5] =	ssyncset.done $0x0  }
0x6b: {  	s17 =	simm.s32 $0x280;
	[sflag:s5] =	ssyncadd.s32 $0xFFFFC000  }
0x6c: {  	[tilespmem:s28], [sflag:$0x2] =	stream.indirect.gather [hbm4b:s4+s24], $0x80, s17, s24, $0xb8;
	[tilespmem:$0x1E900] =	vst v63  }
0x6d: {  	s18 =	simm.s32 $0x2C0  }
0x6e: {  	[tilespmem:s30], [sflag:$0x2] =	stream.indirect.gather [hbm4b:s4+s24], $0x80, s18, s24, $0xb8;
	[tilespmem:$0x1E900] =	vst v63  }
0x6f: {  	_ =	swait.ge [sflag:s31], $0x4000  }
0x70: {  	[sflag:s31] =	ssyncset.done $0x0  }
0x71: {  	s23 =	simm.s32 $0x2A00;
	[sflag:s31] =	ssyncadd.s32 $0xFFFFC000  }
0x72: {  	[spmem:s2] =	stream.indirect.scatter.add.f32 [tilespmem:s22], [sflag:$0x3], $0x80, s23, s26, $0xb8;
	[tilespmem:$0x1E900] =	vst v63  }
0x73: {  	_ =	swait.ge [sflag:s1], $0x4000  }
0x74: {  	[sflag:s1] =	ssyncset.done $0x0  }
0x75: {  	s15 =	simm.s32 $0x300;
	[sflag:s1] =	ssyncadd.s32 $0xFFFFC000  }
0x76: {  	[tilespmem:s22], [sflag:$0x1] =	stream.indirect.gather [hbm4b:s4+s24], $0x80, s15, s24, $0xb8;
	[tilespmem:$0x1E900] =	vst v63  }
0x77: {  	s16 =	simm.s32 $0x340  }
0x78: {  	[tilespmem:s25], [sflag:$0x1] =	stream.indirect.gather [hbm4b:s4+s24], $0x80, s16, s24, $0xb8;
	[tilespmem:$0x1E900] =	vst v63  }
0x79: {  	_ =	swait.ge [sflag:s0], $0x4000  }
0x7a: {  	[sflag:s0] =	ssyncset.done $0x0  }
0x7b: {  	s17 =	simm.s32 $0x2A80;
	[sflag:s0] =	ssyncadd.s32 $0xFFFFC000  }
0x7c: {  	[spmem:s2] =	stream.indirect.scatter.add.f32 [tilespmem:s28], [sflag:$0x4], $0x80, s17, s26, $0xb8;
	[tilespmem:$0x1E900] =	vst v63  }
0x7d: {  	_ =	swait.ge [sflag:s5], $0x4000  }
0x7e: {  	[sflag:s5] =	ssyncset.done $0x0  }
0x7f: {  	s18 =	simm.s32 $0x380;
	[sflag:s5] =	ssyncadd.s32 $0xFFFFC000  }
0x80: {  	[tilespmem:s28], [sflag:$0x2] =	stream.indirect.gather [hbm4b:s4+s24], $0x80, s18, s24, $0xb8;
	[tilespmem:$0x1E900] =	vst v63  }
0x81: {  	s23 =	simm.s32 $0x3C0  }
0x82: {  	[tilespmem:s30], [sflag:$0x2] =	stream.indirect.gather [hbm4b:s4+s24], $0x80, s23, s24, $0xb8;
	[tilespmem:$0x1E900] =	vst v63  }
0x83: {  	_ =	swait.ge [sflag:s31], $0x4000  }
0x84: {  	[sflag:s31] =	ssyncset.done $0x0  }
0x85: {  	s15 =	simm.s32 $0x2B00;
	[sflag:s31] =	ssyncadd.s32 $0xFFFFC000  }
0x86: {  	[spmem:s2] =	stream.indirect.scatter.add.f32 [tilespmem:s22], [sflag:$0x3], $0x80, s15, s26, $0xb8;
	[tilespmem:$0x1E900] =	vst v63  }
0x87: {  	_ =	swait.ge [sflag:s1], $0x4000  }
0x88: {  	[sflag:s1] =	ssyncset.done $0x0  }
0x89: {  	s16 =	simm.s32 $0x400;
	[sflag:s1] =	ssyncadd.s32 $0xFFFFC000  }
0x8a: {  	[tilespmem:s22], [sflag:$0x1] =	stream.indirect.gather [hbm4b:s4+s24], $0x80, s16, s24, $0xb8;
	[tilespmem:$0x1E900] =	vst v63  }
0x8b: {  	s17 =	simm.s32 $0x440  }
0x8c: {  	[tilespmem:s25], [sflag:$0x1] =	stream.indirect.gather [hbm4b:s4+s24], $0x80, s17, s24, $0xb8;
	[tilespmem:$0x1E900] =	vst v63  }
0x8d: {  	_ =	swait.ge [sflag:s0], $0x4000  }
0x8e: {  	[sflag:s0] =	ssyncset.done $0x0  }
0x8f: {  	s18 =	simm.s32 $0x2B80;
	[sflag:s0] =	ssyncadd.s32 $0xFFFFC000  }
0x90: {  	[spmem:s2] =	stream.indirect.scatter.add.f32 [tilespmem:s28], [sflag:$0x4], $0x80, s18, s26, $0xb8;
	[tilespmem:$0x1E900] =	vst v63  }
0x91: {  	_ =	swait.ge [sflag:s6], $0x400  }
0x92: {  	[sflag:s6] =	ssyncset.done $0x0  }
0x93: {  	[sflag:s6] =	ssyncadd.s32 $0xFFFFFC00  }
0x94: {  	_ =	swait.ge [sflag:s5], $0x4000  }
0x95: {  	[sflag:s5] =	ssyncset.done $0x0  }
0x96: {  	s23 =	simm.s32 $0x480;
	[sflag:s5] =	ssyncadd.s32 $0xFFFFC000  }
0x97: {  	[tilespmem:s28], [sflag:$0x2] =	stream.indirect.gather [hbm4b:s4+s24], $0x80, s23, s24, $0xb8;
	[tilespmem:$0x1E900] =	vst v63  }
0x98: {  	s15 =	simm.s32 $0x4C0;
	s17 =	simm.s32 $0x1000  }
0x99: {  	[tilespmem:s30], [sflag:$0x2] =	stream.indirect.gather [hbm4b:s4+s24], $0x80, s15, s24, $0xb8;
	[tilespmem:$0x1E900] =	vst v63  }
0x9a: {  	s16 =	sand.u32 $0x1000, s17;
	_ =	swait.ge [sflag:s31], $0x4000  }
0x9b: {  	s15 =	sshrl.u32 s16, $0x2;
	[sflag:s31] =	ssyncset.done $0x0  }
0x9c: {  	s14 =	sor.u32 $0x2800, s15;
	[sflag:s31] =	ssyncadd.s32 $0xFFFFC000  }
0x9d: {  	[spmem:s2] =	stream.indirect.scatter.add.f32 [tilespmem:s22], [sflag:$0x3], $0x80, s14, s26, $0xb8;
	[tilespmem:$0x1E900] =	vst v63  }
0x9e: {  	s14 =	simm.s32 $0x800;
	_ =	swait.ge [sflag:s1], $0x4000  }
0x9f: {  	s16 =	sand.u32 $0x400, s14;
	[sflag:s1] =	ssyncset.done $0x0  }
0xa0: {  	s16 =	sor.u32 $0x2800, s16;
	[sflag:s1] =	ssyncadd.s32 $0xFFFFC000  }
0xa1: {  	[tilespmem:s16], [sflag:$0x5] =	stream.linear.gather [hbm4b:s20+s3], $0x400, $0x38;
	[tilespmem:$0x1E900] =	vst v63  }
0xa2: {  	s18 =	simm.s32 $0x500  }
0xa3: {  	[tilespmem:s22], [sflag:$0x1] =	stream.indirect.gather [hbm4b:s4+s24], $0x80, s18, s24, $0xb8;
	[tilespmem:$0x1E900] =	vst v63  }
0xa4: {  	s23 =	simm.s32 $0x540  }
0xa5: {  	[tilespmem:s25], [sflag:$0x1] =	stream.indirect.gather [hbm4b:s4+s24], $0x80, s23, s24, $0xb8;
	[tilespmem:$0x1E900] =	vst v63  }
0xa6: {  	_ =	swait.ge [sflag:s0], $0x4000  }
0xa7: {  	[sflag:s0] =	ssyncset.done $0x0  }
0xa8: {  	s18 =	sor.u32 $0x2880, s15;
	[sflag:s0] =	ssyncadd.s32 $0xFFFFC000  }
0xa9: {  	[spmem:s2] =	stream.indirect.scatter.add.f32 [tilespmem:s28], [sflag:$0x4], $0x80, s18, s26, $0xb8;
	[tilespmem:$0x1E900] =	vst v63  }
0xaa: {  	_ =	swait.ge [sflag:s5], $0x4000  }
0xab: {  	[sflag:s5] =	ssyncset.done $0x0  }
0xac: {  	s23 =	simm.s32 $0x580;
	[sflag:s5] =	ssyncadd.s32 $0xFFFFC000  }
0xad: {  	[tilespmem:s28], [sflag:$0x2] =	stream.indirect.gather [hbm4b:s4+s24], $0x80, s23, s24, $0xb8;
	[tilespmem:$0x1E900] =	vst v63  }
0xae: {  	s18 =	simm.s32 $0x5C0  }
0xaf: {  	[tilespmem:s30], [sflag:$0x2] =	stream.indirect.gather [hbm4b:s4+s24], $0x80, s18, s24, $0xb8;
	[tilespmem:$0x1E900] =	vst v63  }
0xb0: {  	_ =	swait.ge [sflag:s31], $0x4000  }
0xb1: {  	[sflag:s31] =	ssyncset.done $0x0  }
0xb2: {  	s23 =	sor.u32 $0x2900, s15;
	[sflag:s31] =	ssyncadd.s32 $0xFFFFC000  }
0xb3: {  	[spmem:s2] =	stream.indirect.scatter.add.f32 [tilespmem:s22], [sflag:$0x3], $0x80, s23, s26, $0xb8;
	[tilespmem:$0x1E900] =	vst v63  }
0xb4: {  	_ =	swait.ge [sflag:s1], $0x4000  }
0xb5: {  	[sflag:s1] =	ssyncset.done $0x0  }
0xb6: {  	s18 =	simm.s32 $0x600;
	[sflag:s1] =	ssyncadd.s32 $0xFFFFC000  }
0xb7: {  	[tilespmem:s22], [sflag:$0x1] =	stream.indirect.gather [hbm4b:s4+s24], $0x80, s18, s24, $0xb8;
	[tilespmem:$0x1E900] =	vst v63  }
0xb8: {  	s23 =	simm.s32 $0x640  }
0xb9: {  	[tilespmem:s25], [sflag:$0x1] =	stream.indirect.gather [hbm4b:s4+s24], $0x80, s23, s24, $0xb8;
	[tilespmem:$0x1E900] =	vst v63  }
0xba: {  	_ =	swait.ge [sflag:s0], $0x4000  }
0xbb: {  	[sflag:s0] =	ssyncset.done $0x0  }
0xbc: {  	s18 =	sor.u32 $0x2980, s15;
	[sflag:s0] =	ssyncadd.s32 $0xFFFFC000  }
0xbd: {  	[spmem:s2] =	stream.indirect.scatter.add.f32 [tilespmem:s28], [sflag:$0x4], $0x80, s18, s26, $0xb8;
	[tilespmem:$0x1E900] =	vst v63  }
0xbe: {  	_ =	swait.ge [sflag:s5], $0x4000  }
0xbf: {  	[sflag:s5] =	ssyncset.done $0x0  }
0xc0: {  	s23 =	simm.s32 $0x680;
	[sflag:s5] =	ssyncadd.s32 $0xFFFFC000  }
0xc1: {  	[tilespmem:s28], [sflag:$0x2] =	stream.indirect.gather [hbm4b:s4+s24], $0x80, s23, s24, $0xb8;
	[tilespmem:$0x1E900] =	vst v63  }
0xc2: {  	s18 =	simm.s32 $0x6C0  }
0xc3: {  	[tilespmem:s30], [sflag:$0x2] =	stream.indirect.gather [hbm4b:s4+s24], $0x80, s18, s24, $0xb8;
	[tilespmem:$0x1E900] =	vst v63  }
0xc4: {  	_ =	swait.ge [sflag:s31], $0x4000  }
0xc5: {  	[sflag:s31] =	ssyncset.done $0x0  }
0xc6: {  	s23 =	sor.u32 $0x2A00, s15;
	[sflag:s31] =	ssyncadd.s32 $0xFFFFC000  }
0xc7: {  	[spmem:s2] =	stream.indirect.scatter.add.f32 [tilespmem:s22], [sflag:$0x3], $0x80, s23, s26, $0xb8;
	[tilespmem:$0x1E900] =	vst v63  }
0xc8: {  	_ =	swait.ge [sflag:s1], $0x4000  }
0xc9: {  	[sflag:s1] =	ssyncset.done $0x0  }
0xca: {  	s18 =	simm.s32 $0x700;
	[sflag:s1] =	ssyncadd.s32 $0xFFFFC000  }
0xcb: {  	[tilespmem:s22], [sflag:$0x1] =	stream.indirect.gather [hbm4b:s4+s24], $0x80, s18, s24, $0xb8;
	[tilespmem:$0x1E900] =	vst v63  }
0xcc: {  	s23 =	simm.s32 $0x740  }
0xcd: {  	[tilespmem:s25], [sflag:$0x1] =	stream.indirect.gather [hbm4b:s4+s24], $0x80, s23, s24, $0xb8;
	[tilespmem:$0x1E900] =	vst v63  }
0xce: {  	_ =	swait.ge [sflag:s0], $0x4000  }
0xcf: {  	[sflag:s0] =	ssyncset.done $0x0  }
0xd0: {  	s18 =	sor.u32 $0x2A80, s15;
	[sflag:s0] =	ssyncadd.s32 $0xFFFFC000  }
0xd1: {  	[spmem:s2] =	stream.indirect.scatter.add.f32 [tilespmem:s28], [sflag:$0x4], $0x80, s18, s26, $0xb8;
	[tilespmem:$0x1E900] =	vst v63  }
0xd2: {  	_ =	swait.ge [sflag:s5], $0x4000  }
0xd3: {  	[sflag:s5] =	ssyncset.done $0x0  }
0xd4: {  	s23 =	simm.s32 $0x780;
	[sflag:s5] =	ssyncadd.s32 $0xFFFFC000  }
0xd5: {  	[tilespmem:s28], [sflag:$0x2] =	stream.indirect.gather [hbm4b:s4+s24], $0x80, s23, s24, $0xb8;
	[tilespmem:$0x1E900] =	vst v63  }
0xd6: {  	s18 =	simm.s32 $0x7C0  }
0xd7: {  	[tilespmem:s30], [sflag:$0x2] =	stream.indirect.gather [hbm4b:s4+s24], $0x80, s18, s24, $0xb8;
	[tilespmem:$0x1E900] =	vst v63  }
0xd8: {  	_ =	swait.ge [sflag:s31], $0x4000  }
0xd9: {  	[sflag:s31] =	ssyncset.done $0x0  }
0xda: {  	s23 =	sor.u32 $0x2B00, s15;
	[sflag:s31] =	ssyncadd.s32 $0xFFFFC000  }
0xdb: {  	[spmem:s2] =	stream.indirect.scatter.add.f32 [tilespmem:s22], [sflag:$0x3], $0x80, s23, s26, $0xb8;
	[tilespmem:$0x1E900] =	vst v63  }
0xdc: {  	_ =	swait.ge [sflag:s1], $0x4000  }
0xdd: {  	[sflag:s1] =	ssyncset.done $0x0  }
0xde: {  	s18 =	simm.s32 $0x800;
	[sflag:s1] =	ssyncadd.s32 $0xFFFFC000  }
0xdf: {  	[tilespmem:s22], [sflag:$0x1] =	stream.indirect.gather [hbm4b:s4+s24], $0x80, s18, s24, $0xb8;
	[tilespmem:$0x1E900] =	vst v63  }
0xe0: {  	s23 =	simm.s32 $0x840  }
0xe1: {  	[tilespmem:s25], [sflag:$0x1] =	stream.indirect.gather [hbm4b:s4+s24], $0x80, s23, s24, $0xb8;
	[tilespmem:$0x1E900] =	vst v63  }
0xe2: {  	_ =	swait.ge [sflag:s0], $0x4000  }
0xe3: {  	[sflag:s0] =	ssyncset.done $0x0  }
0xe4: {  	s15 =	sor.u32 $0x2B80, s15;
	[sflag:s0] =	ssyncadd.s32 $0xFFFFC000  }
0xe5: {  	[spmem:s2] =	stream.indirect.scatter.add.f32 [tilespmem:s28], [sflag:$0x4], $0x80, s15, s26, $0xb8;
	[tilespmem:$0x1E900] =	vst v63  }
0xe6: {  	_ =	swait.ge [sflag:s6], $0x400  }
0xe7: {  	s15 =	sadd.s32 $0x80, s20;
	[sflag:s6] =	ssyncset.done $0x0  }
.LBB2_2:
0xe8: {  	[sflag:s6] =	ssyncadd.s32 $0xFFFFFC00  }
0xe9: {  	s14 =	sadd.s32 $0x400, s14;
	s23 =	smov.u32 s17;
	s16 =	sadd.s32 $0x1000, s17  }
0xea: {  	p0 =	sne.s32 s17, $0x7000;
	_ =	swait.ge [sflag:s5], $0x4000;
	s18 =	sand.u32 $0x1000, s16  }
0xeb: {  	s17 =	sshra.s32 s23, $0x2;
	[sflag:s5] =	ssyncset.done $0x0;
	s23 =	sshrl.u32 s18, $0x2  }
0xec: {  	s18 =	sadd.s32 $0x480, s17;
	[sflag:s5] =	ssyncadd.s32 $0xFFFFC000  }
0xed: {  	[tilespmem:s28], [sflag:$0x2] =	stream.indirect.gather [hbm4b:s4+s24], $0x80, s18, s24, $0xb8;
	[tilespmem:$0x1E900] =	vst v63  }
0xee: {  	s18 =	sadd.s32 $0x4C0, s17  }
0xef: {  	[tilespmem:s30], [sflag:$0x2] =	stream.indirect.gather [hbm4b:s4+s24], $0x80, s18, s24, $0xb8;
	[tilespmem:$0x1E900] =	vst v63  }
0xf0: {  	_ =	swait.ge [sflag:s31], $0x4000  }
0xf1: {  	[sflag:s31] =	ssyncset.done $0x0  }
0xf2: {  	s18 =	sor.u32 $0x2800, s23;
	[sflag:s31] =	ssyncadd.s32 $0xFFFFC000  }
0xf3: {  	[spmem:s2] =	stream.indirect.scatter.add.f32 [tilespmem:s22], [sflag:$0x3], $0x80, s18, s26, $0xb8;
	[tilespmem:$0x1E900] =	vst v63  }
0xf4: {  	_ =	swait.ge [sflag:s1], $0x4000  }
0xf5: {  	s18 =	sand.u32 $0x400, s14;
	[sflag:s1] =	ssyncset.done $0x0  }
0xf6: {  	s18 =	sor.u32 $0x2800, s18;
	[sflag:s1] =	ssyncadd.s32 $0xFFFFC000  }
0xf7: {  	[tilespmem:s18], [sflag:$0x5] =	stream.linear.gather [hbm4b:s15+s3], $0x400, $0x38;
	[tilespmem:$0x1E900] =	vst v63  }
0xf8: {  	s18 =	sadd.s32 $0x500, s17  }
0xf9: {  	[tilespmem:s22], [sflag:$0x1] =	stream.indirect.gather [hbm4b:s4+s24], $0x80, s18, s24, $0xb8;
	[tilespmem:$0x1E900] =	vst v63  }
0xfa: {  	s18 =	sadd.s32 $0x540, s17  }
0xfb: {  	[tilespmem:s25], [sflag:$0x1] =	stream.indirect.gather [hbm4b:s4+s24], $0x80, s18, s24, $0xb8;
	[tilespmem:$0x1E900] =	vst v63  }
0xfc: {  	_ =	swait.ge [sflag:s0], $0x4000  }
0xfd: {  	[sflag:s0] =	ssyncset.done $0x0  }
0xfe: {  	s18 =	sor.u32 $0x2880, s23;
	[sflag:s0] =	ssyncadd.s32 $0xFFFFC000  }
0xff: {  	[spmem:s2] =	stream.indirect.scatter.add.f32 [tilespmem:s28], [sflag:$0x4], $0x80, s18, s26, $0xb8;
	[tilespmem:$0x1E900] =	vst v63  }
0x100: {  	_ =	swait.ge [sflag:s5], $0x4000  }
0x101: {  	[sflag:s5] =	ssyncset.done $0x0  }
0x102: {  	s18 =	sadd.s32 $0x580, s17;
	[sflag:s5] =	ssyncadd.s32 $0xFFFFC000  }
0x103: {  	[tilespmem:s28], [sflag:$0x2] =	stream.indirect.gather [hbm4b:s4+s24], $0x80, s18, s24, $0xb8;
	[tilespmem:$0x1E900] =	vst v63  }
0x104: {  	s18 =	sadd.s32 $0x5C0, s17  }
0x105: {  	[tilespmem:s30], [sflag:$0x2] =	stream.indirect.gather [hbm4b:s4+s24], $0x80, s18, s24, $0xb8;
	[tilespmem:$0x1E900] =	vst v63  }
0x106: {  	_ =	swait.ge [sflag:s31], $0x4000  }
0x107: {  	[sflag:s31] =	ssyncset.done $0x0  }
0x108: {  	s18 =	sor.u32 $0x2900, s23;
	[sflag:s31] =	ssyncadd.s32 $0xFFFFC000  }
0x109: {  	[spmem:s2] =	stream.indirect.scatter.add.f32 [tilespmem:s22], [sflag:$0x3], $0x80, s18, s26, $0xb8;
	[tilespmem:$0x1E900] =	vst v63  }
0x10a: {  	_ =	swait.ge [sflag:s1], $0x4000  }
0x10b: {  	[sflag:s1] =	ssyncset.done $0x0  }
0x10c: {  	s18 =	sadd.s32 $0x600, s17;
	[sflag:s1] =	ssyncadd.s32 $0xFFFFC000  }
0x10d: {  	[tilespmem:s22], [sflag:$0x1] =	stream.indirect.gather [hbm4b:s4+s24], $0x80, s18, s24, $0xb8;
	[tilespmem:$0x1E900] =	vst v63  }
0x10e: {  	s18 =	sadd.s32 $0x640, s17  }
0x10f: {  	[tilespmem:s25], [sflag:$0x1] =	stream.indirect.gather [hbm4b:s4+s24], $0x80, s18, s24, $0xb8;
	[tilespmem:$0x1E900] =	vst v63  }
0x110: {  	_ =	swait.ge [sflag:s0], $0x4000  }
0x111: {  	[sflag:s0] =	ssyncset.done $0x0  }
0x112: {  	s18 =	sor.u32 $0x2980, s23;
	[sflag:s0] =	ssyncadd.s32 $0xFFFFC000  }
0x113: {  	[spmem:s2] =	stream.indirect.scatter.add.f32 [tilespmem:s28], [sflag:$0x4], $0x80, s18, s26, $0xb8;
	[tilespmem:$0x1E900] =	vst v63  }
0x114: {  	_ =	swait.ge [sflag:s5], $0x4000  }
0x115: {  	[sflag:s5] =	ssyncset.done $0x0  }
0x116: {  	s18 =	sadd.s32 $0x680, s17;
	[sflag:s5] =	ssyncadd.s32 $0xFFFFC000  }
0x117: {  	[tilespmem:s28], [sflag:$0x2] =	stream.indirect.gather [hbm4b:s4+s24], $0x80, s18, s24, $0xb8;
	[tilespmem:$0x1E900] =	vst v63  }
0x118: {  	s18 =	sadd.s32 $0x6C0, s17  }
0x119: {  	[tilespmem:s30], [sflag:$0x2] =	stream.indirect.gather [hbm4b:s4+s24], $0x80, s18, s24, $0xb8;
	[tilespmem:$0x1E900] =	vst v63  }
0x11a: {  	_ =	swait.ge [sflag:s31], $0x4000  }
0x11b: {  	[sflag:s31] =	ssyncset.done $0x0  }
0x11c: {  	s18 =	sor.u32 $0x2A00, s23;
	[sflag:s31] =	ssyncadd.s32 $0xFFFFC000  }
0x11d: {  	[spmem:s2] =	stream.indirect.scatter.add.f32 [tilespmem:s22], [sflag:$0x3], $0x80, s18, s26, $0xb8;
	[tilespmem:$0x1E900] =	vst v63  }
0x11e: {  	_ =	swait.ge [sflag:s1], $0x4000  }
0x11f: {  	[sflag:s1] =	ssyncset.done $0x0  }
0x120: {  	s18 =	sadd.s32 $0x700, s17;
	[sflag:s1] =	ssyncadd.s32 $0xFFFFC000  }
0x121: {  	[tilespmem:s22], [sflag:$0x1] =	stream.indirect.gather [hbm4b:s4+s24], $0x80, s18, s24, $0xb8;
	[tilespmem:$0x1E900] =	vst v63  }
0x122: {  	s18 =	sadd.s32 $0x740, s17  }
0x123: {  	[tilespmem:s25], [sflag:$0x1] =	stream.indirect.gather [hbm4b:s4+s24], $0x80, s18, s24, $0xb8;
	[tilespmem:$0x1E900] =	vst v63  }
0x124: {  	_ =	swait.ge [sflag:s0], $0x4000  }
0x125: {  	[sflag:s0] =	ssyncset.done $0x0  }
0x126: {  	s18 =	sor.u32 $0x2A80, s23;
	[sflag:s0] =	ssyncadd.s32 $0xFFFFC000  }
0x127: {  	[spmem:s2] =	stream.indirect.scatter.add.f32 [tilespmem:s28], [sflag:$0x4], $0x80, s18, s26, $0xb8;
	[tilespmem:$0x1E900] =	vst v63  }
0x128: {  	_ =	swait.ge [sflag:s5], $0x4000  }
0x129: {  	[sflag:s5] =	ssyncset.done $0x0  }
0x12a: {  	s18 =	sadd.s32 $0x780, s17;
	[sflag:s5] =	ssyncadd.s32 $0xFFFFC000  }
0x12b: {  	[tilespmem:s28], [sflag:$0x2] =	stream.indirect.gather [hbm4b:s4+s24], $0x80, s18, s24, $0xb8;
	[tilespmem:$0x1E900] =	vst v63  }
0x12c: {  	s18 =	sadd.s32 $0x7C0, s17  }
0x12d: {  	[tilespmem:s30], [sflag:$0x2] =	stream.indirect.gather [hbm4b:s4+s24], $0x80, s18, s24, $0xb8;
	[tilespmem:$0x1E900] =	vst v63  }
0x12e: {  	_ =	swait.ge [sflag:s31], $0x4000  }
0x12f: {  	[sflag:s31] =	ssyncset.done $0x0  }
0x130: {  	s18 =	sor.u32 $0x2B00, s23;
	[sflag:s31] =	ssyncadd.s32 $0xFFFFC000  }
0x131: {  	[spmem:s2] =	stream.indirect.scatter.add.f32 [tilespmem:s22], [sflag:$0x3], $0x80, s18, s26, $0xb8;
	[tilespmem:$0x1E900] =	vst v63  }
0x132: {  	_ =	swait.ge [sflag:s1], $0x4000  }
0x133: {  	[sflag:s1] =	ssyncset.done $0x0  }
0x134: {  	s18 =	sadd.s32 $0x800, s17;
	[sflag:s1] =	ssyncadd.s32 $0xFFFFC000  }
0x135: {  	[tilespmem:s22], [sflag:$0x1] =	stream.indirect.gather [hbm4b:s4+s24], $0x80, s18, s24, $0xb8;
	[tilespmem:$0x1E900] =	vst v63  }
0x136: {  	s17 =	sadd.s32 $0x840, s17  }
0x137: {  	[tilespmem:s25], [sflag:$0x1] =	stream.indirect.gather [hbm4b:s4+s24], $0x80, s17, s24, $0xb8;
	[tilespmem:$0x1E900] =	vst v63  }
0x138: {  	_ =	swait.ge [sflag:s0], $0x4000  }
.Ltmp0:
0x139: {  	[sflag:s0] =	ssyncset.done $0x0;
	(pc) =	sbr.rel @p0 .LBB2_2-.Ltmp0, $4  }
0x13a: {  	s17 =	sor.u32 $0x2B80, s23;
	[sflag:s0] =	ssyncadd.s32 $0xFFFFC000  }
0x13b: {  	[spmem:s2] =	stream.indirect.scatter.add.f32 [tilespmem:s28], [sflag:$0x4], $0x80, s17, s26, $0xb8;
	[tilespmem:$0x1E900] =	vst v63  }
0x13c: {  	_ =	swait.ge [sflag:s6], $0x400  }
0x13d: {  	s15 =	sadd.s32 $0x80, s15;
	s17 =	smov.u32 s16;
	[sflag:s6] =	ssyncset.done $0x0  }
0x13e: {  	[sflag:s6] =	ssyncadd.s32 $0xFFFFFC00  }
0x13f: {  	_ =	swait.ge [sflag:s5], $0x4000  }
0x140: {  	[sflag:s5] =	ssyncset.done $0x0  }
0x141: {  	s14 =	simm.s32 $0x2480;
	[sflag:s5] =	ssyncadd.s32 $0xFFFFC000  }
0x142: {  	[tilespmem:s28], [sflag:$0x2] =	stream.indirect.gather [hbm4b:s4+s24], $0x80, s14, s24, $0xb8;
	[tilespmem:$0x1E900] =	vst v63  }
0x143: {  	s15 =	simm.s32 $0x24C0  }
0x144: {  	[tilespmem:s30], [sflag:$0x2] =	stream.indirect.gather [hbm4b:s4+s24], $0x80, s15, s24, $0xb8;
	[tilespmem:$0x1E900] =	vst v63  }
0x145: {  	_ =	swait.ge [sflag:s31], $0x4000  }
0x146: {  	[sflag:s31] =	ssyncset.done $0x0  }
0x147: {  	[sflag:s31] =	ssyncadd.s32 $0xFFFFC000  }
0x148: {  	[spmem:s2] =	stream.indirect.scatter.add.f32 [tilespmem:s22], [sflag:$0x3], $0x80, s29, s26, $0xb8;
	[tilespmem:$0x1E900] =	vst v63  }
0x149: {  	_ =	swait.ge [sflag:s1], $0x4000  }
0x14a: {  	[sflag:s1] =	ssyncset.done $0x0  }
0x14b: {  	s16 =	simm.s32 $0x2500;
	[sflag:s1] =	ssyncadd.s32 $0xFFFFC000  }
0x14c: {  	[tilespmem:s22], [sflag:$0x1] =	stream.indirect.gather [hbm4b:s4+s24], $0x80, s16, s24, $0xb8;
	[tilespmem:$0x1E900] =	vst v63  }
0x14d: {  	s17 =	simm.s32 $0x2540  }
0x14e: {  	[tilespmem:s25], [sflag:$0x1] =	stream.indirect.gather [hbm4b:s4+s24], $0x80, s17, s24, $0xb8;
	[tilespmem:$0x1E900] =	vst v63  }
0x14f: {  	_ =	swait.ge [sflag:s0], $0x4000  }
0x150: {  	[sflag:s0] =	ssyncset.done $0x0  }
0x151: {  	s18 =	simm.s32 $0x2C80;
	[sflag:s0] =	ssyncadd.s32 $0xFFFFC000  }
0x152: {  	[spmem:s2] =	stream.indirect.scatter.add.f32 [tilespmem:s28], [sflag:$0x4], $0x80, s18, s26, $0xb8;
	[tilespmem:$0x1E900] =	vst v63  }
0x153: {  	_ =	swait.ge [sflag:s5], $0x4000  }
0x154: {  	[sflag:s5] =	ssyncset.done $0x0  }
0x155: {  	s23 =	simm.s32 $0x2580;
	[sflag:s5] =	ssyncadd.s32 $0xFFFFC000  }
0x156: {  	[tilespmem:s28], [sflag:$0x2] =	stream.indirect.gather [hbm4b:s4+s24], $0x80, s23, s24, $0xb8;
	[tilespmem:$0x1E900] =	vst v63  }
0x157: {  	s15 =	simm.s32 $0x25C0  }
0x158: {  	[tilespmem:s30], [sflag:$0x2] =	stream.indirect.gather [hbm4b:s4+s24], $0x80, s15, s24, $0xb8;
	[tilespmem:$0x1E900] =	vst v63  }
0x159: {  	_ =	swait.ge [sflag:s31], $0x4000  }
0x15a: {  	[sflag:s31] =	ssyncset.done $0x0  }
0x15b: {  	s16 =	simm.s32 $0x2D00;
	[sflag:s31] =	ssyncadd.s32 $0xFFFFC000  }
0x15c: {  	[spmem:s2] =	stream.indirect.scatter.add.f32 [tilespmem:s22], [sflag:$0x3], $0x80, s16, s26, $0xb8;
	[tilespmem:$0x1E900] =	vst v63  }
0x15d: {  	_ =	swait.ge [sflag:s1], $0x4000  }
0x15e: {  	[sflag:s1] =	ssyncset.done $0x0  }
0x15f: {  	s17 =	simm.s32 $0x2600;
	[sflag:s1] =	ssyncadd.s32 $0xFFFFC000  }
0x160: {  	[tilespmem:s22], [sflag:$0x1] =	stream.indirect.gather [hbm4b:s4+s24], $0x80, s17, s24, $0xb8;
	[tilespmem:$0x1E900] =	vst v63  }
0x161: {  	s18 =	simm.s32 $0x2640  }
0x162: {  	[tilespmem:s25], [sflag:$0x1] =	stream.indirect.gather [hbm4b:s4+s24], $0x80, s18, s24, $0xb8;
	[tilespmem:$0x1E900] =	vst v63  }
0x163: {  	_ =	swait.ge [sflag:s0], $0x4000  }
0x164: {  	[sflag:s0] =	ssyncset.done $0x0  }
0x165: {  	s23 =	simm.s32 $0x2D80;
	[sflag:s0] =	ssyncadd.s32 $0xFFFFC000  }
0x166: {  	[spmem:s2] =	stream.indirect.scatter.add.f32 [tilespmem:s28], [sflag:$0x4], $0x80, s23, s26, $0xb8;
	[tilespmem:$0x1E900] =	vst v63  }
0x167: {  	_ =	swait.ge [sflag:s5], $0x4000  }
0x168: {  	[sflag:s5] =	ssyncset.done $0x0  }
0x169: {  	s15 =	simm.s32 $0x2680;
	[sflag:s5] =	ssyncadd.s32 $0xFFFFC000  }
0x16a: {  	[tilespmem:s28], [sflag:$0x2] =	stream.indirect.gather [hbm4b:s4+s24], $0x80, s15, s24, $0xb8;
	[tilespmem:$0x1E900] =	vst v63  }
0x16b: {  	s16 =	simm.s32 $0x26C0  }
0x16c: {  	[tilespmem:s30], [sflag:$0x2] =	stream.indirect.gather [hbm4b:s4+s24], $0x80, s16, s24, $0xb8;
	[tilespmem:$0x1E900] =	vst v63  }
0x16d: {  	_ =	swait.ge [sflag:s31], $0x4000  }
0x16e: {  	[sflag:s31] =	ssyncset.done $0x0  }
0x16f: {  	s17 =	simm.s32 $0x2E00;
	[sflag:s31] =	ssyncadd.s32 $0xFFFFC000  }
0x170: {  	[spmem:s2] =	stream.indirect.scatter.add.f32 [tilespmem:s22], [sflag:$0x3], $0x80, s17, s26, $0xb8;
	[tilespmem:$0x1E900] =	vst v63  }
0x171: {  	_ =	swait.ge [sflag:s1], $0x4000  }
0x172: {  	[sflag:s1] =	ssyncset.done $0x0  }
0x173: {  	s18 =	simm.s32 $0x2700;
	[sflag:s1] =	ssyncadd.s32 $0xFFFFC000  }
0x174: {  	[tilespmem:s22], [sflag:$0x1] =	stream.indirect.gather [hbm4b:s4+s24], $0x80, s18, s24, $0xb8;
	[tilespmem:$0x1E900] =	vst v63  }
0x175: {  	s23 =	simm.s32 $0x2740  }
0x176: {  	[tilespmem:s25], [sflag:$0x1] =	stream.indirect.gather [hbm4b:s4+s24], $0x80, s23, s24, $0xb8;
	[tilespmem:$0x1E900] =	vst v63  }
0x177: {  	_ =	swait.ge [sflag:s0], $0x4000  }
0x178: {  	[sflag:s0] =	ssyncset.done $0x0  }
0x179: {  	s15 =	simm.s32 $0x2E80;
	[sflag:s0] =	ssyncadd.s32 $0xFFFFC000  }
0x17a: {  	[spmem:s2] =	stream.indirect.scatter.add.f32 [tilespmem:s28], [sflag:$0x4], $0x80, s15, s26, $0xb8;
	[tilespmem:$0x1E900] =	vst v63  }
0x17b: {  	_ =	swait.ge [sflag:s5], $0x4000  }
0x17c: {  	[sflag:s5] =	ssyncset.done $0x0  }
0x17d: {  	s16 =	simm.s32 $0x2780;
	[sflag:s5] =	ssyncadd.s32 $0xFFFFC000  }
0x17e: {  	[tilespmem:s28], [sflag:$0x2] =	stream.indirect.gather [hbm4b:s4+s24], $0x80, s16, s24, $0xb8;
	[tilespmem:$0x1E900] =	vst v63  }
0x17f: {  	s17 =	simm.s32 $0x27C0  }
0x180: {  	[tilespmem:s30], [sflag:$0x2] =	stream.indirect.gather [hbm4b:s4+s24], $0x80, s17, s24, $0xb8;
	[tilespmem:$0x1E900] =	vst v63  }
0x181: {  	_ =	swait.ge [sflag:s31], $0x4000  }
0x182: {  	[sflag:s31] =	ssyncset.done $0x0  }
0x183: {  	s18 =	simm.s32 $0x2F00;
	[sflag:s31] =	ssyncadd.s32 $0xFFFFC000  }
0x184: {  	[spmem:s2] =	stream.indirect.scatter.add.f32 [tilespmem:s22], [sflag:$0x3], $0x80, s18, s26, $0xb8;
	[tilespmem:$0x1E900] =	vst v63  }
0x185: {  	_ =	swait.ge [sflag:s1], $0x4000  }
0x186: {  	[sflag:s1] =	ssyncset.done $0x0  }
0x187: {  	[sflag:s1] =	ssyncadd.s32 $0xFFFFC000  }
0x188: {  	_ =	swait.ge [sflag:s0], $0x4000  }
0x189: {  	[sflag:s0] =	ssyncset.done $0x0  }
0x18a: {  	s23 =	simm.s32 $0x2F80;
	[sflag:s0] =	ssyncadd.s32 $0xFFFFC000  }
0x18b: {  	[spmem:s2] =	stream.indirect.scatter.add.f32 [tilespmem:s28], [sflag:$0x4], $0x80, s23, s26, $0xb8;
	[tilespmem:$0x1E900] =	vst v63  }
0x18c: {  	_ =	swait.ge [sflag:s5], $0x4000  }
0x18d: {  	[sflag:s5] =	ssyncset.done $0x0  }
0x18e: {  	s15 =	stileid.u32;
	[sflag:s5] =	ssyncadd.s32 $0xFFFFC000  }
0x18f: {  	s14 =	sshll.u32 s15, $0x6;
	[bflag:$0x0] =	sbarrier.arrive $0xFFFF  }
0x190: {  	s15 =	sshrl.u32 s7, $0x3;
	s14 =	sor.u32 $0x1C06, s14;
	s16 =	rddreg [dreg:$0x7]  }
0x191: {  	[hbm:s16], [sflag:s14] =	dma.local [spmem:s15], $0x800  }
0x192: {  	_ =	swait.ge [sflag:s21], $0x800  }
0x193: {  	[sflag:s21] =	ssyncset.done $0x0  }
0x194: {  	s16 =	sshrl.u32 s8, $0x3;
	s17 =	rddreg [dreg:$0x8];
	[sflag:s21] =	ssyncadd.s32 $0xFFFFF800  }
0x195: {  	[hbm:s17], [sflag:s14] =	dma.local [spmem:s16], $0x800  }
0x196: {  	_ =	swait.ge [sflag:s21], $0x800  }
0x197: {  	[sflag:s21] =	ssyncset.done $0x0  }
0x198: {  	s18 =	sshrl.u32 s9, $0x3;
	s23 =	rddreg [dreg:$0x9];
	[sflag:s21] =	ssyncadd.s32 $0xFFFFF800  }
0x199: {  	[hbm:s23], [sflag:s14] =	dma.local [spmem:s18], $0x800  }
0x19a: {  	_ =	swait.ge [sflag:s21], $0x800  }
0x19b: {  	[sflag:s21] =	ssyncset.done $0x0  }
0x19c: {  	s16 =	sshrl.u32 s10, $0x3;
	s17 =	rddreg [dreg:$0xa];
	[sflag:s21] =	ssyncadd.s32 $0xFFFFF800  }
0x19d: {  	[hbm:s17], [sflag:s14] =	dma.local [spmem:s16], $0x800  }
0x19e: {  	s13 =	sadd.s32 $0x1, s13;
	_ =	swait.ge [sflag:s21], $0x800  }
0x19f: {  	p0 =	sne.s32 s13, s19;
	s18 =	sshrl.u32 s11, $0x3;
	[sflag:s21] =	ssyncset.done $0x0  }
.Ltmp1:
0x1a0: {  	s23 =	rddreg [dreg:$0xb];
	[sflag:s21] =	ssyncadd.s32 $0xFFFFF800;
	(pc) =	sbr.rel @p0 .LBB2_1-.Ltmp1, $4  }
0x1a1: {  	[hbm:s23], [sflag:s14] =	dma.local [spmem:s18], $0x800  }
0x1a2: {  	_ =	swait.ge [sflag:s21], $0x800  }
0x1a3: {  	[sflag:s21] =	ssyncset.done $0x0  }
0x1a4: {  	[sflag:s21] =	ssyncadd.s32 $0xFFFFF800  }
0x1a5: {  	_ =	sfence.sel $0x180000  }
0x1a6: {  	[bflag:$0x0] =	sbarrier.arrive $0xFFFF  }
0x1a7: {  	_ =	strace $0x9000004D  }
0x1a8: {  	s0 =	stileid.u32;
	[bflag:$0x2] =	sbarrier.arrive $0xFFFF  }
0x1a9: {  	p0 =	sne.s32 s0, $0x0;
	s0 =	rddreg [dreg:$0x3]  }
0x1aa: {  	s0 =	sadd.s32 @!p0 $0x100000, s0  }
0x1ab: {  	[sflag:s0] =	ssyncadd.tile.s32 @!p0 $0x1;
	_ =	shalt  }
.Lfunc_end2:
_tile_overlayer_lowered:
.L_overlay_start_2:
0x1ac: {  	(tag) =	ssettag $0x2  }
0x1ad: {  	s0 =	rddreg [dreg:$0x0];
	s2 =	stileid.u32  }
0x1ae: {  	s1 =	rddreg [dreg:$0x1];
	p0 =	sne.s32 s2, $0x0  }
0x1af: {  	s3 =	rddreg [dreg:$0x2];
	[bflag:$0x3] =	sbarrier.arrive $0xFFFF;
	s2 =	simm.s32 @!p0 $0x1C06  }
0x1b0: {  	[timem:s3], [sflag:s2] =	dma.local @!p0 [hbm:s0], s1  }
0x1b1: {  	s0 =	simm.s32 @!p0 $0x6  }
0x1b2: {  	_ =	swait.ge @!p0 [sflag:s0], s1  }
0x1b3: {  	s1 =	ssub.s32 @!p0 $0x0, s1;
	[sflag:s0] =	ssyncset.done @!p0 $0x0  }
0x1b4: {  	[sflag:s0] =	ssyncadd.s32 @!p0 s1  }
0x1b5: {  	[bflag:$0x3] =	sbarrier.arrive $0xFFFF  }
0x1b6: {  	_ =	shalt  }

// kernel: kernel.9.cloned.1.call-start
scs
__scs_entry_jumppad:
0x0: {  	(pc) =	sbr.rel $0x88, $3  }
0x1: {  	(tag) =	ssettag $0x0;
	lr =	simm.s32 $0x1  }
0x2: {  	[smem:$0x3F9B] =	sst lr;
	_ =	strace $0xD0000000  }
0x3: {  	_ = 	snop  }
0x4: {  	_ = 	snop  }
0x5: {  	_ = 	snop  }
0x6: {  	_ = 	snop  }
0x7: {  	_ = 	snop  }
__scs_overlays_trampoline_lowered:
0x8: {  	[smem:$0x3FAA] =	sst s0  }
0x9: {  	[smem:$0x3FAB] =	sst s1  }
0xa: {  	[smem:$0x3FAC] =	sst s2  }
0xb: {  	[smem:$0x3FAD] =	sst s3  }
0xc: {  	[smem:$0x3FAE] =	sst s4  }
0xd: {  	[smem:$0x3FAF] =	sst s5  }
0xe: {  	[smem:$0x3FB0] =	sst s6  }
0xf: {  	[smem:$0x3FB1] =	sst s7  }
0x10: {  	[smem:$0x3FB2] =	sst s8  }
0x11: {  	[smem:$0x3FB3] =	sst s9;
	s0 =	simm.s32 @!p0 $0x0  }
0x12: {  	s1 =	sld [smem:$0x3F99];
	s0 =	simm.s32 @p0 $0x1  }
0x13: {  	[smem:$0x3FB4] =	sst s0;
	s0 =	simm.s32 @!p1 $0x0  }
0x14: {  	s2 =	sld [smem:$0x3F98];
	s0 =	simm.s32 @p1 $0x1  }
0x15: {  	[smem:$0x3FB5] =	sst s0;
	s0 =	simm.s32 @!p2 $0x0  }
0x16: {  	s3 =	sld [smem:$0x3FDB];
	s0 =	simm.s32 @p2 $0x1  }
0x17: {  	s4 =	simm.s32 $0x1BF5;
	[smem:$0x3FB7] =	sst s0  }
0x18: {  	s0 =	sld [smem:$0x3F9A];
	_ =	swait.ge [sflag:s4], $0x0  }
0x19: {  	s7 =	sld [smem:$0x3F9B]  }
0x1a: {  	s8 =	sadd.s32 $0xFFFFE003, lr  }
0x1b: {  	s9 =	sadd.s32 $0xFFFFFEF7, lr;
	s5 =	simm.s32 $0xFFFFFFFF;
	p2 =	slt.u32 s8, $0xFFFFF086  }
0x1c: {  	p1 =	slt.u32 s9, $0xF7A;
	s5 =	simm.s32 @!p2 $0x0  }
0x1d: {  	s5 =	simm.s32 @p1 $0x1;
	p0 =	seq.s32 s7, s2  }
0x1e: {  	s7 =	smul.u32 @!p0 $0xF7A, s2;
	p2 =	seq.s32 @!p0 s5, $0x0  }
0x1f: {  	s9 =	smul.u32 $0xF7A, s1;
	s8 =	simm.s32 @!p0 $0x1BF5;
	p2 =	por !p2, p0  }
0x20: {  	[sflag:s8] =	ssyncset.s32 @!p0 $0xFFFFF086;
	s6 =	sadd.s32 @!p0 s3, s7;
	s7 =	simm.s32 @!p0 $0x108  }
0x21: {  	s3 =	sadd.s32 s3, s9;
	s6 =	sadd.s32 @!p0 $0x88, s6;
	s7 =	simm.s32 @p2 $0x1082  }
0x22: {  	[simem:s7], [sflag:s8] =	dma.local @!p0 [hbm:s6], $0xF7A  }
0x23: {  	s9 =	sor.u32 $0xD0000000, s2;
	s6 =	simm.s32 $0x108;
	_ =	swait.ge @!p0 [sflag:s8], $0x0  }
0x24: {  	s3 =	sadd.s32 $0x88, s3;
	s6 =	simm.s32 @!p1 $0x1082;
	[sflag:s4] =	ssyncset.s32 $0xFFFFF086  }
0x25: {  	[simem:s6], [sflag:s4] =	dma.local [hbm:s3], $0xF7A  }
0x26: {  	[smem:$0x3F9B] =	sst s1;
	(tag) =	ssettag s2;
	_ =	strace s9  }
0x27: {  	s1 =	sld [smem:$0x3FAB]  }
0x28: {  	s2 =	sld [smem:$0x3FAC]  }
0x29: {  	s4 =	sld [smem:$0x3FAE]  }
0x2a: {  	p0 =	seq.s32 s5, $0x0;
	s5 =	sld [smem:$0x3FAF]  }
0x2b: {  	s6 =	sld [smem:$0x3FB0]  }
0x2c: {  	s7 =	sld [smem:$0x3FB1]  }
0x2d: {  	s3 =	simm.s32 $0x108;
	s8 =	sld [smem:$0x3FB2]  }
0x2e: {  	s3 =	simm.s32 @!p0 $0x1082;
	s9 =	sld [smem:$0x3FB3]  }
0x2f: {  	lr =	sadd.s32 s0, s3;
	s0 =	sld [smem:$0x3FAA]  }
0x30: {  	s3 =	sld [smem:$0x3FAD]  }
0x31: {  	[smem:$0x3FB6] =	sst s10  }
0x32: {  	s10 =	sld [smem:$0x3FB4];
	_ =	sdelay $0x3  }
0x33: {  	p0 =	seq.s32 s10, $0x1;
	s10 =	sld [smem:$0x3FB6];
	_ =	sdelay $0x3  }
0x34: {  	[smem:$0x3FB6] =	sst s10  }
0x35: {  	s10 =	sld [smem:$0x3FB5];
	_ =	sdelay $0x3  }
0x36: {  	p1 =	seq.s32 s10, $0x1;
	s10 =	sld [smem:$0x3FB6];
	_ =	sdelay $0x3  }
0x37: {  	[smem:$0x3FB6] =	sst s10  }
0x38: {  	s10 =	sld [smem:$0x3FB7]  }
0x39: {  	_ = 	snop;
	(pc) =	sbr.ind lr, $3  }
0x3a: {  	_ = 	snop  }
0x3b: {  	_ = 	snop  }
0x3c: {  	p2 =	seq.s32 s10, $0x1;
	s10 =	sld [smem:$0x3FB6]  }
0x3d: {  	_ =	shalt  }
0x3e: {  	_ =	shalt  }
0x3f: {  	_ =	shalt  }
0x40: {  	_ =	shalt  }
0x41: {  	_ =	shalt  }
0x42: {  	_ =	shalt  }
0x43: {  	_ =	shalt  }
0x44: {  	_ =	shalt  }
0x45: {  	_ =	shalt  }
0x46: {  	_ =	shalt  }
0x47: {  	_ =	shalt  }
0x48: {  	_ =	shalt  }
0x49: {  	_ =	shalt  }
0x4a: {  	_ =	shalt  }
0x4b: {  	_ =	shalt  }
0x4c: {  	_ =	shalt  }
0x4d: {  	_ =	shalt  }
0x4e: {  	_ =	shalt  }
0x4f: {  	_ =	shalt  }
0x50: {  	_ =	shalt  }
0x51: {  	_ =	shalt  }
0x52: {  	_ =	shalt  }
0x53: {  	_ =	shalt  }
0x54: {  	_ =	shalt  }
0x55: {  	_ =	shalt  }
0x56: {  	_ =	shalt  }
0x57: {  	_ =	shalt  }
0x58: {  	_ =	shalt  }
0x59: {  	_ =	shalt  }
0x5a: {  	_ =	shalt  }
0x5b: {  	_ =	shalt  }
0x5c: {  	_ =	shalt  }
0x5d: {  	_ =	shalt  }
0x5e: {  	_ =	shalt  }
0x5f: {  	_ =	shalt  }
0x60: {  	_ =	shalt  }
0x61: {  	_ =	shalt  }
0x62: {  	_ =	shalt  }
0x63: {  	_ =	shalt  }
0x64: {  	_ =	shalt  }
0x65: {  	_ =	shalt  }
0x66: {  	_ =	shalt  }
0x67: {  	_ =	shalt  }
0x68: {  	_ =	shalt  }
0x69: {  	_ =	shalt  }
0x6a: {  	_ =	shalt  }
0x6b: {  	_ =	shalt  }
0x6c: {  	_ =	shalt  }
0x6d: {  	_ =	shalt  }
0x6e: {  	_ =	shalt  }
0x6f: {  	_ =	shalt  }
0x70: {  	_ =	shalt  }
0x71: {  	_ =	shalt  }
0x72: {  	_ =	shalt  }
0x73: {  	_ =	shalt  }
0x74: {  	_ =	shalt  }
0x75: {  	_ =	shalt  }
0x76: {  	_ =	shalt  }
0x77: {  	_ =	shalt  }
0x78: {  	_ =	shalt  }
0x79: {  	_ =	shalt  }
0x7a: {  	_ =	shalt  }
0x7b: {  	_ =	shalt  }
0x7c: {  	_ =	shalt  }
0x7d: {  	_ =	shalt  }
0x7e: {  	_ =	shalt  }
0x7f: {  	_ =	shalt  }
0x80: {  	_ =	shalt  }
0x81: {  	_ =	shalt  }
0x82: {  	_ =	shalt  }
0x83: {  	_ =	shalt  }
0x84: {  	_ =	shalt  }
0x85: {  	_ =	shalt  }
0x86: {  	_ =	shalt  }
0x87: {  	_ =	shalt  }
.Lfunc_end0:
.L_simem_size_0:
called_computation_lowered:
.L_overlay_start_0:
0x88: {  	s2 =	sld [smem:$0x3FD9]  }
0x89: {  	s3 =	sld [smem:$0x3FFE];
	_ =	sdelay $0x1  }
0x8a: {  	s1 =	srdreg.scid  }
0x8b: {  	s0 =	sand.u32 $0x1, s1  }
0x8c: {  	s16 =	sshll.u32 s0, $0xA;
	s2 =	sadd.s32 s3, s2  }
0x8d: {  	s2 =	sadd.s32 s2, s16  }
0x8e: {  	[smem:$0x3FC2] =	sst s2  }
0x8f: {  	_ = 	snop  }
0x90: {  	(tm) =	ssettm $0x1  }
0x91: {  	s17 =	sld [smem:$0x3FFB];
	_ =	sdelay $0x3  }
0x92: {  	_ =	strace s17  }
0x93: {  	s2 =	sld [smem:$0x3FFC];
	_ =	sdelay $0x3  }
0x94: {  	_ =	strace s2  }
0x95: {  	s2 =	sld [smem:$0x3FFD];
	_ =	sdelay $0x3  }
0x96: {  	_ =	strace s2  }
0x97: {  	_ =	strace $0x8FFFFFFF  }
0x98: {  	s18 =	sld [smem:$0x3FDB];
	_ =	sdelay $0x1  }
0x99: {  	s19 =	simm.s32 $_scs_section_size  }
0x9a: {  	s4 =	simm.s32 $_size__tile_overlayer_lowered;
	s5 =	simm.s32 $_tile_overlayer_lowered  }
0x9b: {  	s22 =	simm.s32 $0x1BFF;
	s21 =	sshll.u32 s5, $0x1;
	s2 =	sadd.s32 s19, s18  }
0x9c: {  	s6 =	simm.s32 $0x0;
	s20 =	sshll.u32 s4, $0x1;
	s4 =	sadd.s32 s21, s2  }
0x9d: {  	[timem:s6], [sflag:s22] =	dma.local [hbm:s4], s20  }
0x9e: {  	_ =	swait.ge [sflag:s22], s20  }
0x9f: {  	s3 =	ssub.s32 $0x0, s20;
	[sflag:s22] =	ssyncset.done $0x0  }
0xa0: {  	[sflag:s22] =	ssyncadd.s32 s3;
	_ =	sdelay $0x1  }
0xa1: {  	s23 =	simm.s32 $0x1B8B  }
0xa2: {  	_ =	swait.ge [sflag:s23], $0x1  }
0xa3: {  	[sflag:s23] =	ssyncset.done $0x0  }
0xa4: {  	s25 =	simm.s32 $0x1B8E;
	s24 =	sld [smem:$0x3FFE];
	[sflag:s23] =	ssyncadd.s32 $0xFFFFFFFF  }
0xa5: {  	s26 =	simm.s32 $execute0_lowered;
	[smem:$0x3FD2] =	sst s25  }
0xa6: {  	s4 =	sshll.u32 s26, $0x1;
	_ =	strace $0x80000046;
	[dreg:$0x1] =	wrdreg $0xFFFFFFFF  }
0xa7: {  	s28 =	simm.s32 $_size_execute0_lowered;
	s2 =	sadd.s32 s2, s4;
	[dreg:$0x0] =	wrdreg $0x0  }
0xa8: {  	s4 =	sshll.u32 s28, $0x1;
	[dreg:$0x2] =	wrdreg s2  }
0xa9: {  	[dreg:$0x3] =	wrdreg s4  }
0xaa: {  	[dreg:$0x4] =	wrdreg $0xC0  }
0xab: {  	_ =	task [dreg:s6], $0x5FFFF  }
0xac: {  	[dreg:$0x1] =	wrdreg $0xFFFFFFFF  }
0xad: {  	[dreg:$0x0] =	wrdreg $0x60  }
0xae: {  	[dreg:$0x2] =	wrdreg s24  }
0xaf: {  	[dreg:$0x3] =	wrdreg $0x54000  }
0xb0: {  	[dreg:$0x4] =	wrdreg $0x9  }
0xb1: {  	_ =	task.clear_ibuf [dreg:s6], $0x5FFFF;
	_ =	strace $0x90000046  }
0xb2: {  	s29 =	simm.s32 $0x9;
	_ =	strace $0x80000048  }
0xb3: {  	_ =	swait.ge [sflag:s29], $0x1  }
0xb4: {  	[sflag:s29] =	ssyncadd.s32 $0xFFFFFFFF  }
0xb5: {  	_ =	strace $0x90000048  }
0xb6: {  	_ =	sfence  }
0xb7: {  	s30 =	sld [smem:$0x0];
	_ =	sdelay $0x2  }
0xb8: {  	s31 =	sshll.u32 s1, $0xD;
	s1 =	sshrl.u32 s1, $0x2  }
0xb9: {  	s3 =	sand.u32 $0x4000, s31;
	s1 =	sadd.s32 s1, s30  }
0xba: {  	s0 =	sor.u32 s3, s0;
	s1 =	sshll.u32 s1, $0x11  }
0xbb: {  	s0 =	sor.u32 s1, s0  }
0xbc: {  	s0 =	sadd.s32 $0x8F2B, s0  }
0xbd: {  	[sflag:s0] =	ssyncadd.remote.s32 $0x1  }
0xbe: {  	_ =	sfence.sel $0xFFFF  }
0xbf: {  	[dreg:$0x0] =	wrdreg $0xFFFFFFFF;
	(pc) =	sbr.abs _section_cstart, $3  }
0xc0: {  	[dreg:$0x1] =	wrdreg $0xFFFFFFFF  }
0xc1: {  	_ =	task.clear_ibuf [dreg:s6], $0x2FFFF;
	_ =	strace $0x9FFFFFFF  }
0xc2: {  	(tm) =	ssettm $0x7FFFFFFF  }
0xc3: {  	_ =	shalt  }
tec
execute0_lowered:
.L_overlay_start_1:
0x0: {  	(tag) =	ssettag $0x1  }
0x1: {  	s0 =	srdreg.scid;
	s6 =	rddreg [dreg:$0x0]  }
0x2: {  	s9 =	stileid.u32;
	s2 =	rddreg [dreg:$0x1];
	s3 =	simm.s32 $0x0  }
0x3: {  	s19 =	simm.s32 $0x1400;
	s20 =	simm.s32 $0x80;
	s28 =	simm.s32 $0x1000  }
0x4: {  	s29 =	simm.s32 $0x1080;
	s30 =	simm.s32 $0x1100;
	s4 =	smul.u32 $0x1400, s9  }
0x5: {  	s31 =	simm.s32 $0x1180;
	s21 =	simm.s32 $0x1300;
	s8 =	smul.u32 $0x4E000, s9  }
0x6: {  	s0 =	sand.u32 $0x1, s0;
	[smem:$0x7FF] =	sst s3;
	s11 =	smul.u32 $0x13800, s9  }
0x7: {  	s5 =	sadd.s32 $0x7400, s6;
	s16 =	sadd.s32 $0x8400, s6;
	s1 =	smul.u32 $0x14000, s0  }
0x8: {  	_ =	strace $0x80000047;
	s7 =	ssub.s32 $0x2, s0;
	s0 =	smul.u32 $0x138800, s0  }
0x9: {  	s22 =	sshrl.u32 s7, $0x1;
	s23 =	sshrl.u32 s8, $0x2;
	s24 =	sadd.s32 $0x4000, s11  }
0xa: {  	s14 =	sadd.s32 $0x8000, s11;
	s15 =	sadd.s32 $0xC000, s11;
	s18 =	sadd.s32 $0x10000, s11  }
0xb: {  	s1 =	sadd.s32 s4, s1;
	s4 =	sadd.s32 $0x7C00, s6;
	s17 =	ssub.s32 s7, s22  }
0xc: {  	s7 =	sadd.s32 s23, s2;
	s8 =	sadd.s32 s24, s2;
	s9 =	sadd.s32 s14, s2  }
0xd: {  	s10 =	sadd.s32 s15, s2;
	s12 =	sadd.s32 s11, s0;
	s11 =	sadd.s32 s18, s2  }
0xe: {  	s25 =	sadd.s32 s0, s14;
	s26 =	sadd.s32 s0, s15;
	s22 =	simm.s32 $0x1380  }
0xf: {  	s23 =	simm.s32 $0x1;
	s1 =	sshrl.u32 s1, $0x3;
	s12 =	sshrl.u32 s12, $0x3  }
0x10: {  	s15 =	sshrl.u32 s26, $0x3;
	s17 =	smax.u32 s17, $0x1;
	s1 =	sadd.s32 s1, s6  }
0x11: {  	s12 =	sadd.s32 s16, s12;
	s6 =	sadd.s32 $0x2400, s1;
	s1 =	sadd.s32 s0, s24  }
0x12: {  	s15 =	sadd.s32 s16, s15;
	s0 =	sadd.s32 s0, s18;
	s1 =	sshrl.u32 s1, $0x3  }
0x13: {  	s18 =	simm.s32 $0x2;
	s13 =	sadd.s32 s16, s1;
	s1 =	sshrl.u32 s25, $0x3  }
0x14: {  	s24 =	simm.s32 $0x0;
	s0 =	sshrl.u32 s0, $0x3;
	s14 =	sadd.s32 s16, s1  }
0x15: {  	s16 =	sadd.s32 s16, s0;
	s1 =	simm.s32 $0x1200;
	s0 =	simm.s32 $0x1280  }
.LBB2_1:
0x16: {  	[tilespmem:s3], [sflag:$0x2] =	stream.linear.gather [hbm4b:s6+s3], $0x1400, $0x38;
	[tilespmem:$0x18D00] =	vst v63  }
0x17: {  	_ =	swait.ge [sflag:s18], $0x1400  }
0x18: {  	[sflag:s18] =	ssyncset.done $0x0  }
0x19: {  	[sflag:s18] =	ssyncadd.s32 $0xFFFFEC00  }
0x1a: {  	[tilespmem:s19], [sflag:$0x2] =	stream.linear.gather [hbm4b:s5+s3], $0x4000, $0x38;
	[tilespmem:$0x18D00] =	vst v63  }
0x1b: {  	_ =	swait.ge [sflag:s18], $0x4000  }
0x1c: {  	[sflag:s18] =	ssyncset.done $0x0  }
0x1d: {  	[sflag:s18] =	ssyncadd.s32 $0xFFFFC000  }
0x1e: {  	[spmem:s7] =	stream.linear.scatter [tilespmem:s19], [sflag:$0x2], $0x4000, $0x38;
	[tilespmem:$0x18D00] =	vst v63  }
0x1f: {  	_ =	swait.ge [sflag:s18], $0x4000  }
0x20: {  	[sflag:s18] =	ssyncset.done $0x0  }
0x21: {  	[sflag:s18] =	ssyncadd.s32 $0xFFFFC000  }
0x22: {  	[spmem:s8] =	stream.linear.scatter [tilespmem:s19], [sflag:$0x2], $0x4000, $0x38;
	[tilespmem:$0x18D00] =	vst v63  }
0x23: {  	_ =	swait.ge [sflag:s18], $0x4000  }
0x24: {  	[sflag:s18] =	ssyncset.done $0x0  }
0x25: {  	[sflag:s18] =	ssyncadd.s32 $0xFFFFC000  }
0x26: {  	[spmem:s9] =	stream.linear.scatter [tilespmem:s19], [sflag:$0x2], $0x4000, $0x38;
	[tilespmem:$0x18D00] =	vst v63  }
0x27: {  	_ =	swait.ge [sflag:s18], $0x4000  }
0x28: {  	[sflag:s18] =	ssyncset.done $0x0  }
0x29: {  	[sflag:s18] =	ssyncadd.s32 $0xFFFFC000  }
0x2a: {  	[spmem:s10] =	stream.linear.scatter [tilespmem:s19], [sflag:$0x2], $0x4000, $0x38;
	[tilespmem:$0x18D00] =	vst v63  }
0x2b: {  	_ =	swait.ge [sflag:s18], $0x4000  }
0x2c: {  	[sflag:s18] =	ssyncset.done $0x0  }
0x2d: {  	[sflag:s18] =	ssyncadd.s32 $0xFFFFC000  }
0x2e: {  	[spmem:s11] =	stream.linear.scatter [tilespmem:s19], [sflag:$0x2], $0x4000, $0x38;
	[tilespmem:$0x18D00] =	vst v63  }
0x2f: {  	_ =	swait.ge [sflag:s18], $0x4000  }
0x30: {  	[sflag:s18] =	ssyncset.done $0x0  }
0x31: {  	[sflag:s18] =	ssyncadd.s32 $0xFFFFC000  }
0x32: {  	[tilespmem:s19], [sflag:$0x2] =	stream.linear.gather [hbm4b:s4+s3], $0x4000, $0x38;
	[tilespmem:$0x18D00] =	vst v63  }
0x33: {  	_ =	swait.ge [sflag:s18], $0x4000  }
0x34: {  	[sflag:s18] =	ssyncset.done $0x0  }
0x35: {  	[sflag:s18] =	ssyncadd.s32 $0xFFFFC000  }
0x36: {  	[bflag:$0x0] =	sbarrier.arrive $0xFFFF  }
0x37: {  	[spmem:s2] =	stream.indirect.scatter.add.f32 [tilespmem:s19], [sflag:$0x1], $0x80, s3, s20, $0xb8;
	[tilespmem:$0x18D00] =	vst v63  }
0x38: {  	_ = 	snop  }
0x39: {  	[spmem:s2] =	stream.indirect.scatter.add.f32 [tilespmem:s19], [sflag:$0x1], $0x80, s20, s20, $0xb8;
	[tilespmem:$0x18D00] =	vst v63  }
0x3a: {  	s25 =	simm.s32 $0x100  }
0x3b: {  	[spmem:s2] =	stream.indirect.scatter.add.f32 [tilespmem:s19], [sflag:$0x1], $0x80, s25, s20, $0xb8;
	[tilespmem:$0x18D00] =	vst v63  }
0x3c: {  	s26 =	simm.s32 $0x180  }
0x3d: {  	[spmem:s2] =	stream.indirect.scatter.add.f32 [tilespmem:s19], [sflag:$0x1], $0x80, s26, s20, $0xb8;
	[tilespmem:$0x18D00] =	vst v63  }
0x3e: {  	s26 =	simm.s32 $0x200  }
0x3f: {  	[spmem:s2] =	stream.indirect.scatter.add.f32 [tilespmem:s19], [sflag:$0x1], $0x80, s26, s20, $0xb8;
	[tilespmem:$0x18D00] =	vst v63  }
0x40: {  	s26 =	simm.s32 $0x280  }
0x41: {  	[spmem:s2] =	stream.indirect.scatter.add.f32 [tilespmem:s19], [sflag:$0x1], $0x80, s26, s20, $0xb8;
	[tilespmem:$0x18D00] =	vst v63  }
0x42: {  	s26 =	simm.s32 $0x300  }
0x43: {  	[spmem:s2] =	stream.indirect.scatter.add.f32 [tilespmem:s19], [sflag:$0x1], $0x80, s26, s20, $0xb8;
	[tilespmem:$0x18D00] =	vst v63  }
0x44: {  	s26 =	simm.s32 $0x380  }
0x45: {  	[spmem:s2] =	stream.indirect.scatter.add.f32 [tilespmem:s19], [sflag:$0x1], $0x80, s26, s20, $0xb8;
	[tilespmem:$0x18D00] =	vst v63  }
0x46: {  	s26 =	simm.s32 $0x400  }
0x47: {  	[spmem:s2] =	stream.indirect.scatter.add.f32 [tilespmem:s19], [sflag:$0x1], $0x80, s26, s20, $0xb8;
	[tilespmem:$0x18D00] =	vst v63  }
0x48: {  	s26 =	simm.s32 $0x480  }
0x49: {  	[spmem:s2] =	stream.indirect.scatter.add.f32 [tilespmem:s19], [sflag:$0x1], $0x80, s26, s20, $0xb8;
	[tilespmem:$0x18D00] =	vst v63  }
0x4a: {  	s26 =	simm.s32 $0x500  }
0x4b: {  	[spmem:s2] =	stream.indirect.scatter.add.f32 [tilespmem:s19], [sflag:$0x1], $0x80, s26, s20, $0xb8;
	[tilespmem:$0x18D00] =	vst v63  }
0x4c: {  	s26 =	simm.s32 $0x580  }
0x4d: {  	[spmem:s2] =	stream.indirect.scatter.add.f32 [tilespmem:s19], [sflag:$0x1], $0x80, s26, s20, $0xb8;
	[tilespmem:$0x18D00] =	vst v63  }
0x4e: {  	s26 =	simm.s32 $0x600  }
0x4f: {  	[spmem:s2] =	stream.indirect.scatter.add.f32 [tilespmem:s19], [sflag:$0x1], $0x80, s26, s20, $0xb8;
	[tilespmem:$0x18D00] =	vst v63  }
0x50: {  	s26 =	simm.s32 $0x680  }
0x51: {  	[spmem:s2] =	stream.indirect.scatter.add.f32 [tilespmem:s19], [sflag:$0x1], $0x80, s26, s20, $0xb8;
	[tilespmem:$0x18D00] =	vst v63  }
0x52: {  	s26 =	simm.s32 $0x700  }
0x53: {  	[spmem:s2] =	stream.indirect.scatter.add.f32 [tilespmem:s19], [sflag:$0x1], $0x80, s26, s20, $0xb8;
	[tilespmem:$0x18D00] =	vst v63  }
0x54: {  	s26 =	simm.s32 $0x780  }
0x55: {  	[spmem:s2] =	stream.indirect.scatter.add.f32 [tilespmem:s19], [sflag:$0x1], $0x80, s26, s20, $0xb8;
	[tilespmem:$0x18D00] =	vst v63  }
0x56: {  	s26 =	simm.s32 $0x800  }
0x57: {  	[spmem:s2] =	stream.indirect.scatter.add.f32 [tilespmem:s19], [sflag:$0x1], $0x80, s26, s20, $0xb8;
	[tilespmem:$0x18D00] =	vst v63  }
0x58: {  	s26 =	simm.s32 $0x880  }
0x59: {  	[spmem:s2] =	stream.indirect.scatter.add.f32 [tilespmem:s19], [sflag:$0x1], $0x80, s26, s20, $0xb8;
	[tilespmem:$0x18D00] =	vst v63  }
0x5a: {  	s26 =	simm.s32 $0x900  }
0x5b: {  	[spmem:s2] =	stream.indirect.scatter.add.f32 [tilespmem:s19], [sflag:$0x1], $0x80, s26, s20, $0xb8;
	[tilespmem:$0x18D00] =	vst v63  }
0x5c: {  	s26 =	simm.s32 $0x980  }
0x5d: {  	[spmem:s2] =	stream.indirect.scatter.add.f32 [tilespmem:s19], [sflag:$0x1], $0x80, s26, s20, $0xb8;
	[tilespmem:$0x18D00] =	vst v63  }
0x5e: {  	s26 =	simm.s32 $0xA00  }
0x5f: {  	[spmem:s2] =	stream.indirect.scatter.add.f32 [tilespmem:s19], [sflag:$0x1], $0x80, s26, s20, $0xb8;
	[tilespmem:$0x18D00] =	vst v63  }
0x60: {  	s26 =	simm.s32 $0xA80  }
0x61: {  	[spmem:s2] =	stream.indirect.scatter.add.f32 [tilespmem:s19], [sflag:$0x1], $0x80, s26, s20, $0xb8;
	[tilespmem:$0x18D00] =	vst v63  }
0x62: {  	s26 =	simm.s32 $0xB00  }
0x63: {  	[spmem:s2] =	stream.indirect.scatter.add.f32 [tilespmem:s19], [sflag:$0x1], $0x80, s26, s20, $0xb8;
	[tilespmem:$0x18D00] =	vst v63  }
0x64: {  	s26 =	simm.s32 $0xB80  }
0x65: {  	[spmem:s2] =	stream.indirect.scatter.add.f32 [tilespmem:s19], [sflag:$0x1], $0x80, s26, s20, $0xb8;
	[tilespmem:$0x18D00] =	vst v63  }
0x66: {  	s26 =	simm.s32 $0xC00  }
0x67: {  	[spmem:s2] =	stream.indirect.scatter.add.f32 [tilespmem:s19], [sflag:$0x1], $0x80, s26, s20, $0xb8;
	[tilespmem:$0x18D00] =	vst v63  }
0x68: {  	s26 =	simm.s32 $0xC80  }
0x69: {  	[spmem:s2] =	stream.indirect.scatter.add.f32 [tilespmem:s19], [sflag:$0x1], $0x80, s26, s20, $0xb8;
	[tilespmem:$0x18D00] =	vst v63  }
0x6a: {  	s26 =	simm.s32 $0xD00  }
0x6b: {  	[spmem:s2] =	stream.indirect.scatter.add.f32 [tilespmem:s19], [sflag:$0x1], $0x80, s26, s20, $0xb8;
	[tilespmem:$0x18D00] =	vst v63  }
0x6c: {  	s26 =	simm.s32 $0xD80  }
0x6d: {  	[spmem:s2] =	stream.indirect.scatter.add.f32 [tilespmem:s19], [sflag:$0x1], $0x80, s26, s20, $0xb8;
	[tilespmem:$0x18D00] =	vst v63  }
0x6e: {  	s26 =	simm.s32 $0xE00  }
0x6f: {  	[spmem:s2] =	stream.indirect.scatter.add.f32 [tilespmem:s19], [sflag:$0x1], $0x80, s26, s20, $0xb8;
	[tilespmem:$0x18D00] =	vst v63  }
0x70: {  	s26 =	simm.s32 $0xE80  }
0x71: {  	[spmem:s2] =	stream.indirect.scatter.add.f32 [tilespmem:s19], [sflag:$0x1], $0x80, s26, s20, $0xb8;
	[tilespmem:$0x18D00] =	vst v63  }
0x72: {  	s26 =	simm.s32 $0xF00  }
0x73: {  	[spmem:s2] =	stream.indirect.scatter.add.f32 [tilespmem:s19], [sflag:$0x1], $0x80, s26, s20, $0xb8;
	[tilespmem:$0x18D00] =	vst v63  }
0x74: {  	s26 =	simm.s32 $0xF80  }
0x75: {  	[spmem:s2] =	stream.indirect.scatter.add.f32 [tilespmem:s19], [sflag:$0x1], $0x80, s26, s20, $0xb8;
	[tilespmem:$0x18D00] =	vst v63  }
0x76: {  	_ = 	snop  }
0x77: {  	[spmem:s2] =	stream.indirect.scatter.add.f32 [tilespmem:s19], [sflag:$0x1], $0x80, s28, s20, $0xb8;
	[tilespmem:$0x18D00] =	vst v63  }
0x78: {  	_ = 	snop  }
0x79: {  	[spmem:s2] =	stream.indirect.scatter.add.f32 [tilespmem:s19], [sflag:$0x1], $0x80, s29, s20, $0xb8;
	[tilespmem:$0x18D00] =	vst v63  }
0x7a: {  	_ = 	snop  }
0x7b: {  	[spmem:s2] =	stream.indirect.scatter.add.f32 [tilespmem:s19], [sflag:$0x1], $0x80, s30, s20, $0xb8;
	[tilespmem:$0x18D00] =	vst v63  }
0x7c: {  	_ = 	snop  }
0x7d: {  	[spmem:s2] =	stream.indirect.scatter.add.f32 [tilespmem:s19], [sflag:$0x1], $0x80, s31, s20, $0xb8;
	[tilespmem:$0x18D00] =	vst v63  }
0x7e: {  	_ = 	snop  }
0x7f: {  	[spmem:s2] =	stream.indirect.scatter.add.f32 [tilespmem:s19], [sflag:$0x1], $0x80, s1, s20, $0xb8;
	[tilespmem:$0x18D00] =	vst v63  }
0x80: {  	_ = 	snop  }
0x81: {  	[spmem:s2] =	stream.indirect.scatter.add.f32 [tilespmem:s19], [sflag:$0x1], $0x80, s0, s20, $0xb8;
	[tilespmem:$0x18D00] =	vst v63  }
0x82: {  	_ = 	snop  }
0x83: {  	[spmem:s2] =	stream.indirect.scatter.add.f32 [tilespmem:s19], [sflag:$0x1], $0x80, s21, s20, $0xb8;
	[tilespmem:$0x18D00] =	vst v63  }
0x84: {  	_ = 	snop  }
0x85: {  	[spmem:s2] =	stream.indirect.scatter.add.f32 [tilespmem:s19], [sflag:$0x1], $0x80, s22, s20, $0xb8;
	[tilespmem:$0x18D00] =	vst v63  }
0x86: {  	_ =	swait.ge [sflag:s23], $0x4000  }
0x87: {  	s25 =	simm.s32 $0x27;
	[sflag:s23] =	ssyncset.done $0x0  }
.LBB2_2:
0x88: {  	p0 =	sne.s32 s25, $0x1;
	s25 =	sadd.s32 $0xFFFFFFFF, s25;
	[sflag:s23] =	ssyncadd.s32 $0xFFFFC000  }
.Ltmp0:
0x89: {  	(pc) =	sbr.rel @p0 .LBB2_2-.Ltmp0, $3  }
0x8a: {  	_ =	sdelay $0x1  }
0x8b: {  	_ =	swait.ge [sflag:s23], $0x4000  }
0x8c: {  	[sflag:s23] =	ssyncset.done $0x0  }
0x8d: {  	s25 =	stileid.u32  }
0x8e: {  	[sflag:s23] =	ssyncadd.s32 $0xFFFFC000;
	s25 =	sshll.u32 s25, $0x6  }
0x8f: {  	s26 =	sshrl.u32 s7, $0x3;
	[bflag:$0x0] =	sbarrier.arrive $0xFFFF;
	s25 =	sor.u32 $0x1C02, s25  }
0x90: {  	[hbm:s12], [sflag:s25] =	dma.local [spmem:s26], $0x800  }
0x91: {  	_ =	swait.ge [sflag:s18], $0x800  }
0x92: {  	[sflag:s18] =	ssyncset.done $0x0  }
0x93: {  	s26 =	sshrl.u32 s8, $0x3;
	[sflag:s18] =	ssyncadd.s32 $0xFFFFF800  }
0x94: {  	[hbm:s13], [sflag:s25] =	dma.local [spmem:s26], $0x800  }
0x95: {  	_ =	swait.ge [sflag:s18], $0x800  }
0x96: {  	[sflag:s18] =	ssyncset.done $0x0  }
0x97: {  	s26 =	sshrl.u32 s9, $0x3;
	[sflag:s18] =	ssyncadd.s32 $0xFFFFF800  }
0x98: {  	[hbm:s14], [sflag:s25] =	dma.local [spmem:s26], $0x800  }
0x99: {  	_ =	swait.ge [sflag:s18], $0x800  }
0x9a: {  	[sflag:s18] =	ssyncset.done $0x0  }
0x9b: {  	s26 =	sshrl.u32 s10, $0x3;
	[sflag:s18] =	ssyncadd.s32 $0xFFFFF800  }
0x9c: {  	[hbm:s15], [sflag:s25] =	dma.local [spmem:s26], $0x800  }
0x9d: {  	s24 =	sadd.s32 $0x1, s24;
	_ =	swait.ge [sflag:s18], $0x800  }
0x9e: {  	p0 =	sne.s32 s24, s17;
	[sflag:s18] =	ssyncset.done $0x0  }
.Ltmp1:
0x9f: {  	s26 =	sshrl.u32 s11, $0x3;
	[sflag:s18] =	ssyncadd.s32 $0xFFFFF800;
	(pc) =	sbr.rel @p0 .LBB2_1-.Ltmp1, $4  }
0xa0: {  	[hbm:s16], [sflag:s25] =	dma.local [spmem:s26], $0x800  }
0xa1: {  	_ =	swait.ge [sflag:s18], $0x800  }
0xa2: {  	[sflag:s18] =	ssyncset.done $0x0  }
0xa3: {  	[sflag:s18] =	ssyncadd.s32 $0xFFFFF800  }
0xa4: {  	_ =	sfence.sel $0x180000  }
0xa5: {  	[bflag:$0x0] =	sbarrier.arrive $0xFFFF  }
0xa6: {  	_ =	strace $0x90000047  }
0xa7: {  	s0 =	stileid.u32;
	[bflag:$0x2] =	sbarrier.arrive $0xFFFF  }
0xa8: {  	p0 =	sne.s32 s0, $0x0;
	s0 =	rddreg [dreg:$0x2]  }
0xa9: {  	s0 =	sadd.s32 @!p0 $0x100000, s0  }
0xaa: {  	[sflag:s0] =	ssyncadd.tile.s32 @!p0 $0x1;
	_ =	shalt  }
.Lfunc_end2:
_tile_overlayer_lowered:
.L_overlay_start_2:
0xab: {  	(tag) =	ssettag $0x2  }
0xac: {  	s0 =	rddreg [dreg:$0x0];
	s2 =	stileid.u32  }
0xad: {  	s1 =	rddreg [dreg:$0x1];
	p0 =	sne.s32 s2, $0x0  }
0xae: {  	s3 =	rddreg [dreg:$0x2];
	[bflag:$0x3] =	sbarrier.arrive $0xFFFF;
	s2 =	simm.s32 @!p0 $0x1C02  }
0xaf: {  	[timem:s3], [sflag:s2] =	dma.local @!p0 [hbm:s0], s1  }
0xb0: {  	s0 =	simm.s32 @!p0 $0x2  }
0xb1: {  	_ =	swait.ge @!p0 [sflag:s0], s1  }
0xb2: {  	s1 =	ssub.s32 @!p0 $0x0, s1;
	[sflag:s0] =	ssyncset.done @!p0 $0x0  }
0xb3: {  	[sflag:s0] =	ssyncadd.s32 @!p0 s1  }
0xb4: {  	[bflag:$0x3] =	sbarrier.arrive $0xFFFF  }
0xb5: {  	_ =	shalt  }

</sc_bundles>
